<compile_context>
chip_gen: v7x
topology: tpu7x:2x2x1
jax: 0.10.2.dev20260603
libtpu: 0.0.44.dev20260713+nightly
codegen_flags: <defaults>
</compile_context>

<pallas_src>
import jax
import jax.numpy as jnp
from jax import lax
from jax.experimental import pallas as pl
from jax.experimental.pallas import tpu as pltpu
from jax.experimental.pallas import tpu_sc as plsc

VOCAB = 1000000
D = 64
SEQ = 200
BATCH = 4096

NC = 2
NS = 16
NW = NC * NS
TOTAL_ROWS = BATCH * SEQ
BSZ = 128
TILE_COLS = BATCH // 128
CHUNKS_PER_W = TOTAL_ROWS // BSZ // NW
ROWS_PER_W = CHUNKS_PER_W * BSZ
NBUF = 8


def _positional_encoding_table():
    pos = jnp.arange(SEQ, dtype=jnp.float32)[:, None]
    i = jnp.arange(0, D, 2, dtype=jnp.float32)
    div = jnp.exp(-jnp.log(10000.0) * i / D)
    ang = pos * div[None, :]
    pe = jnp.zeros((SEQ, D), dtype=jnp.float32)
    pe = pe.at[:, 0::2].set(jnp.sin(ang))
    pe = pe.at[:, 1::2].set(jnp.cos(ang))
    return pe


def _sc_body(table_hbm, idx_hbm, pe_hbm, out_hbm,
             idx_v, pe_v, bufs, gsems, ssems):
    wid = lax.axis_index("s") * NC + lax.axis_index("c")
    base = wid * ROWS_PER_W
    chunk_base = wid * CHUNKS_PER_W

    pltpu.sync_copy(idx_hbm.at[pl.ds(base, ROWS_PER_W)], idx_v)
    pltpu.sync_copy(pe_hbm, pe_v)

    def start_gather(c, b):
        pltpu.async_copy(table_hbm.at[idx_v.at[pl.ds(c * BSZ, BSZ)]],
                         bufs.at[b], gsems.at[b])

    def wait_gather(b):
        pltpu.make_async_copy(table_hbm.at[idx_v.at[pl.ds(0, BSZ)]],
                              bufs.at[b], gsems.at[b]).wait()

    def drain_store(b):
        pltpu.make_async_copy(bufs.at[b], out_hbm.at[pl.ds(0, BSZ)],
                              ssems.at[b]).wait()

    for b in range(NBUF - 1):
        start_gather(b, b)

    @pl.loop(0, CHUNKS_PER_W // NBUF)
    def _grp(g):
        c0 = g * NBUF
        for b in range(NBUF):
            c = c0 + b
            bb = (b + NBUF - 1) % NBUF

            @pl.when(c + NBUF - 1 < CHUNKS_PER_W)
            def _():
                @pl.when(c >= 1)
                def _():
                    drain_store(bb)
                start_gather(c + NBUF - 1, bb)

            wait_gather(b)

            rr = chunk_base + c
            t = rr // 8
            s = 8 * (t // TILE_COLS) + (rr % 8)
            orow = s * BATCH + (t % TILE_COLS) * BSZ

            pe_regs = [pe_v[s, pl.ds(j * 16, 16)] for j in range(D // 16)]

            @pl.loop(0, BSZ, unroll=8)
            def _row(r):
                for j in range(D // 16):
                    plsc.addupdate(bufs.at[b, r, pl.ds(j * 16, 16)],
                                   pe_regs[j])

            pltpu.async_copy(bufs.at[b], out_hbm.at[pl.ds(orow, BSZ)],
                             ssems.at[b])

    for b in range(NBUF):
        drain_store(b)


@jax.jit
def _embed(x, token_emb, pe):
    xq = (x.astype(jnp.int32).T
          .reshape(SEQ // 8, 8, BATCH // 128, 128)
          .transpose(0, 2, 1, 3))
    xt = xq.reshape(TOTAL_ROWS)
    mesh = plsc.VectorSubcoreMesh(core_axis_name="c", subcore_axis_name="s")
    out = pl.kernel(
        _sc_body,
        out_type=jax.ShapeDtypeStruct((TOTAL_ROWS, D), jnp.float32),
        mesh=mesh,
        compiler_params=pltpu.CompilerParams(use_tc_tiling_on_sc=False,
                                             needs_layout_passes=False),
        scratch_types=[
            pltpu.VMEM((ROWS_PER_W,), jnp.int32),
            pltpu.VMEM((SEQ, D), jnp.float32),
            pltpu.VMEM((NBUF, BSZ, D), jnp.float32),
            pltpu.SemaphoreType.DMA((NBUF,)),
            pltpu.SemaphoreType.DMA((NBUF,)),
        ],
    )(token_emb, xt, pe)
    return out.reshape(SEQ, BATCH, D).transpose(1, 0, 2)


def kernel(x, token_emb):
    pe = _positional_encoding_table()
    return _embed(x, token_emb, pe)

# --- scband reference (transcript-rebuilt; emitter-appended) ---
"""Pipeline reference for scband-transformer-embedding-13486197309748 (READ-ONLY COPY).

The authoritative reference and input builder live on the scoring server;
editing this copy changes nothing except your own understanding.
"""

import jax, jax.numpy as jnp
import numpy as np

VOCAB = 1000000
D_MODEL = 64
MAX_LEN = 200
BATCH = 4096
SEQ = 200

def _positional_encoding(max_len, d_model):
    pos = jnp.arange(max_len, dtype=jnp.float32)[:, None]
    i = jnp.arange(0, d_model, 2, dtype=jnp.float32)
    div = jnp.exp(-jnp.log(10000.0) * i / d_model)
    ang = pos * div[None, :]
    pe = jnp.zeros((max_len, d_model), dtype=jnp.float32)
    pe = pe.at[:, 0::2].set(jnp.sin(ang))
    pe = pe.at[:, 1::2].set(jnp.cos(ang))
    return pe

def setup_inputs(seed: int = 0) -> dict:
    key = jax.random.key(seed)
    k1, k2 = jax.random.split(key)
    x = jax.random.randint(k1, (BATCH, SEQ), 0, VOCAB, dtype=jnp.int64 if jax.config.jax_enable_x64 else jnp.int32)
    token_emb = jax.random.normal(k2, (VOCAB, D_MODEL), dtype=jnp.float32) * 0.02
    return {"x": x, "token_emb": token_emb}

def reference(x, token_emb):
    # tok_emb = self.token_emb(x)
    tok_emb = jnp.take(token_emb, x, axis=0)  # [B, S, D]
    # pos_enc = self.pos_encoding(x) -> sinusoidal PE sliced to seq_len
    pe = _positional_encoding(MAX_LEN, D_MODEL)
    seq_len = x.shape[1]
    pos_enc = pe[:seq_len, :][None, :, :]  # [1, S, D]
    # dropout with p=0.0 is identity
    return tok_emb + pos_enc

if __name__ == "__main__":
    import jax
    _d = setup_inputs()
    print(jax.jit(kernel)(*tuple(_d.values())))

</pallas_src>

<mosaic_0001>
#map = affine_map<(d0, d1) -> (0, 0)>
#map1 = affine_map<(d0, d1) -> (0)>
module attributes {stable_mosaic.version = 14 : i64} {
  func.func @_sc_body(%arg0: i32, %arg1: i32, %arg2: memref<1000000x64xf32, #tpu.memory_space<hbm>>, %arg3: memref<819200xi32, #tpu.memory_space<hbm>>, %arg4: memref<200x64xf32, #tpu.memory_space<hbm>>, %arg5: memref<819200x64xf32, #tpu.memory_space<hbm>>, %arg6: memref<25600xi32, #tpu.memory_space<vmem>>, %arg7: memref<200x64xf32, #tpu.memory_space<vmem>>, %arg8: memref<8x128x64xf32, #tpu.memory_space<vmem>>, %arg9: memref<8x!tpu.dma_semaphore, #tpu.memory_space<semaphore_mem>>, %arg10: memref<8x!tpu.dma_semaphore, #tpu.memory_space<semaphore_mem>>) attributes {dimension_semantics = [#tpu.dimension_semantics<core_parallel>, #tpu.dimension_semantics<subcore_parallel>], iteration_bounds = array<i64: 2, 16>, scalar_prefetch = 0 : i64, scratch_operands = 5 : i64, tpu.core_type = #tpu.core_type<sc_vector_subcore>, window_params = [{transform_indices = #map}, {transform_indices = #map1}, {transform_indices = #map}, {transform_indices = #map}]} {
    %mul3A = arith.constant 2 : i32
    %mul3A_0 = arith.muli %arg1, %mul3A : i32
    %add3A = arith.addi %mul3A_0, %arg0 : i32
    %mul3A_1 = arith.constant 25600 : i32
    %mul3A_2 = arith.muli %add3A, %mul3A_1 : i32
    %mul3A_3 = arith.constant 200 : i32
    %mul3A_4 = arith.muli %add3A, %mul3A_3 : i32
    "tpu.region"() ({
      %run_scoped3A = tpu.sem_alloc : memref<!tpu.dma_semaphore, #tpu.memory_space<semaphore_mem>>
      %dma_start3A_242 = tpu.memref_slice %arg3[%mul3A_2] : memref<819200xi32, #tpu.memory_space<hbm>> -> memref<25600xi32, #tpu.memory_space<hbm>>
      %dma_start3A_243 = tpu.memref_slice %arg3[%mul3A_2] : memref<819200xi32, #tpu.memory_space<hbm>> -> memref<25600xi32, #tpu.memory_space<hbm>>
      tpu.enqueue_dma source(%dma_start3A_243 : memref<25600xi32, #tpu.memory_space<hbm>>) target(%arg6 : memref<25600xi32, #tpu.memory_space<vmem>>) target_semaphore(%run_scoped3A : memref<!tpu.dma_semaphore, #tpu.memory_space<semaphore_mem>>)
      %dma_wait3A_244 = tpu.memref_slice %arg3[%mul3A_2] : memref<819200xi32, #tpu.memory_space<hbm>> -> memref<25600xi32, #tpu.memory_space<hbm>>
      %dma_wait3A_245 = tpu.memref_slice %arg3[%mul3A_2] : memref<819200xi32, #tpu.memory_space<hbm>> -> memref<25600xi32, #tpu.memory_space<hbm>>
      tpu.wait_dma2 semaphore(%run_scoped3A : memref<!tpu.dma_semaphore, #tpu.memory_space<semaphore_mem>>) src(%dma_wait3A_245 : memref<25600xi32, #tpu.memory_space<hbm>>) dst(%arg6 : memref<25600xi32, #tpu.memory_space<vmem>>)
      tpu.yield
    }) : () -> ()
    "tpu.region"() ({
      %run_scoped3A = tpu.sem_alloc : memref<!tpu.dma_semaphore, #tpu.memory_space<semaphore_mem>>
      tpu.enqueue_dma source(%arg4 : memref<200x64xf32, #tpu.memory_space<hbm>>) target(%arg7 : memref<200x64xf32, #tpu.memory_space<vmem>>) target_semaphore(%run_scoped3A : memref<!tpu.dma_semaphore, #tpu.memory_space<semaphore_mem>>)
      tpu.wait_dma2 semaphore(%run_scoped3A : memref<!tpu.dma_semaphore, #tpu.memory_space<semaphore_mem>>) src(%arg4 : memref<200x64xf32, #tpu.memory_space<hbm>>) dst(%arg7 : memref<200x64xf32, #tpu.memory_space<vmem>>)
      tpu.yield
    }) : () -> ()
    %dma_start3A = arith.constant 0 : i32
    %dma_start3A_5 = arith.constant 0 : i32
    %dma_start3A_6 = arith.constant 0 : i32
    %dma_start3A_7 = arith.constant 0 : i32
    %dma_start3A_8 = tpu.memref_slice %arg8[%dma_start3A, %dma_start3A_6, %dma_start3A_7] : memref<8x128x64xf32, #tpu.memory_space<vmem>> -> memref<1x128x64xf32, #tpu.memory_space<vmem>>
    %dma_start3A_9 = tpu.memref_squeeze %dma_start3A_8 : memref<1x128x64xf32, #tpu.memory_space<vmem>> -> memref<128x64xf32, #tpu.memory_space<vmem>>
    %dma_start3A_10 = arith.constant 0 : i32
    %dma_start3A_11 = tpu.memref_slice %arg6[%dma_start3A_10] : memref<25600xi32, #tpu.memory_space<vmem>> -> memref<128xi32, #tpu.memory_space<vmem>>
    %dma_start3A_12 = arith.constant 0 : i32
    %dma_start3A_13 = arith.constant 0 : i32
    %dma_start3A_14 = tpu.memref_slice %arg2[%dma_start3A_12, %dma_start3A_13] : memref<1000000x64xf32, #tpu.memory_space<hbm>> -> memref<1000000x64xf32, #tpu.memory_space<hbm>>
    %dma_start3A_15 = tpu.memref_slice %arg9[%dma_start3A_5] : memref<8x!tpu.dma_semaphore, #tpu.memory_space<semaphore_mem>> -> memref<1x!tpu.dma_semaphore, #tpu.memory_space<semaphore_mem>>
    %dma_start3A_16 = tpu.memref_squeeze %dma_start3A_15 : memref<1x!tpu.dma_semaphore, #tpu.memory_space<semaphore_mem>> -> memref<!tpu.dma_semaphore, #tpu.memory_space<semaphore_mem>>
    tpu.enqueue_indirect_dma source(%dma_start3A_14 : memref<1000000x64xf32, #tpu.memory_space<hbm>>) target(%dma_start3A_9 : memref<128x64xf32, #tpu.memory_space<vmem>>) offsets(%dma_start3A_11 : memref<128xi32, #tpu.memory_space<vmem>>) semaphore(%dma_start3A_16 : memref<!tpu.dma_semaphore, #tpu.memory_space<semaphore_mem>>)
    %dma_start3A_17 = arith.constant 1 : i32
    %dma_start3A_18 = arith.constant 1 : i32
    %dma_start3A_19 = arith.constant 0 : i32
    %dma_start3A_20 = arith.constant 0 : i32
    %dma_start3A_21 = tpu.memref_slice %arg8[%dma_start3A_17, %dma_start3A_19, %dma_start3A_20] : memref<8x128x64xf32, #tpu.memory_space<vmem>> -> memref<1x128x64xf32, #tpu.memory_space<vmem>>
    %dma_start3A_22 = tpu.memref_squeeze %dma_start3A_21 : memref<1x128x64xf32, #tpu.memory_space<vmem>> -> memref<128x64xf32, #tpu.memory_space<vmem>>
    %dma_start3A_23 = arith.constant 128 : i32
    %dma_start3A_24 = tpu.memref_slice %arg6[%dma_start3A_23] : memref<25600xi32, #tpu.memory_space<vmem>> -> memref<128xi32, #tpu.memory_space<vmem>>
    %dma_start3A_25 = arith.constant 0 : i32
    %dma_start3A_26 = arith.constant 0 : i32
    %dma_start3A_27 = tpu.memref_slice %arg2[%dma_start3A_25, %dma_start3A_26] : memref<1000000x64xf32, #tpu.memory_space<hbm>> -> memref<1000000x64xf32, #tpu.memory_space<hbm>>
    %dma_start3A_28 = tpu.memref_slice %arg9[%dma_start3A_18] : memref<8x!tpu.dma_semaphore, #tpu.memory_space<semaphore_mem>> -> memref<1x!tpu.dma_semaphore, #tpu.memory_space<semaphore_mem>>
    %dma_start3A_29 = tpu.memref_squeeze %dma_start3A_28 : memref<1x!tpu.dma_semaphore, #tpu.memory_space<semaphore_mem>> -> memref<!tpu.dma_semaphore, #tpu.memory_space<semaphore_mem>>
    tpu.enqueue_indirect_dma source(%dma_start3A_27 : memref<1000000x64xf32, #tpu.memory_space<hbm>>) target(%dma_start3A_22 : memref<128x64xf32, #tpu.memory_space<vmem>>) offsets(%dma_start3A_24 : memref<128xi32, #tpu.memory_space<vmem>>) semaphore(%dma_start3A_29 : memref<!tpu.dma_semaphore, #tpu.memory_space<semaphore_mem>>)
    %dma_start3A_30 = arith.constant 2 : i32
    %dma_start3A_31 = arith.constant 2 : i32
    %dma_start3A_32 = arith.constant 0 : i32
    %dma_start3A_33 = arith.constant 0 : i32
    %dma_start3A_34 = tpu.memref_slice %arg8[%dma_start3A_30, %dma_start3A_32, %dma_start3A_33] : memref<8x128x64xf32, #tpu.memory_space<vmem>> -> memref<1x128x64xf32, #tpu.memory_space<vmem>>
    %dma_start3A_35 = tpu.memref_squeeze %dma_start3A_34 : memref<1x128x64xf32, #tpu.memory_space<vmem>> -> memref<128x64xf32, #tpu.memory_space<vmem>>
    %dma_start3A_36 = arith.constant 256 : i32
    %dma_start3A_37 = tpu.memref_slice %arg6[%dma_start3A_36] : memref<25600xi32, #tpu.memory_space<vmem>> -> memref<128xi32, #tpu.memory_space<vmem>>
    %dma_start3A_38 = arith.constant 0 : i32
    %dma_start3A_39 = arith.constant 0 : i32
    %dma_start3A_40 = tpu.memref_slice %arg2[%dma_start3A_38, %dma_start3A_39] : memref<1000000x64xf32, #tpu.memory_space<hbm>> -> memref<1000000x64xf32, #tpu.memory_space<hbm>>
    %dma_start3A_41 = tpu.memref_slice %arg9[%dma_start3A_31] : memref<8x!tpu.dma_semaphore, #tpu.memory_space<semaphore_mem>> -> memref<1x!tpu.dma_semaphore, #tpu.memory_space<semaphore_mem>>
    %dma_start3A_42 = tpu.memref_squeeze %dma_start3A_41 : memref<1x!tpu.dma_semaphore, #tpu.memory_space<semaphore_mem>> -> memref<!tpu.dma_semaphore, #tpu.memory_space<semaphore_mem>>
    tpu.enqueue_indirect_dma source(%dma_start3A_40 : memref<1000000x64xf32, #tpu.memory_space<hbm>>) target(%dma_start3A_35 : memref<128x64xf32, #tpu.memory_space<vmem>>) offsets(%dma_start3A_37 : memref<128xi32, #tpu.memory_space<vmem>>) semaphore(%dma_start3A_42 : memref<!tpu.dma_semaphore, #tpu.memory_space<semaphore_mem>>)
    %dma_start3A_43 = arith.constant 3 : i32
    %dma_start3A_44 = arith.constant 3 : i32
    %dma_start3A_45 = arith.constant 0 : i32
    %dma_start3A_46 = arith.constant 0 : i32
    %dma_start3A_47 = tpu.memref_slice %arg8[%dma_start3A_43, %dma_start3A_45, %dma_start3A_46] : memref<8x128x64xf32, #tpu.memory_space<vmem>> -> memref<1x128x64xf32, #tpu.memory_space<vmem>>
    %dma_start3A_48 = tpu.memref_squeeze %dma_start3A_47 : memref<1x128x64xf32, #tpu.memory_space<vmem>> -> memref<128x64xf32, #tpu.memory_space<vmem>>
    %dma_start3A_49 = arith.constant 384 : i32
    %dma_start3A_50 = tpu.memref_slice %arg6[%dma_start3A_49] : memref<25600xi32, #tpu.memory_space<vmem>> -> memref<128xi32, #tpu.memory_space<vmem>>
    %dma_start3A_51 = arith.constant 0 : i32
    %dma_start3A_52 = arith.constant 0 : i32
    %dma_start3A_53 = tpu.memref_slice %arg2[%dma_start3A_51, %dma_start3A_52] : memref<1000000x64xf32, #tpu.memory_space<hbm>> -> memref<1000000x64xf32, #tpu.memory_space<hbm>>
    %dma_start3A_54 = tpu.memref_slice %arg9[%dma_start3A_44] : memref<8x!tpu.dma_semaphore, #tpu.memory_space<semaphore_mem>> -> memref<1x!tpu.dma_semaphore, #tpu.memory_space<semaphore_mem>>
    %dma_start3A_55 = tpu.memref_squeeze %dma_start3A_54 : memref<1x!tpu.dma_semaphore, #tpu.memory_space<semaphore_mem>> -> memref<!tpu.dma_semaphore, #tpu.memory_space<semaphore_mem>>
    tpu.enqueue_indirect_dma source(%dma_start3A_53 : memref<1000000x64xf32, #tpu.memory_space<hbm>>) target(%dma_start3A_48 : memref<128x64xf32, #tpu.memory_space<vmem>>) offsets(%dma_start3A_50 : memref<128xi32, #tpu.memory_space<vmem>>) semaphore(%dma_start3A_55 : memref<!tpu.dma_semaphore, #tpu.memory_space<semaphore_mem>>)
    %dma_start3A_56 = arith.constant 4 : i32
    %dma_start3A_57 = arith.constant 4 : i32
    %dma_start3A_58 = arith.constant 0 : i32
    %dma_start3A_59 = arith.constant 0 : i32
    %dma_start3A_60 = tpu.memref_slice %arg8[%dma_start3A_56, %dma_start3A_58, %dma_start3A_59] : memref<8x128x64xf32, #tpu.memory_space<vmem>> -> memref<1x128x64xf32, #tpu.memory_space<vmem>>
    %dma_start3A_61 = tpu.memref_squeeze %dma_start3A_60 : memref<1x128x64xf32, #tpu.memory_space<vmem>> -> memref<128x64xf32, #tpu.memory_space<vmem>>
    %dma_start3A_62 = arith.constant 512 : i32
    %dma_start3A_63 = tpu.memref_slice %arg6[%dma_start3A_62] : memref<25600xi32, #tpu.memory_space<vmem>> -> memref<128xi32, #tpu.memory_space<vmem>>
    %dma_start3A_64 = arith.constant 0 : i32
    %dma_start3A_65 = arith.constant 0 : i32
    %dma_start3A_66 = tpu.memref_slice %arg2[%dma_start3A_64, %dma_start3A_65] : memref<1000000x64xf32, #tpu.memory_space<hbm>> -> memref<1000000x64xf32, #tpu.memory_space<hbm>>
    %dma_start3A_67 = tpu.memref_slice %arg9[%dma_start3A_57] : memref<8x!tpu.dma_semaphore, #tpu.memory_space<semaphore_mem>> -> memref<1x!tpu.dma_semaphore, #tpu.memory_space<semaphore_mem>>
    %dma_start3A_68 = tpu.memref_squeeze %dma_start3A_67 : memref<1x!tpu.dma_semaphore, #tpu.memory_space<semaphore_mem>> -> memref<!tpu.dma_semaphore, #tpu.memory_space<semaphore_mem>>
    tpu.enqueue_indirect_dma source(%dma_start3A_66 : memref<1000000x64xf32, #tpu.memory_space<hbm>>) target(%dma_start3A_61 : memref<128x64xf32, #tpu.memory_space<vmem>>) offsets(%dma_start3A_63 : memref<128xi32, #tpu.memory_space<vmem>>) semaphore(%dma_start3A_68 : memref<!tpu.dma_semaphore, #tpu.memory_space<semaphore_mem>>)
    %dma_start3A_69 = arith.constant 5 : i32
    %dma_start3A_70 = arith.constant 5 : i32
    %dma_start3A_71 = arith.constant 0 : i32
    %dma_start3A_72 = arith.constant 0 : i32
    %dma_start3A_73 = tpu.memref_slice %arg8[%dma_start3A_69, %dma_start3A_71, %dma_start3A_72] : memref<8x128x64xf32, #tpu.memory_space<vmem>> -> memref<1x128x64xf32, #tpu.memory_space<vmem>>
    %dma_start3A_74 = tpu.memref_squeeze %dma_start3A_73 : memref<1x128x64xf32, #tpu.memory_space<vmem>> -> memref<128x64xf32, #tpu.memory_space<vmem>>
    %dma_start3A_75 = arith.constant 640 : i32
    %dma_start3A_76 = tpu.memref_slice %arg6[%dma_start3A_75] : memref<25600xi32, #tpu.memory_space<vmem>> -> memref<128xi32, #tpu.memory_space<vmem>>
    %dma_start3A_77 = arith.constant 0 : i32
    %dma_start3A_78 = arith.constant 0 : i32
    %dma_start3A_79 = tpu.memref_slice %arg2[%dma_start3A_77, %dma_start3A_78] : memref<1000000x64xf32, #tpu.memory_space<hbm>> -> memref<1000000x64xf32, #tpu.memory_space<hbm>>
    %dma_start3A_80 = tpu.memref_slice %arg9[%dma_start3A_70] : memref<8x!tpu.dma_semaphore, #tpu.memory_space<semaphore_mem>> -> memref<1x!tpu.dma_semaphore, #tpu.memory_space<semaphore_mem>>
    %dma_start3A_81 = tpu.memref_squeeze %dma_start3A_80 : memref<1x!tpu.dma_semaphore, #tpu.memory_space<semaphore_mem>> -> memref<!tpu.dma_semaphore, #tpu.memory_space<semaphore_mem>>
    tpu.enqueue_indirect_dma source(%dma_start3A_79 : memref<1000000x64xf32, #tpu.memory_space<hbm>>) target(%dma_start3A_74 : memref<128x64xf32, #tpu.memory_space<vmem>>) offsets(%dma_start3A_76 : memref<128xi32, #tpu.memory_space<vmem>>) semaphore(%dma_start3A_81 : memref<!tpu.dma_semaphore, #tpu.memory_space<semaphore_mem>>)
    %dma_start3A_82 = arith.constant 6 : i32
    %dma_start3A_83 = arith.constant 6 : i32
    %dma_start3A_84 = arith.constant 0 : i32
    %dma_start3A_85 = arith.constant 0 : i32
    %dma_start3A_86 = tpu.memref_slice %arg8[%dma_start3A_82, %dma_start3A_84, %dma_start3A_85] : memref<8x128x64xf32, #tpu.memory_space<vmem>> -> memref<1x128x64xf32, #tpu.memory_space<vmem>>
    %dma_start3A_87 = tpu.memref_squeeze %dma_start3A_86 : memref<1x128x64xf32, #tpu.memory_space<vmem>> -> memref<128x64xf32, #tpu.memory_space<vmem>>
    %dma_start3A_88 = arith.constant 768 : i32
    %dma_start3A_89 = tpu.memref_slice %arg6[%dma_start3A_88] : memref<25600xi32, #tpu.memory_space<vmem>> -> memref<128xi32, #tpu.memory_space<vmem>>
    %dma_start3A_90 = arith.constant 0 : i32
    %dma_start3A_91 = arith.constant 0 : i32
    %dma_start3A_92 = tpu.memref_slice %arg2[%dma_start3A_90, %dma_start3A_91] : memref<1000000x64xf32, #tpu.memory_space<hbm>> -> memref<1000000x64xf32, #tpu.memory_space<hbm>>
    %dma_start3A_93 = tpu.memref_slice %arg9[%dma_start3A_83] : memref<8x!tpu.dma_semaphore, #tpu.memory_space<semaphore_mem>> -> memref<1x!tpu.dma_semaphore, #tpu.memory_space<semaphore_mem>>
    %dma_start3A_94 = tpu.memref_squeeze %dma_start3A_93 : memref<1x!tpu.dma_semaphore, #tpu.memory_space<semaphore_mem>> -> memref<!tpu.dma_semaphore, #tpu.memory_space<semaphore_mem>>
    tpu.enqueue_indirect_dma source(%dma_start3A_92 : memref<1000000x64xf32, #tpu.memory_space<hbm>>) target(%dma_start3A_87 : memref<128x64xf32, #tpu.memory_space<vmem>>) offsets(%dma_start3A_89 : memref<128xi32, #tpu.memory_space<vmem>>) semaphore(%dma_start3A_94 : memref<!tpu.dma_semaphore, #tpu.memory_space<semaphore_mem>>)
    %scan3A = arith.constant 0 : i32
    %scan3A_95 = arith.constant 25 : i32
    %scan3A_96 = arith.addi %scan3A, %scan3A_95 : i32
    %scan3A_97 = arith.constant 1 : i32
    scf.for %scan3A_242 = %scan3A to %scan3A_96 step %scan3A_97  : i32 {
      %mul3A_243 = arith.constant 1 : i32
      %mul3A_244 = arith.muli %scan3A_242, %mul3A_243 : i32
      %add3A_245 = arith.constant 0 : i32
      %add3A_246 = arith.addi %add3A_245, %mul3A_244 : i32
      %mul3A_247 = arith.constant 8 : i32
      %mul3A_248 = arith.muli %add3A_246, %mul3A_247 : i32
      %add3A_249 = arith.constant 0 : i32
      %add3A_250 = arith.addi %mul3A_248, %add3A_249 : i32
      %add3A_251 = arith.constant 8 : i32
      %add3A_252 = arith.addi %add3A_250, %add3A_251 : i32
      %sub3A = arith.constant 1 : i32
      %sub3A_253 = arith.subi %add3A_252, %sub3A : i32
      %lt3A = arith.constant 200 : i32
      %lt3A_254 = arith.cmpi slt, %sub3A_253, %lt3A : i32
      %convert_element_type3A = arith.extui %lt3A_254 : i1 to i32
      %cond3A = arith.constant 0 : i32
      %cond3A_255 = arith.cmpi ne, %convert_element_type3A, %cond3A : i32
      scf.if %cond3A_255 {
        %ge3A = arith.constant 1 : i32
        %ge3A_1404 = arith.cmpi sge, %add3A_250, %ge3A : i32
        %convert_element_type3A_1405 = arith.extui %ge3A_1404 : i1 to i32
        %cond3A_1406 = arith.constant 0 : i32
        %cond3A_1407 = arith.cmpi ne, %convert_element_type3A_1405, %cond3A_1406 : i32
        scf.if %cond3A_1407 {
          %dma_wait3A_1426 = arith.constant 7 : i32
          %dma_wait3A_1427 = arith.constant 7 : i32
          %dma_wait3A_1428 = arith.constant 0 : i32
          %dma_wait3A_1429 = arith.constant 0 : i32
          %dma_wait3A_1430 = tpu.memref_slice %arg8[%dma_wait3A_1426, %dma_wait3A_1428, %dma_wait3A_1429] : memref<8x128x64xf32, #tpu.memory_space<vmem>> -> memref<1x128x64xf32, #tpu.memory_space<vmem>>
          %dma_wait3A_1431 = tpu.memref_squeeze %dma_wait3A_1430 : memref<1x128x64xf32, #tpu.memory_space<vmem>> -> memref<128x64xf32, #tpu.memory_space<vmem>>
          %dma_wait3A_1432 = arith.constant 0 : i32
          %dma_wait3A_1433 = arith.constant 0 : i32
          %dma_wait3A_1434 = tpu.memref_slice %arg5[%dma_wait3A_1432, %dma_wait3A_1433] : memref<819200x64xf32, #tpu.memory_space<hbm>> -> memref<128x64xf32, #tpu.memory_space<hbm>>
          %dma_wait3A_1435 = tpu.memref_slice %arg10[%dma_wait3A_1427] : memref<8x!tpu.dma_semaphore, #tpu.memory_space<semaphore_mem>> -> memref<1x!tpu.dma_semaphore, #tpu.memory_space<semaphore_mem>>
          %dma_wait3A_1436 = tpu.memref_squeeze %dma_wait3A_1435 : memref<1x!tpu.dma_semaphore, #tpu.memory_space<semaphore_mem>> -> memref<!tpu.dma_semaphore, #tpu.memory_space<semaphore_mem>>
          %dma_wait3A_1437 = arith.constant 0 : i32
          %dma_wait3A_1438 = arith.constant 0 : i32
          %dma_wait3A_1439 = tpu.memref_slice %arg5[%dma_wait3A_1437, %dma_wait3A_1438] : memref<819200x64xf32, #tpu.memory_space<hbm>> -> memref<128x64xf32, #tpu.memory_space<hbm>>
          %dma_wait3A_1440 = arith.constant 0 : i32
          %dma_wait3A_1441 = arith.constant 0 : i32
          %dma_wait3A_1442 = tpu.memref_slice %arg8[%dma_wait3A_1426, %dma_wait3A_1440, %dma_wait3A_1441] : memref<8x128x64xf32, #tpu.memory_space<vmem>> -> memref<1x128x64xf32, #tpu.memory_space<vmem>>
          %dma_wait3A_1443 = tpu.memref_squeeze %dma_wait3A_1442 : memref<1x128x64xf32, #tpu.memory_space<vmem>> -> memref<128x64xf32, #tpu.memory_space<vmem>>
          tpu.wait_dma2 semaphore(%dma_wait3A_1436 : memref<!tpu.dma_semaphore, #tpu.memory_space<semaphore_mem>>) src(%dma_wait3A_1443 : memref<128x64xf32, #tpu.memory_space<vmem>>) dst(%dma_wait3A_1439 : memref<128x64xf32, #tpu.memory_space<hbm>>)
        } else {
        }
        %add3A_1408 = arith.constant 8 : i32
        %add3A_1409 = arith.addi %add3A_250, %add3A_1408 : i32
        %sub3A_1410 = arith.constant 1 : i32
        %sub3A_1411 = arith.subi %add3A_1409, %sub3A_1410 : i32
        %mul3A_1412 = arith.constant 128 : i32
        %mul3A_1413 = arith.muli %sub3A_1411, %mul3A_1412 : i32
        %dma_start3A_1414 = arith.constant 7 : i32
        %dma_start3A_1415 = arith.constant 7 : i32
        %dma_start3A_1416 = arith.constant 0 : i32
        %dma_start3A_1417 = arith.constant 0 : i32
        %dma_start3A_1418 = tpu.memref_slice %arg8[%dma_start3A_1414, %dma_start3A_1416, %dma_start3A_1417] : memref<8x128x64xf32, #tpu.memory_space<vmem>> -> memref<1x128x64xf32, #tpu.memory_space<vmem>>
        %dma_start3A_1419 = tpu.memref_squeeze %dma_start3A_1418 : memref<1x128x64xf32, #tpu.memory_space<vmem>> -> memref<128x64xf32, #tpu.memory_space<vmem>>
        %dma_start3A_1420 = tpu.memref_slice %arg6[%mul3A_1413] : memref<25600xi32, #tpu.memory_space<vmem>> -> memref<128xi32, #tpu.memory_space<vmem>>
        %dma_start3A_1421 = arith.constant 0 : i32
        %dma_start3A_1422 = arith.constant 0 : i32
        %dma_start3A_1423 = tpu.memref_slice %arg2[%dma_start3A_1421, %dma_start3A_1422] : memref<1000000x64xf32, #tpu.memory_space<hbm>> -> memref<1000000x64xf32, #tpu.memory_space<hbm>>
        %dma_start3A_1424 = tpu.memref_slice %arg9[%dma_start3A_1415] : memref<8x!tpu.dma_semaphore, #tpu.memory_space<semaphore_mem>> -> memref<1x!tpu.dma_semaphore, #tpu.memory_space<semaphore_mem>>
        %dma_start3A_1425 = tpu.memref_squeeze %dma_start3A_1424 : memref<1x!tpu.dma_semaphore, #tpu.memory_space<semaphore_mem>> -> memref<!tpu.dma_semaphore, #tpu.memory_space<semaphore_mem>>
        tpu.enqueue_indirect_dma source(%dma_start3A_1423 : memref<1000000x64xf32, #tpu.memory_space<hbm>>) target(%dma_start3A_1419 : memref<128x64xf32, #tpu.memory_space<vmem>>) offsets(%dma_start3A_1420 : memref<128xi32, #tpu.memory_space<vmem>>) semaphore(%dma_start3A_1425 : memref<!tpu.dma_semaphore, #tpu.memory_space<semaphore_mem>>)
      } else {
      }
      %dma_wait3A_256 = arith.constant 0 : i32
      %dma_wait3A_257 = arith.constant 0 : i32
      %dma_wait3A_258 = arith.constant 0 : i32
      %dma_wait3A_259 = arith.constant 0 : i32
      %dma_wait3A_260 = tpu.memref_slice %arg8[%dma_wait3A_256, %dma_wait3A_258, %dma_wait3A_259] : memref<8x128x64xf32, #tpu.memory_space<vmem>> -> memref<1x128x64xf32, #tpu.memory_space<vmem>>
      %dma_wait3A_261 = tpu.memref_squeeze %dma_wait3A_260 : memref<1x128x64xf32, #tpu.memory_space<vmem>> -> memref<128x64xf32, #tpu.memory_space<vmem>>
      %dma_wait3A_262 = arith.constant 0 : i32
      %dma_wait3A_263 = tpu.memref_slice %arg6[%dma_wait3A_262] : memref<25600xi32, #tpu.memory_space<vmem>> -> memref<128xi32, #tpu.memory_space<vmem>>
      %dma_wait3A_264 = arith.constant 0 : i32
      %dma_wait3A_265 = arith.constant 0 : i32
      %dma_wait3A_266 = tpu.memref_slice %arg2[%dma_wait3A_264, %dma_wait3A_265] : memref<1000000x64xf32, #tpu.memory_space<hbm>> -> memref<1000000x64xf32, #tpu.memory_space<hbm>>
      %dma_wait3A_267 = tpu.memref_slice %arg9[%dma_wait3A_257] : memref<8x!tpu.dma_semaphore, #tpu.memory_space<semaphore_mem>> -> memref<1x!tpu.dma_semaphore, #tpu.memory_space<semaphore_mem>>
      %dma_wait3A_268 = tpu.memref_squeeze %dma_wait3A_267 : memref<1x!tpu.dma_semaphore, #tpu.memory_space<semaphore_mem>> -> memref<!tpu.dma_semaphore, #tpu.memory_space<semaphore_mem>>
      tpu.wait_indirect_dma semaphore(%dma_wait3A_268 : memref<!tpu.dma_semaphore, #tpu.memory_space<semaphore_mem>>) src(%dma_wait3A_266 : memref<1000000x64xf32, #tpu.memory_space<hbm>>) dst(%dma_wait3A_261 : memref<128x64xf32, #tpu.memory_space<vmem>>)
      %add3A_269 = arith.addi %mul3A_4, %add3A_250 : i32
      %jit3A = arith.constant 8 : i32
      %div3A = arith.divsi %add3A_269, %jit3A : i32
      %sign3A = arith.constant 0 : i32
      %sign3A_270 = arith.cmpi sgt, %add3A_269, %sign3A : i32
      %sign3A_271 = arith.extui %sign3A_270 : i1 to i32
      %sign3A_272 = arith.constant 0 : i32
      %sign3A_273 = arith.cmpi slt, %add3A_269, %sign3A_272 : i32
      %sign3A_274 = arith.extui %sign3A_273 : i1 to i32
      %sign3A_275 = arith.subi %sign3A_271, %sign3A_274 : i32
      %sign3A_276 = arith.constant 0 : i32
      %sign3A_277 = arith.cmpi sgt, %jit3A, %sign3A_276 : i32
      %sign3A_278 = arith.extui %sign3A_277 : i1 to i32
      %sign3A_279 = arith.constant 0 : i32
      %sign3A_280 = arith.cmpi slt, %jit3A, %sign3A_279 : i32
      %sign3A_281 = arith.extui %sign3A_280 : i1 to i32
      %sign3A_282 = arith.subi %sign3A_278, %sign3A_281 : i32
      %ne3A = arith.cmpi ne, %sign3A_275, %sign3A_282 : i32
      %rem3A = arith.remsi %add3A_269, %jit3A : i32
      %ne3A_283 = arith.constant 0 : i32
      %ne3A_284 = arith.cmpi ne, %rem3A, %ne3A_283 : i32
      %and3A = arith.andi %ne3A, %ne3A_284 : i1
      %sub3A_285 = arith.constant 1 : i32
      %sub3A_286 = arith.subi %div3A, %sub3A_285 : i32
      %select_n3A = arith.select %and3A, %sub3A_286, %div3A : i32
      %jit3A_287 = arith.constant 32 : i32
      %div3A_288 = arith.divsi %select_n3A, %jit3A_287 : i32
      %sign3A_289 = arith.constant 0 : i32
      %sign3A_290 = arith.cmpi sgt, %select_n3A, %sign3A_289 : i32
      %sign3A_291 = arith.extui %sign3A_290 : i1 to i32
      %sign3A_292 = arith.constant 0 : i32
      %sign3A_293 = arith.cmpi slt, %select_n3A, %sign3A_292 : i32
      %sign3A_294 = arith.extui %sign3A_293 : i1 to i32
      %sign3A_295 = arith.subi %sign3A_291, %sign3A_294 : i32
      %sign3A_296 = arith.constant 0 : i32
      %sign3A_297 = arith.cmpi sgt, %jit3A_287, %sign3A_296 : i32
      %sign3A_298 = arith.extui %sign3A_297 : i1 to i32
      %sign3A_299 = arith.constant 0 : i32
      %sign3A_300 = arith.cmpi slt, %jit3A_287, %sign3A_299 : i32
      %sign3A_301 = arith.extui %sign3A_300 : i1 to i32
      %sign3A_302 = arith.subi %sign3A_298, %sign3A_301 : i32
      %ne3A_303 = arith.cmpi ne, %sign3A_295, %sign3A_302 : i32
      %rem3A_304 = arith.remsi %select_n3A, %jit3A_287 : i32
      %ne3A_305 = arith.constant 0 : i32
      %ne3A_306 = arith.cmpi ne, %rem3A_304, %ne3A_305 : i32
      %and3A_307 = arith.andi %ne3A_303, %ne3A_306 : i1
      %sub3A_308 = arith.constant 1 : i32
      %sub3A_309 = arith.subi %div3A_288, %sub3A_308 : i32
      %select_n3A_310 = arith.select %and3A_307, %sub3A_309, %div3A_288 : i32
      %mul3A_311 = arith.constant 8 : i32
      %mul3A_312 = arith.muli %mul3A_311, %select_n3A_310 : i32
      %jit3A_313 = arith.constant 8 : i32
      %eq3A = arith.constant 0 : i32
      %eq3A_314 = arith.cmpi eq, %jit3A_313, %eq3A : i32
      %jit3A_315 = arith.constant 1 : i32
      %select_n3A_316 = arith.select %eq3A_314, %jit3A_315, %jit3A_313 : i32
      %rem3A_317 = arith.remsi %add3A_269, %select_n3A_316 : i32
      %ne3A_318 = arith.constant 0 : i32
      %ne3A_319 = arith.cmpi ne, %rem3A_317, %ne3A_318 : i32
      %lt3A_320 = arith.constant 0 : i32
      %lt3A_321 = arith.cmpi slt, %rem3A_317, %lt3A_320 : i32
      %lt3A_322 = arith.constant 0 : i32
      %lt3A_323 = arith.cmpi slt, %select_n3A_316, %lt3A_322 : i32
      %ne3A_324 = arith.xori %lt3A_321, %lt3A_323 : i1
      %and3A_325 = arith.andi %ne3A_324, %ne3A_319 : i1
      %add3A_326 = arith.addi %rem3A_317, %select_n3A_316 : i32
      %select_n3A_327 = arith.select %and3A_325, %add3A_326, %rem3A_317 : i32
      %add3A_328 = arith.addi %mul3A_312, %select_n3A_327 : i32
      %mul3A_329 = arith.constant 4096 : i32
      %mul3A_330 = arith.muli %add3A_328, %mul3A_329 : i32
      %jit3A_331 = arith.constant 32 : i32
      %eq3A_332 = arith.constant 0 : i32
      %eq3A_333 = arith.cmpi eq, %jit3A_331, %eq3A_332 : i32
      %jit3A_334 = arith.constant 1 : i32
      %select_n3A_335 = arith.select %eq3A_333, %jit3A_334, %jit3A_331 : i32
      %rem3A_336 = arith.remsi %select_n3A, %select_n3A_335 : i32
      %ne3A_337 = arith.constant 0 : i32
      %ne3A_338 = arith.cmpi ne, %rem3A_336, %ne3A_337 : i32
      %lt3A_339 = arith.constant 0 : i32
      %lt3A_340 = arith.cmpi slt, %rem3A_336, %lt3A_339 : i32
      %lt3A_341 = arith.constant 0 : i32
      %lt3A_342 = arith.cmpi slt, %select_n3A_335, %lt3A_341 : i32
      %ne3A_343 = arith.xori %lt3A_340, %lt3A_342 : i1
      %and3A_344 = arith.andi %ne3A_343, %ne3A_338 : i1
      %add3A_345 = arith.addi %rem3A_336, %select_n3A_335 : i32
      %select_n3A_346 = arith.select %and3A_344, %add3A_345, %rem3A_336 : i32
      %mul3A_347 = arith.constant 128 : i32
      %mul3A_348 = arith.muli %select_n3A_346, %mul3A_347 : i32
      %add3A_349 = arith.addi %mul3A_330, %mul3A_348 : i32
      %get3A = arith.index_cast %add3A_328 : i32 to index
      %get3A_350 = arith.constant 0 : index
      %get3A_351 = tpu.vector_load %arg7[%get3A, %get3A_350] {strides = array<i32>} : memref<200x64xf32, #tpu.memory_space<vmem>>, vector<16xf32>,
      %get3A_352 = arith.index_cast %add3A_328 : i32 to index
      %get3A_353 = arith.constant 16 : index
      %get3A_354 = tpu.vector_load %arg7[%get3A_352, %get3A_353] {strides = array<i32>} : memref<200x64xf32, #tpu.memory_space<vmem>>, vector<16xf32>,
      %get3A_355 = arith.index_cast %add3A_328 : i32 to index
      %get3A_356 = arith.constant 32 : index
      %get3A_357 = tpu.vector_load %arg7[%get3A_355, %get3A_356] {strides = array<i32>} : memref<200x64xf32, #tpu.memory_space<vmem>>, vector<16xf32>,
      %get3A_358 = arith.index_cast %add3A_328 : i32 to index
      %get3A_359 = arith.constant 48 : index
      %get3A_360 = tpu.vector_load %arg7[%get3A_358, %get3A_359] {strides = array<i32>} : memref<200x64xf32, #tpu.memory_space<vmem>>, vector<16xf32>,
      %scan3A_361 = arith.constant 0 : i32
      %scan3A_362 = arith.constant 128 : i32
      %scan3A_363 = arith.addi %scan3A_361, %scan3A_362 : i32
      %scan3A_364 = arith.constant 8 : i32
      scf.for %scan3A_1404 = %scan3A_361 to %scan3A_363 step %scan3A_364  : i32 {
        %mul3A_1405 = arith.constant 1 : i32
        %mul3A_1406 = arith.muli %scan3A_1404, %mul3A_1405 : i32
        %add3A_1407 = arith.constant 0 : i32
        %add3A_1408 = arith.addi %add3A_1407, %mul3A_1406 : i32
        %swap3A = arith.constant 0 : i32
        %swap3A_1409 = arith.index_cast %swap3A : i32 to index
        %swap3A_1410 = arith.index_cast %add3A_1408 : i32 to index
        %swap3A_1411 = arith.constant 0 : index
        %swap3A_1412 = tpu.vector_load %arg8[%swap3A_1409, %swap3A_1410, %swap3A_1411] {strides = array<i32>} : memref<8x128x64xf32, #tpu.memory_space<vmem>>, vector<16xf32>,
        tpu.vector_store %arg8[%swap3A_1409, %swap3A_1410, %swap3A_1411], %get3A_351 {add = true, strides = array<i32>} : memref<8x128x64xf32, #tpu.memory_space<vmem>>, vector<16xf32>,
        %swap3A_1413 = arith.constant 0 : i32
        %swap3A_1414 = arith.index_cast %swap3A_1413 : i32 to index
        %swap3A_1415 = arith.index_cast %add3A_1408 : i32 to index
        %swap3A_1416 = arith.constant 16 : index
        %swap3A_1417 = tpu.vector_load %arg8[%swap3A_1414, %swap3A_1415, %swap3A_1416] {strides = array<i32>} : memref<8x128x64xf32, #tpu.memory_space<vmem>>, vector<16xf32>,
        tpu.vector_store %arg8[%swap3A_1414, %swap3A_1415, %swap3A_1416], %get3A_354 {add = true, strides = array<i32>} : memref<8x128x64xf32, #tpu.memory_space<vmem>>, vector<16xf32>,
        %swap3A_1418 = arith.constant 0 : i32
        %swap3A_1419 = arith.index_cast %swap3A_1418 : i32 to index
        %swap3A_1420 = arith.index_cast %add3A_1408 : i32 to index
        %swap3A_1421 = arith.constant 32 : index
        %swap3A_1422 = tpu.vector_load %arg8[%swap3A_1419, %swap3A_1420, %swap3A_1421] {strides = array<i32>} : memref<8x128x64xf32, #tpu.memory_space<vmem>>, vector<16xf32>,
        tpu.vector_store %arg8[%swap3A_1419, %swap3A_1420, %swap3A_1421], %get3A_357 {add = true, strides = array<i32>} : memref<8x128x64xf32, #tpu.memory_space<vmem>>, vector<16xf32>,
        %swap3A_1423 = arith.constant 0 : i32
        %swap3A_1424 = arith.index_cast %swap3A_1423 : i32 to index
        %swap3A_1425 = arith.index_cast %add3A_1408 : i32 to index
        %swap3A_1426 = arith.constant 48 : index
        %swap3A_1427 = tpu.vector_load %arg8[%swap3A_1424, %swap3A_1425, %swap3A_1426] {strides = array<i32>} : memref<8x128x64xf32, #tpu.memory_space<vmem>>, vector<16xf32>,
        tpu.vector_store %arg8[%swap3A_1424, %swap3A_1425, %swap3A_1426], %get3A_360 {add = true, strides = array<i32>} : memref<8x128x64xf32, #tpu.memory_space<vmem>>, vector<16xf32>,
        %scan3A_1428 = arith.constant 1 : i32
        %scan3A_1429 = arith.addi %scan3A_1404, %scan3A_1428 : i32
        %mul3A_1430 = arith.constant 1 : i32
        %mul3A_1431 = arith.muli %scan3A_1429, %mul3A_1430 : i32
        %add3A_1432 = arith.constant 0 : i32
        %add3A_1433 = arith.addi %add3A_1432, %mul3A_1431 : i32
        %swap3A_1434 = arith.constant 0 : i32
        %swap3A_1435 = arith.index_cast %swap3A_1434 : i32 to index
        %swap3A_1436 = arith.index_cast %add3A_1433 : i32 to index
        %swap3A_1437 = arith.constant 0 : index
        %swap3A_1438 = tpu.vector_load %arg8[%swap3A_1435, %swap3A_1436, %swap3A_1437] {strides = array<i32>} : memref<8x128x64xf32, #tpu.memory_space<vmem>>, vector<16xf32>,
        tpu.vector_store %arg8[%swap3A_1435, %swap3A_1436, %swap3A_1437], %get3A_351 {add = true, strides = array<i32>} : memref<8x128x64xf32, #tpu.memory_space<vmem>>, vector<16xf32>,
        %swap3A_1439 = arith.constant 0 : i32
        %swap3A_1440 = arith.index_cast %swap3A_1439 : i32 to index
        %swap3A_1441 = arith.index_cast %add3A_1433 : i32 to index
        %swap3A_1442 = arith.constant 16 : index
        %swap3A_1443 = tpu.vector_load %arg8[%swap3A_1440, %swap3A_1441, %swap3A_1442] {strides = array<i32>} : memref<8x128x64xf32, #tpu.memory_space<vmem>>, vector<16xf32>,
        tpu.vector_store %arg8[%swap3A_1440, %swap3A_1441, %swap3A_1442], %get3A_354 {add = true, strides = array<i32>} : memref<8x128x64xf32, #tpu.memory_space<vmem>>, vector<16xf32>,
        %swap3A_1444 = arith.constant 0 : i32
        %swap3A_1445 = arith.index_cast %swap3A_1444 : i32 to index
        %swap3A_1446 = arith.index_cast %add3A_1433 : i32 to index
        %swap3A_1447 = arith.constant 32 : index
        %swap3A_1448 = tpu.vector_load %arg8[%swap3A_1445, %swap3A_1446, %swap3A_1447] {strides = array<i32>} : memref<8x128x64xf32, #tpu.memory_space<vmem>>, vector<16xf32>,
        tpu.vector_store %arg8[%swap3A_1445, %swap3A_1446, %swap3A_1447], %get3A_357 {add = true, strides = array<i32>} : memref<8x128x64xf32, #tpu.memory_space<vmem>>, vector<16xf32>,
        %swap3A_1449 = arith.constant 0 : i32
        %swap3A_1450 = arith.index_cast %swap3A_1449 : i32 to index
        %swap3A_1451 = arith.index_cast %add3A_1433 : i32 to index
        %swap3A_1452 = arith.constant 48 : index
        %swap3A_1453 = tpu.vector_load %arg8[%swap3A_1450, %swap3A_1451, %swap3A_1452] {strides = array<i32>} : memref<8x128x64xf32, #tpu.memory_space<vmem>>, vector<16xf32>,
        tpu.vector_store %arg8[%swap3A_1450, %swap3A_1451, %swap3A_1452], %get3A_360 {add = true, strides = array<i32>} : memref<8x128x64xf32, #tpu.memory_space<vmem>>, vector<16xf32>,
        %scan3A_1454 = arith.constant 2 : i32
        %scan3A_1455 = arith.addi %scan3A_1404, %scan3A_1454 : i32
        %mul3A_1456 = arith.constant 1 : i32
        %mul3A_1457 = arith.muli %scan3A_1455, %mul3A_1456 : i32
        %add3A_1458 = arith.constant 0 : i32
        %add3A_1459 = arith.addi %add3A_1458, %mul3A_1457 : i32
        %swap3A_1460 = arith.constant 0 : i32
        %swap3A_1461 = arith.index_cast %swap3A_1460 : i32 to index
        %swap3A_1462 = arith.index_cast %add3A_1459 : i32 to index
        %swap3A_1463 = arith.constant 0 : index
        %swap3A_1464 = tpu.vector_load %arg8[%swap3A_1461, %swap3A_1462, %swap3A_1463] {strides = array<i32>} : memref<8x128x64xf32, #tpu.memory_space<vmem>>, vector<16xf32>,
        tpu.vector_store %arg8[%swap3A_1461, %swap3A_1462, %swap3A_1463], %get3A_351 {add = true, strides = array<i32>} : memref<8x128x64xf32, #tpu.memory_space<vmem>>, vector<16xf32>,
        %swap3A_1465 = arith.constant 0 : i32
        %swap3A_1466 = arith.index_cast %swap3A_1465 : i32 to index
        %swap3A_1467 = arith.index_cast %add3A_1459 : i32 to index
        %swap3A_1468 = arith.constant 16 : index
        %swap3A_1469 = tpu.vector_load %arg8[%swap3A_1466, %swap3A_1467, %swap3A_1468] {strides = array<i32>} : memref<8x128x64xf32, #tpu.memory_space<vmem>>, vector<16xf32>,
        tpu.vector_store %arg8[%swap3A_1466, %swap3A_1467, %swap3A_1468], %get3A_354 {add = true, strides = array<i32>} : memref<8x128x64xf32, #tpu.memory_space<vmem>>, vector<16xf32>,
        %swap3A_1470 = arith.constant 0 : i32
        %swap3A_1471 = arith.index_cast %swap3A_1470 : i32 to index
        %swap3A_1472 = arith.index_cast %add3A_1459 : i32 to index
        %swap3A_1473 = arith.constant 32 : index
        %swap3A_1474 = tpu.vector_load %arg8[%swap3A_1471, %swap3A_1472, %swap3A_1473] {strides = array<i32>} : memref<8x128x64xf32, #tpu.memory_space<vmem>>, vector<16xf32>,
        tpu.vector_store %arg8[%swap3A_1471, %swap3A_1472, %swap3A_1473], %get3A_357 {add = true, strides = array<i32>} : memref<8x128x64xf32, #tpu.memory_space<vmem>>, vector<16xf32>,
        %swap3A_1475 = arith.constant 0 : i32
        %swap3A_1476 = arith.index_cast %swap3A_1475 : i32 to index
        %swap3A_1477 = arith.index_cast %add3A_1459 : i32 to index
        %swap3A_1478 = arith.constant 48 : index
        %swap3A_1479 = tpu.vector_load %arg8[%swap3A_1476, %swap3A_1477, %swap3A_1478] {strides = array<i32>} : memref<8x128x64xf32, #tpu.memory_space<vmem>>, vector<16xf32>,
        tpu.vector_store %arg8[%swap3A_1476, %swap3A_1477, %swap3A_1478], %get3A_360 {add = true, strides = array<i32>} : memref<8x128x64xf32, #tpu.memory_space<vmem>>, vector<16xf32>,
        %scan3A_1480 = arith.constant 3 : i32
        %scan3A_1481 = arith.addi %scan3A_1404, %scan3A_1480 : i32
        %mul3A_1482 = arith.constant 1 : i32
        %mul3A_1483 = arith.muli %scan3A_1481, %mul3A_1482 : i32
        %add3A_1484 = arith.constant 0 : i32
        %add3A_1485 = arith.addi %add3A_1484, %mul3A_1483 : i32
        %swap3A_1486 = arith.constant 0 : i32
        %swap3A_1487 = arith.index_cast %swap3A_1486 : i32 to index
        %swap3A_1488 = arith.index_cast %add3A_1485 : i32 to index
        %swap3A_1489 = arith.constant 0 : index
        %swap3A_1490 = tpu.vector_load %arg8[%swap3A_1487, %swap3A_1488, %swap3A_1489] {strides = array<i32>} : memref<8x128x64xf32, #tpu.memory_space<vmem>>, vector<16xf32>,
        tpu.vector_store %arg8[%swap3A_1487, %swap3A_1488, %swap3A_1489], %get3A_351 {add = true, strides = array<i32>} : memref<8x128x64xf32, #tpu.memory_space<vmem>>, vector<16xf32>,
        %swap3A_1491 = arith.constant 0 : i32
        %swap3A_1492 = arith.index_cast %swap3A_1491 : i32 to index
        %swap3A_1493 = arith.index_cast %add3A_1485 : i32 to index
        %swap3A_1494 = arith.constant 16 : index
        %swap3A_1495 = tpu.vector_load %arg8[%swap3A_1492, %swap3A_1493, %swap3A_1494] {strides = array<i32>} : memref<8x128x64xf32, #tpu.memory_space<vmem>>, vector<16xf32>,
        tpu.vector_store %arg8[%swap3A_1492, %swap3A_1493, %swap3A_1494], %get3A_354 {add = true, strides = array<i32>} : memref<8x128x64xf32, #tpu.memory_space<vmem>>, vector<16xf32>,
        %swap3A_1496 = arith.constant 0 : i32
        %swap3A_1497 = arith.index_cast %swap3A_1496 : i32 to index
        %swap3A_1498 = arith.index_cast %add3A_1485 : i32 to index
        %swap3A_1499 = arith.constant 32 : index
        %swap3A_1500 = tpu.vector_load %arg8[%swap3A_1497, %swap3A_1498, %swap3A_1499] {strides = array<i32>} : memref<8x128x64xf32, #tpu.memory_space<vmem>>, vector<16xf32>,
        tpu.vector_store %arg8[%swap3A_1497, %swap3A_1498, %swap3A_1499], %get3A_357 {add = true, strides = array<i32>} : memref<8x128x64xf32, #tpu.memory_space<vmem>>, vector<16xf32>,
        %swap3A_1501 = arith.constant 0 : i32
        %swap3A_1502 = arith.index_cast %swap3A_1501 : i32 to index
        %swap3A_1503 = arith.index_cast %add3A_1485 : i32 to index
        %swap3A_1504 = arith.constant 48 : index
        %swap3A_1505 = tpu.vector_load %arg8[%swap3A_1502, %swap3A_1503, %swap3A_1504] {strides = array<i32>} : memref<8x128x64xf32, #tpu.memory_space<vmem>>, vector<16xf32>,
        tpu.vector_store %arg8[%swap3A_1502, %swap3A_1503, %swap3A_1504], %get3A_360 {add = true, strides = array<i32>} : memref<8x128x64xf32, #tpu.memory_space<vmem>>, vector<16xf32>,
        %scan3A_1506 = arith.constant 4 : i32
        %scan3A_1507 = arith.addi %scan3A_1404, %scan3A_1506 : i32
        %mul3A_1508 = arith.constant 1 : i32
        %mul3A_1509 = arith.muli %scan3A_1507, %mul3A_1508 : i32
        %add3A_1510 = arith.constant 0 : i32
        %add3A_1511 = arith.addi %add3A_1510, %mul3A_1509 : i32
        %swap3A_1512 = arith.constant 0 : i32
        %swap3A_1513 = arith.index_cast %swap3A_1512 : i32 to index
        %swap3A_1514 = arith.index_cast %add3A_1511 : i32 to index
        %swap3A_1515 = arith.constant 0 : index
        %swap3A_1516 = tpu.vector_load %arg8[%swap3A_1513, %swap3A_1514, %swap3A_1515] {strides = array<i32>} : memref<8x128x64xf32, #tpu.memory_space<vmem>>, vector<16xf32>,
        tpu.vector_store %arg8[%swap3A_1513, %swap3A_1514, %swap3A_1515], %get3A_351 {add = true, strides = array<i32>} : memref<8x128x64xf32, #tpu.memory_space<vmem>>, vector<16xf32>,
        %swap3A_1517 = arith.constant 0 : i32
        %swap3A_1518 = arith.index_cast %swap3A_1517 : i32 to index
        %swap3A_1519 = arith.index_cast %add3A_1511 : i32 to index
        %swap3A_1520 = arith.constant 16 : index
        %swap3A_1521 = tpu.vector_load %arg8[%swap3A_1518, %swap3A_1519, %swap3A_1520] {strides = array<i32>} : memref<8x128x64xf32, #tpu.memory_space<vmem>>, vector<16xf32>,
        tpu.vector_store %arg8[%swap3A_1518, %swap3A_1519, %swap3A_1520], %get3A_354 {add = true, strides = array<i32>} : memref<8x128x64xf32, #tpu.memory_space<vmem>>, vector<16xf32>,
        %swap3A_1522 = arith.constant 0 : i32
        %swap3A_1523 = arith.index_cast %swap3A_1522 : i32 to index
        %swap3A_1524 = arith.index_cast %add3A_1511 : i32 to index
        %swap3A_1525 = arith.constant 32 : index
        %swap3A_1526 = tpu.vector_load %arg8[%swap3A_1523, %swap3A_1524, %swap3A_1525] {strides = array<i32>} : memref<8x128x64xf32, #tpu.memory_space<vmem>>, vector<16xf32>,
        tpu.vector_store %arg8[%swap3A_1523, %swap3A_1524, %swap3A_1525], %get3A_357 {add = true, strides = array<i32>} : memref<8x128x64xf32, #tpu.memory_space<vmem>>, vector<16xf32>,
        %swap3A_1527 = arith.constant 0 : i32
        %swap3A_1528 = arith.index_cast %swap3A_1527 : i32 to index
        %swap3A_1529 = arith.index_cast %add3A_1511 : i32 to index
        %swap3A_1530 = arith.constant 48 : index
        %swap3A_1531 = tpu.vector_load %arg8[%swap3A_1528, %swap3A_1529, %swap3A_1530] {strides = array<i32>} : memref<8x128x64xf32, #tpu.memory_space<vmem>>, vector<16xf32>,
        tpu.vector_store %arg8[%swap3A_1528, %swap3A_1529, %swap3A_1530], %get3A_360 {add = true, strides = array<i32>} : memref<8x128x64xf32, #tpu.memory_space<vmem>>, vector<16xf32>,
        %scan3A_1532 = arith.constant 5 : i32
        %scan3A_1533 = arith.addi %scan3A_1404, %scan3A_1532 : i32
        %mul3A_1534 = arith.constant 1 : i32
        %mul3A_1535 = arith.muli %scan3A_1533, %mul3A_1534 : i32
        %add3A_1536 = arith.constant 0 : i32
        %add3A_1537 = arith.addi %add3A_1536, %mul3A_1535 : i32
        %swap3A_1538 = arith.constant 0 : i32
        %swap3A_1539 = arith.index_cast %swap3A_1538 : i32 to index
        %swap3A_1540 = arith.index_cast %add3A_1537 : i32 to index
        %swap3A_1541 = arith.constant 0 : index
        %swap3A_1542 = tpu.vector_load %arg8[%swap3A_1539, %swap3A_1540, %swap3A_1541] {strides = array<i32>} : memref<8x128x64xf32, #tpu.memory_space<vmem>>, vector<16xf32>,
        tpu.vector_store %arg8[%swap3A_1539, %swap3A_1540, %swap3A_1541], %get3A_351 {add = true, strides = array<i32>} : memref<8x128x64xf32, #tpu.memory_space<vmem>>, vector<16xf32>,
        %swap3A_1543 = arith.constant 0 : i32
        %swap3A_1544 = arith.index_cast %swap3A_1543 : i32 to index
        %swap3A_1545 = arith.index_cast %add3A_1537 : i32 to index
        %swap3A_1546 = arith.constant 16 : index
        %swap3A_1547 = tpu.vector_load %arg8[%swap3A_1544, %swap3A_1545, %swap3A_1546] {strides = array<i32>} : memref<8x128x64xf32, #tpu.memory_space<vmem>>, vector<16xf32>,
        tpu.vector_store %arg8[%swap3A_1544, %swap3A_1545, %swap3A_1546], %get3A_354 {add = true, strides = array<i32>} : memref<8x128x64xf32, #tpu.memory_space<vmem>>, vector<16xf32>,
        %swap3A_1548 = arith.constant 0 : i32
        %swap3A_1549 = arith.index_cast %swap3A_1548 : i32 to index
        %swap3A_1550 = arith.index_cast %add3A_1537 : i32 to index
        %swap3A_1551 = arith.constant 32 : index
        %swap3A_1552 = tpu.vector_load %arg8[%swap3A_1549, %swap3A_1550, %swap3A_1551] {strides = array<i32>} : memref<8x128x64xf32, #tpu.memory_space<vmem>>, vector<16xf32>,
        tpu.vector_store %arg8[%swap3A_1549, %swap3A_1550, %swap3A_1551], %get3A_357 {add = true, strides = array<i32>} : memref<8x128x64xf32, #tpu.memory_space<vmem>>, vector<16xf32>,
        %swap3A_1553 = arith.constant 0 : i32
        %swap3A_1554 = arith.index_cast %swap3A_1553 : i32 to index
        %swap3A_1555 = arith.index_cast %add3A_1537 : i32 to index
        %swap3A_1556 = arith.constant 48 : index
        %swap3A_1557 = tpu.vector_load %arg8[%swap3A_1554, %swap3A_1555, %swap3A_1556] {strides = array<i32>} : memref<8x128x64xf32, #tpu.memory_space<vmem>>, vector<16xf32>,
        tpu.vector_store %arg8[%swap3A_1554, %swap3A_1555, %swap3A_1556], %get3A_360 {add = true, strides = array<i32>} : memref<8x128x64xf32, #tpu.memory_space<vmem>>, vector<16xf32>,
        %scan3A_1558 = arith.constant 6 : i32
        %scan3A_1559 = arith.addi %scan3A_1404, %scan3A_1558 : i32
        %mul3A_1560 = arith.constant 1 : i32
        %mul3A_1561 = arith.muli %scan3A_1559, %mul3A_1560 : i32
        %add3A_1562 = arith.constant 0 : i32
        %add3A_1563 = arith.addi %add3A_1562, %mul3A_1561 : i32
        %swap3A_1564 = arith.constant 0 : i32
        %swap3A_1565 = arith.index_cast %swap3A_1564 : i32 to index
        %swap3A_1566 = arith.index_cast %add3A_1563 : i32 to index
        %swap3A_1567 = arith.constant 0 : index
        %swap3A_1568 = tpu.vector_load %arg8[%swap3A_1565, %swap3A_1566, %swap3A_1567] {strides = array<i32>} : memref<8x128x64xf32, #tpu.memory_space<vmem>>, vector<16xf32>,
        tpu.vector_store %arg8[%swap3A_1565, %swap3A_1566, %swap3A_1567], %get3A_351 {add = true, strides = array<i32>} : memref<8x128x64xf32, #tpu.memory_space<vmem>>, vector<16xf32>,
        %swap3A_1569 = arith.constant 0 : i32
        %swap3A_1570 = arith.index_cast %swap3A_1569 : i32 to index
        %swap3A_1571 = arith.index_cast %add3A_1563 : i32 to index
        %swap3A_1572 = arith.constant 16 : index
        %swap3A_1573 = tpu.vector_load %arg8[%swap3A_1570, %swap3A_1571, %swap3A_1572] {strides = array<i32>} : memref<8x128x64xf32, #tpu.memory_space<vmem>>, vector<16xf32>,
        tpu.vector_store %arg8[%swap3A_1570, %swap3A_1571, %swap3A_1572], %get3A_354 {add = true, strides = array<i32>} : memref<8x128x64xf32, #tpu.memory_space<vmem>>, vector<16xf32>,
        %swap3A_1574 = arith.constant 0 : i32
        %swap3A_1575 = arith.index_cast %swap3A_1574 : i32 to index
        %swap3A_1576 = arith.index_cast %add3A_1563 : i32 to index
        %swap3A_1577 = arith.constant 32 : index
        %swap3A_1578 = tpu.vector_load %arg8[%swap3A_1575, %swap3A_1576, %swap3A_1577] {strides = array<i32>} : memref<8x128x64xf32, #tpu.memory_space<vmem>>, vector<16xf32>,
        tpu.vector_store %arg8[%swap3A_1575, %swap3A_1576, %swap3A_1577], %get3A_357 {add = true, strides = array<i32>} : memref<8x128x64xf32, #tpu.memory_space<vmem>>, vector<16xf32>,
        %swap3A_1579 = arith.constant 0 : i32
        %swap3A_1580 = arith.index_cast %swap3A_1579 : i32 to index
        %swap3A_1581 = arith.index_cast %add3A_1563 : i32 to index
        %swap3A_1582 = arith.constant 48 : index
        %swap3A_1583 = tpu.vector_load %arg8[%swap3A_1580, %swap3A_1581, %swap3A_1582] {strides = array<i32>} : memref<8x128x64xf32, #tpu.memory_space<vmem>>, vector<16xf32>,
        tpu.vector_store %arg8[%swap3A_1580, %swap3A_1581, %swap3A_1582], %get3A_360 {add = true, strides = array<i32>} : memref<8x128x64xf32, #tpu.memory_space<vmem>>, vector<16xf32>,
        %scan3A_1584 = arith.constant 7 : i32
        %scan3A_1585 = arith.addi %scan3A_1404, %scan3A_1584 : i32
        %mul3A_1586 = arith.constant 1 : i32
        %mul3A_1587 = arith.muli %scan3A_1585, %mul3A_1586 : i32
        %add3A_1588 = arith.constant 0 : i32
        %add3A_1589 = arith.addi %add3A_1588, %mul3A_1587 : i32
        %swap3A_1590 = arith.constant 0 : i32
        %swap3A_1591 = arith.index_cast %swap3A_1590 : i32 to index
        %swap3A_1592 = arith.index_cast %add3A_1589 : i32 to index
        %swap3A_1593 = arith.constant 0 : index
        %swap3A_1594 = tpu.vector_load %arg8[%swap3A_1591, %swap3A_1592, %swap3A_1593] {strides = array<i32>} : memref<8x128x64xf32, #tpu.memory_space<vmem>>, vector<16xf32>,
        tpu.vector_store %arg8[%swap3A_1591, %swap3A_1592, %swap3A_1593], %get3A_351 {add = true, strides = array<i32>} : memref<8x128x64xf32, #tpu.memory_space<vmem>>, vector<16xf32>,
        %swap3A_1595 = arith.constant 0 : i32
        %swap3A_1596 = arith.index_cast %swap3A_1595 : i32 to index
        %swap3A_1597 = arith.index_cast %add3A_1589 : i32 to index
        %swap3A_1598 = arith.constant 16 : index
        %swap3A_1599 = tpu.vector_load %arg8[%swap3A_1596, %swap3A_1597, %swap3A_1598] {strides = array<i32>} : memref<8x128x64xf32, #tpu.memory_space<vmem>>, vector<16xf32>,
        tpu.vector_store %arg8[%swap3A_1596, %swap3A_1597, %swap3A_1598], %get3A_354 {add = true, strides = array<i32>} : memref<8x128x64xf32, #tpu.memory_space<vmem>>, vector<16xf32>,
        %swap3A_1600 = arith.constant 0 : i32
        %swap3A_1601 = arith.index_cast %swap3A_1600 : i32 to index
        %swap3A_1602 = arith.index_cast %add3A_1589 : i32 to index
        %swap3A_1603 = arith.constant 32 : index
        %swap3A_1604 = tpu.vector_load %arg8[%swap3A_1601, %swap3A_1602, %swap3A_1603] {strides = array<i32>} : memref<8x128x64xf32, #tpu.memory_space<vmem>>, vector<16xf32>,
        tpu.vector_store %arg8[%swap3A_1601, %swap3A_1602, %swap3A_1603], %get3A_357 {add = true, strides = array<i32>} : memref<8x128x64xf32, #tpu.memory_space<vmem>>, vector<16xf32>,
        %swap3A_1605 = arith.constant 0 : i32
        %swap3A_1606 = arith.index_cast %swap3A_1605 : i32 to index
        %swap3A_1607 = arith.index_cast %add3A_1589 : i32 to index
        %swap3A_1608 = arith.constant 48 : index
        %swap3A_1609 = tpu.vector_load %arg8[%swap3A_1606, %swap3A_1607, %swap3A_1608] {strides = array<i32>} : memref<8x128x64xf32, #tpu.memory_space<vmem>>, vector<16xf32>,
        tpu.vector_store %arg8[%swap3A_1606, %swap3A_1607, %swap3A_1608], %get3A_360 {add = true, strides = array<i32>} : memref<8x128x64xf32, #tpu.memory_space<vmem>>, vector<16xf32>,
      }
      %scan3A_365 = arith.constant 128 : i32
      %dma_start3A_366 = arith.constant 0 : i32
      %dma_start3A_367 = arith.constant 0 : i32
      %dma_start3A_368 = arith.constant 0 : i32
      %dma_start3A_369 = arith.constant 0 : i32
      %dma_start3A_370 = tpu.memref_slice %arg8[%dma_start3A_366, %dma_start3A_368, %dma_start3A_369] : memref<8x128x64xf32, #tpu.memory_space<vmem>> -> memref<1x128x64xf32, #tpu.memory_space<vmem>>
      %dma_start3A_371 = tpu.memref_squeeze %dma_start3A_370 : memref<1x128x64xf32, #tpu.memory_space<vmem>> -> memref<128x64xf32, #tpu.memory_space<vmem>>
      %dma_start3A_372 = arith.constant 0 : i32
      %dma_start3A_373 = tpu.memref_slice %arg5[%add3A_349, %dma_start3A_372] : memref<819200x64xf32, #tpu.memory_space<hbm>> -> memref<128x64xf32, #tpu.memory_space<hbm>>
      %dma_start3A_374 = tpu.memref_slice %arg10[%dma_start3A_367] : memref<8x!tpu.dma_semaphore, #tpu.memory_space<semaphore_mem>> -> memref<1x!tpu.dma_semaphore, #tpu.memory_space<semaphore_mem>>
      %dma_start3A_375 = tpu.memref_squeeze %dma_start3A_374 : memref<1x!tpu.dma_semaphore, #tpu.memory_space<semaphore_mem>> -> memref<!tpu.dma_semaphore, #tpu.memory_space<semaphore_mem>>
      %dma_start3A_376 = arith.constant 0 : i32
      %dma_start3A_377 = tpu.memref_slice %arg5[%add3A_349, %dma_start3A_376] : memref<819200x64xf32, #tpu.memory_space<hbm>> -> memref<128x64xf32, #tpu.memory_space<hbm>>
      %dma_start3A_378 = arith.constant 0 : i32
      %dma_start3A_379 = arith.constant 0 : i32
      %dma_start3A_380 = tpu.memref_slice %arg8[%dma_start3A_366, %dma_start3A_378, %dma_start3A_379] : memref<8x128x64xf32, #tpu.memory_space<vmem>> -> memref<1x128x64xf32, #tpu.memory_space<vmem>>
      %dma_start3A_381 = tpu.memref_squeeze %dma_start3A_380 : memref<1x128x64xf32, #tpu.memory_space<vmem>> -> memref<128x64xf32, #tpu.memory_space<vmem>>
      tpu.enqueue_dma source(%dma_start3A_381 : memref<128x64xf32, #tpu.memory_space<vmem>>) target(%dma_start3A_377 : memref<128x64xf32, #tpu.memory_space<hbm>>) target_semaphore(%dma_start3A_375 : memref<!tpu.dma_semaphore, #tpu.memory_space<semaphore_mem>>)
      %add3A_382 = arith.constant 1 : i32
      %add3A_383 = arith.addi %mul3A_248, %add3A_382 : i32
      %add3A_384 = arith.constant 8 : i32
      %add3A_385 = arith.addi %add3A_383, %add3A_384 : i32
      %sub3A_386 = arith.constant 1 : i32
      %sub3A_387 = arith.subi %add3A_385, %sub3A_386 : i32
      %lt3A_388 = arith.constant 200 : i32
      %lt3A_389 = arith.cmpi slt, %sub3A_387, %lt3A_388 : i32
      %convert_element_type3A_390 = arith.extui %lt3A_389 : i1 to i32
      %cond3A_391 = arith.constant 0 : i32
      %cond3A_392 = arith.cmpi ne, %convert_element_type3A_390, %cond3A_391 : i32
      scf.if %cond3A_392 {
        %ge3A = arith.constant 1 : i32
        %ge3A_1404 = arith.cmpi sge, %add3A_383, %ge3A : i32
        %convert_element_type3A_1405 = arith.extui %ge3A_1404 : i1 to i32
        %cond3A_1406 = arith.constant 0 : i32
        %cond3A_1407 = arith.cmpi ne, %convert_element_type3A_1405, %cond3A_1406 : i32
        scf.if %cond3A_1407 {
          %dma_wait3A_1426 = arith.constant 0 : i32
          %dma_wait3A_1427 = arith.constant 0 : i32
          %dma_wait3A_1428 = arith.constant 0 : i32
          %dma_wait3A_1429 = arith.constant 0 : i32
          %dma_wait3A_1430 = tpu.memref_slice %arg8[%dma_wait3A_1426, %dma_wait3A_1428, %dma_wait3A_1429] : memref<8x128x64xf32, #tpu.memory_space<vmem>> -> memref<1x128x64xf32, #tpu.memory_space<vmem>>
          %dma_wait3A_1431 = tpu.memref_squeeze %dma_wait3A_1430 : memref<1x128x64xf32, #tpu.memory_space<vmem>> -> memref<128x64xf32, #tpu.memory_space<vmem>>
          %dma_wait3A_1432 = arith.constant 0 : i32
          %dma_wait3A_1433 = arith.constant 0 : i32
          %dma_wait3A_1434 = tpu.memref_slice %arg5[%dma_wait3A_1432, %dma_wait3A_1433] : memref<819200x64xf32, #tpu.memory_space<hbm>> -> memref<128x64xf32, #tpu.memory_space<hbm>>
          %dma_wait3A_1435 = tpu.memref_slice %arg10[%dma_wait3A_1427] : memref<8x!tpu.dma_semaphore, #tpu.memory_space<semaphore_mem>> -> memref<1x!tpu.dma_semaphore, #tpu.memory_space<semaphore_mem>>
          %dma_wait3A_1436 = tpu.memref_squeeze %dma_wait3A_1435 : memref<1x!tpu.dma_semaphore, #tpu.memory_space<semaphore_mem>> -> memref<!tpu.dma_semaphore, #tpu.memory_space<semaphore_mem>>
          %dma_wait3A_1437 = arith.constant 0 : i32
          %dma_wait3A_1438 = arith.constant 0 : i32
          %dma_wait3A_1439 = tpu.memref_slice %arg5[%dma_wait3A_1437, %dma_wait3A_1438] : memref<819200x64xf32, #tpu.memory_space<hbm>> -> memref<128x64xf32, #tpu.memory_space<hbm>>
          %dma_wait3A_1440 = arith.constant 0 : i32
          %dma_wait3A_1441 = arith.constant 0 : i32
          %dma_wait3A_1442 = tpu.memref_slice %arg8[%dma_wait3A_1426, %dma_wait3A_1440, %dma_wait3A_1441] : memref<8x128x64xf32, #tpu.memory_space<vmem>> -> memref<1x128x64xf32, #tpu.memory_space<vmem>>
          %dma_wait3A_1443 = tpu.memref_squeeze %dma_wait3A_1442 : memref<1x128x64xf32, #tpu.memory_space<vmem>> -> memref<128x64xf32, #tpu.memory_space<vmem>>
          tpu.wait_dma2 semaphore(%dma_wait3A_1436 : memref<!tpu.dma_semaphore, #tpu.memory_space<semaphore_mem>>) src(%dma_wait3A_1443 : memref<128x64xf32, #tpu.memory_space<vmem>>) dst(%dma_wait3A_1439 : memref<128x64xf32, #tpu.memory_space<hbm>>)
        } else {
        }
        %add3A_1408 = arith.constant 8 : i32
        %add3A_1409 = arith.addi %add3A_383, %add3A_1408 : i32
        %sub3A_1410 = arith.constant 1 : i32
        %sub3A_1411 = arith.subi %add3A_1409, %sub3A_1410 : i32
        %mul3A_1412 = arith.constant 128 : i32
        %mul3A_1413 = arith.muli %sub3A_1411, %mul3A_1412 : i32
        %dma_start3A_1414 = arith.constant 0 : i32
        %dma_start3A_1415 = arith.constant 0 : i32
        %dma_start3A_1416 = arith.constant 0 : i32
        %dma_start3A_1417 = arith.constant 0 : i32
        %dma_start3A_1418 = tpu.memref_slice %arg8[%dma_start3A_1414, %dma_start3A_1416, %dma_start3A_1417] : memref<8x128x64xf32, #tpu.memory_space<vmem>> -> memref<1x128x64xf32, #tpu.memory_space<vmem>>
        %dma_start3A_1419 = tpu.memref_squeeze %dma_start3A_1418 : memref<1x128x64xf32, #tpu.memory_space<vmem>> -> memref<128x64xf32, #tpu.memory_space<vmem>>
        %dma_start3A_1420 = tpu.memref_slice %arg6[%mul3A_1413] : memref<25600xi32, #tpu.memory_space<vmem>> -> memref<128xi32, #tpu.memory_space<vmem>>
        %dma_start3A_1421 = arith.constant 0 : i32
        %dma_start3A_1422 = arith.constant 0 : i32
        %dma_start3A_1423 = tpu.memref_slice %arg2[%dma_start3A_1421, %dma_start3A_1422] : memref<1000000x64xf32, #tpu.memory_space<hbm>> -> memref<1000000x64xf32, #tpu.memory_space<hbm>>
        %dma_start3A_1424 = tpu.memref_slice %arg9[%dma_start3A_1415] : memref<8x!tpu.dma_semaphore, #tpu.memory_space<semaphore_mem>> -> memref<1x!tpu.dma_semaphore, #tpu.memory_space<semaphore_mem>>
        %dma_start3A_1425 = tpu.memref_squeeze %dma_start3A_1424 : memref<1x!tpu.dma_semaphore, #tpu.memory_space<semaphore_mem>> -> memref<!tpu.dma_semaphore, #tpu.memory_space<semaphore_mem>>
        tpu.enqueue_indirect_dma source(%dma_start3A_1423 : memref<1000000x64xf32, #tpu.memory_space<hbm>>) target(%dma_start3A_1419 : memref<128x64xf32, #tpu.memory_space<vmem>>) offsets(%dma_start3A_1420 : memref<128xi32, #tpu.memory_space<vmem>>) semaphore(%dma_start3A_1425 : memref<!tpu.dma_semaphore, #tpu.memory_space<semaphore_mem>>)
      } else {
      }
      %dma_wait3A_393 = arith.constant 1 : i32
      %dma_wait3A_394 = arith.constant 1 : i32
      %dma_wait3A_395 = arith.constant 0 : i32
      %dma_wait3A_396 = arith.constant 0 : i32
      %dma_wait3A_397 = tpu.memref_slice %arg8[%dma_wait3A_393, %dma_wait3A_395, %dma_wait3A_396] : memref<8x128x64xf32, #tpu.memory_space<vmem>> -> memref<1x128x64xf32, #tpu.memory_space<vmem>>
      %dma_wait3A_398 = tpu.memref_squeeze %dma_wait3A_397 : memref<1x128x64xf32, #tpu.memory_space<vmem>> -> memref<128x64xf32, #tpu.memory_space<vmem>>
      %dma_wait3A_399 = arith.constant 0 : i32
      %dma_wait3A_400 = tpu.memref_slice %arg6[%dma_wait3A_399] : memref<25600xi32, #tpu.memory_space<vmem>> -> memref<128xi32, #tpu.memory_space<vmem>>
      %dma_wait3A_401 = arith.constant 0 : i32
      %dma_wait3A_402 = arith.constant 0 : i32
      %dma_wait3A_403 = tpu.memref_slice %arg2[%dma_wait3A_401, %dma_wait3A_402] : memref<1000000x64xf32, #tpu.memory_space<hbm>> -> memref<1000000x64xf32, #tpu.memory_space<hbm>>
      %dma_wait3A_404 = tpu.memref_slice %arg9[%dma_wait3A_394] : memref<8x!tpu.dma_semaphore, #tpu.memory_space<semaphore_mem>> -> memref<1x!tpu.dma_semaphore, #tpu.memory_space<semaphore_mem>>
      %dma_wait3A_405 = tpu.memref_squeeze %dma_wait3A_404 : memref<1x!tpu.dma_semaphore, #tpu.memory_space<semaphore_mem>> -> memref<!tpu.dma_semaphore, #tpu.memory_space<semaphore_mem>>
      tpu.wait_indirect_dma semaphore(%dma_wait3A_405 : memref<!tpu.dma_semaphore, #tpu.memory_space<semaphore_mem>>) src(%dma_wait3A_403 : memref<1000000x64xf32, #tpu.memory_space<hbm>>) dst(%dma_wait3A_398 : memref<128x64xf32, #tpu.memory_space<vmem>>)
      %add3A_406 = arith.addi %mul3A_4, %add3A_383 : i32
      %jit3A_407 = arith.constant 8 : i32
      %div3A_408 = arith.divsi %add3A_406, %jit3A_407 : i32
      %sign3A_409 = arith.constant 0 : i32
      %sign3A_410 = arith.cmpi sgt, %add3A_406, %sign3A_409 : i32
      %sign3A_411 = arith.extui %sign3A_410 : i1 to i32
      %sign3A_412 = arith.constant 0 : i32
      %sign3A_413 = arith.cmpi slt, %add3A_406, %sign3A_412 : i32
      %sign3A_414 = arith.extui %sign3A_413 : i1 to i32
      %sign3A_415 = arith.subi %sign3A_411, %sign3A_414 : i32
      %sign3A_416 = arith.constant 0 : i32
      %sign3A_417 = arith.cmpi sgt, %jit3A_407, %sign3A_416 : i32
      %sign3A_418 = arith.extui %sign3A_417 : i1 to i32
      %sign3A_419 = arith.constant 0 : i32
      %sign3A_420 = arith.cmpi slt, %jit3A_407, %sign3A_419 : i32
      %sign3A_421 = arith.extui %sign3A_420 : i1 to i32
      %sign3A_422 = arith.subi %sign3A_418, %sign3A_421 : i32
      %ne3A_423 = arith.cmpi ne, %sign3A_415, %sign3A_422 : i32
      %rem3A_424 = arith.remsi %add3A_406, %jit3A_407 : i32
      %ne3A_425 = arith.constant 0 : i32
      %ne3A_426 = arith.cmpi ne, %rem3A_424, %ne3A_425 : i32
      %and3A_427 = arith.andi %ne3A_423, %ne3A_426 : i1
      %sub3A_428 = arith.constant 1 : i32
      %sub3A_429 = arith.subi %div3A_408, %sub3A_428 : i32
      %select_n3A_430 = arith.select %and3A_427, %sub3A_429, %div3A_408 : i32
      %jit3A_431 = arith.constant 32 : i32
      %div3A_432 = arith.divsi %select_n3A_430, %jit3A_431 : i32
      %sign3A_433 = arith.constant 0 : i32
      %sign3A_434 = arith.cmpi sgt, %select_n3A_430, %sign3A_433 : i32
      %sign3A_435 = arith.extui %sign3A_434 : i1 to i32
      %sign3A_436 = arith.constant 0 : i32
      %sign3A_437 = arith.cmpi slt, %select_n3A_430, %sign3A_436 : i32
      %sign3A_438 = arith.extui %sign3A_437 : i1 to i32
      %sign3A_439 = arith.subi %sign3A_435, %sign3A_438 : i32
      %sign3A_440 = arith.constant 0 : i32
      %sign3A_441 = arith.cmpi sgt, %jit3A_431, %sign3A_440 : i32
      %sign3A_442 = arith.extui %sign3A_441 : i1 to i32
      %sign3A_443 = arith.constant 0 : i32
      %sign3A_444 = arith.cmpi slt, %jit3A_431, %sign3A_443 : i32
      %sign3A_445 = arith.extui %sign3A_444 : i1 to i32
      %sign3A_446 = arith.subi %sign3A_442, %sign3A_445 : i32
      %ne3A_447 = arith.cmpi ne, %sign3A_439, %sign3A_446 : i32
      %rem3A_448 = arith.remsi %select_n3A_430, %jit3A_431 : i32
      %ne3A_449 = arith.constant 0 : i32
      %ne3A_450 = arith.cmpi ne, %rem3A_448, %ne3A_449 : i32
      %and3A_451 = arith.andi %ne3A_447, %ne3A_450 : i1
      %sub3A_452 = arith.constant 1 : i32
      %sub3A_453 = arith.subi %div3A_432, %sub3A_452 : i32
      %select_n3A_454 = arith.select %and3A_451, %sub3A_453, %div3A_432 : i32
      %mul3A_455 = arith.constant 8 : i32
      %mul3A_456 = arith.muli %mul3A_455, %select_n3A_454 : i32
      %jit3A_457 = arith.constant 8 : i32
      %eq3A_458 = arith.constant 0 : i32
      %eq3A_459 = arith.cmpi eq, %jit3A_457, %eq3A_458 : i32
      %jit3A_460 = arith.constant 1 : i32
      %select_n3A_461 = arith.select %eq3A_459, %jit3A_460, %jit3A_457 : i32
      %rem3A_462 = arith.remsi %add3A_406, %select_n3A_461 : i32
      %ne3A_463 = arith.constant 0 : i32
      %ne3A_464 = arith.cmpi ne, %rem3A_462, %ne3A_463 : i32
      %lt3A_465 = arith.constant 0 : i32
      %lt3A_466 = arith.cmpi slt, %rem3A_462, %lt3A_465 : i32
      %lt3A_467 = arith.constant 0 : i32
      %lt3A_468 = arith.cmpi slt, %select_n3A_461, %lt3A_467 : i32
      %ne3A_469 = arith.xori %lt3A_466, %lt3A_468 : i1
      %and3A_470 = arith.andi %ne3A_469, %ne3A_464 : i1
      %add3A_471 = arith.addi %rem3A_462, %select_n3A_461 : i32
      %select_n3A_472 = arith.select %and3A_470, %add3A_471, %rem3A_462 : i32
      %add3A_473 = arith.addi %mul3A_456, %select_n3A_472 : i32
      %mul3A_474 = arith.constant 4096 : i32
      %mul3A_475 = arith.muli %add3A_473, %mul3A_474 : i32
      %jit3A_476 = arith.constant 32 : i32
      %eq3A_477 = arith.constant 0 : i32
      %eq3A_478 = arith.cmpi eq, %jit3A_476, %eq3A_477 : i32
      %jit3A_479 = arith.constant 1 : i32
      %select_n3A_480 = arith.select %eq3A_478, %jit3A_479, %jit3A_476 : i32
      %rem3A_481 = arith.remsi %select_n3A_430, %select_n3A_480 : i32
      %ne3A_482 = arith.constant 0 : i32
      %ne3A_483 = arith.cmpi ne, %rem3A_481, %ne3A_482 : i32
      %lt3A_484 = arith.constant 0 : i32
      %lt3A_485 = arith.cmpi slt, %rem3A_481, %lt3A_484 : i32
      %lt3A_486 = arith.constant 0 : i32
      %lt3A_487 = arith.cmpi slt, %select_n3A_480, %lt3A_486 : i32
      %ne3A_488 = arith.xori %lt3A_485, %lt3A_487 : i1
      %and3A_489 = arith.andi %ne3A_488, %ne3A_483 : i1
      %add3A_490 = arith.addi %rem3A_481, %select_n3A_480 : i32
      %select_n3A_491 = arith.select %and3A_489, %add3A_490, %rem3A_481 : i32
      %mul3A_492 = arith.constant 128 : i32
      %mul3A_493 = arith.muli %select_n3A_491, %mul3A_492 : i32
      %add3A_494 = arith.addi %mul3A_475, %mul3A_493 : i32
      %get3A_495 = arith.index_cast %add3A_473 : i32 to index
      %get3A_496 = arith.constant 0 : index
      %get3A_497 = tpu.vector_load %arg7[%get3A_495, %get3A_496] {strides = array<i32>} : memref<200x64xf32, #tpu.memory_space<vmem>>, vector<16xf32>,
      %get3A_498 = arith.index_cast %add3A_473 : i32 to index
      %get3A_499 = arith.constant 16 : index
      %get3A_500 = tpu.vector_load %arg7[%get3A_498, %get3A_499] {strides = array<i32>} : memref<200x64xf32, #tpu.memory_space<vmem>>, vector<16xf32>,
      %get3A_501 = arith.index_cast %add3A_473 : i32 to index
      %get3A_502 = arith.constant 32 : index
      %get3A_503 = tpu.vector_load %arg7[%get3A_501, %get3A_502] {strides = array<i32>} : memref<200x64xf32, #tpu.memory_space<vmem>>, vector<16xf32>,
      %get3A_504 = arith.index_cast %add3A_473 : i32 to index
      %get3A_505 = arith.constant 48 : index
      %get3A_506 = tpu.vector_load %arg7[%get3A_504, %get3A_505] {strides = array<i32>} : memref<200x64xf32, #tpu.memory_space<vmem>>, vector<16xf32>,
      %scan3A_507 = arith.constant 0 : i32
      %scan3A_508 = arith.constant 128 : i32
      %scan3A_509 = arith.addi %scan3A_507, %scan3A_508 : i32
      %scan3A_510 = arith.constant 8 : i32
      scf.for %scan3A_1404 = %scan3A_507 to %scan3A_509 step %scan3A_510  : i32 {
        %mul3A_1405 = arith.constant 1 : i32
        %mul3A_1406 = arith.muli %scan3A_1404, %mul3A_1405 : i32
        %add3A_1407 = arith.constant 0 : i32
        %add3A_1408 = arith.addi %add3A_1407, %mul3A_1406 : i32
        %swap3A = arith.constant 1 : i32
        %swap3A_1409 = arith.index_cast %swap3A : i32 to index
        %swap3A_1410 = arith.index_cast %add3A_1408 : i32 to index
        %swap3A_1411 = arith.constant 0 : index
        %swap3A_1412 = tpu.vector_load %arg8[%swap3A_1409, %swap3A_1410, %swap3A_1411] {strides = array<i32>} : memref<8x128x64xf32, #tpu.memory_space<vmem>>, vector<16xf32>,
        tpu.vector_store %arg8[%swap3A_1409, %swap3A_1410, %swap3A_1411], %get3A_497 {add = true, strides = array<i32>} : memref<8x128x64xf32, #tpu.memory_space<vmem>>, vector<16xf32>,
        %swap3A_1413 = arith.constant 1 : i32
        %swap3A_1414 = arith.index_cast %swap3A_1413 : i32 to index
        %swap3A_1415 = arith.index_cast %add3A_1408 : i32 to index
        %swap3A_1416 = arith.constant 16 : index
        %swap3A_1417 = tpu.vector_load %arg8[%swap3A_1414, %swap3A_1415, %swap3A_1416] {strides = array<i32>} : memref<8x128x64xf32, #tpu.memory_space<vmem>>, vector<16xf32>,
        tpu.vector_store %arg8[%swap3A_1414, %swap3A_1415, %swap3A_1416], %get3A_500 {add = true, strides = array<i32>} : memref<8x128x64xf32, #tpu.memory_space<vmem>>, vector<16xf32>,
        %swap3A_1418 = arith.constant 1 : i32
        %swap3A_1419 = arith.index_cast %swap3A_1418 : i32 to index
        %swap3A_1420 = arith.index_cast %add3A_1408 : i32 to index
        %swap3A_1421 = arith.constant 32 : index
        %swap3A_1422 = tpu.vector_load %arg8[%swap3A_1419, %swap3A_1420, %swap3A_1421] {strides = array<i32>} : memref<8x128x64xf32, #tpu.memory_space<vmem>>, vector<16xf32>,
        tpu.vector_store %arg8[%swap3A_1419, %swap3A_1420, %swap3A_1421], %get3A_503 {add = true, strides = array<i32>} : memref<8x128x64xf32, #tpu.memory_space<vmem>>, vector<16xf32>,
        %swap3A_1423 = arith.constant 1 : i32
        %swap3A_1424 = arith.index_cast %swap3A_1423 : i32 to index
        %swap3A_1425 = arith.index_cast %add3A_1408 : i32 to index
        %swap3A_1426 = arith.constant 48 : index
        %swap3A_1427 = tpu.vector_load %arg8[%swap3A_1424, %swap3A_1425, %swap3A_1426] {strides = array<i32>} : memref<8x128x64xf32, #tpu.memory_space<vmem>>, vector<16xf32>,
        tpu.vector_store %arg8[%swap3A_1424, %swap3A_1425, %swap3A_1426], %get3A_506 {add = true, strides = array<i32>} : memref<8x128x64xf32, #tpu.memory_space<vmem>>, vector<16xf32>,
        %scan3A_1428 = arith.constant 1 : i32
        %scan3A_1429 = arith.addi %scan3A_1404, %scan3A_1428 : i32
        %mul3A_1430 = arith.constant 1 : i32
        %mul3A_1431 = arith.muli %scan3A_1429, %mul3A_1430 : i32
        %add3A_1432 = arith.constant 0 : i32
        %add3A_1433 = arith.addi %add3A_1432, %mul3A_1431 : i32
        %swap3A_1434 = arith.constant 1 : i32
        %swap3A_1435 = arith.index_cast %swap3A_1434 : i32 to index
        %swap3A_1436 = arith.index_cast %add3A_1433 : i32 to index
        %swap3A_1437 = arith.constant 0 : index
        %swap3A_1438 = tpu.vector_load %arg8[%swap3A_1435, %swap3A_1436, %swap3A_1437] {strides = array<i32>} : memref<8x128x64xf32, #tpu.memory_space<vmem>>, vector<16xf32>,
        tpu.vector_store %arg8[%swap3A_1435, %swap3A_1436, %swap3A_1437], %get3A_497 {add = true, strides = array<i32>} : memref<8x128x64xf32, #tpu.memory_space<vmem>>, vector<16xf32>,
        %swap3A_1439 = arith.constant 1 : i32
        %swap3A_1440 = arith.index_cast %swap3A_1439 : i32 to index
        %swap3A_1441 = arith.index_cast %add3A_1433 : i32 to index
        %swap3A_1442 = arith.constant 16 : index
        %swap3A_1443 = tpu.vector_load %arg8[%swap3A_1440, %swap3A_1441, %swap3A_1442] {strides = array<i32>} : memref<8x128x64xf32, #tpu.memory_space<vmem>>, vector<16xf32>,
        tpu.vector_store %arg8[%swap3A_1440, %swap3A_1441, %swap3A_1442], %get3A_500 {add = true, strides = array<i32>} : memref<8x128x64xf32, #tpu.memory_space<vmem>>, vector<16xf32>,
        %swap3A_1444 = arith.constant 1 : i32
        %swap3A_1445 = arith.index_cast %swap3A_1444 : i32 to index
        %swap3A_1446 = arith.index_cast %add3A_1433 : i32 to index
        %swap3A_1447 = arith.constant 32 : index
        %swap3A_1448 = tpu.vector_load %arg8[%swap3A_1445, %swap3A_1446, %swap3A_1447] {strides = array<i32>} : memref<8x128x64xf32, #tpu.memory_space<vmem>>, vector<16xf32>,
        tpu.vector_store %arg8[%swap3A_1445, %swap3A_1446, %swap3A_1447], %get3A_503 {add = true, strides = array<i32>} : memref<8x128x64xf32, #tpu.memory_space<vmem>>, vector<16xf32>,
        %swap3A_1449 = arith.constant 1 : i32
        %swap3A_1450 = arith.index_cast %swap3A_1449 : i32 to index
        %swap3A_1451 = arith.index_cast %add3A_1433 : i32 to index
        %swap3A_1452 = arith.constant 48 : index
        %swap3A_1453 = tpu.vector_load %arg8[%swap3A_1450, %swap3A_1451, %swap3A_1452] {strides = array<i32>} : memref<8x128x64xf32, #tpu.memory_space<vmem>>, vector<16xf32>,
        tpu.vector_store %arg8[%swap3A_1450, %swap3A_1451, %swap3A_1452], %get3A_506 {add = true, strides = array<i32>} : memref<8x128x64xf32, #tpu.memory_space<vmem>>, vector<16xf32>,
        %scan3A_1454 = arith.constant 2 : i32
        %scan3A_1455 = arith.addi %scan3A_1404, %scan3A_1454 : i32
        %mul3A_1456 = arith.constant 1 : i32
        %mul3A_1457 = arith.muli %scan3A_1455, %mul3A_1456 : i32
        %add3A_1458 = arith.constant 0 : i32
        %add3A_1459 = arith.addi %add3A_1458, %mul3A_1457 : i32
        %swap3A_1460 = arith.constant 1 : i32
        %swap3A_1461 = arith.index_cast %swap3A_1460 : i32 to index
        %swap3A_1462 = arith.index_cast %add3A_1459 : i32 to index
        %swap3A_1463 = arith.constant 0 : index
        %swap3A_1464 = tpu.vector_load %arg8[%swap3A_1461, %swap3A_1462, %swap3A_1463] {strides = array<i32>} : memref<8x128x64xf32, #tpu.memory_space<vmem>>, vector<16xf32>,
        tpu.vector_store %arg8[%swap3A_1461, %swap3A_1462, %swap3A_1463], %get3A_497 {add = true, strides = array<i32>} : memref<8x128x64xf32, #tpu.memory_space<vmem>>, vector<16xf32>,
        %swap3A_1465 = arith.constant 1 : i32
        %swap3A_1466 = arith.index_cast %swap3A_1465 : i32 to index
        %swap3A_1467 = arith.index_cast %add3A_1459 : i32 to index
        %swap3A_1468 = arith.constant 16 : index
        %swap3A_1469 = tpu.vector_load %arg8[%swap3A_1466, %swap3A_1467, %swap3A_1468] {strides = array<i32>} : memref<8x128x64xf32, #tpu.memory_space<vmem>>, vector<16xf32>,
        tpu.vector_store %arg8[%swap3A_1466, %swap3A_1467, %swap3A_1468], %get3A_500 {add = true, strides = array<i32>} : memref<8x128x64xf32, #tpu.memory_space<vmem>>, vector<16xf32>,
        %swap3A_1470 = arith.constant 1 : i32
        %swap3A_1471 = arith.index_cast %swap3A_1470 : i32 to index
        %swap3A_1472 = arith.index_cast %add3A_1459 : i32 to index
        %swap3A_1473 = arith.constant 32 : index
        %swap3A_1474 = tpu.vector_load %arg8[%swap3A_1471, %swap3A_1472, %swap3A_1473] {strides = array<i32>} : memref<8x128x64xf32, #tpu.memory_space<vmem>>, vector<16xf32>,
        tpu.vector_store %arg8[%swap3A_1471, %swap3A_1472, %swap3A_1473], %get3A_503 {add = true, strides = array<i32>} : memref<8x128x64xf32, #tpu.memory_space<vmem>>, vector<16xf32>,
        %swap3A_1475 = arith.constant 1 : i32
        %swap3A_1476 = arith.index_cast %swap3A_1475 : i32 to index
        %swap3A_1477 = arith.index_cast %add3A_1459 : i32 to index
        %swap3A_1478 = arith.constant 48 : index
        %swap3A_1479 = tpu.vector_load %arg8[%swap3A_1476, %swap3A_1477, %swap3A_1478] {strides = array<i32>} : memref<8x128x64xf32, #tpu.memory_space<vmem>>, vector<16xf32>,
        tpu.vector_store %arg8[%swap3A_1476, %swap3A_1477, %swap3A_1478], %get3A_506 {add = true, strides = array<i32>} : memref<8x128x64xf32, #tpu.memory_space<vmem>>, vector<16xf32>,
        %scan3A_1480 = arith.constant 3 : i32
        %scan3A_1481 = arith.addi %scan3A_1404, %scan3A_1480 : i32
        %mul3A_1482 = arith.constant 1 : i32
        %mul3A_1483 = arith.muli %scan3A_1481, %mul3A_1482 : i32
        %add3A_1484 = arith.constant 0 : i32
        %add3A_1485 = arith.addi %add3A_1484, %mul3A_1483 : i32
        %swap3A_1486 = arith.constant 1 : i32
        %swap3A_1487 = arith.index_cast %swap3A_1486 : i32 to index
        %swap3A_1488 = arith.index_cast %add3A_1485 : i32 to index
        %swap3A_1489 = arith.constant 0 : index
        %swap3A_1490 = tpu.vector_load %arg8[%swap3A_1487, %swap3A_1488, %swap3A_1489] {strides = array<i32>} : memref<8x128x64xf32, #tpu.memory_space<vmem>>, vector<16xf32>,
        tpu.vector_store %arg8[%swap3A_1487, %swap3A_1488, %swap3A_1489], %get3A_497 {add = true, strides = array<i32>} : memref<8x128x64xf32, #tpu.memory_space<vmem>>, vector<16xf32>,
        %swap3A_1491 = arith.constant 1 : i32
        %swap3A_1492 = arith.index_cast %swap3A_1491 : i32 to index
        %swap3A_1493 = arith.index_cast %add3A_1485 : i32 to index
        %swap3A_1494 = arith.constant 16 : index
        %swap3A_1495 = tpu.vector_load %arg8[%swap3A_1492, %swap3A_1493, %swap3A_1494] {strides = array<i32>} : memref<8x128x64xf32, #tpu.memory_space<vmem>>, vector<16xf32>,
        tpu.vector_store %arg8[%swap3A_1492, %swap3A_1493, %swap3A_1494], %get3A_500 {add = true, strides = array<i32>} : memref<8x128x64xf32, #tpu.memory_space<vmem>>, vector<16xf32>,
        %swap3A_1496 = arith.constant 1 : i32
        %swap3A_1497 = arith.index_cast %swap3A_1496 : i32 to index
        %swap3A_1498 = arith.index_cast %add3A_1485 : i32 to index
        %swap3A_1499 = arith.constant 32 : index
        %swap3A_1500 = tpu.vector_load %arg8[%swap3A_1497, %swap3A_1498, %swap3A_1499] {strides = array<i32>} : memref<8x128x64xf32, #tpu.memory_space<vmem>>, vector<16xf32>,
        tpu.vector_store %arg8[%swap3A_1497, %swap3A_1498, %swap3A_1499], %get3A_503 {add = true, strides = array<i32>} : memref<8x128x64xf32, #tpu.memory_space<vmem>>, vector<16xf32>,
        %swap3A_1501 = arith.constant 1 : i32
        %swap3A_1502 = arith.index_cast %swap3A_1501 : i32 to index
        %swap3A_1503 = arith.index_cast %add3A_1485 : i32 to index
        %swap3A_1504 = arith.constant 48 : index
        %swap3A_1505 = tpu.vector_load %arg8[%swap3A_1502, %swap3A_1503, %swap3A_1504] {strides = array<i32>} : memref<8x128x64xf32, #tpu.memory_space<vmem>>, vector<16xf32>,
        tpu.vector_store %arg8[%swap3A_1502, %swap3A_1503, %swap3A_1504], %get3A_506 {add = true, strides = array<i32>} : memref<8x128x64xf32, #tpu.memory_space<vmem>>, vector<16xf32>,
        %scan3A_1506 = arith.constant 4 : i32
        %scan3A_1507 = arith.addi %scan3A_1404, %scan3A_1506 : i32
        %mul3A_1508 = arith.constant 1 : i32
        %mul3A_1509 = arith.muli %scan3A_1507, %mul3A_1508 : i32
        %add3A_1510 = arith.constant 0 : i32
        %add3A_1511 = arith.addi %add3A_1510, %mul3A_1509 : i32
        %swap3A_1512 = arith.constant 1 : i32
        %swap3A_1513 = arith.index_cast %swap3A_1512 : i32 to index
        %swap3A_1514 = arith.index_cast %add3A_1511 : i32 to index
        %swap3A_1515 = arith.constant 0 : index
        %swap3A_1516 = tpu.vector_load %arg8[%swap3A_1513, %swap3A_1514, %swap3A_1515] {strides = array<i32>} : memref<8x128x64xf32, #tpu.memory_space<vmem>>, vector<16xf32>,
        tpu.vector_store %arg8[%swap3A_1513, %swap3A_1514, %swap3A_1515], %get3A_497 {add = true, strides = array<i32>} : memref<8x128x64xf32, #tpu.memory_space<vmem>>, vector<16xf32>,
        %swap3A_1517 = arith.constant 1 : i32
        %swap3A_1518 = arith.index_cast %swap3A_1517 : i32 to index
        %swap3A_1519 = arith.index_cast %add3A_1511 : i32 to index
        %swap3A_1520 = arith.constant 16 : index
        %swap3A_1521 = tpu.vector_load %arg8[%swap3A_1518, %swap3A_1519, %swap3A_1520] {strides = array<i32>} : memref<8x128x64xf32, #tpu.memory_space<vmem>>, vector<16xf32>,
        tpu.vector_store %arg8[%swap3A_1518, %swap3A_1519, %swap3A_1520], %get3A_500 {add = true, strides = array<i32>} : memref<8x128x64xf32, #tpu.memory_space<vmem>>, vector<16xf32>,
        %swap3A_1522 = arith.constant 1 : i32
        %swap3A_1523 = arith.index_cast %swap3A_1522 : i32 to index
        %swap3A_1524 = arith.index_cast %add3A_1511 : i32 to index
        %swap3A_1525 = arith.constant 32 : index
        %swap3A_1526 = tpu.vector_load %arg8[%swap3A_1523, %swap3A_1524, %swap3A_1525] {strides = array<i32>} : memref<8x128x64xf32, #tpu.memory_space<vmem>>, vector<16xf32>,
        tpu.vector_store %arg8[%swap3A_1523, %swap3A_1524, %swap3A_1525], %get3A_503 {add = true, strides = array<i32>} : memref<8x128x64xf32, #tpu.memory_space<vmem>>, vector<16xf32>,
        %swap3A_1527 = arith.constant 1 : i32
        %swap3A_1528 = arith.index_cast %swap3A_1527 : i32 to index
        %swap3A_1529 = arith.index_cast %add3A_1511 : i32 to index
        %swap3A_1530 = arith.constant 48 : index
        %swap3A_1531 = tpu.vector_load %arg8[%swap3A_1528, %swap3A_1529, %swap3A_1530] {strides = array<i32>} : memref<8x128x64xf32, #tpu.memory_space<vmem>>, vector<16xf32>,
        tpu.vector_store %arg8[%swap3A_1528, %swap3A_1529, %swap3A_1530], %get3A_506 {add = true, strides = array<i32>} : memref<8x128x64xf32, #tpu.memory_space<vmem>>, vector<16xf32>,
        %scan3A_1532 = arith.constant 5 : i32
        %scan3A_1533 = arith.addi %scan3A_1404, %scan3A_1532 : i32
        %mul3A_1534 = arith.constant 1 : i32
        %mul3A_1535 = arith.muli %scan3A_1533, %mul3A_1534 : i32
        %add3A_1536 = arith.constant 0 : i32
        %add3A_1537 = arith.addi %add3A_1536, %mul3A_1535 : i32
        %swap3A_1538 = arith.constant 1 : i32
        %swap3A_1539 = arith.index_cast %swap3A_1538 : i32 to index
        %swap3A_1540 = arith.index_cast %add3A_1537 : i32 to index
        %swap3A_1541 = arith.constant 0 : index
        %swap3A_1542 = tpu.vector_load %arg8[%swap3A_1539, %swap3A_1540, %swap3A_1541] {strides = array<i32>} : memref<8x128x64xf32, #tpu.memory_space<vmem>>, vector<16xf32>,
        tpu.vector_store %arg8[%swap3A_1539, %swap3A_1540, %swap3A_1541], %get3A_497 {add = true, strides = array<i32>} : memref<8x128x64xf32, #tpu.memory_space<vmem>>, vector<16xf32>,
        %swap3A_1543 = arith.constant 1 : i32
        %swap3A_1544 = arith.index_cast %swap3A_1543 : i32 to index
        %swap3A_1545 = arith.index_cast %add3A_1537 : i32 to index
        %swap3A_1546 = arith.constant 16 : index
        %swap3A_1547 = tpu.vector_load %arg8[%swap3A_1544, %swap3A_1545, %swap3A_1546] {strides = array<i32>} : memref<8x128x64xf32, #tpu.memory_space<vmem>>, vector<16xf32>,
        tpu.vector_store %arg8[%swap3A_1544, %swap3A_1545, %swap3A_1546], %get3A_500 {add = true, strides = array<i32>} : memref<8x128x64xf32, #tpu.memory_space<vmem>>, vector<16xf32>,
        %swap3A_1548 = arith.constant 1 : i32
        %swap3A_1549 = arith.index_cast %swap3A_1548 : i32 to index
        %swap3A_1550 = arith.index_cast %add3A_1537 : i32 to index
        %swap3A_1551 = arith.constant 32 : index
        %swap3A_1552 = tpu.vector_load %arg8[%swap3A_1549, %swap3A_1550, %swap3A_1551] {strides = array<i32>} : memref<8x128x64xf32, #tpu.memory_space<vmem>>, vector<16xf32>,
        tpu.vector_store %arg8[%swap3A_1549, %swap3A_1550, %swap3A_1551], %get3A_503 {add = true, strides = array<i32>} : memref<8x128x64xf32, #tpu.memory_space<vmem>>, vector<16xf32>,
        %swap3A_1553 = arith.constant 1 : i32
        %swap3A_1554 = arith.index_cast %swap3A_1553 : i32 to index
        %swap3A_1555 = arith.index_cast %add3A_1537 : i32 to index
        %swap3A_1556 = arith.constant 48 : index
        %swap3A_1557 = tpu.vector_load %arg8[%swap3A_1554, %swap3A_1555, %swap3A_1556] {strides = array<i32>} : memref<8x128x64xf32, #tpu.memory_space<vmem>>, vector<16xf32>,
        tpu.vector_store %arg8[%swap3A_1554, %swap3A_1555, %swap3A_1556], %get3A_506 {add = true, strides = array<i32>} : memref<8x128x64xf32, #tpu.memory_space<vmem>>, vector<16xf32>,
        %scan3A_1558 = arith.constant 6 : i32
        %scan3A_1559 = arith.addi %scan3A_1404, %scan3A_1558 : i32
        %mul3A_1560 = arith.constant 1 : i32
        %mul3A_1561 = arith.muli %scan3A_1559, %mul3A_1560 : i32
        %add3A_1562 = arith.constant 0 : i32
        %add3A_1563 = arith.addi %add3A_1562, %mul3A_1561 : i32
        %swap3A_1564 = arith.constant 1 : i32
        %swap3A_1565 = arith.index_cast %swap3A_1564 : i32 to index
        %swap3A_1566 = arith.index_cast %add3A_1563 : i32 to index
        %swap3A_1567 = arith.constant 0 : index
        %swap3A_1568 = tpu.vector_load %arg8[%swap3A_1565, %swap3A_1566, %swap3A_1567] {strides = array<i32>} : memref<8x128x64xf32, #tpu.memory_space<vmem>>, vector<16xf32>,
        tpu.vector_store %arg8[%swap3A_1565, %swap3A_1566, %swap3A_1567], %get3A_497 {add = true, strides = array<i32>} : memref<8x128x64xf32, #tpu.memory_space<vmem>>, vector<16xf32>,
        %swap3A_1569 = arith.constant 1 : i32
        %swap3A_1570 = arith.index_cast %swap3A_1569 : i32 to index
        %swap3A_1571 = arith.index_cast %add3A_1563 : i32 to index
        %swap3A_1572 = arith.constant 16 : index
        %swap3A_1573 = tpu.vector_load %arg8[%swap3A_1570, %swap3A_1571, %swap3A_1572] {strides = array<i32>} : memref<8x128x64xf32, #tpu.memory_space<vmem>>, vector<16xf32>,
        tpu.vector_store %arg8[%swap3A_1570, %swap3A_1571, %swap3A_1572], %get3A_500 {add = true, strides = array<i32>} : memref<8x128x64xf32, #tpu.memory_space<vmem>>, vector<16xf32>,
        %swap3A_1574 = arith.constant 1 : i32
        %swap3A_1575 = arith.index_cast %swap3A_1574 : i32 to index
        %swap3A_1576 = arith.index_cast %add3A_1563 : i32 to index
        %swap3A_1577 = arith.constant 32 : index
        %swap3A_1578 = tpu.vector_load %arg8[%swap3A_1575, %swap3A_1576, %swap3A_1577] {strides = array<i32>} : memref<8x128x64xf32, #tpu.memory_space<vmem>>, vector<16xf32>,
        tpu.vector_store %arg8[%swap3A_1575, %swap3A_1576, %swap3A_1577], %get3A_503 {add = true, strides = array<i32>} : memref<8x128x64xf32, #tpu.memory_space<vmem>>, vector<16xf32>,
        %swap3A_1579 = arith.constant 1 : i32
        %swap3A_1580 = arith.index_cast %swap3A_1579 : i32 to index
        %swap3A_1581 = arith.index_cast %add3A_1563 : i32 to index
        %swap3A_1582 = arith.constant 48 : index
        %swap3A_1583 = tpu.vector_load %arg8[%swap3A_1580, %swap3A_1581, %swap3A_1582] {strides = array<i32>} : memref<8x128x64xf32, #tpu.memory_space<vmem>>, vector<16xf32>,
        tpu.vector_store %arg8[%swap3A_1580, %swap3A_1581, %swap3A_1582], %get3A_506 {add = true, strides = array<i32>} : memref<8x128x64xf32, #tpu.memory_space<vmem>>, vector<16xf32>,
        %scan3A_1584 = arith.constant 7 : i32
        %scan3A_1585 = arith.addi %scan3A_1404, %scan3A_1584 : i32
        %mul3A_1586 = arith.constant 1 : i32
        %mul3A_1587 = arith.muli %scan3A_1585, %mul3A_1586 : i32
        %add3A_1588 = arith.constant 0 : i32
        %add3A_1589 = arith.addi %add3A_1588, %mul3A_1587 : i32
        %swap3A_1590 = arith.constant 1 : i32
        %swap3A_1591 = arith.index_cast %swap3A_1590 : i32 to index
        %swap3A_1592 = arith.index_cast %add3A_1589 : i32 to index
        %swap3A_1593 = arith.constant 0 : index
        %swap3A_1594 = tpu.vector_load %arg8[%swap3A_1591, %swap3A_1592, %swap3A_1593] {strides = array<i32>} : memref<8x128x64xf32, #tpu.memory_space<vmem>>, vector<16xf32>,
        tpu.vector_store %arg8[%swap3A_1591, %swap3A_1592, %swap3A_1593], %get3A_497 {add = true, strides = array<i32>} : memref<8x128x64xf32, #tpu.memory_space<vmem>>, vector<16xf32>,
        %swap3A_1595 = arith.constant 1 : i32
        %swap3A_1596 = arith.index_cast %swap3A_1595 : i32 to index
        %swap3A_1597 = arith.index_cast %add3A_1589 : i32 to index
        %swap3A_1598 = arith.constant 16 : index
        %swap3A_1599 = tpu.vector_load %arg8[%swap3A_1596, %swap3A_1597, %swap3A_1598] {strides = array<i32>} : memref<8x128x64xf32, #tpu.memory_space<vmem>>, vector<16xf32>,
        tpu.vector_store %arg8[%swap3A_1596, %swap3A_1597, %swap3A_1598], %get3A_500 {add = true, strides = array<i32>} : memref<8x128x64xf32, #tpu.memory_space<vmem>>, vector<16xf32>,
        %swap3A_1600 = arith.constant 1 : i32
        %swap3A_1601 = arith.index_cast %swap3A_1600 : i32 to index
        %swap3A_1602 = arith.index_cast %add3A_1589 : i32 to index
        %swap3A_1603 = arith.constant 32 : index
        %swap3A_1604 = tpu.vector_load %arg8[%swap3A_1601, %swap3A_1602, %swap3A_1603] {strides = array<i32>} : memref<8x128x64xf32, #tpu.memory_space<vmem>>, vector<16xf32>,
        tpu.vector_store %arg8[%swap3A_1601, %swap3A_1602, %swap3A_1603], %get3A_503 {add = true, strides = array<i32>} : memref<8x128x64xf32, #tpu.memory_space<vmem>>, vector<16xf32>,
        %swap3A_1605 = arith.constant 1 : i32
        %swap3A_1606 = arith.index_cast %swap3A_1605 : i32 to index
        %swap3A_1607 = arith.index_cast %add3A_1589 : i32 to index
        %swap3A_1608 = arith.constant 48 : index
        %swap3A_1609 = tpu.vector_load %arg8[%swap3A_1606, %swap3A_1607, %swap3A_1608] {strides = array<i32>} : memref<8x128x64xf32, #tpu.memory_space<vmem>>, vector<16xf32>,
        tpu.vector_store %arg8[%swap3A_1606, %swap3A_1607, %swap3A_1608], %get3A_506 {add = true, strides = array<i32>} : memref<8x128x64xf32, #tpu.memory_space<vmem>>, vector<16xf32>,
      }
      %scan3A_511 = arith.constant 128 : i32
      %dma_start3A_512 = arith.constant 1 : i32
      %dma_start3A_513 = arith.constant 1 : i32
      %dma_start3A_514 = arith.constant 0 : i32
      %dma_start3A_515 = arith.constant 0 : i32
      %dma_start3A_516 = tpu.memref_slice %arg8[%dma_start3A_512, %dma_start3A_514, %dma_start3A_515] : memref<8x128x64xf32, #tpu.memory_space<vmem>> -> memref<1x128x64xf32, #tpu.memory_space<vmem>>
      %dma_start3A_517 = tpu.memref_squeeze %dma_start3A_516 : memref<1x128x64xf32, #tpu.memory_space<vmem>> -> memref<128x64xf32, #tpu.memory_space<vmem>>
      %dma_start3A_518 = arith.constant 0 : i32
      %dma_start3A_519 = tpu.memref_slice %arg5[%add3A_494, %dma_start3A_518] : memref<819200x64xf32, #tpu.memory_space<hbm>> -> memref<128x64xf32, #tpu.memory_space<hbm>>
      %dma_start3A_520 = tpu.memref_slice %arg10[%dma_start3A_513] : memref<8x!tpu.dma_semaphore, #tpu.memory_space<semaphore_mem>> -> memref<1x!tpu.dma_semaphore, #tpu.memory_space<semaphore_mem>>
      %dma_start3A_521 = tpu.memref_squeeze %dma_start3A_520 : memref<1x!tpu.dma_semaphore, #tpu.memory_space<semaphore_mem>> -> memref<!tpu.dma_semaphore, #tpu.memory_space<semaphore_mem>>
      %dma_start3A_522 = arith.constant 0 : i32
      %dma_start3A_523 = tpu.memref_slice %arg5[%add3A_494, %dma_start3A_522] : memref<819200x64xf32, #tpu.memory_space<hbm>> -> memref<128x64xf32, #tpu.memory_space<hbm>>
      %dma_start3A_524 = arith.constant 0 : i32
      %dma_start3A_525 = arith.constant 0 : i32
      %dma_start3A_526 = tpu.memref_slice %arg8[%dma_start3A_512, %dma_start3A_524, %dma_start3A_525] : memref<8x128x64xf32, #tpu.memory_space<vmem>> -> memref<1x128x64xf32, #tpu.memory_space<vmem>>
      %dma_start3A_527 = tpu.memref_squeeze %dma_start3A_526 : memref<1x128x64xf32, #tpu.memory_space<vmem>> -> memref<128x64xf32, #tpu.memory_space<vmem>>
      tpu.enqueue_dma source(%dma_start3A_527 : memref<128x64xf32, #tpu.memory_space<vmem>>) target(%dma_start3A_523 : memref<128x64xf32, #tpu.memory_space<hbm>>) target_semaphore(%dma_start3A_521 : memref<!tpu.dma_semaphore, #tpu.memory_space<semaphore_mem>>)
      %add3A_528 = arith.constant 2 : i32
      %add3A_529 = arith.addi %mul3A_248, %add3A_528 : i32
      %add3A_530 = arith.constant 8 : i32
      %add3A_531 = arith.addi %add3A_529, %add3A_530 : i32
      %sub3A_532 = arith.constant 1 : i32
      %sub3A_533 = arith.subi %add3A_531, %sub3A_532 : i32
      %lt3A_534 = arith.constant 200 : i32
      %lt3A_535 = arith.cmpi slt, %sub3A_533, %lt3A_534 : i32
      %convert_element_type3A_536 = arith.extui %lt3A_535 : i1 to i32
      %cond3A_537 = arith.constant 0 : i32
      %cond3A_538 = arith.cmpi ne, %convert_element_type3A_536, %cond3A_537 : i32
      scf.if %cond3A_538 {
        %ge3A = arith.constant 1 : i32
        %ge3A_1404 = arith.cmpi sge, %add3A_529, %ge3A : i32
        %convert_element_type3A_1405 = arith.extui %ge3A_1404 : i1 to i32
        %cond3A_1406 = arith.constant 0 : i32
        %cond3A_1407 = arith.cmpi ne, %convert_element_type3A_1405, %cond3A_1406 : i32
        scf.if %cond3A_1407 {
          %dma_wait3A_1426 = arith.constant 1 : i32
          %dma_wait3A_1427 = arith.constant 1 : i32
          %dma_wait3A_1428 = arith.constant 0 : i32
          %dma_wait3A_1429 = arith.constant 0 : i32
          %dma_wait3A_1430 = tpu.memref_slice %arg8[%dma_wait3A_1426, %dma_wait3A_1428, %dma_wait3A_1429] : memref<8x128x64xf32, #tpu.memory_space<vmem>> -> memref<1x128x64xf32, #tpu.memory_space<vmem>>
          %dma_wait3A_1431 = tpu.memref_squeeze %dma_wait3A_1430 : memref<1x128x64xf32, #tpu.memory_space<vmem>> -> memref<128x64xf32, #tpu.memory_space<vmem>>
          %dma_wait3A_1432 = arith.constant 0 : i32
          %dma_wait3A_1433 = arith.constant 0 : i32
          %dma_wait3A_1434 = tpu.memref_slice %arg5[%dma_wait3A_1432, %dma_wait3A_1433] : memref<819200x64xf32, #tpu.memory_space<hbm>> -> memref<128x64xf32, #tpu.memory_space<hbm>>
          %dma_wait3A_1435 = tpu.memref_slice %arg10[%dma_wait3A_1427] : memref<8x!tpu.dma_semaphore, #tpu.memory_space<semaphore_mem>> -> memref<1x!tpu.dma_semaphore, #tpu.memory_space<semaphore_mem>>
          %dma_wait3A_1436 = tpu.memref_squeeze %dma_wait3A_1435 : memref<1x!tpu.dma_semaphore, #tpu.memory_space<semaphore_mem>> -> memref<!tpu.dma_semaphore, #tpu.memory_space<semaphore_mem>>
          %dma_wait3A_1437 = arith.constant 0 : i32
          %dma_wait3A_1438 = arith.constant 0 : i32
          %dma_wait3A_1439 = tpu.memref_slice %arg5[%dma_wait3A_1437, %dma_wait3A_1438] : memref<819200x64xf32, #tpu.memory_space<hbm>> -> memref<128x64xf32, #tpu.memory_space<hbm>>
          %dma_wait3A_1440 = arith.constant 0 : i32
          %dma_wait3A_1441 = arith.constant 0 : i32
          %dma_wait3A_1442 = tpu.memref_slice %arg8[%dma_wait3A_1426, %dma_wait3A_1440, %dma_wait3A_1441] : memref<8x128x64xf32, #tpu.memory_space<vmem>> -> memref<1x128x64xf32, #tpu.memory_space<vmem>>
          %dma_wait3A_1443 = tpu.memref_squeeze %dma_wait3A_1442 : memref<1x128x64xf32, #tpu.memory_space<vmem>> -> memref<128x64xf32, #tpu.memory_space<vmem>>
          tpu.wait_dma2 semaphore(%dma_wait3A_1436 : memref<!tpu.dma_semaphore, #tpu.memory_space<semaphore_mem>>) src(%dma_wait3A_1443 : memref<128x64xf32, #tpu.memory_space<vmem>>) dst(%dma_wait3A_1439 : memref<128x64xf32, #tpu.memory_space<hbm>>)
        } else {
        }
        %add3A_1408 = arith.constant 8 : i32
        %add3A_1409 = arith.addi %add3A_529, %add3A_1408 : i32
        %sub3A_1410 = arith.constant 1 : i32
        %sub3A_1411 = arith.subi %add3A_1409, %sub3A_1410 : i32
        %mul3A_1412 = arith.constant 128 : i32
        %mul3A_1413 = arith.muli %sub3A_1411, %mul3A_1412 : i32
        %dma_start3A_1414 = arith.constant 1 : i32
        %dma_start3A_1415 = arith.constant 1 : i32
        %dma_start3A_1416 = arith.constant 0 : i32
        %dma_start3A_1417 = arith.constant 0 : i32
        %dma_start3A_1418 = tpu.memref_slice %arg8[%dma_start3A_1414, %dma_start3A_1416, %dma_start3A_1417] : memref<8x128x64xf32, #tpu.memory_space<vmem>> -> memref<1x128x64xf32, #tpu.memory_space<vmem>>
        %dma_start3A_1419 = tpu.memref_squeeze %dma_start3A_1418 : memref<1x128x64xf32, #tpu.memory_space<vmem>> -> memref<128x64xf32, #tpu.memory_space<vmem>>
        %dma_start3A_1420 = tpu.memref_slice %arg6[%mul3A_1413] : memref<25600xi32, #tpu.memory_space<vmem>> -> memref<128xi32, #tpu.memory_space<vmem>>
        %dma_start3A_1421 = arith.constant 0 : i32
        %dma_start3A_1422 = arith.constant 0 : i32
        %dma_start3A_1423 = tpu.memref_slice %arg2[%dma_start3A_1421, %dma_start3A_1422] : memref<1000000x64xf32, #tpu.memory_space<hbm>> -> memref<1000000x64xf32, #tpu.memory_space<hbm>>
        %dma_start3A_1424 = tpu.memref_slice %arg9[%dma_start3A_1415] : memref<8x!tpu.dma_semaphore, #tpu.memory_space<semaphore_mem>> -> memref<1x!tpu.dma_semaphore, #tpu.memory_space<semaphore_mem>>
        %dma_start3A_1425 = tpu.memref_squeeze %dma_start3A_1424 : memref<1x!tpu.dma_semaphore, #tpu.memory_space<semaphore_mem>> -> memref<!tpu.dma_semaphore, #tpu.memory_space<semaphore_mem>>
        tpu.enqueue_indirect_dma source(%dma_start3A_1423 : memref<1000000x64xf32, #tpu.memory_space<hbm>>) target(%dma_start3A_1419 : memref<128x64xf32, #tpu.memory_space<vmem>>) offsets(%dma_start3A_1420 : memref<128xi32, #tpu.memory_space<vmem>>) semaphore(%dma_start3A_1425 : memref<!tpu.dma_semaphore, #tpu.memory_space<semaphore_mem>>)
      } else {
      }
      %dma_wait3A_539 = arith.constant 2 : i32
      %dma_wait3A_540 = arith.constant 2 : i32
      %dma_wait3A_541 = arith.constant 0 : i32
      %dma_wait3A_542 = arith.constant 0 : i32
      %dma_wait3A_543 = tpu.memref_slice %arg8[%dma_wait3A_539, %dma_wait3A_541, %dma_wait3A_542] : memref<8x128x64xf32, #tpu.memory_space<vmem>> -> memref<1x128x64xf32, #tpu.memory_space<vmem>>
      %dma_wait3A_544 = tpu.memref_squeeze %dma_wait3A_543 : memref<1x128x64xf32, #tpu.memory_space<vmem>> -> memref<128x64xf32, #tpu.memory_space<vmem>>
      %dma_wait3A_545 = arith.constant 0 : i32
      %dma_wait3A_546 = tpu.memref_slice %arg6[%dma_wait3A_545] : memref<25600xi32, #tpu.memory_space<vmem>> -> memref<128xi32, #tpu.memory_space<vmem>>
      %dma_wait3A_547 = arith.constant 0 : i32
      %dma_wait3A_548 = arith.constant 0 : i32
      %dma_wait3A_549 = tpu.memref_slice %arg2[%dma_wait3A_547, %dma_wait3A_548] : memref<1000000x64xf32, #tpu.memory_space<hbm>> -> memref<1000000x64xf32, #tpu.memory_space<hbm>>
      %dma_wait3A_550 = tpu.memref_slice %arg9[%dma_wait3A_540] : memref<8x!tpu.dma_semaphore, #tpu.memory_space<semaphore_mem>> -> memref<1x!tpu.dma_semaphore, #tpu.memory_space<semaphore_mem>>
      %dma_wait3A_551 = tpu.memref_squeeze %dma_wait3A_550 : memref<1x!tpu.dma_semaphore, #tpu.memory_space<semaphore_mem>> -> memref<!tpu.dma_semaphore, #tpu.memory_space<semaphore_mem>>
      tpu.wait_indirect_dma semaphore(%dma_wait3A_551 : memref<!tpu.dma_semaphore, #tpu.memory_space<semaphore_mem>>) src(%dma_wait3A_549 : memref<1000000x64xf32, #tpu.memory_space<hbm>>) dst(%dma_wait3A_544 : memref<128x64xf32, #tpu.memory_space<vmem>>)
      %add3A_552 = arith.addi %mul3A_4, %add3A_529 : i32
      %jit3A_553 = arith.constant 8 : i32
      %div3A_554 = arith.divsi %add3A_552, %jit3A_553 : i32
      %sign3A_555 = arith.constant 0 : i32
      %sign3A_556 = arith.cmpi sgt, %add3A_552, %sign3A_555 : i32
      %sign3A_557 = arith.extui %sign3A_556 : i1 to i32
      %sign3A_558 = arith.constant 0 : i32
      %sign3A_559 = arith.cmpi slt, %add3A_552, %sign3A_558 : i32
      %sign3A_560 = arith.extui %sign3A_559 : i1 to i32
      %sign3A_561 = arith.subi %sign3A_557, %sign3A_560 : i32
      %sign3A_562 = arith.constant 0 : i32
      %sign3A_563 = arith.cmpi sgt, %jit3A_553, %sign3A_562 : i32
      %sign3A_564 = arith.extui %sign3A_563 : i1 to i32
      %sign3A_565 = arith.constant 0 : i32
      %sign3A_566 = arith.cmpi slt, %jit3A_553, %sign3A_565 : i32
      %sign3A_567 = arith.extui %sign3A_566 : i1 to i32
      %sign3A_568 = arith.subi %sign3A_564, %sign3A_567 : i32
      %ne3A_569 = arith.cmpi ne, %sign3A_561, %sign3A_568 : i32
      %rem3A_570 = arith.remsi %add3A_552, %jit3A_553 : i32
      %ne3A_571 = arith.constant 0 : i32
      %ne3A_572 = arith.cmpi ne, %rem3A_570, %ne3A_571 : i32
      %and3A_573 = arith.andi %ne3A_569, %ne3A_572 : i1
      %sub3A_574 = arith.constant 1 : i32
      %sub3A_575 = arith.subi %div3A_554, %sub3A_574 : i32
      %select_n3A_576 = arith.select %and3A_573, %sub3A_575, %div3A_554 : i32
      %jit3A_577 = arith.constant 32 : i32
      %div3A_578 = arith.divsi %select_n3A_576, %jit3A_577 : i32
      %sign3A_579 = arith.constant 0 : i32
      %sign3A_580 = arith.cmpi sgt, %select_n3A_576, %sign3A_579 : i32
      %sign3A_581 = arith.extui %sign3A_580 : i1 to i32
      %sign3A_582 = arith.constant 0 : i32
      %sign3A_583 = arith.cmpi slt, %select_n3A_576, %sign3A_582 : i32
      %sign3A_584 = arith.extui %sign3A_583 : i1 to i32
      %sign3A_585 = arith.subi %sign3A_581, %sign3A_584 : i32
      %sign3A_586 = arith.constant 0 : i32
      %sign3A_587 = arith.cmpi sgt, %jit3A_577, %sign3A_586 : i32
      %sign3A_588 = arith.extui %sign3A_587 : i1 to i32
      %sign3A_589 = arith.constant 0 : i32
      %sign3A_590 = arith.cmpi slt, %jit3A_577, %sign3A_589 : i32
      %sign3A_591 = arith.extui %sign3A_590 : i1 to i32
      %sign3A_592 = arith.subi %sign3A_588, %sign3A_591 : i32
      %ne3A_593 = arith.cmpi ne, %sign3A_585, %sign3A_592 : i32
      %rem3A_594 = arith.remsi %select_n3A_576, %jit3A_577 : i32
      %ne3A_595 = arith.constant 0 : i32
      %ne3A_596 = arith.cmpi ne, %rem3A_594, %ne3A_595 : i32
      %and3A_597 = arith.andi %ne3A_593, %ne3A_596 : i1
      %sub3A_598 = arith.constant 1 : i32
      %sub3A_599 = arith.subi %div3A_578, %sub3A_598 : i32
      %select_n3A_600 = arith.select %and3A_597, %sub3A_599, %div3A_578 : i32
      %mul3A_601 = arith.constant 8 : i32
      %mul3A_602 = arith.muli %mul3A_601, %select_n3A_600 : i32
      %jit3A_603 = arith.constant 8 : i32
      %eq3A_604 = arith.constant 0 : i32
      %eq3A_605 = arith.cmpi eq, %jit3A_603, %eq3A_604 : i32
      %jit3A_606 = arith.constant 1 : i32
      %select_n3A_607 = arith.select %eq3A_605, %jit3A_606, %jit3A_603 : i32
      %rem3A_608 = arith.remsi %add3A_552, %select_n3A_607 : i32
      %ne3A_609 = arith.constant 0 : i32
      %ne3A_610 = arith.cmpi ne, %rem3A_608, %ne3A_609 : i32
      %lt3A_611 = arith.constant 0 : i32
      %lt3A_612 = arith.cmpi slt, %rem3A_608, %lt3A_611 : i32
      %lt3A_613 = arith.constant 0 : i32
      %lt3A_614 = arith.cmpi slt, %select_n3A_607, %lt3A_613 : i32
      %ne3A_615 = arith.xori %lt3A_612, %lt3A_614 : i1
      %and3A_616 = arith.andi %ne3A_615, %ne3A_610 : i1
      %add3A_617 = arith.addi %rem3A_608, %select_n3A_607 : i32
      %select_n3A_618 = arith.select %and3A_616, %add3A_617, %rem3A_608 : i32
      %add3A_619 = arith.addi %mul3A_602, %select_n3A_618 : i32
      %mul3A_620 = arith.constant 4096 : i32
      %mul3A_621 = arith.muli %add3A_619, %mul3A_620 : i32
      %jit3A_622 = arith.constant 32 : i32
      %eq3A_623 = arith.constant 0 : i32
      %eq3A_624 = arith.cmpi eq, %jit3A_622, %eq3A_623 : i32
      %jit3A_625 = arith.constant 1 : i32
      %select_n3A_626 = arith.select %eq3A_624, %jit3A_625, %jit3A_622 : i32
      %rem3A_627 = arith.remsi %select_n3A_576, %select_n3A_626 : i32
      %ne3A_628 = arith.constant 0 : i32
      %ne3A_629 = arith.cmpi ne, %rem3A_627, %ne3A_628 : i32
      %lt3A_630 = arith.constant 0 : i32
      %lt3A_631 = arith.cmpi slt, %rem3A_627, %lt3A_630 : i32
      %lt3A_632 = arith.constant 0 : i32
      %lt3A_633 = arith.cmpi slt, %select_n3A_626, %lt3A_632 : i32
      %ne3A_634 = arith.xori %lt3A_631, %lt3A_633 : i1
      %and3A_635 = arith.andi %ne3A_634, %ne3A_629 : i1
      %add3A_636 = arith.addi %rem3A_627, %select_n3A_626 : i32
      %select_n3A_637 = arith.select %and3A_635, %add3A_636, %rem3A_627 : i32
      %mul3A_638 = arith.constant 128 : i32
      %mul3A_639 = arith.muli %select_n3A_637, %mul3A_638 : i32
      %add3A_640 = arith.addi %mul3A_621, %mul3A_639 : i32
      %get3A_641 = arith.index_cast %add3A_619 : i32 to index
      %get3A_642 = arith.constant 0 : index
      %get3A_643 = tpu.vector_load %arg7[%get3A_641, %get3A_642] {strides = array<i32>} : memref<200x64xf32, #tpu.memory_space<vmem>>, vector<16xf32>,
      %get3A_644 = arith.index_cast %add3A_619 : i32 to index
      %get3A_645 = arith.constant 16 : index
      %get3A_646 = tpu.vector_load %arg7[%get3A_644, %get3A_645] {strides = array<i32>} : memref<200x64xf32, #tpu.memory_space<vmem>>, vector<16xf32>,
      %get3A_647 = arith.index_cast %add3A_619 : i32 to index
      %get3A_648 = arith.constant 32 : index
      %get3A_649 = tpu.vector_load %arg7[%get3A_647, %get3A_648] {strides = array<i32>} : memref<200x64xf32, #tpu.memory_space<vmem>>, vector<16xf32>,
      %get3A_650 = arith.index_cast %add3A_619 : i32 to index
      %get3A_651 = arith.constant 48 : index
      %get3A_652 = tpu.vector_load %arg7[%get3A_650, %get3A_651] {strides = array<i32>} : memref<200x64xf32, #tpu.memory_space<vmem>>, vector<16xf32>,
      %scan3A_653 = arith.constant 0 : i32
      %scan3A_654 = arith.constant 128 : i32
      %scan3A_655 = arith.addi %scan3A_653, %scan3A_654 : i32
      %scan3A_656 = arith.constant 8 : i32
      scf.for %scan3A_1404 = %scan3A_653 to %scan3A_655 step %scan3A_656  : i32 {
        %mul3A_1405 = arith.constant 1 : i32
        %mul3A_1406 = arith.muli %scan3A_1404, %mul3A_1405 : i32
        %add3A_1407 = arith.constant 0 : i32
        %add3A_1408 = arith.addi %add3A_1407, %mul3A_1406 : i32
        %swap3A = arith.constant 2 : i32
        %swap3A_1409 = arith.index_cast %swap3A : i32 to index
        %swap3A_1410 = arith.index_cast %add3A_1408 : i32 to index
        %swap3A_1411 = arith.constant 0 : index
        %swap3A_1412 = tpu.vector_load %arg8[%swap3A_1409, %swap3A_1410, %swap3A_1411] {strides = array<i32>} : memref<8x128x64xf32, #tpu.memory_space<vmem>>, vector<16xf32>,
        tpu.vector_store %arg8[%swap3A_1409, %swap3A_1410, %swap3A_1411], %get3A_643 {add = true, strides = array<i32>} : memref<8x128x64xf32, #tpu.memory_space<vmem>>, vector<16xf32>,
        %swap3A_1413 = arith.constant 2 : i32
        %swap3A_1414 = arith.index_cast %swap3A_1413 : i32 to index
        %swap3A_1415 = arith.index_cast %add3A_1408 : i32 to index
        %swap3A_1416 = arith.constant 16 : index
        %swap3A_1417 = tpu.vector_load %arg8[%swap3A_1414, %swap3A_1415, %swap3A_1416] {strides = array<i32>} : memref<8x128x64xf32, #tpu.memory_space<vmem>>, vector<16xf32>,
        tpu.vector_store %arg8[%swap3A_1414, %swap3A_1415, %swap3A_1416], %get3A_646 {add = true, strides = array<i32>} : memref<8x128x64xf32, #tpu.memory_space<vmem>>, vector<16xf32>,
        %swap3A_1418 = arith.constant 2 : i32
        %swap3A_1419 = arith.index_cast %swap3A_1418 : i32 to index
        %swap3A_1420 = arith.index_cast %add3A_1408 : i32 to index
        %swap3A_1421 = arith.constant 32 : index
        %swap3A_1422 = tpu.vector_load %arg8[%swap3A_1419, %swap3A_1420, %swap3A_1421] {strides = array<i32>} : memref<8x128x64xf32, #tpu.memory_space<vmem>>, vector<16xf32>,
        tpu.vector_store %arg8[%swap3A_1419, %swap3A_1420, %swap3A_1421], %get3A_649 {add = true, strides = array<i32>} : memref<8x128x64xf32, #tpu.memory_space<vmem>>, vector<16xf32>,
        %swap3A_1423 = arith.constant 2 : i32
        %swap3A_1424 = arith.index_cast %swap3A_1423 : i32 to index
        %swap3A_1425 = arith.index_cast %add3A_1408 : i32 to index
        %swap3A_1426 = arith.constant 48 : index
        %swap3A_1427 = tpu.vector_load %arg8[%swap3A_1424, %swap3A_1425, %swap3A_1426] {strides = array<i32>} : memref<8x128x64xf32, #tpu.memory_space<vmem>>, vector<16xf32>,
        tpu.vector_store %arg8[%swap3A_1424, %swap3A_1425, %swap3A_1426], %get3A_652 {add = true, strides = array<i32>} : memref<8x128x64xf32, #tpu.memory_space<vmem>>, vector<16xf32>,
        %scan3A_1428 = arith.constant 1 : i32
        %scan3A_1429 = arith.addi %scan3A_1404, %scan3A_1428 : i32
        %mul3A_1430 = arith.constant 1 : i32
        %mul3A_1431 = arith.muli %scan3A_1429, %mul3A_1430 : i32
        %add3A_1432 = arith.constant 0 : i32
        %add3A_1433 = arith.addi %add3A_1432, %mul3A_1431 : i32
        %swap3A_1434 = arith.constant 2 : i32
        %swap3A_1435 = arith.index_cast %swap3A_1434 : i32 to index
        %swap3A_1436 = arith.index_cast %add3A_1433 : i32 to index
        %swap3A_1437 = arith.constant 0 : index
        %swap3A_1438 = tpu.vector_load %arg8[%swap3A_1435, %swap3A_1436, %swap3A_1437] {strides = array<i32>} : memref<8x128x64xf32, #tpu.memory_space<vmem>>, vector<16xf32>,
        tpu.vector_store %arg8[%swap3A_1435, %swap3A_1436, %swap3A_1437], %get3A_643 {add = true, strides = array<i32>} : memref<8x128x64xf32, #tpu.memory_space<vmem>>, vector<16xf32>,
        %swap3A_1439 = arith.constant 2 : i32
        %swap3A_1440 = arith.index_cast %swap3A_1439 : i32 to index
        %swap3A_1441 = arith.index_cast %add3A_1433 : i32 to index
        %swap3A_1442 = arith.constant 16 : index
        %swap3A_1443 = tpu.vector_load %arg8[%swap3A_1440, %swap3A_1441, %swap3A_1442] {strides = array<i32>} : memref<8x128x64xf32, #tpu.memory_space<vmem>>, vector<16xf32>,
        tpu.vector_store %arg8[%swap3A_1440, %swap3A_1441, %swap3A_1442], %get3A_646 {add = true, strides = array<i32>} : memref<8x128x64xf32, #tpu.memory_space<vmem>>, vector<16xf32>,
        %swap3A_1444 = arith.constant 2 : i32
        %swap3A_1445 = arith.index_cast %swap3A_1444 : i32 to index
        %swap3A_1446 = arith.index_cast %add3A_1433 : i32 to index
        %swap3A_1447 = arith.constant 32 : index
        %swap3A_1448 = tpu.vector_load %arg8[%swap3A_1445, %swap3A_1446, %swap3A_1447] {strides = array<i32>} : memref<8x128x64xf32, #tpu.memory_space<vmem>>, vector<16xf32>,
        tpu.vector_store %arg8[%swap3A_1445, %swap3A_1446, %swap3A_1447], %get3A_649 {add = true, strides = array<i32>} : memref<8x128x64xf32, #tpu.memory_space<vmem>>, vector<16xf32>,
        %swap3A_1449 = arith.constant 2 : i32
        %swap3A_1450 = arith.index_cast %swap3A_1449 : i32 to index
        %swap3A_1451 = arith.index_cast %add3A_1433 : i32 to index
        %swap3A_1452 = arith.constant 48 : index
        %swap3A_1453 = tpu.vector_load %arg8[%swap3A_1450, %swap3A_1451, %swap3A_1452] {strides = array<i32>} : memref<8x128x64xf32, #tpu.memory_space<vmem>>, vector<16xf32>,
        tpu.vector_store %arg8[%swap3A_1450, %swap3A_1451, %swap3A_1452], %get3A_652 {add = true, strides = array<i32>} : memref<8x128x64xf32, #tpu.memory_space<vmem>>, vector<16xf32>,
        %scan3A_1454 = arith.constant 2 : i32
        %scan3A_1455 = arith.addi %scan3A_1404, %scan3A_1454 : i32
        %mul3A_1456 = arith.constant 1 : i32
        %mul3A_1457 = arith.muli %scan3A_1455, %mul3A_1456 : i32
        %add3A_1458 = arith.constant 0 : i32
        %add3A_1459 = arith.addi %add3A_1458, %mul3A_1457 : i32
        %swap3A_1460 = arith.constant 2 : i32
        %swap3A_1461 = arith.index_cast %swap3A_1460 : i32 to index
        %swap3A_1462 = arith.index_cast %add3A_1459 : i32 to index
        %swap3A_1463 = arith.constant 0 : index
        %swap3A_1464 = tpu.vector_load %arg8[%swap3A_1461, %swap3A_1462, %swap3A_1463] {strides = array<i32>} : memref<8x128x64xf32, #tpu.memory_space<vmem>>, vector<16xf32>,
        tpu.vector_store %arg8[%swap3A_1461, %swap3A_1462, %swap3A_1463], %get3A_643 {add = true, strides = array<i32>} : memref<8x128x64xf32, #tpu.memory_space<vmem>>, vector<16xf32>,
        %swap3A_1465 = arith.constant 2 : i32
        %swap3A_1466 = arith.index_cast %swap3A_1465 : i32 to index
        %swap3A_1467 = arith.index_cast %add3A_1459 : i32 to index
        %swap3A_1468 = arith.constant 16 : index
        %swap3A_1469 = tpu.vector_load %arg8[%swap3A_1466, %swap3A_1467, %swap3A_1468] {strides = array<i32>} : memref<8x128x64xf32, #tpu.memory_space<vmem>>, vector<16xf32>,
        tpu.vector_store %arg8[%swap3A_1466, %swap3A_1467, %swap3A_1468], %get3A_646 {add = true, strides = array<i32>} : memref<8x128x64xf32, #tpu.memory_space<vmem>>, vector<16xf32>,
        %swap3A_1470 = arith.constant 2 : i32
        %swap3A_1471 = arith.index_cast %swap3A_1470 : i32 to index
        %swap3A_1472 = arith.index_cast %add3A_1459 : i32 to index
        %swap3A_1473 = arith.constant 32 : index
        %swap3A_1474 = tpu.vector_load %arg8[%swap3A_1471, %swap3A_1472, %swap3A_1473] {strides = array<i32>} : memref<8x128x64xf32, #tpu.memory_space<vmem>>, vector<16xf32>,
        tpu.vector_store %arg8[%swap3A_1471, %swap3A_1472, %swap3A_1473], %get3A_649 {add = true, strides = array<i32>} : memref<8x128x64xf32, #tpu.memory_space<vmem>>, vector<16xf32>,
        %swap3A_1475 = arith.constant 2 : i32
        %swap3A_1476 = arith.index_cast %swap3A_1475 : i32 to index
        %swap3A_1477 = arith.index_cast %add3A_1459 : i32 to index
        %swap3A_1478 = arith.constant 48 : index
        %swap3A_1479 = tpu.vector_load %arg8[%swap3A_1476, %swap3A_1477, %swap3A_1478] {strides = array<i32>} : memref<8x128x64xf32, #tpu.memory_space<vmem>>, vector<16xf32>,
        tpu.vector_store %arg8[%swap3A_1476, %swap3A_1477, %swap3A_1478], %get3A_652 {add = true, strides = array<i32>} : memref<8x128x64xf32, #tpu.memory_space<vmem>>, vector<16xf32>,
        %scan3A_1480 = arith.constant 3 : i32
        %scan3A_1481 = arith.addi %scan3A_1404, %scan3A_1480 : i32
        %mul3A_1482 = arith.constant 1 : i32
        %mul3A_1483 = arith.muli %scan3A_1481, %mul3A_1482 : i32
        %add3A_1484 = arith.constant 0 : i32
        %add3A_1485 = arith.addi %add3A_1484, %mul3A_1483 : i32
        %swap3A_1486 = arith.constant 2 : i32
        %swap3A_1487 = arith.index_cast %swap3A_1486 : i32 to index
        %swap3A_1488 = arith.index_cast %add3A_1485 : i32 to index
        %swap3A_1489 = arith.constant 0 : index
        %swap3A_1490 = tpu.vector_load %arg8[%swap3A_1487, %swap3A_1488, %swap3A_1489] {strides = array<i32>} : memref<8x128x64xf32, #tpu.memory_space<vmem>>, vector<16xf32>,
        tpu.vector_store %arg8[%swap3A_1487, %swap3A_1488, %swap3A_1489], %get3A_643 {add = true, strides = array<i32>} : memref<8x128x64xf32, #tpu.memory_space<vmem>>, vector<16xf32>,
        %swap3A_1491 = arith.constant 2 : i32
        %swap3A_1492 = arith.index_cast %swap3A_1491 : i32 to index
        %swap3A_1493 = arith.index_cast %add3A_1485 : i32 to index
        %swap3A_1494 = arith.constant 16 : index
        %swap3A_1495 = tpu.vector_load %arg8[%swap3A_1492, %swap3A_1493, %swap3A_1494] {strides = array<i32>} : memref<8x128x64xf32, #tpu.memory_space<vmem>>, vector<16xf32>,
        tpu.vector_store %arg8[%swap3A_1492, %swap3A_1493, %swap3A_1494], %get3A_646 {add = true, strides = array<i32>} : memref<8x128x64xf32, #tpu.memory_space<vmem>>, vector<16xf32>,
        %swap3A_1496 = arith.constant 2 : i32
        %swap3A_1497 = arith.index_cast %swap3A_1496 : i32 to index
        %swap3A_1498 = arith.index_cast %add3A_1485 : i32 to index
        %swap3A_1499 = arith.constant 32 : index
        %swap3A_1500 = tpu.vector_load %arg8[%swap3A_1497, %swap3A_1498, %swap3A_1499] {strides = array<i32>} : memref<8x128x64xf32, #tpu.memory_space<vmem>>, vector<16xf32>,
        tpu.vector_store %arg8[%swap3A_1497, %swap3A_1498, %swap3A_1499], %get3A_649 {add = true, strides = array<i32>} : memref<8x128x64xf32, #tpu.memory_space<vmem>>, vector<16xf32>,
        %swap3A_1501 = arith.constant 2 : i32
        %swap3A_1502 = arith.index_cast %swap3A_1501 : i32 to index
        %swap3A_1503 = arith.index_cast %add3A_1485 : i32 to index
        %swap3A_1504 = arith.constant 48 : index
        %swap3A_1505 = tpu.vector_load %arg8[%swap3A_1502, %swap3A_1503, %swap3A_1504] {strides = array<i32>} : memref<8x128x64xf32, #tpu.memory_space<vmem>>, vector<16xf32>,
        tpu.vector_store %arg8[%swap3A_1502, %swap3A_1503, %swap3A_1504], %get3A_652 {add = true, strides = array<i32>} : memref<8x128x64xf32, #tpu.memory_space<vmem>>, vector<16xf32>,
        %scan3A_1506 = arith.constant 4 : i32
        %scan3A_1507 = arith.addi %scan3A_1404, %scan3A_1506 : i32
        %mul3A_1508 = arith.constant 1 : i32
        %mul3A_1509 = arith.muli %scan3A_1507, %mul3A_1508 : i32
        %add3A_1510 = arith.constant 0 : i32
        %add3A_1511 = arith.addi %add3A_1510, %mul3A_1509 : i32
        %swap3A_1512 = arith.constant 2 : i32
        %swap3A_1513 = arith.index_cast %swap3A_1512 : i32 to index
        %swap3A_1514 = arith.index_cast %add3A_1511 : i32 to index
        %swap3A_1515 = arith.constant 0 : index
        %swap3A_1516 = tpu.vector_load %arg8[%swap3A_1513, %swap3A_1514, %swap3A_1515] {strides = array<i32>} : memref<8x128x64xf32, #tpu.memory_space<vmem>>, vector<16xf32>,
        tpu.vector_store %arg8[%swap3A_1513, %swap3A_1514, %swap3A_1515], %get3A_643 {add = true, strides = array<i32>} : memref<8x128x64xf32, #tpu.memory_space<vmem>>, vector<16xf32>,
        %swap3A_1517 = arith.constant 2 : i32
        %swap3A_1518 = arith.index_cast %swap3A_1517 : i32 to index
        %swap3A_1519 = arith.index_cast %add3A_1511 : i32 to index
        %swap3A_1520 = arith.constant 16 : index
        %swap3A_1521 = tpu.vector_load %arg8[%swap3A_1518, %swap3A_1519, %swap3A_1520] {strides = array<i32>} : memref<8x128x64xf32, #tpu.memory_space<vmem>>, vector<16xf32>,
        tpu.vector_store %arg8[%swap3A_1518, %swap3A_1519, %swap3A_1520], %get3A_646 {add = true, strides = array<i32>} : memref<8x128x64xf32, #tpu.memory_space<vmem>>, vector<16xf32>,
        %swap3A_1522 = arith.constant 2 : i32
        %swap3A_1523 = arith.index_cast %swap3A_1522 : i32 to index
        %swap3A_1524 = arith.index_cast %add3A_1511 : i32 to index
        %swap3A_1525 = arith.constant 32 : index
        %swap3A_1526 = tpu.vector_load %arg8[%swap3A_1523, %swap3A_1524, %swap3A_1525] {strides = array<i32>} : memref<8x128x64xf32, #tpu.memory_space<vmem>>, vector<16xf32>,
        tpu.vector_store %arg8[%swap3A_1523, %swap3A_1524, %swap3A_1525], %get3A_649 {add = true, strides = array<i32>} : memref<8x128x64xf32, #tpu.memory_space<vmem>>, vector<16xf32>,
        %swap3A_1527 = arith.constant 2 : i32
        %swap3A_1528 = arith.index_cast %swap3A_1527 : i32 to index
        %swap3A_1529 = arith.index_cast %add3A_1511 : i32 to index
        %swap3A_1530 = arith.constant 48 : index
        %swap3A_1531 = tpu.vector_load %arg8[%swap3A_1528, %swap3A_1529, %swap3A_1530] {strides = array<i32>} : memref<8x128x64xf32, #tpu.memory_space<vmem>>, vector<16xf32>,
        tpu.vector_store %arg8[%swap3A_1528, %swap3A_1529, %swap3A_1530], %get3A_652 {add = true, strides = array<i32>} : memref<8x128x64xf32, #tpu.memory_space<vmem>>, vector<16xf32>,
        %scan3A_1532 = arith.constant 5 : i32
        %scan3A_1533 = arith.addi %scan3A_1404, %scan3A_1532 : i32
        %mul3A_1534 = arith.constant 1 : i32
        %mul3A_1535 = arith.muli %scan3A_1533, %mul3A_1534 : i32
        %add3A_1536 = arith.constant 0 : i32
        %add3A_1537 = arith.addi %add3A_1536, %mul3A_1535 : i32
        %swap3A_1538 = arith.constant 2 : i32
        %swap3A_1539 = arith.index_cast %swap3A_1538 : i32 to index
        %swap3A_1540 = arith.index_cast %add3A_1537 : i32 to index
        %swap3A_1541 = arith.constant 0 : index
        %swap3A_1542 = tpu.vector_load %arg8[%swap3A_1539, %swap3A_1540, %swap3A_1541] {strides = array<i32>} : memref<8x128x64xf32, #tpu.memory_space<vmem>>, vector<16xf32>,
        tpu.vector_store %arg8[%swap3A_1539, %swap3A_1540, %swap3A_1541], %get3A_643 {add = true, strides = array<i32>} : memref<8x128x64xf32, #tpu.memory_space<vmem>>, vector<16xf32>,
        %swap3A_1543 = arith.constant 2 : i32
        %swap3A_1544 = arith.index_cast %swap3A_1543 : i32 to index
        %swap3A_1545 = arith.index_cast %add3A_1537 : i32 to index
        %swap3A_1546 = arith.constant 16 : index
        %swap3A_1547 = tpu.vector_load %arg8[%swap3A_1544, %swap3A_1545, %swap3A_1546] {strides = array<i32>} : memref<8x128x64xf32, #tpu.memory_space<vmem>>, vector<16xf32>,
        tpu.vector_store %arg8[%swap3A_1544, %swap3A_1545, %swap3A_1546], %get3A_646 {add = true, strides = array<i32>} : memref<8x128x64xf32, #tpu.memory_space<vmem>>, vector<16xf32>,
        %swap3A_1548 = arith.constant 2 : i32
        %swap3A_1549 = arith.index_cast %swap3A_1548 : i32 to index
        %swap3A_1550 = arith.index_cast %add3A_1537 : i32 to index
        %swap3A_1551 = arith.constant 32 : index
        %swap3A_1552 = tpu.vector_load %arg8[%swap3A_1549, %swap3A_1550, %swap3A_1551] {strides = array<i32>} : memref<8x128x64xf32, #tpu.memory_space<vmem>>, vector<16xf32>,
        tpu.vector_store %arg8[%swap3A_1549, %swap3A_1550, %swap3A_1551], %get3A_649 {add = true, strides = array<i32>} : memref<8x128x64xf32, #tpu.memory_space<vmem>>, vector<16xf32>,
        %swap3A_1553 = arith.constant 2 : i32
        %swap3A_1554 = arith.index_cast %swap3A_1553 : i32 to index
        %swap3A_1555 = arith.index_cast %add3A_1537 : i32 to index
        %swap3A_1556 = arith.constant 48 : index
        %swap3A_1557 = tpu.vector_load %arg8[%swap3A_1554, %swap3A_1555, %swap3A_1556] {strides = array<i32>} : memref<8x128x64xf32, #tpu.memory_space<vmem>>, vector<16xf32>,
        tpu.vector_store %arg8[%swap3A_1554, %swap3A_1555, %swap3A_1556], %get3A_652 {add = true, strides = array<i32>} : memref<8x128x64xf32, #tpu.memory_space<vmem>>, vector<16xf32>,
        %scan3A_1558 = arith.constant 6 : i32
        %scan3A_1559 = arith.addi %scan3A_1404, %scan3A_1558 : i32
        %mul3A_1560 = arith.constant 1 : i32
        %mul3A_1561 = arith.muli %scan3A_1559, %mul3A_1560 : i32
        %add3A_1562 = arith.constant 0 : i32
        %add3A_1563 = arith.addi %add3A_1562, %mul3A_1561 : i32
        %swap3A_1564 = arith.constant 2 : i32
        %swap3A_1565 = arith.index_cast %swap3A_1564 : i32 to index
        %swap3A_1566 = arith.index_cast %add3A_1563 : i32 to index
        %swap3A_1567 = arith.constant 0 : index
        %swap3A_1568 = tpu.vector_load %arg8[%swap3A_1565, %swap3A_1566, %swap3A_1567] {strides = array<i32>} : memref<8x128x64xf32, #tpu.memory_space<vmem>>, vector<16xf32>,
        tpu.vector_store %arg8[%swap3A_1565, %swap3A_1566, %swap3A_1567], %get3A_643 {add = true, strides = array<i32>} : memref<8x128x64xf32, #tpu.memory_space<vmem>>, vector<16xf32>,
        %swap3A_1569 = arith.constant 2 : i32
        %swap3A_1570 = arith.index_cast %swap3A_1569 : i32 to index
        %swap3A_1571 = arith.index_cast %add3A_1563 : i32 to index
        %swap3A_1572 = arith.constant 16 : index
        %swap3A_1573 = tpu.vector_load %arg8[%swap3A_1570, %swap3A_1571, %swap3A_1572] {strides = array<i32>} : memref<8x128x64xf32, #tpu.memory_space<vmem>>, vector<16xf32>,
        tpu.vector_store %arg8[%swap3A_1570, %swap3A_1571, %swap3A_1572], %get3A_646 {add = true, strides = array<i32>} : memref<8x128x64xf32, #tpu.memory_space<vmem>>, vector<16xf32>,
        %swap3A_1574 = arith.constant 2 : i32
        %swap3A_1575 = arith.index_cast %swap3A_1574 : i32 to index
        %swap3A_1576 = arith.index_cast %add3A_1563 : i32 to index
        %swap3A_1577 = arith.constant 32 : index
        %swap3A_1578 = tpu.vector_load %arg8[%swap3A_1575, %swap3A_1576, %swap3A_1577] {strides = array<i32>} : memref<8x128x64xf32, #tpu.memory_space<vmem>>, vector<16xf32>,
        tpu.vector_store %arg8[%swap3A_1575, %swap3A_1576, %swap3A_1577], %get3A_649 {add = true, strides = array<i32>} : memref<8x128x64xf32, #tpu.memory_space<vmem>>, vector<16xf32>,
        %swap3A_1579 = arith.constant 2 : i32
        %swap3A_1580 = arith.index_cast %swap3A_1579 : i32 to index
        %swap3A_1581 = arith.index_cast %add3A_1563 : i32 to index
        %swap3A_1582 = arith.constant 48 : index
        %swap3A_1583 = tpu.vector_load %arg8[%swap3A_1580, %swap3A_1581, %swap3A_1582] {strides = array<i32>} : memref<8x128x64xf32, #tpu.memory_space<vmem>>, vector<16xf32>,
        tpu.vector_store %arg8[%swap3A_1580, %swap3A_1581, %swap3A_1582], %get3A_652 {add = true, strides = array<i32>} : memref<8x128x64xf32, #tpu.memory_space<vmem>>, vector<16xf32>,
        %scan3A_1584 = arith.constant 7 : i32
        %scan3A_1585 = arith.addi %scan3A_1404, %scan3A_1584 : i32
        %mul3A_1586 = arith.constant 1 : i32
        %mul3A_1587 = arith.muli %scan3A_1585, %mul3A_1586 : i32
        %add3A_1588 = arith.constant 0 : i32
        %add3A_1589 = arith.addi %add3A_1588, %mul3A_1587 : i32
        %swap3A_1590 = arith.constant 2 : i32
        %swap3A_1591 = arith.index_cast %swap3A_1590 : i32 to index
        %swap3A_1592 = arith.index_cast %add3A_1589 : i32 to index
        %swap3A_1593 = arith.constant 0 : index
        %swap3A_1594 = tpu.vector_load %arg8[%swap3A_1591, %swap3A_1592, %swap3A_1593] {strides = array<i32>} : memref<8x128x64xf32, #tpu.memory_space<vmem>>, vector<16xf32>,
        tpu.vector_store %arg8[%swap3A_1591, %swap3A_1592, %swap3A_1593], %get3A_643 {add = true, strides = array<i32>} : memref<8x128x64xf32, #tpu.memory_space<vmem>>, vector<16xf32>,
        %swap3A_1595 = arith.constant 2 : i32
        %swap3A_1596 = arith.index_cast %swap3A_1595 : i32 to index
        %swap3A_1597 = arith.index_cast %add3A_1589 : i32 to index
        %swap3A_1598 = arith.constant 16 : index
        %swap3A_1599 = tpu.vector_load %arg8[%swap3A_1596, %swap3A_1597, %swap3A_1598] {strides = array<i32>} : memref<8x128x64xf32, #tpu.memory_space<vmem>>, vector<16xf32>,
        tpu.vector_store %arg8[%swap3A_1596, %swap3A_1597, %swap3A_1598], %get3A_646 {add = true, strides = array<i32>} : memref<8x128x64xf32, #tpu.memory_space<vmem>>, vector<16xf32>,
        %swap3A_1600 = arith.constant 2 : i32
        %swap3A_1601 = arith.index_cast %swap3A_1600 : i32 to index
        %swap3A_1602 = arith.index_cast %add3A_1589 : i32 to index
        %swap3A_1603 = arith.constant 32 : index
        %swap3A_1604 = tpu.vector_load %arg8[%swap3A_1601, %swap3A_1602, %swap3A_1603] {strides = array<i32>} : memref<8x128x64xf32, #tpu.memory_space<vmem>>, vector<16xf32>,
        tpu.vector_store %arg8[%swap3A_1601, %swap3A_1602, %swap3A_1603], %get3A_649 {add = true, strides = array<i32>} : memref<8x128x64xf32, #tpu.memory_space<vmem>>, vector<16xf32>,
        %swap3A_1605 = arith.constant 2 : i32
        %swap3A_1606 = arith.index_cast %swap3A_1605 : i32 to index
        %swap3A_1607 = arith.index_cast %add3A_1589 : i32 to index
        %swap3A_1608 = arith.constant 48 : index
        %swap3A_1609 = tpu.vector_load %arg8[%swap3A_1606, %swap3A_1607, %swap3A_1608] {strides = array<i32>} : memref<8x128x64xf32, #tpu.memory_space<vmem>>, vector<16xf32>,
        tpu.vector_store %arg8[%swap3A_1606, %swap3A_1607, %swap3A_1608], %get3A_652 {add = true, strides = array<i32>} : memref<8x128x64xf32, #tpu.memory_space<vmem>>, vector<16xf32>,
      }
      %scan3A_657 = arith.constant 128 : i32
      %dma_start3A_658 = arith.constant 2 : i32
      %dma_start3A_659 = arith.constant 2 : i32
      %dma_start3A_660 = arith.constant 0 : i32
      %dma_start3A_661 = arith.constant 0 : i32
      %dma_start3A_662 = tpu.memref_slice %arg8[%dma_start3A_658, %dma_start3A_660, %dma_start3A_661] : memref<8x128x64xf32, #tpu.memory_space<vmem>> -> memref<1x128x64xf32, #tpu.memory_space<vmem>>
      %dma_start3A_663 = tpu.memref_squeeze %dma_start3A_662 : memref<1x128x64xf32, #tpu.memory_space<vmem>> -> memref<128x64xf32, #tpu.memory_space<vmem>>
      %dma_start3A_664 = arith.constant 0 : i32
      %dma_start3A_665 = tpu.memref_slice %arg5[%add3A_640, %dma_start3A_664] : memref<819200x64xf32, #tpu.memory_space<hbm>> -> memref<128x64xf32, #tpu.memory_space<hbm>>
      %dma_start3A_666 = tpu.memref_slice %arg10[%dma_start3A_659] : memref<8x!tpu.dma_semaphore, #tpu.memory_space<semaphore_mem>> -> memref<1x!tpu.dma_semaphore, #tpu.memory_space<semaphore_mem>>
      %dma_start3A_667 = tpu.memref_squeeze %dma_start3A_666 : memref<1x!tpu.dma_semaphore, #tpu.memory_space<semaphore_mem>> -> memref<!tpu.dma_semaphore, #tpu.memory_space<semaphore_mem>>
      %dma_start3A_668 = arith.constant 0 : i32
      %dma_start3A_669 = tpu.memref_slice %arg5[%add3A_640, %dma_start3A_668] : memref<819200x64xf32, #tpu.memory_space<hbm>> -> memref<128x64xf32, #tpu.memory_space<hbm>>
      %dma_start3A_670 = arith.constant 0 : i32
      %dma_start3A_671 = arith.constant 0 : i32
      %dma_start3A_672 = tpu.memref_slice %arg8[%dma_start3A_658, %dma_start3A_670, %dma_start3A_671] : memref<8x128x64xf32, #tpu.memory_space<vmem>> -> memref<1x128x64xf32, #tpu.memory_space<vmem>>
      %dma_start3A_673 = tpu.memref_squeeze %dma_start3A_672 : memref<1x128x64xf32, #tpu.memory_space<vmem>> -> memref<128x64xf32, #tpu.memory_space<vmem>>
      tpu.enqueue_dma source(%dma_start3A_673 : memref<128x64xf32, #tpu.memory_space<vmem>>) target(%dma_start3A_669 : memref<128x64xf32, #tpu.memory_space<hbm>>) target_semaphore(%dma_start3A_667 : memref<!tpu.dma_semaphore, #tpu.memory_space<semaphore_mem>>)
      %add3A_674 = arith.constant 3 : i32
      %add3A_675 = arith.addi %mul3A_248, %add3A_674 : i32
      %add3A_676 = arith.constant 8 : i32
      %add3A_677 = arith.addi %add3A_675, %add3A_676 : i32
      %sub3A_678 = arith.constant 1 : i32
      %sub3A_679 = arith.subi %add3A_677, %sub3A_678 : i32
      %lt3A_680 = arith.constant 200 : i32
      %lt3A_681 = arith.cmpi slt, %sub3A_679, %lt3A_680 : i32
      %convert_element_type3A_682 = arith.extui %lt3A_681 : i1 to i32
      %cond3A_683 = arith.constant 0 : i32
      %cond3A_684 = arith.cmpi ne, %convert_element_type3A_682, %cond3A_683 : i32
      scf.if %cond3A_684 {
        %ge3A = arith.constant 1 : i32
        %ge3A_1404 = arith.cmpi sge, %add3A_675, %ge3A : i32
        %convert_element_type3A_1405 = arith.extui %ge3A_1404 : i1 to i32
        %cond3A_1406 = arith.constant 0 : i32
        %cond3A_1407 = arith.cmpi ne, %convert_element_type3A_1405, %cond3A_1406 : i32
        scf.if %cond3A_1407 {
          %dma_wait3A_1426 = arith.constant 2 : i32
          %dma_wait3A_1427 = arith.constant 2 : i32
          %dma_wait3A_1428 = arith.constant 0 : i32
          %dma_wait3A_1429 = arith.constant 0 : i32
          %dma_wait3A_1430 = tpu.memref_slice %arg8[%dma_wait3A_1426, %dma_wait3A_1428, %dma_wait3A_1429] : memref<8x128x64xf32, #tpu.memory_space<vmem>> -> memref<1x128x64xf32, #tpu.memory_space<vmem>>
          %dma_wait3A_1431 = tpu.memref_squeeze %dma_wait3A_1430 : memref<1x128x64xf32, #tpu.memory_space<vmem>> -> memref<128x64xf32, #tpu.memory_space<vmem>>
          %dma_wait3A_1432 = arith.constant 0 : i32
          %dma_wait3A_1433 = arith.constant 0 : i32
          %dma_wait3A_1434 = tpu.memref_slice %arg5[%dma_wait3A_1432, %dma_wait3A_1433] : memref<819200x64xf32, #tpu.memory_space<hbm>> -> memref<128x64xf32, #tpu.memory_space<hbm>>
          %dma_wait3A_1435 = tpu.memref_slice %arg10[%dma_wait3A_1427] : memref<8x!tpu.dma_semaphore, #tpu.memory_space<semaphore_mem>> -> memref<1x!tpu.dma_semaphore, #tpu.memory_space<semaphore_mem>>
          %dma_wait3A_1436 = tpu.memref_squeeze %dma_wait3A_1435 : memref<1x!tpu.dma_semaphore, #tpu.memory_space<semaphore_mem>> -> memref<!tpu.dma_semaphore, #tpu.memory_space<semaphore_mem>>
          %dma_wait3A_1437 = arith.constant 0 : i32
          %dma_wait3A_1438 = arith.constant 0 : i32
          %dma_wait3A_1439 = tpu.memref_slice %arg5[%dma_wait3A_1437, %dma_wait3A_1438] : memref<819200x64xf32, #tpu.memory_space<hbm>> -> memref<128x64xf32, #tpu.memory_space<hbm>>
          %dma_wait3A_1440 = arith.constant 0 : i32
          %dma_wait3A_1441 = arith.constant 0 : i32
          %dma_wait3A_1442 = tpu.memref_slice %arg8[%dma_wait3A_1426, %dma_wait3A_1440, %dma_wait3A_1441] : memref<8x128x64xf32, #tpu.memory_space<vmem>> -> memref<1x128x64xf32, #tpu.memory_space<vmem>>
          %dma_wait3A_1443 = tpu.memref_squeeze %dma_wait3A_1442 : memref<1x128x64xf32, #tpu.memory_space<vmem>> -> memref<128x64xf32, #tpu.memory_space<vmem>>
          tpu.wait_dma2 semaphore(%dma_wait3A_1436 : memref<!tpu.dma_semaphore, #tpu.memory_space<semaphore_mem>>) src(%dma_wait3A_1443 : memref<128x64xf32, #tpu.memory_space<vmem>>) dst(%dma_wait3A_1439 : memref<128x64xf32, #tpu.memory_space<hbm>>)
        } else {
        }
        %add3A_1408 = arith.constant 8 : i32
        %add3A_1409 = arith.addi %add3A_675, %add3A_1408 : i32
        %sub3A_1410 = arith.constant 1 : i32
        %sub3A_1411 = arith.subi %add3A_1409, %sub3A_1410 : i32
        %mul3A_1412 = arith.constant 128 : i32
        %mul3A_1413 = arith.muli %sub3A_1411, %mul3A_1412 : i32
        %dma_start3A_1414 = arith.constant 2 : i32
        %dma_start3A_1415 = arith.constant 2 : i32
        %dma_start3A_1416 = arith.constant 0 : i32
        %dma_start3A_1417 = arith.constant 0 : i32
        %dma_start3A_1418 = tpu.memref_slice %arg8[%dma_start3A_1414, %dma_start3A_1416, %dma_start3A_1417] : memref<8x128x64xf32, #tpu.memory_space<vmem>> -> memref<1x128x64xf32, #tpu.memory_space<vmem>>
        %dma_start3A_1419 = tpu.memref_squeeze %dma_start3A_1418 : memref<1x128x64xf32, #tpu.memory_space<vmem>> -> memref<128x64xf32, #tpu.memory_space<vmem>>
        %dma_start3A_1420 = tpu.memref_slice %arg6[%mul3A_1413] : memref<25600xi32, #tpu.memory_space<vmem>> -> memref<128xi32, #tpu.memory_space<vmem>>
        %dma_start3A_1421 = arith.constant 0 : i32
        %dma_start3A_1422 = arith.constant 0 : i32
        %dma_start3A_1423 = tpu.memref_slice %arg2[%dma_start3A_1421, %dma_start3A_1422] : memref<1000000x64xf32, #tpu.memory_space<hbm>> -> memref<1000000x64xf32, #tpu.memory_space<hbm>>
        %dma_start3A_1424 = tpu.memref_slice %arg9[%dma_start3A_1415] : memref<8x!tpu.dma_semaphore, #tpu.memory_space<semaphore_mem>> -> memref<1x!tpu.dma_semaphore, #tpu.memory_space<semaphore_mem>>
        %dma_start3A_1425 = tpu.memref_squeeze %dma_start3A_1424 : memref<1x!tpu.dma_semaphore, #tpu.memory_space<semaphore_mem>> -> memref<!tpu.dma_semaphore, #tpu.memory_space<semaphore_mem>>
        tpu.enqueue_indirect_dma source(%dma_start3A_1423 : memref<1000000x64xf32, #tpu.memory_space<hbm>>) target(%dma_start3A_1419 : memref<128x64xf32, #tpu.memory_space<vmem>>) offsets(%dma_start3A_1420 : memref<128xi32, #tpu.memory_space<vmem>>) semaphore(%dma_start3A_1425 : memref<!tpu.dma_semaphore, #tpu.memory_space<semaphore_mem>>)
      } else {
      }
      %dma_wait3A_685 = arith.constant 3 : i32
      %dma_wait3A_686 = arith.constant 3 : i32
      %dma_wait3A_687 = arith.constant 0 : i32
      %dma_wait3A_688 = arith.constant 0 : i32
      %dma_wait3A_689 = tpu.memref_slice %arg8[%dma_wait3A_685, %dma_wait3A_687, %dma_wait3A_688] : memref<8x128x64xf32, #tpu.memory_space<vmem>> -> memref<1x128x64xf32, #tpu.memory_space<vmem>>
      %dma_wait3A_690 = tpu.memref_squeeze %dma_wait3A_689 : memref<1x128x64xf32, #tpu.memory_space<vmem>> -> memref<128x64xf32, #tpu.memory_space<vmem>>
      %dma_wait3A_691 = arith.constant 0 : i32
      %dma_wait3A_692 = tpu.memref_slice %arg6[%dma_wait3A_691] : memref<25600xi32, #tpu.memory_space<vmem>> -> memref<128xi32, #tpu.memory_space<vmem>>
      %dma_wait3A_693 = arith.constant 0 : i32
      %dma_wait3A_694 = arith.constant 0 : i32
      %dma_wait3A_695 = tpu.memref_slice %arg2[%dma_wait3A_693, %dma_wait3A_694] : memref<1000000x64xf32, #tpu.memory_space<hbm>> -> memref<1000000x64xf32, #tpu.memory_space<hbm>>
      %dma_wait3A_696 = tpu.memref_slice %arg9[%dma_wait3A_686] : memref<8x!tpu.dma_semaphore, #tpu.memory_space<semaphore_mem>> -> memref<1x!tpu.dma_semaphore, #tpu.memory_space<semaphore_mem>>
      %dma_wait3A_697 = tpu.memref_squeeze %dma_wait3A_696 : memref<1x!tpu.dma_semaphore, #tpu.memory_space<semaphore_mem>> -> memref<!tpu.dma_semaphore, #tpu.memory_space<semaphore_mem>>
      tpu.wait_indirect_dma semaphore(%dma_wait3A_697 : memref<!tpu.dma_semaphore, #tpu.memory_space<semaphore_mem>>) src(%dma_wait3A_695 : memref<1000000x64xf32, #tpu.memory_space<hbm>>) dst(%dma_wait3A_690 : memref<128x64xf32, #tpu.memory_space<vmem>>)
      %add3A_698 = arith.addi %mul3A_4, %add3A_675 : i32
      %jit3A_699 = arith.constant 8 : i32
      %div3A_700 = arith.divsi %add3A_698, %jit3A_699 : i32
      %sign3A_701 = arith.constant 0 : i32
      %sign3A_702 = arith.cmpi sgt, %add3A_698, %sign3A_701 : i32
      %sign3A_703 = arith.extui %sign3A_702 : i1 to i32
      %sign3A_704 = arith.constant 0 : i32
      %sign3A_705 = arith.cmpi slt, %add3A_698, %sign3A_704 : i32
      %sign3A_706 = arith.extui %sign3A_705 : i1 to i32
      %sign3A_707 = arith.subi %sign3A_703, %sign3A_706 : i32
      %sign3A_708 = arith.constant 0 : i32
      %sign3A_709 = arith.cmpi sgt, %jit3A_699, %sign3A_708 : i32
      %sign3A_710 = arith.extui %sign3A_709 : i1 to i32
      %sign3A_711 = arith.constant 0 : i32
      %sign3A_712 = arith.cmpi slt, %jit3A_699, %sign3A_711 : i32
      %sign3A_713 = arith.extui %sign3A_712 : i1 to i32
      %sign3A_714 = arith.subi %sign3A_710, %sign3A_713 : i32
      %ne3A_715 = arith.cmpi ne, %sign3A_707, %sign3A_714 : i32
      %rem3A_716 = arith.remsi %add3A_698, %jit3A_699 : i32
      %ne3A_717 = arith.constant 0 : i32
      %ne3A_718 = arith.cmpi ne, %rem3A_716, %ne3A_717 : i32
      %and3A_719 = arith.andi %ne3A_715, %ne3A_718 : i1
      %sub3A_720 = arith.constant 1 : i32
      %sub3A_721 = arith.subi %div3A_700, %sub3A_720 : i32
      %select_n3A_722 = arith.select %and3A_719, %sub3A_721, %div3A_700 : i32
      %jit3A_723 = arith.constant 32 : i32
      %div3A_724 = arith.divsi %select_n3A_722, %jit3A_723 : i32
      %sign3A_725 = arith.constant 0 : i32
      %sign3A_726 = arith.cmpi sgt, %select_n3A_722, %sign3A_725 : i32
      %sign3A_727 = arith.extui %sign3A_726 : i1 to i32
      %sign3A_728 = arith.constant 0 : i32
      %sign3A_729 = arith.cmpi slt, %select_n3A_722, %sign3A_728 : i32
      %sign3A_730 = arith.extui %sign3A_729 : i1 to i32
      %sign3A_731 = arith.subi %sign3A_727, %sign3A_730 : i32
      %sign3A_732 = arith.constant 0 : i32
      %sign3A_733 = arith.cmpi sgt, %jit3A_723, %sign3A_732 : i32
      %sign3A_734 = arith.extui %sign3A_733 : i1 to i32
      %sign3A_735 = arith.constant 0 : i32
      %sign3A_736 = arith.cmpi slt, %jit3A_723, %sign3A_735 : i32
      %sign3A_737 = arith.extui %sign3A_736 : i1 to i32
      %sign3A_738 = arith.subi %sign3A_734, %sign3A_737 : i32
      %ne3A_739 = arith.cmpi ne, %sign3A_731, %sign3A_738 : i32
      %rem3A_740 = arith.remsi %select_n3A_722, %jit3A_723 : i32
      %ne3A_741 = arith.constant 0 : i32
      %ne3A_742 = arith.cmpi ne, %rem3A_740, %ne3A_741 : i32
      %and3A_743 = arith.andi %ne3A_739, %ne3A_742 : i1
      %sub3A_744 = arith.constant 1 : i32
      %sub3A_745 = arith.subi %div3A_724, %sub3A_744 : i32
      %select_n3A_746 = arith.select %and3A_743, %sub3A_745, %div3A_724 : i32
      %mul3A_747 = arith.constant 8 : i32
      %mul3A_748 = arith.muli %mul3A_747, %select_n3A_746 : i32
      %jit3A_749 = arith.constant 8 : i32
      %eq3A_750 = arith.constant 0 : i32
      %eq3A_751 = arith.cmpi eq, %jit3A_749, %eq3A_750 : i32
      %jit3A_752 = arith.constant 1 : i32
      %select_n3A_753 = arith.select %eq3A_751, %jit3A_752, %jit3A_749 : i32
      %rem3A_754 = arith.remsi %add3A_698, %select_n3A_753 : i32
      %ne3A_755 = arith.constant 0 : i32
      %ne3A_756 = arith.cmpi ne, %rem3A_754, %ne3A_755 : i32
      %lt3A_757 = arith.constant 0 : i32
      %lt3A_758 = arith.cmpi slt, %rem3A_754, %lt3A_757 : i32
      %lt3A_759 = arith.constant 0 : i32
      %lt3A_760 = arith.cmpi slt, %select_n3A_753, %lt3A_759 : i32
      %ne3A_761 = arith.xori %lt3A_758, %lt3A_760 : i1
      %and3A_762 = arith.andi %ne3A_761, %ne3A_756 : i1
      %add3A_763 = arith.addi %rem3A_754, %select_n3A_753 : i32
      %select_n3A_764 = arith.select %and3A_762, %add3A_763, %rem3A_754 : i32
      %add3A_765 = arith.addi %mul3A_748, %select_n3A_764 : i32
      %mul3A_766 = arith.constant 4096 : i32
      %mul3A_767 = arith.muli %add3A_765, %mul3A_766 : i32
      %jit3A_768 = arith.constant 32 : i32
      %eq3A_769 = arith.constant 0 : i32
      %eq3A_770 = arith.cmpi eq, %jit3A_768, %eq3A_769 : i32
      %jit3A_771 = arith.constant 1 : i32
      %select_n3A_772 = arith.select %eq3A_770, %jit3A_771, %jit3A_768 : i32
      %rem3A_773 = arith.remsi %select_n3A_722, %select_n3A_772 : i32
      %ne3A_774 = arith.constant 0 : i32
      %ne3A_775 = arith.cmpi ne, %rem3A_773, %ne3A_774 : i32
      %lt3A_776 = arith.constant 0 : i32
      %lt3A_777 = arith.cmpi slt, %rem3A_773, %lt3A_776 : i32
      %lt3A_778 = arith.constant 0 : i32
      %lt3A_779 = arith.cmpi slt, %select_n3A_772, %lt3A_778 : i32
      %ne3A_780 = arith.xori %lt3A_777, %lt3A_779 : i1
      %and3A_781 = arith.andi %ne3A_780, %ne3A_775 : i1
      %add3A_782 = arith.addi %rem3A_773, %select_n3A_772 : i32
      %select_n3A_783 = arith.select %and3A_781, %add3A_782, %rem3A_773 : i32
      %mul3A_784 = arith.constant 128 : i32
      %mul3A_785 = arith.muli %select_n3A_783, %mul3A_784 : i32
      %add3A_786 = arith.addi %mul3A_767, %mul3A_785 : i32
      %get3A_787 = arith.index_cast %add3A_765 : i32 to index
      %get3A_788 = arith.constant 0 : index
      %get3A_789 = tpu.vector_load %arg7[%get3A_787, %get3A_788] {strides = array<i32>} : memref<200x64xf32, #tpu.memory_space<vmem>>, vector<16xf32>,
      %get3A_790 = arith.index_cast %add3A_765 : i32 to index
      %get3A_791 = arith.constant 16 : index
      %get3A_792 = tpu.vector_load %arg7[%get3A_790, %get3A_791] {strides = array<i32>} : memref<200x64xf32, #tpu.memory_space<vmem>>, vector<16xf32>,
      %get3A_793 = arith.index_cast %add3A_765 : i32 to index
      %get3A_794 = arith.constant 32 : index
      %get3A_795 = tpu.vector_load %arg7[%get3A_793, %get3A_794] {strides = array<i32>} : memref<200x64xf32, #tpu.memory_space<vmem>>, vector<16xf32>,
      %get3A_796 = arith.index_cast %add3A_765 : i32 to index
      %get3A_797 = arith.constant 48 : index
      %get3A_798 = tpu.vector_load %arg7[%get3A_796, %get3A_797] {strides = array<i32>} : memref<200x64xf32, #tpu.memory_space<vmem>>, vector<16xf32>,
      %scan3A_799 = arith.constant 0 : i32
      %scan3A_800 = arith.constant 128 : i32
      %scan3A_801 = arith.addi %scan3A_799, %scan3A_800 : i32
      %scan3A_802 = arith.constant 8 : i32
      scf.for %scan3A_1404 = %scan3A_799 to %scan3A_801 step %scan3A_802  : i32 {
        %mul3A_1405 = arith.constant 1 : i32
        %mul3A_1406 = arith.muli %scan3A_1404, %mul3A_1405 : i32
        %add3A_1407 = arith.constant 0 : i32
        %add3A_1408 = arith.addi %add3A_1407, %mul3A_1406 : i32
        %swap3A = arith.constant 3 : i32
        %swap3A_1409 = arith.index_cast %swap3A : i32 to index
        %swap3A_1410 = arith.index_cast %add3A_1408 : i32 to index
        %swap3A_1411 = arith.constant 0 : index
        %swap3A_1412 = tpu.vector_load %arg8[%swap3A_1409, %swap3A_1410, %swap3A_1411] {strides = array<i32>} : memref<8x128x64xf32, #tpu.memory_space<vmem>>, vector<16xf32>,
        tpu.vector_store %arg8[%swap3A_1409, %swap3A_1410, %swap3A_1411], %get3A_789 {add = true, strides = array<i32>} : memref<8x128x64xf32, #tpu.memory_space<vmem>>, vector<16xf32>,
        %swap3A_1413 = arith.constant 3 : i32
        %swap3A_1414 = arith.index_cast %swap3A_1413 : i32 to index
        %swap3A_1415 = arith.index_cast %add3A_1408 : i32 to index
        %swap3A_1416 = arith.constant 16 : index
        %swap3A_1417 = tpu.vector_load %arg8[%swap3A_1414, %swap3A_1415, %swap3A_1416] {strides = array<i32>} : memref<8x128x64xf32, #tpu.memory_space<vmem>>, vector<16xf32>,
        tpu.vector_store %arg8[%swap3A_1414, %swap3A_1415, %swap3A_1416], %get3A_792 {add = true, strides = array<i32>} : memref<8x128x64xf32, #tpu.memory_space<vmem>>, vector<16xf32>,
        %swap3A_1418 = arith.constant 3 : i32
        %swap3A_1419 = arith.index_cast %swap3A_1418 : i32 to index
        %swap3A_1420 = arith.index_cast %add3A_1408 : i32 to index
        %swap3A_1421 = arith.constant 32 : index
        %swap3A_1422 = tpu.vector_load %arg8[%swap3A_1419, %swap3A_1420, %swap3A_1421] {strides = array<i32>} : memref<8x128x64xf32, #tpu.memory_space<vmem>>, vector<16xf32>,
        tpu.vector_store %arg8[%swap3A_1419, %swap3A_1420, %swap3A_1421], %get3A_795 {add = true, strides = array<i32>} : memref<8x128x64xf32, #tpu.memory_space<vmem>>, vector<16xf32>,
        %swap3A_1423 = arith.constant 3 : i32
        %swap3A_1424 = arith.index_cast %swap3A_1423 : i32 to index
        %swap3A_1425 = arith.index_cast %add3A_1408 : i32 to index
        %swap3A_1426 = arith.constant 48 : index
        %swap3A_1427 = tpu.vector_load %arg8[%swap3A_1424, %swap3A_1425, %swap3A_1426] {strides = array<i32>} : memref<8x128x64xf32, #tpu.memory_space<vmem>>, vector<16xf32>,
        tpu.vector_store %arg8[%swap3A_1424, %swap3A_1425, %swap3A_1426], %get3A_798 {add = true, strides = array<i32>} : memref<8x128x64xf32, #tpu.memory_space<vmem>>, vector<16xf32>,
        %scan3A_1428 = arith.constant 1 : i32
        %scan3A_1429 = arith.addi %scan3A_1404, %scan3A_1428 : i32
        %mul3A_1430 = arith.constant 1 : i32
        %mul3A_1431 = arith.muli %scan3A_1429, %mul3A_1430 : i32
        %add3A_1432 = arith.constant 0 : i32
        %add3A_1433 = arith.addi %add3A_1432, %mul3A_1431 : i32
        %swap3A_1434 = arith.constant 3 : i32
        %swap3A_1435 = arith.index_cast %swap3A_1434 : i32 to index
        %swap3A_1436 = arith.index_cast %add3A_1433 : i32 to index
        %swap3A_1437 = arith.constant 0 : index
        %swap3A_1438 = tpu.vector_load %arg8[%swap3A_1435, %swap3A_1436, %swap3A_1437] {strides = array<i32>} : memref<8x128x64xf32, #tpu.memory_space<vmem>>, vector<16xf32>,
        tpu.vector_store %arg8[%swap3A_1435, %swap3A_1436, %swap3A_1437], %get3A_789 {add = true, strides = array<i32>} : memref<8x128x64xf32, #tpu.memory_space<vmem>>, vector<16xf32>,
        %swap3A_1439 = arith.constant 3 : i32
        %swap3A_1440 = arith.index_cast %swap3A_1439 : i32 to index
        %swap3A_1441 = arith.index_cast %add3A_1433 : i32 to index
        %swap3A_1442 = arith.constant 16 : index
        %swap3A_1443 = tpu.vector_load %arg8[%swap3A_1440, %swap3A_1441, %swap3A_1442] {strides = array<i32>} : memref<8x128x64xf32, #tpu.memory_space<vmem>>, vector<16xf32>,
        tpu.vector_store %arg8[%swap3A_1440, %swap3A_1441, %swap3A_1442], %get3A_792 {add = true, strides = array<i32>} : memref<8x128x64xf32, #tpu.memory_space<vmem>>, vector<16xf32>,
        %swap3A_1444 = arith.constant 3 : i32
        %swap3A_1445 = arith.index_cast %swap3A_1444 : i32 to index
        %swap3A_1446 = arith.index_cast %add3A_1433 : i32 to index
        %swap3A_1447 = arith.constant 32 : index
        %swap3A_1448 = tpu.vector_load %arg8[%swap3A_1445, %swap3A_1446, %swap3A_1447] {strides = array<i32>} : memref<8x128x64xf32, #tpu.memory_space<vmem>>, vector<16xf32>,
        tpu.vector_store %arg8[%swap3A_1445, %swap3A_1446, %swap3A_1447], %get3A_795 {add = true, strides = array<i32>} : memref<8x128x64xf32, #tpu.memory_space<vmem>>, vector<16xf32>,
        %swap3A_1449 = arith.constant 3 : i32
        %swap3A_1450 = arith.index_cast %swap3A_1449 : i32 to index
        %swap3A_1451 = arith.index_cast %add3A_1433 : i32 to index
        %swap3A_1452 = arith.constant 48 : index
        %swap3A_1453 = tpu.vector_load %arg8[%swap3A_1450, %swap3A_1451, %swap3A_1452] {strides = array<i32>} : memref<8x128x64xf32, #tpu.memory_space<vmem>>, vector<16xf32>,
        tpu.vector_store %arg8[%swap3A_1450, %swap3A_1451, %swap3A_1452], %get3A_798 {add = true, strides = array<i32>} : memref<8x128x64xf32, #tpu.memory_space<vmem>>, vector<16xf32>,
        %scan3A_1454 = arith.constant 2 : i32
        %scan3A_1455 = arith.addi %scan3A_1404, %scan3A_1454 : i32
        %mul3A_1456 = arith.constant 1 : i32
        %mul3A_1457 = arith.muli %scan3A_1455, %mul3A_1456 : i32
        %add3A_1458 = arith.constant 0 : i32
        %add3A_1459 = arith.addi %add3A_1458, %mul3A_1457 : i32
        %swap3A_1460 = arith.constant 3 : i32
        %swap3A_1461 = arith.index_cast %swap3A_1460 : i32 to index
        %swap3A_1462 = arith.index_cast %add3A_1459 : i32 to index
        %swap3A_1463 = arith.constant 0 : index
        %swap3A_1464 = tpu.vector_load %arg8[%swap3A_1461, %swap3A_1462, %swap3A_1463] {strides = array<i32>} : memref<8x128x64xf32, #tpu.memory_space<vmem>>, vector<16xf32>,
        tpu.vector_store %arg8[%swap3A_1461, %swap3A_1462, %swap3A_1463], %get3A_789 {add = true, strides = array<i32>} : memref<8x128x64xf32, #tpu.memory_space<vmem>>, vector<16xf32>,
        %swap3A_1465 = arith.constant 3 : i32
        %swap3A_1466 = arith.index_cast %swap3A_1465 : i32 to index
        %swap3A_1467 = arith.index_cast %add3A_1459 : i32 to index
        %swap3A_1468 = arith.constant 16 : index
        %swap3A_1469 = tpu.vector_load %arg8[%swap3A_1466, %swap3A_1467, %swap3A_1468] {strides = array<i32>} : memref<8x128x64xf32, #tpu.memory_space<vmem>>, vector<16xf32>,
        tpu.vector_store %arg8[%swap3A_1466, %swap3A_1467, %swap3A_1468], %get3A_792 {add = true, strides = array<i32>} : memref<8x128x64xf32, #tpu.memory_space<vmem>>, vector<16xf32>,
        %swap3A_1470 = arith.constant 3 : i32
        %swap3A_1471 = arith.index_cast %swap3A_1470 : i32 to index
        %swap3A_1472 = arith.index_cast %add3A_1459 : i32 to index
        %swap3A_1473 = arith.constant 32 : index
        %swap3A_1474 = tpu.vector_load %arg8[%swap3A_1471, %swap3A_1472, %swap3A_1473] {strides = array<i32>} : memref<8x128x64xf32, #tpu.memory_space<vmem>>, vector<16xf32>,
        tpu.vector_store %arg8[%swap3A_1471, %swap3A_1472, %swap3A_1473], %get3A_795 {add = true, strides = array<i32>} : memref<8x128x64xf32, #tpu.memory_space<vmem>>, vector<16xf32>,
        %swap3A_1475 = arith.constant 3 : i32
        %swap3A_1476 = arith.index_cast %swap3A_1475 : i32 to index
        %swap3A_1477 = arith.index_cast %add3A_1459 : i32 to index
        %swap3A_1478 = arith.constant 48 : index
        %swap3A_1479 = tpu.vector_load %arg8[%swap3A_1476, %swap3A_1477, %swap3A_1478] {strides = array<i32>} : memref<8x128x64xf32, #tpu.memory_space<vmem>>, vector<16xf32>,
        tpu.vector_store %arg8[%swap3A_1476, %swap3A_1477, %swap3A_1478], %get3A_798 {add = true, strides = array<i32>} : memref<8x128x64xf32, #tpu.memory_space<vmem>>, vector<16xf32>,
        %scan3A_1480 = arith.constant 3 : i32
        %scan3A_1481 = arith.addi %scan3A_1404, %scan3A_1480 : i32
        %mul3A_1482 = arith.constant 1 : i32
        %mul3A_1483 = arith.muli %scan3A_1481, %mul3A_1482 : i32
        %add3A_1484 = arith.constant 0 : i32
        %add3A_1485 = arith.addi %add3A_1484, %mul3A_1483 : i32
        %swap3A_1486 = arith.constant 3 : i32
        %swap3A_1487 = arith.index_cast %swap3A_1486 : i32 to index
        %swap3A_1488 = arith.index_cast %add3A_1485 : i32 to index
        %swap3A_1489 = arith.constant 0 : index
        %swap3A_1490 = tpu.vector_load %arg8[%swap3A_1487, %swap3A_1488, %swap3A_1489] {strides = array<i32>} : memref<8x128x64xf32, #tpu.memory_space<vmem>>, vector<16xf32>,
        tpu.vector_store %arg8[%swap3A_1487, %swap3A_1488, %swap3A_1489], %get3A_789 {add = true, strides = array<i32>} : memref<8x128x64xf32, #tpu.memory_space<vmem>>, vector<16xf32>,
        %swap3A_1491 = arith.constant 3 : i32
        %swap3A_1492 = arith.index_cast %swap3A_1491 : i32 to index
        %swap3A_1493 = arith.index_cast %add3A_1485 : i32 to index
        %swap3A_1494 = arith.constant 16 : index
        %swap3A_1495 = tpu.vector_load %arg8[%swap3A_1492, %swap3A_1493, %swap3A_1494] {strides = array<i32>} : memref<8x128x64xf32, #tpu.memory_space<vmem>>, vector<16xf32>,
        tpu.vector_store %arg8[%swap3A_1492, %swap3A_1493, %swap3A_1494], %get3A_792 {add = true, strides = array<i32>} : memref<8x128x64xf32, #tpu.memory_space<vmem>>, vector<16xf32>,
        %swap3A_1496 = arith.constant 3 : i32
        %swap3A_1497 = arith.index_cast %swap3A_1496 : i32 to index
        %swap3A_1498 = arith.index_cast %add3A_1485 : i32 to index
        %swap3A_1499 = arith.constant 32 : index
        %swap3A_1500 = tpu.vector_load %arg8[%swap3A_1497, %swap3A_1498, %swap3A_1499] {strides = array<i32>} : memref<8x128x64xf32, #tpu.memory_space<vmem>>, vector<16xf32>,
        tpu.vector_store %arg8[%swap3A_1497, %swap3A_1498, %swap3A_1499], %get3A_795 {add = true, strides = array<i32>} : memref<8x128x64xf32, #tpu.memory_space<vmem>>, vector<16xf32>,
        %swap3A_1501 = arith.constant 3 : i32
        %swap3A_1502 = arith.index_cast %swap3A_1501 : i32 to index
        %swap3A_1503 = arith.index_cast %add3A_1485 : i32 to index
        %swap3A_1504 = arith.constant 48 : index
        %swap3A_1505 = tpu.vector_load %arg8[%swap3A_1502, %swap3A_1503, %swap3A_1504] {strides = array<i32>} : memref<8x128x64xf32, #tpu.memory_space<vmem>>, vector<16xf32>,
        tpu.vector_store %arg8[%swap3A_1502, %swap3A_1503, %swap3A_1504], %get3A_798 {add = true, strides = array<i32>} : memref<8x128x64xf32, #tpu.memory_space<vmem>>, vector<16xf32>,
        %scan3A_1506 = arith.constant 4 : i32
        %scan3A_1507 = arith.addi %scan3A_1404, %scan3A_1506 : i32
        %mul3A_1508 = arith.constant 1 : i32
        %mul3A_1509 = arith.muli %scan3A_1507, %mul3A_1508 : i32
        %add3A_1510 = arith.constant 0 : i32
        %add3A_1511 = arith.addi %add3A_1510, %mul3A_1509 : i32
        %swap3A_1512 = arith.constant 3 : i32
        %swap3A_1513 = arith.index_cast %swap3A_1512 : i32 to index
        %swap3A_1514 = arith.index_cast %add3A_1511 : i32 to index
        %swap3A_1515 = arith.constant 0 : index
        %swap3A_1516 = tpu.vector_load %arg8[%swap3A_1513, %swap3A_1514, %swap3A_1515] {strides = array<i32>} : memref<8x128x64xf32, #tpu.memory_space<vmem>>, vector<16xf32>,
        tpu.vector_store %arg8[%swap3A_1513, %swap3A_1514, %swap3A_1515], %get3A_789 {add = true, strides = array<i32>} : memref<8x128x64xf32, #tpu.memory_space<vmem>>, vector<16xf32>,
        %swap3A_1517 = arith.constant 3 : i32
        %swap3A_1518 = arith.index_cast %swap3A_1517 : i32 to index
        %swap3A_1519 = arith.index_cast %add3A_1511 : i32 to index
        %swap3A_1520 = arith.constant 16 : index
        %swap3A_1521 = tpu.vector_load %arg8[%swap3A_1518, %swap3A_1519, %swap3A_1520] {strides = array<i32>} : memref<8x128x64xf32, #tpu.memory_space<vmem>>, vector<16xf32>,
        tpu.vector_store %arg8[%swap3A_1518, %swap3A_1519, %swap3A_1520], %get3A_792 {add = true, strides = array<i32>} : memref<8x128x64xf32, #tpu.memory_space<vmem>>, vector<16xf32>,
        %swap3A_1522 = arith.constant 3 : i32
        %swap3A_1523 = arith.index_cast %swap3A_1522 : i32 to index
        %swap3A_1524 = arith.index_cast %add3A_1511 : i32 to index
        %swap3A_1525 = arith.constant 32 : index
        %swap3A_1526 = tpu.vector_load %arg8[%swap3A_1523, %swap3A_1524, %swap3A_1525] {strides = array<i32>} : memref<8x128x64xf32, #tpu.memory_space<vmem>>, vector<16xf32>,
        tpu.vector_store %arg8[%swap3A_1523, %swap3A_1524, %swap3A_1525], %get3A_795 {add = true, strides = array<i32>} : memref<8x128x64xf32, #tpu.memory_space<vmem>>, vector<16xf32>,
        %swap3A_1527 = arith.constant 3 : i32
        %swap3A_1528 = arith.index_cast %swap3A_1527 : i32 to index
        %swap3A_1529 = arith.index_cast %add3A_1511 : i32 to index
        %swap3A_1530 = arith.constant 48 : index
        %swap3A_1531 = tpu.vector_load %arg8[%swap3A_1528, %swap3A_1529, %swap3A_1530] {strides = array<i32>} : memref<8x128x64xf32, #tpu.memory_space<vmem>>, vector<16xf32>,
        tpu.vector_store %arg8[%swap3A_1528, %swap3A_1529, %swap3A_1530], %get3A_798 {add = true, strides = array<i32>} : memref<8x128x64xf32, #tpu.memory_space<vmem>>, vector<16xf32>,
        %scan3A_1532 = arith.constant 5 : i32
        %scan3A_1533 = arith.addi %scan3A_1404, %scan3A_1532 : i32
        %mul3A_1534 = arith.constant 1 : i32
        %mul3A_1535 = arith.muli %scan3A_1533, %mul3A_1534 : i32
        %add3A_1536 = arith.constant 0 : i32
        %add3A_1537 = arith.addi %add3A_1536, %mul3A_1535 : i32
        %swap3A_1538 = arith.constant 3 : i32
        %swap3A_1539 = arith.index_cast %swap3A_1538 : i32 to index
        %swap3A_1540 = arith.index_cast %add3A_1537 : i32 to index
        %swap3A_1541 = arith.constant 0 : index
        %swap3A_1542 = tpu.vector_load %arg8[%swap3A_1539, %swap3A_1540, %swap3A_1541] {strides = array<i32>} : memref<8x128x64xf32, #tpu.memory_space<vmem>>, vector<16xf32>,
        tpu.vector_store %arg8[%swap3A_1539, %swap3A_1540, %swap3A_1541], %get3A_789 {add = true, strides = array<i32>} : memref<8x128x64xf32, #tpu.memory_space<vmem>>, vector<16xf32>,
        %swap3A_1543 = arith.constant 3 : i32
        %swap3A_1544 = arith.index_cast %swap3A_1543 : i32 to index
        %swap3A_1545 = arith.index_cast %add3A_1537 : i32 to index
        %swap3A_1546 = arith.constant 16 : index
        %swap3A_1547 = tpu.vector_load %arg8[%swap3A_1544, %swap3A_1545, %swap3A_1546] {strides = array<i32>} : memref<8x128x64xf32, #tpu.memory_space<vmem>>, vector<16xf32>,
        tpu.vector_store %arg8[%swap3A_1544, %swap3A_1545, %swap3A_1546], %get3A_792 {add = true, strides = array<i32>} : memref<8x128x64xf32, #tpu.memory_space<vmem>>, vector<16xf32>,
        %swap3A_1548 = arith.constant 3 : i32
        %swap3A_1549 = arith.index_cast %swap3A_1548 : i32 to index
        %swap3A_1550 = arith.index_cast %add3A_1537 : i32 to index
        %swap3A_1551 = arith.constant 32 : index
        %swap3A_1552 = tpu.vector_load %arg8[%swap3A_1549, %swap3A_1550, %swap3A_1551] {strides = array<i32>} : memref<8x128x64xf32, #tpu.memory_space<vmem>>, vector<16xf32>,
        tpu.vector_store %arg8[%swap3A_1549, %swap3A_1550, %swap3A_1551], %get3A_795 {add = true, strides = array<i32>} : memref<8x128x64xf32, #tpu.memory_space<vmem>>, vector<16xf32>,
        %swap3A_1553 = arith.constant 3 : i32
        %swap3A_1554 = arith.index_cast %swap3A_1553 : i32 to index
        %swap3A_1555 = arith.index_cast %add3A_1537 : i32 to index
        %swap3A_1556 = arith.constant 48 : index
        %swap3A_1557 = tpu.vector_load %arg8[%swap3A_1554, %swap3A_1555, %swap3A_1556] {strides = array<i32>} : memref<8x128x64xf32, #tpu.memory_space<vmem>>, vector<16xf32>,
        tpu.vector_store %arg8[%swap3A_1554, %swap3A_1555, %swap3A_1556], %get3A_798 {add = true, strides = array<i32>} : memref<8x128x64xf32, #tpu.memory_space<vmem>>, vector<16xf32>,
        %scan3A_1558 = arith.constant 6 : i32
        %scan3A_1559 = arith.addi %scan3A_1404, %scan3A_1558 : i32
        %mul3A_1560 = arith.constant 1 : i32
        %mul3A_1561 = arith.muli %scan3A_1559, %mul3A_1560 : i32
        %add3A_1562 = arith.constant 0 : i32
        %add3A_1563 = arith.addi %add3A_1562, %mul3A_1561 : i32
        %swap3A_1564 = arith.constant 3 : i32
        %swap3A_1565 = arith.index_cast %swap3A_1564 : i32 to index
        %swap3A_1566 = arith.index_cast %add3A_1563 : i32 to index
        %swap3A_1567 = arith.constant 0 : index
        %swap3A_1568 = tpu.vector_load %arg8[%swap3A_1565, %swap3A_1566, %swap3A_1567] {strides = array<i32>} : memref<8x128x64xf32, #tpu.memory_space<vmem>>, vector<16xf32>,
        tpu.vector_store %arg8[%swap3A_1565, %swap3A_1566, %swap3A_1567], %get3A_789 {add = true, strides = array<i32>} : memref<8x128x64xf32, #tpu.memory_space<vmem>>, vector<16xf32>,
        %swap3A_1569 = arith.constant 3 : i32
        %swap3A_1570 = arith.index_cast %swap3A_1569 : i32 to index
        %swap3A_1571 = arith.index_cast %add3A_1563 : i32 to index
        %swap3A_1572 = arith.constant 16 : index
        %swap3A_1573 = tpu.vector_load %arg8[%swap3A_1570, %swap3A_1571, %swap3A_1572] {strides = array<i32>} : memref<8x128x64xf32, #tpu.memory_space<vmem>>, vector<16xf32>,
        tpu.vector_store %arg8[%swap3A_1570, %swap3A_1571, %swap3A_1572], %get3A_792 {add = true, strides = array<i32>} : memref<8x128x64xf32, #tpu.memory_space<vmem>>, vector<16xf32>,
        %swap3A_1574 = arith.constant 3 : i32
        %swap3A_1575 = arith.index_cast %swap3A_1574 : i32 to index
        %swap3A_1576 = arith.index_cast %add3A_1563 : i32 to index
        %swap3A_1577 = arith.constant 32 : index
        %swap3A_1578 = tpu.vector_load %arg8[%swap3A_1575, %swap3A_1576, %swap3A_1577] {strides = array<i32>} : memref<8x128x64xf32, #tpu.memory_space<vmem>>, vector<16xf32>,
        tpu.vector_store %arg8[%swap3A_1575, %swap3A_1576, %swap3A_1577], %get3A_795 {add = true, strides = array<i32>} : memref<8x128x64xf32, #tpu.memory_space<vmem>>, vector<16xf32>,
        %swap3A_1579 = arith.constant 3 : i32
        %swap3A_1580 = arith.index_cast %swap3A_1579 : i32 to index
        %swap3A_1581 = arith.index_cast %add3A_1563 : i32 to index
        %swap3A_1582 = arith.constant 48 : index
        %swap3A_1583 = tpu.vector_load %arg8[%swap3A_1580, %swap3A_1581, %swap3A_1582] {strides = array<i32>} : memref<8x128x64xf32, #tpu.memory_space<vmem>>, vector<16xf32>,
        tpu.vector_store %arg8[%swap3A_1580, %swap3A_1581, %swap3A_1582], %get3A_798 {add = true, strides = array<i32>} : memref<8x128x64xf32, #tpu.memory_space<vmem>>, vector<16xf32>,
        %scan3A_1584 = arith.constant 7 : i32
        %scan3A_1585 = arith.addi %scan3A_1404, %scan3A_1584 : i32
        %mul3A_1586 = arith.constant 1 : i32
        %mul3A_1587 = arith.muli %scan3A_1585, %mul3A_1586 : i32
        %add3A_1588 = arith.constant 0 : i32
        %add3A_1589 = arith.addi %add3A_1588, %mul3A_1587 : i32
        %swap3A_1590 = arith.constant 3 : i32
        %swap3A_1591 = arith.index_cast %swap3A_1590 : i32 to index
        %swap3A_1592 = arith.index_cast %add3A_1589 : i32 to index
        %swap3A_1593 = arith.constant 0 : index
        %swap3A_1594 = tpu.vector_load %arg8[%swap3A_1591, %swap3A_1592, %swap3A_1593] {strides = array<i32>} : memref<8x128x64xf32, #tpu.memory_space<vmem>>, vector<16xf32>,
        tpu.vector_store %arg8[%swap3A_1591, %swap3A_1592, %swap3A_1593], %get3A_789 {add = true, strides = array<i32>} : memref<8x128x64xf32, #tpu.memory_space<vmem>>, vector<16xf32>,
        %swap3A_1595 = arith.constant 3 : i32
        %swap3A_1596 = arith.index_cast %swap3A_1595 : i32 to index
        %swap3A_1597 = arith.index_cast %add3A_1589 : i32 to index
        %swap3A_1598 = arith.constant 16 : index
        %swap3A_1599 = tpu.vector_load %arg8[%swap3A_1596, %swap3A_1597, %swap3A_1598] {strides = array<i32>} : memref<8x128x64xf32, #tpu.memory_space<vmem>>, vector<16xf32>,
        tpu.vector_store %arg8[%swap3A_1596, %swap3A_1597, %swap3A_1598], %get3A_792 {add = true, strides = array<i32>} : memref<8x128x64xf32, #tpu.memory_space<vmem>>, vector<16xf32>,
        %swap3A_1600 = arith.constant 3 : i32
        %swap3A_1601 = arith.index_cast %swap3A_1600 : i32 to index
        %swap3A_1602 = arith.index_cast %add3A_1589 : i32 to index
        %swap3A_1603 = arith.constant 32 : index
        %swap3A_1604 = tpu.vector_load %arg8[%swap3A_1601, %swap3A_1602, %swap3A_1603] {strides = array<i32>} : memref<8x128x64xf32, #tpu.memory_space<vmem>>, vector<16xf32>,
        tpu.vector_store %arg8[%swap3A_1601, %swap3A_1602, %swap3A_1603], %get3A_795 {add = true, strides = array<i32>} : memref<8x128x64xf32, #tpu.memory_space<vmem>>, vector<16xf32>,
        %swap3A_1605 = arith.constant 3 : i32
        %swap3A_1606 = arith.index_cast %swap3A_1605 : i32 to index
        %swap3A_1607 = arith.index_cast %add3A_1589 : i32 to index
        %swap3A_1608 = arith.constant 48 : index
        %swap3A_1609 = tpu.vector_load %arg8[%swap3A_1606, %swap3A_1607, %swap3A_1608] {strides = array<i32>} : memref<8x128x64xf32, #tpu.memory_space<vmem>>, vector<16xf32>,
        tpu.vector_store %arg8[%swap3A_1606, %swap3A_1607, %swap3A_1608], %get3A_798 {add = true, strides = array<i32>} : memref<8x128x64xf32, #tpu.memory_space<vmem>>, vector<16xf32>,
      }
      %scan3A_803 = arith.constant 128 : i32
      %dma_start3A_804 = arith.constant 3 : i32
      %dma_start3A_805 = arith.constant 3 : i32
      %dma_start3A_806 = arith.constant 0 : i32
      %dma_start3A_807 = arith.constant 0 : i32
      %dma_start3A_808 = tpu.memref_slice %arg8[%dma_start3A_804, %dma_start3A_806, %dma_start3A_807] : memref<8x128x64xf32, #tpu.memory_space<vmem>> -> memref<1x128x64xf32, #tpu.memory_space<vmem>>
      %dma_start3A_809 = tpu.memref_squeeze %dma_start3A_808 : memref<1x128x64xf32, #tpu.memory_space<vmem>> -> memref<128x64xf32, #tpu.memory_space<vmem>>
      %dma_start3A_810 = arith.constant 0 : i32
      %dma_start3A_811 = tpu.memref_slice %arg5[%add3A_786, %dma_start3A_810] : memref<819200x64xf32, #tpu.memory_space<hbm>> -> memref<128x64xf32, #tpu.memory_space<hbm>>
      %dma_start3A_812 = tpu.memref_slice %arg10[%dma_start3A_805] : memref<8x!tpu.dma_semaphore, #tpu.memory_space<semaphore_mem>> -> memref<1x!tpu.dma_semaphore, #tpu.memory_space<semaphore_mem>>
      %dma_start3A_813 = tpu.memref_squeeze %dma_start3A_812 : memref<1x!tpu.dma_semaphore, #tpu.memory_space<semaphore_mem>> -> memref<!tpu.dma_semaphore, #tpu.memory_space<semaphore_mem>>
      %dma_start3A_814 = arith.constant 0 : i32
      %dma_start3A_815 = tpu.memref_slice %arg5[%add3A_786, %dma_start3A_814] : memref<819200x64xf32, #tpu.memory_space<hbm>> -> memref<128x64xf32, #tpu.memory_space<hbm>>
      %dma_start3A_816 = arith.constant 0 : i32
      %dma_start3A_817 = arith.constant 0 : i32
      %dma_start3A_818 = tpu.memref_slice %arg8[%dma_start3A_804, %dma_start3A_816, %dma_start3A_817] : memref<8x128x64xf32, #tpu.memory_space<vmem>> -> memref<1x128x64xf32, #tpu.memory_space<vmem>>
      %dma_start3A_819 = tpu.memref_squeeze %dma_start3A_818 : memref<1x128x64xf32, #tpu.memory_space<vmem>> -> memref<128x64xf32, #tpu.memory_space<vmem>>
      tpu.enqueue_dma source(%dma_start3A_819 : memref<128x64xf32, #tpu.memory_space<vmem>>) target(%dma_start3A_815 : memref<128x64xf32, #tpu.memory_space<hbm>>) target_semaphore(%dma_start3A_813 : memref<!tpu.dma_semaphore, #tpu.memory_space<semaphore_mem>>)
      %add3A_820 = arith.constant 4 : i32
      %add3A_821 = arith.addi %mul3A_248, %add3A_820 : i32
      %add3A_822 = arith.constant 8 : i32
      %add3A_823 = arith.addi %add3A_821, %add3A_822 : i32
      %sub3A_824 = arith.constant 1 : i32
      %sub3A_825 = arith.subi %add3A_823, %sub3A_824 : i32
      %lt3A_826 = arith.constant 200 : i32
      %lt3A_827 = arith.cmpi slt, %sub3A_825, %lt3A_826 : i32
      %convert_element_type3A_828 = arith.extui %lt3A_827 : i1 to i32
      %cond3A_829 = arith.constant 0 : i32
      %cond3A_830 = arith.cmpi ne, %convert_element_type3A_828, %cond3A_829 : i32
      scf.if %cond3A_830 {
        %ge3A = arith.constant 1 : i32
        %ge3A_1404 = arith.cmpi sge, %add3A_821, %ge3A : i32
        %convert_element_type3A_1405 = arith.extui %ge3A_1404 : i1 to i32
        %cond3A_1406 = arith.constant 0 : i32
        %cond3A_1407 = arith.cmpi ne, %convert_element_type3A_1405, %cond3A_1406 : i32
        scf.if %cond3A_1407 {
          %dma_wait3A_1426 = arith.constant 3 : i32
          %dma_wait3A_1427 = arith.constant 3 : i32
          %dma_wait3A_1428 = arith.constant 0 : i32
          %dma_wait3A_1429 = arith.constant 0 : i32
          %dma_wait3A_1430 = tpu.memref_slice %arg8[%dma_wait3A_1426, %dma_wait3A_1428, %dma_wait3A_1429] : memref<8x128x64xf32, #tpu.memory_space<vmem>> -> memref<1x128x64xf32, #tpu.memory_space<vmem>>
          %dma_wait3A_1431 = tpu.memref_squeeze %dma_wait3A_1430 : memref<1x128x64xf32, #tpu.memory_space<vmem>> -> memref<128x64xf32, #tpu.memory_space<vmem>>
          %dma_wait3A_1432 = arith.constant 0 : i32
          %dma_wait3A_1433 = arith.constant 0 : i32
          %dma_wait3A_1434 = tpu.memref_slice %arg5[%dma_wait3A_1432, %dma_wait3A_1433] : memref<819200x64xf32, #tpu.memory_space<hbm>> -> memref<128x64xf32, #tpu.memory_space<hbm>>
          %dma_wait3A_1435 = tpu.memref_slice %arg10[%dma_wait3A_1427] : memref<8x!tpu.dma_semaphore, #tpu.memory_space<semaphore_mem>> -> memref<1x!tpu.dma_semaphore, #tpu.memory_space<semaphore_mem>>
          %dma_wait3A_1436 = tpu.memref_squeeze %dma_wait3A_1435 : memref<1x!tpu.dma_semaphore, #tpu.memory_space<semaphore_mem>> -> memref<!tpu.dma_semaphore, #tpu.memory_space<semaphore_mem>>
          %dma_wait3A_1437 = arith.constant 0 : i32
          %dma_wait3A_1438 = arith.constant 0 : i32
          %dma_wait3A_1439 = tpu.memref_slice %arg5[%dma_wait3A_1437, %dma_wait3A_1438] : memref<819200x64xf32, #tpu.memory_space<hbm>> -> memref<128x64xf32, #tpu.memory_space<hbm>>
          %dma_wait3A_1440 = arith.constant 0 : i32
          %dma_wait3A_1441 = arith.constant 0 : i32
          %dma_wait3A_1442 = tpu.memref_slice %arg8[%dma_wait3A_1426, %dma_wait3A_1440, %dma_wait3A_1441] : memref<8x128x64xf32, #tpu.memory_space<vmem>> -> memref<1x128x64xf32, #tpu.memory_space<vmem>>
          %dma_wait3A_1443 = tpu.memref_squeeze %dma_wait3A_1442 : memref<1x128x64xf32, #tpu.memory_space<vmem>> -> memref<128x64xf32, #tpu.memory_space<vmem>>
          tpu.wait_dma2 semaphore(%dma_wait3A_1436 : memref<!tpu.dma_semaphore, #tpu.memory_space<semaphore_mem>>) src(%dma_wait3A_1443 : memref<128x64xf32, #tpu.memory_space<vmem>>) dst(%dma_wait3A_1439 : memref<128x64xf32, #tpu.memory_space<hbm>>)
        } else {
        }
        %add3A_1408 = arith.constant 8 : i32
        %add3A_1409 = arith.addi %add3A_821, %add3A_1408 : i32
        %sub3A_1410 = arith.constant 1 : i32
        %sub3A_1411 = arith.subi %add3A_1409, %sub3A_1410 : i32
        %mul3A_1412 = arith.constant 128 : i32
        %mul3A_1413 = arith.muli %sub3A_1411, %mul3A_1412 : i32
        %dma_start3A_1414 = arith.constant 3 : i32
        %dma_start3A_1415 = arith.constant 3 : i32
        %dma_start3A_1416 = arith.constant 0 : i32
        %dma_start3A_1417 = arith.constant 0 : i32
        %dma_start3A_1418 = tpu.memref_slice %arg8[%dma_start3A_1414, %dma_start3A_1416, %dma_start3A_1417] : memref<8x128x64xf32, #tpu.memory_space<vmem>> -> memref<1x128x64xf32, #tpu.memory_space<vmem>>
        %dma_start3A_1419 = tpu.memref_squeeze %dma_start3A_1418 : memref<1x128x64xf32, #tpu.memory_space<vmem>> -> memref<128x64xf32, #tpu.memory_space<vmem>>
        %dma_start3A_1420 = tpu.memref_slice %arg6[%mul3A_1413] : memref<25600xi32, #tpu.memory_space<vmem>> -> memref<128xi32, #tpu.memory_space<vmem>>
        %dma_start3A_1421 = arith.constant 0 : i32
        %dma_start3A_1422 = arith.constant 0 : i32
        %dma_start3A_1423 = tpu.memref_slice %arg2[%dma_start3A_1421, %dma_start3A_1422] : memref<1000000x64xf32, #tpu.memory_space<hbm>> -> memref<1000000x64xf32, #tpu.memory_space<hbm>>
        %dma_start3A_1424 = tpu.memref_slice %arg9[%dma_start3A_1415] : memref<8x!tpu.dma_semaphore, #tpu.memory_space<semaphore_mem>> -> memref<1x!tpu.dma_semaphore, #tpu.memory_space<semaphore_mem>>
        %dma_start3A_1425 = tpu.memref_squeeze %dma_start3A_1424 : memref<1x!tpu.dma_semaphore, #tpu.memory_space<semaphore_mem>> -> memref<!tpu.dma_semaphore, #tpu.memory_space<semaphore_mem>>
        tpu.enqueue_indirect_dma source(%dma_start3A_1423 : memref<1000000x64xf32, #tpu.memory_space<hbm>>) target(%dma_start3A_1419 : memref<128x64xf32, #tpu.memory_space<vmem>>) offsets(%dma_start3A_1420 : memref<128xi32, #tpu.memory_space<vmem>>) semaphore(%dma_start3A_1425 : memref<!tpu.dma_semaphore, #tpu.memory_space<semaphore_mem>>)
      } else {
      }
      %dma_wait3A_831 = arith.constant 4 : i32
      %dma_wait3A_832 = arith.constant 4 : i32
      %dma_wait3A_833 = arith.constant 0 : i32
      %dma_wait3A_834 = arith.constant 0 : i32
      %dma_wait3A_835 = tpu.memref_slice %arg8[%dma_wait3A_831, %dma_wait3A_833, %dma_wait3A_834] : memref<8x128x64xf32, #tpu.memory_space<vmem>> -> memref<1x128x64xf32, #tpu.memory_space<vmem>>
      %dma_wait3A_836 = tpu.memref_squeeze %dma_wait3A_835 : memref<1x128x64xf32, #tpu.memory_space<vmem>> -> memref<128x64xf32, #tpu.memory_space<vmem>>
      %dma_wait3A_837 = arith.constant 0 : i32
      %dma_wait3A_838 = tpu.memref_slice %arg6[%dma_wait3A_837] : memref<25600xi32, #tpu.memory_space<vmem>> -> memref<128xi32, #tpu.memory_space<vmem>>
      %dma_wait3A_839 = arith.constant 0 : i32
      %dma_wait3A_840 = arith.constant 0 : i32
      %dma_wait3A_841 = tpu.memref_slice %arg2[%dma_wait3A_839, %dma_wait3A_840] : memref<1000000x64xf32, #tpu.memory_space<hbm>> -> memref<1000000x64xf32, #tpu.memory_space<hbm>>
      %dma_wait3A_842 = tpu.memref_slice %arg9[%dma_wait3A_832] : memref<8x!tpu.dma_semaphore, #tpu.memory_space<semaphore_mem>> -> memref<1x!tpu.dma_semaphore, #tpu.memory_space<semaphore_mem>>
      %dma_wait3A_843 = tpu.memref_squeeze %dma_wait3A_842 : memref<1x!tpu.dma_semaphore, #tpu.memory_space<semaphore_mem>> -> memref<!tpu.dma_semaphore, #tpu.memory_space<semaphore_mem>>
      tpu.wait_indirect_dma semaphore(%dma_wait3A_843 : memref<!tpu.dma_semaphore, #tpu.memory_space<semaphore_mem>>) src(%dma_wait3A_841 : memref<1000000x64xf32, #tpu.memory_space<hbm>>) dst(%dma_wait3A_836 : memref<128x64xf32, #tpu.memory_space<vmem>>)
      %add3A_844 = arith.addi %mul3A_4, %add3A_821 : i32
      %jit3A_845 = arith.constant 8 : i32
      %div3A_846 = arith.divsi %add3A_844, %jit3A_845 : i32
      %sign3A_847 = arith.constant 0 : i32
      %sign3A_848 = arith.cmpi sgt, %add3A_844, %sign3A_847 : i32
      %sign3A_849 = arith.extui %sign3A_848 : i1 to i32
      %sign3A_850 = arith.constant 0 : i32
      %sign3A_851 = arith.cmpi slt, %add3A_844, %sign3A_850 : i32
      %sign3A_852 = arith.extui %sign3A_851 : i1 to i32
      %sign3A_853 = arith.subi %sign3A_849, %sign3A_852 : i32
      %sign3A_854 = arith.constant 0 : i32
      %sign3A_855 = arith.cmpi sgt, %jit3A_845, %sign3A_854 : i32
      %sign3A_856 = arith.extui %sign3A_855 : i1 to i32
      %sign3A_857 = arith.constant 0 : i32
      %sign3A_858 = arith.cmpi slt, %jit3A_845, %sign3A_857 : i32
      %sign3A_859 = arith.extui %sign3A_858 : i1 to i32
      %sign3A_860 = arith.subi %sign3A_856, %sign3A_859 : i32
      %ne3A_861 = arith.cmpi ne, %sign3A_853, %sign3A_860 : i32
      %rem3A_862 = arith.remsi %add3A_844, %jit3A_845 : i32
      %ne3A_863 = arith.constant 0 : i32
      %ne3A_864 = arith.cmpi ne, %rem3A_862, %ne3A_863 : i32
      %and3A_865 = arith.andi %ne3A_861, %ne3A_864 : i1
      %sub3A_866 = arith.constant 1 : i32
      %sub3A_867 = arith.subi %div3A_846, %sub3A_866 : i32
      %select_n3A_868 = arith.select %and3A_865, %sub3A_867, %div3A_846 : i32
      %jit3A_869 = arith.constant 32 : i32
      %div3A_870 = arith.divsi %select_n3A_868, %jit3A_869 : i32
      %sign3A_871 = arith.constant 0 : i32
      %sign3A_872 = arith.cmpi sgt, %select_n3A_868, %sign3A_871 : i32
      %sign3A_873 = arith.extui %sign3A_872 : i1 to i32
      %sign3A_874 = arith.constant 0 : i32
      %sign3A_875 = arith.cmpi slt, %select_n3A_868, %sign3A_874 : i32
      %sign3A_876 = arith.extui %sign3A_875 : i1 to i32
      %sign3A_877 = arith.subi %sign3A_873, %sign3A_876 : i32
      %sign3A_878 = arith.constant 0 : i32
      %sign3A_879 = arith.cmpi sgt, %jit3A_869, %sign3A_878 : i32
      %sign3A_880 = arith.extui %sign3A_879 : i1 to i32
      %sign3A_881 = arith.constant 0 : i32
      %sign3A_882 = arith.cmpi slt, %jit3A_869, %sign3A_881 : i32
      %sign3A_883 = arith.extui %sign3A_882 : i1 to i32
      %sign3A_884 = arith.subi %sign3A_880, %sign3A_883 : i32
      %ne3A_885 = arith.cmpi ne, %sign3A_877, %sign3A_884 : i32
      %rem3A_886 = arith.remsi %select_n3A_868, %jit3A_869 : i32
      %ne3A_887 = arith.constant 0 : i32
      %ne3A_888 = arith.cmpi ne, %rem3A_886, %ne3A_887 : i32
      %and3A_889 = arith.andi %ne3A_885, %ne3A_888 : i1
      %sub3A_890 = arith.constant 1 : i32
      %sub3A_891 = arith.subi %div3A_870, %sub3A_890 : i32
      %select_n3A_892 = arith.select %and3A_889, %sub3A_891, %div3A_870 : i32
      %mul3A_893 = arith.constant 8 : i32
      %mul3A_894 = arith.muli %mul3A_893, %select_n3A_892 : i32
      %jit3A_895 = arith.constant 8 : i32
      %eq3A_896 = arith.constant 0 : i32
      %eq3A_897 = arith.cmpi eq, %jit3A_895, %eq3A_896 : i32
      %jit3A_898 = arith.constant 1 : i32
      %select_n3A_899 = arith.select %eq3A_897, %jit3A_898, %jit3A_895 : i32
      %rem3A_900 = arith.remsi %add3A_844, %select_n3A_899 : i32
      %ne3A_901 = arith.constant 0 : i32
      %ne3A_902 = arith.cmpi ne, %rem3A_900, %ne3A_901 : i32
      %lt3A_903 = arith.constant 0 : i32
      %lt3A_904 = arith.cmpi slt, %rem3A_900, %lt3A_903 : i32
      %lt3A_905 = arith.constant 0 : i32
      %lt3A_906 = arith.cmpi slt, %select_n3A_899, %lt3A_905 : i32
      %ne3A_907 = arith.xori %lt3A_904, %lt3A_906 : i1
      %and3A_908 = arith.andi %ne3A_907, %ne3A_902 : i1
      %add3A_909 = arith.addi %rem3A_900, %select_n3A_899 : i32
      %select_n3A_910 = arith.select %and3A_908, %add3A_909, %rem3A_900 : i32
      %add3A_911 = arith.addi %mul3A_894, %select_n3A_910 : i32
      %mul3A_912 = arith.constant 4096 : i32
      %mul3A_913 = arith.muli %add3A_911, %mul3A_912 : i32
      %jit3A_914 = arith.constant 32 : i32
      %eq3A_915 = arith.constant 0 : i32
      %eq3A_916 = arith.cmpi eq, %jit3A_914, %eq3A_915 : i32
      %jit3A_917 = arith.constant 1 : i32
      %select_n3A_918 = arith.select %eq3A_916, %jit3A_917, %jit3A_914 : i32
      %rem3A_919 = arith.remsi %select_n3A_868, %select_n3A_918 : i32
      %ne3A_920 = arith.constant 0 : i32
      %ne3A_921 = arith.cmpi ne, %rem3A_919, %ne3A_920 : i32
      %lt3A_922 = arith.constant 0 : i32
      %lt3A_923 = arith.cmpi slt, %rem3A_919, %lt3A_922 : i32
      %lt3A_924 = arith.constant 0 : i32
      %lt3A_925 = arith.cmpi slt, %select_n3A_918, %lt3A_924 : i32
      %ne3A_926 = arith.xori %lt3A_923, %lt3A_925 : i1
      %and3A_927 = arith.andi %ne3A_926, %ne3A_921 : i1
      %add3A_928 = arith.addi %rem3A_919, %select_n3A_918 : i32
      %select_n3A_929 = arith.select %and3A_927, %add3A_928, %rem3A_919 : i32
      %mul3A_930 = arith.constant 128 : i32
      %mul3A_931 = arith.muli %select_n3A_929, %mul3A_930 : i32
      %add3A_932 = arith.addi %mul3A_913, %mul3A_931 : i32
      %get3A_933 = arith.index_cast %add3A_911 : i32 to index
      %get3A_934 = arith.constant 0 : index
      %get3A_935 = tpu.vector_load %arg7[%get3A_933, %get3A_934] {strides = array<i32>} : memref<200x64xf32, #tpu.memory_space<vmem>>, vector<16xf32>,
      %get3A_936 = arith.index_cast %add3A_911 : i32 to index
      %get3A_937 = arith.constant 16 : index
      %get3A_938 = tpu.vector_load %arg7[%get3A_936, %get3A_937] {strides = array<i32>} : memref<200x64xf32, #tpu.memory_space<vmem>>, vector<16xf32>,
      %get3A_939 = arith.index_cast %add3A_911 : i32 to index
      %get3A_940 = arith.constant 32 : index
      %get3A_941 = tpu.vector_load %arg7[%get3A_939, %get3A_940] {strides = array<i32>} : memref<200x64xf32, #tpu.memory_space<vmem>>, vector<16xf32>,
      %get3A_942 = arith.index_cast %add3A_911 : i32 to index
      %get3A_943 = arith.constant 48 : index
      %get3A_944 = tpu.vector_load %arg7[%get3A_942, %get3A_943] {strides = array<i32>} : memref<200x64xf32, #tpu.memory_space<vmem>>, vector<16xf32>,
      %scan3A_945 = arith.constant 0 : i32
      %scan3A_946 = arith.constant 128 : i32
      %scan3A_947 = arith.addi %scan3A_945, %scan3A_946 : i32
      %scan3A_948 = arith.constant 8 : i32
      scf.for %scan3A_1404 = %scan3A_945 to %scan3A_947 step %scan3A_948  : i32 {
        %mul3A_1405 = arith.constant 1 : i32
        %mul3A_1406 = arith.muli %scan3A_1404, %mul3A_1405 : i32
        %add3A_1407 = arith.constant 0 : i32
        %add3A_1408 = arith.addi %add3A_1407, %mul3A_1406 : i32
        %swap3A = arith.constant 4 : i32
        %swap3A_1409 = arith.index_cast %swap3A : i32 to index
        %swap3A_1410 = arith.index_cast %add3A_1408 : i32 to index
        %swap3A_1411 = arith.constant 0 : index
        %swap3A_1412 = tpu.vector_load %arg8[%swap3A_1409, %swap3A_1410, %swap3A_1411] {strides = array<i32>} : memref<8x128x64xf32, #tpu.memory_space<vmem>>, vector<16xf32>,
        tpu.vector_store %arg8[%swap3A_1409, %swap3A_1410, %swap3A_1411], %get3A_935 {add = true, strides = array<i32>} : memref<8x128x64xf32, #tpu.memory_space<vmem>>, vector<16xf32>,
        %swap3A_1413 = arith.constant 4 : i32
        %swap3A_1414 = arith.index_cast %swap3A_1413 : i32 to index
        %swap3A_1415 = arith.index_cast %add3A_1408 : i32 to index
        %swap3A_1416 = arith.constant 16 : index
        %swap3A_1417 = tpu.vector_load %arg8[%swap3A_1414, %swap3A_1415, %swap3A_1416] {strides = array<i32>} : memref<8x128x64xf32, #tpu.memory_space<vmem>>, vector<16xf32>,
        tpu.vector_store %arg8[%swap3A_1414, %swap3A_1415, %swap3A_1416], %get3A_938 {add = true, strides = array<i32>} : memref<8x128x64xf32, #tpu.memory_space<vmem>>, vector<16xf32>,
        %swap3A_1418 = arith.constant 4 : i32
        %swap3A_1419 = arith.index_cast %swap3A_1418 : i32 to index
        %swap3A_1420 = arith.index_cast %add3A_1408 : i32 to index
        %swap3A_1421 = arith.constant 32 : index
        %swap3A_1422 = tpu.vector_load %arg8[%swap3A_1419, %swap3A_1420, %swap3A_1421] {strides = array<i32>} : memref<8x128x64xf32, #tpu.memory_space<vmem>>, vector<16xf32>,
        tpu.vector_store %arg8[%swap3A_1419, %swap3A_1420, %swap3A_1421], %get3A_941 {add = true, strides = array<i32>} : memref<8x128x64xf32, #tpu.memory_space<vmem>>, vector<16xf32>,
        %swap3A_1423 = arith.constant 4 : i32
        %swap3A_1424 = arith.index_cast %swap3A_1423 : i32 to index
        %swap3A_1425 = arith.index_cast %add3A_1408 : i32 to index
        %swap3A_1426 = arith.constant 48 : index
        %swap3A_1427 = tpu.vector_load %arg8[%swap3A_1424, %swap3A_1425, %swap3A_1426] {strides = array<i32>} : memref<8x128x64xf32, #tpu.memory_space<vmem>>, vector<16xf32>,
        tpu.vector_store %arg8[%swap3A_1424, %swap3A_1425, %swap3A_1426], %get3A_944 {add = true, strides = array<i32>} : memref<8x128x64xf32, #tpu.memory_space<vmem>>, vector<16xf32>,
        %scan3A_1428 = arith.constant 1 : i32
        %scan3A_1429 = arith.addi %scan3A_1404, %scan3A_1428 : i32
        %mul3A_1430 = arith.constant 1 : i32
        %mul3A_1431 = arith.muli %scan3A_1429, %mul3A_1430 : i32
        %add3A_1432 = arith.constant 0 : i32
        %add3A_1433 = arith.addi %add3A_1432, %mul3A_1431 : i32
        %swap3A_1434 = arith.constant 4 : i32
        %swap3A_1435 = arith.index_cast %swap3A_1434 : i32 to index
        %swap3A_1436 = arith.index_cast %add3A_1433 : i32 to index
        %swap3A_1437 = arith.constant 0 : index
        %swap3A_1438 = tpu.vector_load %arg8[%swap3A_1435, %swap3A_1436, %swap3A_1437] {strides = array<i32>} : memref<8x128x64xf32, #tpu.memory_space<vmem>>, vector<16xf32>,
        tpu.vector_store %arg8[%swap3A_1435, %swap3A_1436, %swap3A_1437], %get3A_935 {add = true, strides = array<i32>} : memref<8x128x64xf32, #tpu.memory_space<vmem>>, vector<16xf32>,
        %swap3A_1439 = arith.constant 4 : i32
        %swap3A_1440 = arith.index_cast %swap3A_1439 : i32 to index
        %swap3A_1441 = arith.index_cast %add3A_1433 : i32 to index
        %swap3A_1442 = arith.constant 16 : index
        %swap3A_1443 = tpu.vector_load %arg8[%swap3A_1440, %swap3A_1441, %swap3A_1442] {strides = array<i32>} : memref<8x128x64xf32, #tpu.memory_space<vmem>>, vector<16xf32>,
        tpu.vector_store %arg8[%swap3A_1440, %swap3A_1441, %swap3A_1442], %get3A_938 {add = true, strides = array<i32>} : memref<8x128x64xf32, #tpu.memory_space<vmem>>, vector<16xf32>,
        %swap3A_1444 = arith.constant 4 : i32
        %swap3A_1445 = arith.index_cast %swap3A_1444 : i32 to index
        %swap3A_1446 = arith.index_cast %add3A_1433 : i32 to index
        %swap3A_1447 = arith.constant 32 : index
        %swap3A_1448 = tpu.vector_load %arg8[%swap3A_1445, %swap3A_1446, %swap3A_1447] {strides = array<i32>} : memref<8x128x64xf32, #tpu.memory_space<vmem>>, vector<16xf32>,
        tpu.vector_store %arg8[%swap3A_1445, %swap3A_1446, %swap3A_1447], %get3A_941 {add = true, strides = array<i32>} : memref<8x128x64xf32, #tpu.memory_space<vmem>>, vector<16xf32>,
        %swap3A_1449 = arith.constant 4 : i32
        %swap3A_1450 = arith.index_cast %swap3A_1449 : i32 to index
        %swap3A_1451 = arith.index_cast %add3A_1433 : i32 to index
        %swap3A_1452 = arith.constant 48 : index
        %swap3A_1453 = tpu.vector_load %arg8[%swap3A_1450, %swap3A_1451, %swap3A_1452] {strides = array<i32>} : memref<8x128x64xf32, #tpu.memory_space<vmem>>, vector<16xf32>,
        tpu.vector_store %arg8[%swap3A_1450, %swap3A_1451, %swap3A_1452], %get3A_944 {add = true, strides = array<i32>} : memref<8x128x64xf32, #tpu.memory_space<vmem>>, vector<16xf32>,
        %scan3A_1454 = arith.constant 2 : i32
        %scan3A_1455 = arith.addi %scan3A_1404, %scan3A_1454 : i32
        %mul3A_1456 = arith.constant 1 : i32
        %mul3A_1457 = arith.muli %scan3A_1455, %mul3A_1456 : i32
        %add3A_1458 = arith.constant 0 : i32
        %add3A_1459 = arith.addi %add3A_1458, %mul3A_1457 : i32
        %swap3A_1460 = arith.constant 4 : i32
        %swap3A_1461 = arith.index_cast %swap3A_1460 : i32 to index
        %swap3A_1462 = arith.index_cast %add3A_1459 : i32 to index
        %swap3A_1463 = arith.constant 0 : index
        %swap3A_1464 = tpu.vector_load %arg8[%swap3A_1461, %swap3A_1462, %swap3A_1463] {strides = array<i32>} : memref<8x128x64xf32, #tpu.memory_space<vmem>>, vector<16xf32>,
        tpu.vector_store %arg8[%swap3A_1461, %swap3A_1462, %swap3A_1463], %get3A_935 {add = true, strides = array<i32>} : memref<8x128x64xf32, #tpu.memory_space<vmem>>, vector<16xf32>,
        %swap3A_1465 = arith.constant 4 : i32
        %swap3A_1466 = arith.index_cast %swap3A_1465 : i32 to index
        %swap3A_1467 = arith.index_cast %add3A_1459 : i32 to index
        %swap3A_1468 = arith.constant 16 : index
        %swap3A_1469 = tpu.vector_load %arg8[%swap3A_1466, %swap3A_1467, %swap3A_1468] {strides = array<i32>} : memref<8x128x64xf32, #tpu.memory_space<vmem>>, vector<16xf32>,
        tpu.vector_store %arg8[%swap3A_1466, %swap3A_1467, %swap3A_1468], %get3A_938 {add = true, strides = array<i32>} : memref<8x128x64xf32, #tpu.memory_space<vmem>>, vector<16xf32>,
        %swap3A_1470 = arith.constant 4 : i32
        %swap3A_1471 = arith.index_cast %swap3A_1470 : i32 to index
        %swap3A_1472 = arith.index_cast %add3A_1459 : i32 to index
        %swap3A_1473 = arith.constant 32 : index
        %swap3A_1474 = tpu.vector_load %arg8[%swap3A_1471, %swap3A_1472, %swap3A_1473] {strides = array<i32>} : memref<8x128x64xf32, #tpu.memory_space<vmem>>, vector<16xf32>,
        tpu.vector_store %arg8[%swap3A_1471, %swap3A_1472, %swap3A_1473], %get3A_941 {add = true, strides = array<i32>} : memref<8x128x64xf32, #tpu.memory_space<vmem>>, vector<16xf32>,
        %swap3A_1475 = arith.constant 4 : i32
        %swap3A_1476 = arith.index_cast %swap3A_1475 : i32 to index
        %swap3A_1477 = arith.index_cast %add3A_1459 : i32 to index
        %swap3A_1478 = arith.constant 48 : index
        %swap3A_1479 = tpu.vector_load %arg8[%swap3A_1476, %swap3A_1477, %swap3A_1478] {strides = array<i32>} : memref<8x128x64xf32, #tpu.memory_space<vmem>>, vector<16xf32>,
        tpu.vector_store %arg8[%swap3A_1476, %swap3A_1477, %swap3A_1478], %get3A_944 {add = true, strides = array<i32>} : memref<8x128x64xf32, #tpu.memory_space<vmem>>, vector<16xf32>,
        %scan3A_1480 = arith.constant 3 : i32
        %scan3A_1481 = arith.addi %scan3A_1404, %scan3A_1480 : i32
        %mul3A_1482 = arith.constant 1 : i32
        %mul3A_1483 = arith.muli %scan3A_1481, %mul3A_1482 : i32
        %add3A_1484 = arith.constant 0 : i32
        %add3A_1485 = arith.addi %add3A_1484, %mul3A_1483 : i32
        %swap3A_1486 = arith.constant 4 : i32
        %swap3A_1487 = arith.index_cast %swap3A_1486 : i32 to index
        %swap3A_1488 = arith.index_cast %add3A_1485 : i32 to index
        %swap3A_1489 = arith.constant 0 : index
        %swap3A_1490 = tpu.vector_load %arg8[%swap3A_1487, %swap3A_1488, %swap3A_1489] {strides = array<i32>} : memref<8x128x64xf32, #tpu.memory_space<vmem>>, vector<16xf32>,
        tpu.vector_store %arg8[%swap3A_1487, %swap3A_1488, %swap3A_1489], %get3A_935 {add = true, strides = array<i32>} : memref<8x128x64xf32, #tpu.memory_space<vmem>>, vector<16xf32>,
        %swap3A_1491 = arith.constant 4 : i32
        %swap3A_1492 = arith.index_cast %swap3A_1491 : i32 to index
        %swap3A_1493 = arith.index_cast %add3A_1485 : i32 to index
        %swap3A_1494 = arith.constant 16 : index
        %swap3A_1495 = tpu.vector_load %arg8[%swap3A_1492, %swap3A_1493, %swap3A_1494] {strides = array<i32>} : memref<8x128x64xf32, #tpu.memory_space<vmem>>, vector<16xf32>,
        tpu.vector_store %arg8[%swap3A_1492, %swap3A_1493, %swap3A_1494], %get3A_938 {add = true, strides = array<i32>} : memref<8x128x64xf32, #tpu.memory_space<vmem>>, vector<16xf32>,
        %swap3A_1496 = arith.constant 4 : i32
        %swap3A_1497 = arith.index_cast %swap3A_1496 : i32 to index
        %swap3A_1498 = arith.index_cast %add3A_1485 : i32 to index
        %swap3A_1499 = arith.constant 32 : index
        %swap3A_1500 = tpu.vector_load %arg8[%swap3A_1497, %swap3A_1498, %swap3A_1499] {strides = array<i32>} : memref<8x128x64xf32, #tpu.memory_space<vmem>>, vector<16xf32>,
        tpu.vector_store %arg8[%swap3A_1497, %swap3A_1498, %swap3A_1499], %get3A_941 {add = true, strides = array<i32>} : memref<8x128x64xf32, #tpu.memory_space<vmem>>, vector<16xf32>,
        %swap3A_1501 = arith.constant 4 : i32
        %swap3A_1502 = arith.index_cast %swap3A_1501 : i32 to index
        %swap3A_1503 = arith.index_cast %add3A_1485 : i32 to index
        %swap3A_1504 = arith.constant 48 : index
        %swap3A_1505 = tpu.vector_load %arg8[%swap3A_1502, %swap3A_1503, %swap3A_1504] {strides = array<i32>} : memref<8x128x64xf32, #tpu.memory_space<vmem>>, vector<16xf32>,
        tpu.vector_store %arg8[%swap3A_1502, %swap3A_1503, %swap3A_1504], %get3A_944 {add = true, strides = array<i32>} : memref<8x128x64xf32, #tpu.memory_space<vmem>>, vector<16xf32>,
        %scan3A_1506 = arith.constant 4 : i32
        %scan3A_1507 = arith.addi %scan3A_1404, %scan3A_1506 : i32
        %mul3A_1508 = arith.constant 1 : i32
        %mul3A_1509 = arith.muli %scan3A_1507, %mul3A_1508 : i32
        %add3A_1510 = arith.constant 0 : i32
        %add3A_1511 = arith.addi %add3A_1510, %mul3A_1509 : i32
        %swap3A_1512 = arith.constant 4 : i32
        %swap3A_1513 = arith.index_cast %swap3A_1512 : i32 to index
        %swap3A_1514 = arith.index_cast %add3A_1511 : i32 to index
        %swap3A_1515 = arith.constant 0 : index
        %swap3A_1516 = tpu.vector_load %arg8[%swap3A_1513, %swap3A_1514, %swap3A_1515] {strides = array<i32>} : memref<8x128x64xf32, #tpu.memory_space<vmem>>, vector<16xf32>,
        tpu.vector_store %arg8[%swap3A_1513, %swap3A_1514, %swap3A_1515], %get3A_935 {add = true, strides = array<i32>} : memref<8x128x64xf32, #tpu.memory_space<vmem>>, vector<16xf32>,
        %swap3A_1517 = arith.constant 4 : i32
        %swap3A_1518 = arith.index_cast %swap3A_1517 : i32 to index
        %swap3A_1519 = arith.index_cast %add3A_1511 : i32 to index
        %swap3A_1520 = arith.constant 16 : index
        %swap3A_1521 = tpu.vector_load %arg8[%swap3A_1518, %swap3A_1519, %swap3A_1520] {strides = array<i32>} : memref<8x128x64xf32, #tpu.memory_space<vmem>>, vector<16xf32>,
        tpu.vector_store %arg8[%swap3A_1518, %swap3A_1519, %swap3A_1520], %get3A_938 {add = true, strides = array<i32>} : memref<8x128x64xf32, #tpu.memory_space<vmem>>, vector<16xf32>,
        %swap3A_1522 = arith.constant 4 : i32
        %swap3A_1523 = arith.index_cast %swap3A_1522 : i32 to index
        %swap3A_1524 = arith.index_cast %add3A_1511 : i32 to index
        %swap3A_1525 = arith.constant 32 : index
        %swap3A_1526 = tpu.vector_load %arg8[%swap3A_1523, %swap3A_1524, %swap3A_1525] {strides = array<i32>} : memref<8x128x64xf32, #tpu.memory_space<vmem>>, vector<16xf32>,
        tpu.vector_store %arg8[%swap3A_1523, %swap3A_1524, %swap3A_1525], %get3A_941 {add = true, strides = array<i32>} : memref<8x128x64xf32, #tpu.memory_space<vmem>>, vector<16xf32>,
        %swap3A_1527 = arith.constant 4 : i32
        %swap3A_1528 = arith.index_cast %swap3A_1527 : i32 to index
        %swap3A_1529 = arith.index_cast %add3A_1511 : i32 to index
        %swap3A_1530 = arith.constant 48 : index
        %swap3A_1531 = tpu.vector_load %arg8[%swap3A_1528, %swap3A_1529, %swap3A_1530] {strides = array<i32>} : memref<8x128x64xf32, #tpu.memory_space<vmem>>, vector<16xf32>,
        tpu.vector_store %arg8[%swap3A_1528, %swap3A_1529, %swap3A_1530], %get3A_944 {add = true, strides = array<i32>} : memref<8x128x64xf32, #tpu.memory_space<vmem>>, vector<16xf32>,
        %scan3A_1532 = arith.constant 5 : i32
        %scan3A_1533 = arith.addi %scan3A_1404, %scan3A_1532 : i32
        %mul3A_1534 = arith.constant 1 : i32
        %mul3A_1535 = arith.muli %scan3A_1533, %mul3A_1534 : i32
        %add3A_1536 = arith.constant 0 : i32
        %add3A_1537 = arith.addi %add3A_1536, %mul3A_1535 : i32
        %swap3A_1538 = arith.constant 4 : i32
        %swap3A_1539 = arith.index_cast %swap3A_1538 : i32 to index
        %swap3A_1540 = arith.index_cast %add3A_1537 : i32 to index
        %swap3A_1541 = arith.constant 0 : index
        %swap3A_1542 = tpu.vector_load %arg8[%swap3A_1539, %swap3A_1540, %swap3A_1541] {strides = array<i32>} : memref<8x128x64xf32, #tpu.memory_space<vmem>>, vector<16xf32>,
        tpu.vector_store %arg8[%swap3A_1539, %swap3A_1540, %swap3A_1541], %get3A_935 {add = true, strides = array<i32>} : memref<8x128x64xf32, #tpu.memory_space<vmem>>, vector<16xf32>,
        %swap3A_1543 = arith.constant 4 : i32
        %swap3A_1544 = arith.index_cast %swap3A_1543 : i32 to index
        %swap3A_1545 = arith.index_cast %add3A_1537 : i32 to index
        %swap3A_1546 = arith.constant 16 : index
        %swap3A_1547 = tpu.vector_load %arg8[%swap3A_1544, %swap3A_1545, %swap3A_1546] {strides = array<i32>} : memref<8x128x64xf32, #tpu.memory_space<vmem>>, vector<16xf32>,
        tpu.vector_store %arg8[%swap3A_1544, %swap3A_1545, %swap3A_1546], %get3A_938 {add = true, strides = array<i32>} : memref<8x128x64xf32, #tpu.memory_space<vmem>>, vector<16xf32>,
        %swap3A_1548 = arith.constant 4 : i32
        %swap3A_1549 = arith.index_cast %swap3A_1548 : i32 to index
        %swap3A_1550 = arith.index_cast %add3A_1537 : i32 to index
        %swap3A_1551 = arith.constant 32 : index
        %swap3A_1552 = tpu.vector_load %arg8[%swap3A_1549, %swap3A_1550, %swap3A_1551] {strides = array<i32>} : memref<8x128x64xf32, #tpu.memory_space<vmem>>, vector<16xf32>,
        tpu.vector_store %arg8[%swap3A_1549, %swap3A_1550, %swap3A_1551], %get3A_941 {add = true, strides = array<i32>} : memref<8x128x64xf32, #tpu.memory_space<vmem>>, vector<16xf32>,
        %swap3A_1553 = arith.constant 4 : i32
        %swap3A_1554 = arith.index_cast %swap3A_1553 : i32 to index
        %swap3A_1555 = arith.index_cast %add3A_1537 : i32 to index
        %swap3A_1556 = arith.constant 48 : index
        %swap3A_1557 = tpu.vector_load %arg8[%swap3A_1554, %swap3A_1555, %swap3A_1556] {strides = array<i32>} : memref<8x128x64xf32, #tpu.memory_space<vmem>>, vector<16xf32>,
        tpu.vector_store %arg8[%swap3A_1554, %swap3A_1555, %swap3A_1556], %get3A_944 {add = true, strides = array<i32>} : memref<8x128x64xf32, #tpu.memory_space<vmem>>, vector<16xf32>,
        %scan3A_1558 = arith.constant 6 : i32
        %scan3A_1559 = arith.addi %scan3A_1404, %scan3A_1558 : i32
        %mul3A_1560 = arith.constant 1 : i32
        %mul3A_1561 = arith.muli %scan3A_1559, %mul3A_1560 : i32
        %add3A_1562 = arith.constant 0 : i32
        %add3A_1563 = arith.addi %add3A_1562, %mul3A_1561 : i32
        %swap3A_1564 = arith.constant 4 : i32
        %swap3A_1565 = arith.index_cast %swap3A_1564 : i32 to index
        %swap3A_1566 = arith.index_cast %add3A_1563 : i32 to index
        %swap3A_1567 = arith.constant 0 : index
        %swap3A_1568 = tpu.vector_load %arg8[%swap3A_1565, %swap3A_1566, %swap3A_1567] {strides = array<i32>} : memref<8x128x64xf32, #tpu.memory_space<vmem>>, vector<16xf32>,
        tpu.vector_store %arg8[%swap3A_1565, %swap3A_1566, %swap3A_1567], %get3A_935 {add = true, strides = array<i32>} : memref<8x128x64xf32, #tpu.memory_space<vmem>>, vector<16xf32>,
        %swap3A_1569 = arith.constant 4 : i32
        %swap3A_1570 = arith.index_cast %swap3A_1569 : i32 to index
        %swap3A_1571 = arith.index_cast %add3A_1563 : i32 to index
        %swap3A_1572 = arith.constant 16 : index
        %swap3A_1573 = tpu.vector_load %arg8[%swap3A_1570, %swap3A_1571, %swap3A_1572] {strides = array<i32>} : memref<8x128x64xf32, #tpu.memory_space<vmem>>, vector<16xf32>,
        tpu.vector_store %arg8[%swap3A_1570, %swap3A_1571, %swap3A_1572], %get3A_938 {add = true, strides = array<i32>} : memref<8x128x64xf32, #tpu.memory_space<vmem>>, vector<16xf32>,
        %swap3A_1574 = arith.constant 4 : i32
        %swap3A_1575 = arith.index_cast %swap3A_1574 : i32 to index
        %swap3A_1576 = arith.index_cast %add3A_1563 : i32 to index
        %swap3A_1577 = arith.constant 32 : index
        %swap3A_1578 = tpu.vector_load %arg8[%swap3A_1575, %swap3A_1576, %swap3A_1577] {strides = array<i32>} : memref<8x128x64xf32, #tpu.memory_space<vmem>>, vector<16xf32>,
        tpu.vector_store %arg8[%swap3A_1575, %swap3A_1576, %swap3A_1577], %get3A_941 {add = true, strides = array<i32>} : memref<8x128x64xf32, #tpu.memory_space<vmem>>, vector<16xf32>,
        %swap3A_1579 = arith.constant 4 : i32
        %swap3A_1580 = arith.index_cast %swap3A_1579 : i32 to index
        %swap3A_1581 = arith.index_cast %add3A_1563 : i32 to index
        %swap3A_1582 = arith.constant 48 : index
        %swap3A_1583 = tpu.vector_load %arg8[%swap3A_1580, %swap3A_1581, %swap3A_1582] {strides = array<i32>} : memref<8x128x64xf32, #tpu.memory_space<vmem>>, vector<16xf32>,
        tpu.vector_store %arg8[%swap3A_1580, %swap3A_1581, %swap3A_1582], %get3A_944 {add = true, strides = array<i32>} : memref<8x128x64xf32, #tpu.memory_space<vmem>>, vector<16xf32>,
        %scan3A_1584 = arith.constant 7 : i32
        %scan3A_1585 = arith.addi %scan3A_1404, %scan3A_1584 : i32
        %mul3A_1586 = arith.constant 1 : i32
        %mul3A_1587 = arith.muli %scan3A_1585, %mul3A_1586 : i32
        %add3A_1588 = arith.constant 0 : i32
        %add3A_1589 = arith.addi %add3A_1588, %mul3A_1587 : i32
        %swap3A_1590 = arith.constant 4 : i32
        %swap3A_1591 = arith.index_cast %swap3A_1590 : i32 to index
        %swap3A_1592 = arith.index_cast %add3A_1589 : i32 to index
        %swap3A_1593 = arith.constant 0 : index
        %swap3A_1594 = tpu.vector_load %arg8[%swap3A_1591, %swap3A_1592, %swap3A_1593] {strides = array<i32>} : memref<8x128x64xf32, #tpu.memory_space<vmem>>, vector<16xf32>,
        tpu.vector_store %arg8[%swap3A_1591, %swap3A_1592, %swap3A_1593], %get3A_935 {add = true, strides = array<i32>} : memref<8x128x64xf32, #tpu.memory_space<vmem>>, vector<16xf32>,
        %swap3A_1595 = arith.constant 4 : i32
        %swap3A_1596 = arith.index_cast %swap3A_1595 : i32 to index
        %swap3A_1597 = arith.index_cast %add3A_1589 : i32 to index
        %swap3A_1598 = arith.constant 16 : index
        %swap3A_1599 = tpu.vector_load %arg8[%swap3A_1596, %swap3A_1597, %swap3A_1598] {strides = array<i32>} : memref<8x128x64xf32, #tpu.memory_space<vmem>>, vector<16xf32>,
        tpu.vector_store %arg8[%swap3A_1596, %swap3A_1597, %swap3A_1598], %get3A_938 {add = true, strides = array<i32>} : memref<8x128x64xf32, #tpu.memory_space<vmem>>, vector<16xf32>,
        %swap3A_1600 = arith.constant 4 : i32
        %swap3A_1601 = arith.index_cast %swap3A_1600 : i32 to index
        %swap3A_1602 = arith.index_cast %add3A_1589 : i32 to index
        %swap3A_1603 = arith.constant 32 : index
        %swap3A_1604 = tpu.vector_load %arg8[%swap3A_1601, %swap3A_1602, %swap3A_1603] {strides = array<i32>} : memref<8x128x64xf32, #tpu.memory_space<vmem>>, vector<16xf32>,
        tpu.vector_store %arg8[%swap3A_1601, %swap3A_1602, %swap3A_1603], %get3A_941 {add = true, strides = array<i32>} : memref<8x128x64xf32, #tpu.memory_space<vmem>>, vector<16xf32>,
        %swap3A_1605 = arith.constant 4 : i32
        %swap3A_1606 = arith.index_cast %swap3A_1605 : i32 to index
        %swap3A_1607 = arith.index_cast %add3A_1589 : i32 to index
        %swap3A_1608 = arith.constant 48 : index
        %swap3A_1609 = tpu.vector_load %arg8[%swap3A_1606, %swap3A_1607, %swap3A_1608] {strides = array<i32>} : memref<8x128x64xf32, #tpu.memory_space<vmem>>, vector<16xf32>,
        tpu.vector_store %arg8[%swap3A_1606, %swap3A_1607, %swap3A_1608], %get3A_944 {add = true, strides = array<i32>} : memref<8x128x64xf32, #tpu.memory_space<vmem>>, vector<16xf32>,
      }
      %scan3A_949 = arith.constant 128 : i32
      %dma_start3A_950 = arith.constant 4 : i32
      %dma_start3A_951 = arith.constant 4 : i32
      %dma_start3A_952 = arith.constant 0 : i32
      %dma_start3A_953 = arith.constant 0 : i32
      %dma_start3A_954 = tpu.memref_slice %arg8[%dma_start3A_950, %dma_start3A_952, %dma_start3A_953] : memref<8x128x64xf32, #tpu.memory_space<vmem>> -> memref<1x128x64xf32, #tpu.memory_space<vmem>>
      %dma_start3A_955 = tpu.memref_squeeze %dma_start3A_954 : memref<1x128x64xf32, #tpu.memory_space<vmem>> -> memref<128x64xf32, #tpu.memory_space<vmem>>
      %dma_start3A_956 = arith.constant 0 : i32
      %dma_start3A_957 = tpu.memref_slice %arg5[%add3A_932, %dma_start3A_956] : memref<819200x64xf32, #tpu.memory_space<hbm>> -> memref<128x64xf32, #tpu.memory_space<hbm>>
      %dma_start3A_958 = tpu.memref_slice %arg10[%dma_start3A_951] : memref<8x!tpu.dma_semaphore, #tpu.memory_space<semaphore_mem>> -> memref<1x!tpu.dma_semaphore, #tpu.memory_space<semaphore_mem>>
      %dma_start3A_959 = tpu.memref_squeeze %dma_start3A_958 : memref<1x!tpu.dma_semaphore, #tpu.memory_space<semaphore_mem>> -> memref<!tpu.dma_semaphore, #tpu.memory_space<semaphore_mem>>
      %dma_start3A_960 = arith.constant 0 : i32
      %dma_start3A_961 = tpu.memref_slice %arg5[%add3A_932, %dma_start3A_960] : memref<819200x64xf32, #tpu.memory_space<hbm>> -> memref<128x64xf32, #tpu.memory_space<hbm>>
      %dma_start3A_962 = arith.constant 0 : i32
      %dma_start3A_963 = arith.constant 0 : i32
      %dma_start3A_964 = tpu.memref_slice %arg8[%dma_start3A_950, %dma_start3A_962, %dma_start3A_963] : memref<8x128x64xf32, #tpu.memory_space<vmem>> -> memref<1x128x64xf32, #tpu.memory_space<vmem>>
      %dma_start3A_965 = tpu.memref_squeeze %dma_start3A_964 : memref<1x128x64xf32, #tpu.memory_space<vmem>> -> memref<128x64xf32, #tpu.memory_space<vmem>>
      tpu.enqueue_dma source(%dma_start3A_965 : memref<128x64xf32, #tpu.memory_space<vmem>>) target(%dma_start3A_961 : memref<128x64xf32, #tpu.memory_space<hbm>>) target_semaphore(%dma_start3A_959 : memref<!tpu.dma_semaphore, #tpu.memory_space<semaphore_mem>>)
      %add3A_966 = arith.constant 5 : i32
      %add3A_967 = arith.addi %mul3A_248, %add3A_966 : i32
      %add3A_968 = arith.constant 8 : i32
      %add3A_969 = arith.addi %add3A_967, %add3A_968 : i32
      %sub3A_970 = arith.constant 1 : i32
      %sub3A_971 = arith.subi %add3A_969, %sub3A_970 : i32
      %lt3A_972 = arith.constant 200 : i32
      %lt3A_973 = arith.cmpi slt, %sub3A_971, %lt3A_972 : i32
      %convert_element_type3A_974 = arith.extui %lt3A_973 : i1 to i32
      %cond3A_975 = arith.constant 0 : i32
      %cond3A_976 = arith.cmpi ne, %convert_element_type3A_974, %cond3A_975 : i32
      scf.if %cond3A_976 {
        %ge3A = arith.constant 1 : i32
        %ge3A_1404 = arith.cmpi sge, %add3A_967, %ge3A : i32
        %convert_element_type3A_1405 = arith.extui %ge3A_1404 : i1 to i32
        %cond3A_1406 = arith.constant 0 : i32
        %cond3A_1407 = arith.cmpi ne, %convert_element_type3A_1405, %cond3A_1406 : i32
        scf.if %cond3A_1407 {
          %dma_wait3A_1426 = arith.constant 4 : i32
          %dma_wait3A_1427 = arith.constant 4 : i32
          %dma_wait3A_1428 = arith.constant 0 : i32
          %dma_wait3A_1429 = arith.constant 0 : i32
          %dma_wait3A_1430 = tpu.memref_slice %arg8[%dma_wait3A_1426, %dma_wait3A_1428, %dma_wait3A_1429] : memref<8x128x64xf32, #tpu.memory_space<vmem>> -> memref<1x128x64xf32, #tpu.memory_space<vmem>>
          %dma_wait3A_1431 = tpu.memref_squeeze %dma_wait3A_1430 : memref<1x128x64xf32, #tpu.memory_space<vmem>> -> memref<128x64xf32, #tpu.memory_space<vmem>>
          %dma_wait3A_1432 = arith.constant 0 : i32
          %dma_wait3A_1433 = arith.constant 0 : i32
          %dma_wait3A_1434 = tpu.memref_slice %arg5[%dma_wait3A_1432, %dma_wait3A_1433] : memref<819200x64xf32, #tpu.memory_space<hbm>> -> memref<128x64xf32, #tpu.memory_space<hbm>>
          %dma_wait3A_1435 = tpu.memref_slice %arg10[%dma_wait3A_1427] : memref<8x!tpu.dma_semaphore, #tpu.memory_space<semaphore_mem>> -> memref<1x!tpu.dma_semaphore, #tpu.memory_space<semaphore_mem>>
          %dma_wait3A_1436 = tpu.memref_squeeze %dma_wait3A_1435 : memref<1x!tpu.dma_semaphore, #tpu.memory_space<semaphore_mem>> -> memref<!tpu.dma_semaphore, #tpu.memory_space<semaphore_mem>>
          %dma_wait3A_1437 = arith.constant 0 : i32
          %dma_wait3A_1438 = arith.constant 0 : i32
          %dma_wait3A_1439 = tpu.memref_slice %arg5[%dma_wait3A_1437, %dma_wait3A_1438] : memref<819200x64xf32, #tpu.memory_space<hbm>> -> memref<128x64xf32, #tpu.memory_space<hbm>>
          %dma_wait3A_1440 = arith.constant 0 : i32
          %dma_wait3A_1441 = arith.constant 0 : i32
          %dma_wait3A_1442 = tpu.memref_slice %arg8[%dma_wait3A_1426, %dma_wait3A_1440, %dma_wait3A_1441] : memref<8x128x64xf32, #tpu.memory_space<vmem>> -> memref<1x128x64xf32, #tpu.memory_space<vmem>>
          %dma_wait3A_1443 = tpu.memref_squeeze %dma_wait3A_1442 : memref<1x128x64xf32, #tpu.memory_space<vmem>> -> memref<128x64xf32, #tpu.memory_space<vmem>>
          tpu.wait_dma2 semaphore(%dma_wait3A_1436 : memref<!tpu.dma_semaphore, #tpu.memory_space<semaphore_mem>>) src(%dma_wait3A_1443 : memref<128x64xf32, #tpu.memory_space<vmem>>) dst(%dma_wait3A_1439 : memref<128x64xf32, #tpu.memory_space<hbm>>)
        } else {
        }
        %add3A_1408 = arith.constant 8 : i32
        %add3A_1409 = arith.addi %add3A_967, %add3A_1408 : i32
        %sub3A_1410 = arith.constant 1 : i32
        %sub3A_1411 = arith.subi %add3A_1409, %sub3A_1410 : i32
        %mul3A_1412 = arith.constant 128 : i32
        %mul3A_1413 = arith.muli %sub3A_1411, %mul3A_1412 : i32
        %dma_start3A_1414 = arith.constant 4 : i32
        %dma_start3A_1415 = arith.constant 4 : i32
        %dma_start3A_1416 = arith.constant 0 : i32
        %dma_start3A_1417 = arith.constant 0 : i32
        %dma_start3A_1418 = tpu.memref_slice %arg8[%dma_start3A_1414, %dma_start3A_1416, %dma_start3A_1417] : memref<8x128x64xf32, #tpu.memory_space<vmem>> -> memref<1x128x64xf32, #tpu.memory_space<vmem>>
        %dma_start3A_1419 = tpu.memref_squeeze %dma_start3A_1418 : memref<1x128x64xf32, #tpu.memory_space<vmem>> -> memref<128x64xf32, #tpu.memory_space<vmem>>
        %dma_start3A_1420 = tpu.memref_slice %arg6[%mul3A_1413] : memref<25600xi32, #tpu.memory_space<vmem>> -> memref<128xi32, #tpu.memory_space<vmem>>
        %dma_start3A_1421 = arith.constant 0 : i32
        %dma_start3A_1422 = arith.constant 0 : i32
        %dma_start3A_1423 = tpu.memref_slice %arg2[%dma_start3A_1421, %dma_start3A_1422] : memref<1000000x64xf32, #tpu.memory_space<hbm>> -> memref<1000000x64xf32, #tpu.memory_space<hbm>>
        %dma_start3A_1424 = tpu.memref_slice %arg9[%dma_start3A_1415] : memref<8x!tpu.dma_semaphore, #tpu.memory_space<semaphore_mem>> -> memref<1x!tpu.dma_semaphore, #tpu.memory_space<semaphore_mem>>
        %dma_start3A_1425 = tpu.memref_squeeze %dma_start3A_1424 : memref<1x!tpu.dma_semaphore, #tpu.memory_space<semaphore_mem>> -> memref<!tpu.dma_semaphore, #tpu.memory_space<semaphore_mem>>
        tpu.enqueue_indirect_dma source(%dma_start3A_1423 : memref<1000000x64xf32, #tpu.memory_space<hbm>>) target(%dma_start3A_1419 : memref<128x64xf32, #tpu.memory_space<vmem>>) offsets(%dma_start3A_1420 : memref<128xi32, #tpu.memory_space<vmem>>) semaphore(%dma_start3A_1425 : memref<!tpu.dma_semaphore, #tpu.memory_space<semaphore_mem>>)
      } else {
      }
      %dma_wait3A_977 = arith.constant 5 : i32
      %dma_wait3A_978 = arith.constant 5 : i32
      %dma_wait3A_979 = arith.constant 0 : i32
      %dma_wait3A_980 = arith.constant 0 : i32
      %dma_wait3A_981 = tpu.memref_slice %arg8[%dma_wait3A_977, %dma_wait3A_979, %dma_wait3A_980] : memref<8x128x64xf32, #tpu.memory_space<vmem>> -> memref<1x128x64xf32, #tpu.memory_space<vmem>>
      %dma_wait3A_982 = tpu.memref_squeeze %dma_wait3A_981 : memref<1x128x64xf32, #tpu.memory_space<vmem>> -> memref<128x64xf32, #tpu.memory_space<vmem>>
      %dma_wait3A_983 = arith.constant 0 : i32
      %dma_wait3A_984 = tpu.memref_slice %arg6[%dma_wait3A_983] : memref<25600xi32, #tpu.memory_space<vmem>> -> memref<128xi32, #tpu.memory_space<vmem>>
      %dma_wait3A_985 = arith.constant 0 : i32
      %dma_wait3A_986 = arith.constant 0 : i32
      %dma_wait3A_987 = tpu.memref_slice %arg2[%dma_wait3A_985, %dma_wait3A_986] : memref<1000000x64xf32, #tpu.memory_space<hbm>> -> memref<1000000x64xf32, #tpu.memory_space<hbm>>
      %dma_wait3A_988 = tpu.memref_slice %arg9[%dma_wait3A_978] : memref<8x!tpu.dma_semaphore, #tpu.memory_space<semaphore_mem>> -> memref<1x!tpu.dma_semaphore, #tpu.memory_space<semaphore_mem>>
      %dma_wait3A_989 = tpu.memref_squeeze %dma_wait3A_988 : memref<1x!tpu.dma_semaphore, #tpu.memory_space<semaphore_mem>> -> memref<!tpu.dma_semaphore, #tpu.memory_space<semaphore_mem>>
      tpu.wait_indirect_dma semaphore(%dma_wait3A_989 : memref<!tpu.dma_semaphore, #tpu.memory_space<semaphore_mem>>) src(%dma_wait3A_987 : memref<1000000x64xf32, #tpu.memory_space<hbm>>) dst(%dma_wait3A_982 : memref<128x64xf32, #tpu.memory_space<vmem>>)
      %add3A_990 = arith.addi %mul3A_4, %add3A_967 : i32
      %jit3A_991 = arith.constant 8 : i32
      %div3A_992 = arith.divsi %add3A_990, %jit3A_991 : i32
      %sign3A_993 = arith.constant 0 : i32
      %sign3A_994 = arith.cmpi sgt, %add3A_990, %sign3A_993 : i32
      %sign3A_995 = arith.extui %sign3A_994 : i1 to i32
      %sign3A_996 = arith.constant 0 : i32
      %sign3A_997 = arith.cmpi slt, %add3A_990, %sign3A_996 : i32
      %sign3A_998 = arith.extui %sign3A_997 : i1 to i32
      %sign3A_999 = arith.subi %sign3A_995, %sign3A_998 : i32
      %sign3A_1000 = arith.constant 0 : i32
      %sign3A_1001 = arith.cmpi sgt, %jit3A_991, %sign3A_1000 : i32
      %sign3A_1002 = arith.extui %sign3A_1001 : i1 to i32
      %sign3A_1003 = arith.constant 0 : i32
      %sign3A_1004 = arith.cmpi slt, %jit3A_991, %sign3A_1003 : i32
      %sign3A_1005 = arith.extui %sign3A_1004 : i1 to i32
      %sign3A_1006 = arith.subi %sign3A_1002, %sign3A_1005 : i32
      %ne3A_1007 = arith.cmpi ne, %sign3A_999, %sign3A_1006 : i32
      %rem3A_1008 = arith.remsi %add3A_990, %jit3A_991 : i32
      %ne3A_1009 = arith.constant 0 : i32
      %ne3A_1010 = arith.cmpi ne, %rem3A_1008, %ne3A_1009 : i32
      %and3A_1011 = arith.andi %ne3A_1007, %ne3A_1010 : i1
      %sub3A_1012 = arith.constant 1 : i32
      %sub3A_1013 = arith.subi %div3A_992, %sub3A_1012 : i32
      %select_n3A_1014 = arith.select %and3A_1011, %sub3A_1013, %div3A_992 : i32
      %jit3A_1015 = arith.constant 32 : i32
      %div3A_1016 = arith.divsi %select_n3A_1014, %jit3A_1015 : i32
      %sign3A_1017 = arith.constant 0 : i32
      %sign3A_1018 = arith.cmpi sgt, %select_n3A_1014, %sign3A_1017 : i32
      %sign3A_1019 = arith.extui %sign3A_1018 : i1 to i32
      %sign3A_1020 = arith.constant 0 : i32
      %sign3A_1021 = arith.cmpi slt, %select_n3A_1014, %sign3A_1020 : i32
      %sign3A_1022 = arith.extui %sign3A_1021 : i1 to i32
      %sign3A_1023 = arith.subi %sign3A_1019, %sign3A_1022 : i32
      %sign3A_1024 = arith.constant 0 : i32
      %sign3A_1025 = arith.cmpi sgt, %jit3A_1015, %sign3A_1024 : i32
      %sign3A_1026 = arith.extui %sign3A_1025 : i1 to i32
      %sign3A_1027 = arith.constant 0 : i32
      %sign3A_1028 = arith.cmpi slt, %jit3A_1015, %sign3A_1027 : i32
      %sign3A_1029 = arith.extui %sign3A_1028 : i1 to i32
      %sign3A_1030 = arith.subi %sign3A_1026, %sign3A_1029 : i32
      %ne3A_1031 = arith.cmpi ne, %sign3A_1023, %sign3A_1030 : i32
      %rem3A_1032 = arith.remsi %select_n3A_1014, %jit3A_1015 : i32
      %ne3A_1033 = arith.constant 0 : i32
      %ne3A_1034 = arith.cmpi ne, %rem3A_1032, %ne3A_1033 : i32
      %and3A_1035 = arith.andi %ne3A_1031, %ne3A_1034 : i1
      %sub3A_1036 = arith.constant 1 : i32
      %sub3A_1037 = arith.subi %div3A_1016, %sub3A_1036 : i32
      %select_n3A_1038 = arith.select %and3A_1035, %sub3A_1037, %div3A_1016 : i32
      %mul3A_1039 = arith.constant 8 : i32
      %mul3A_1040 = arith.muli %mul3A_1039, %select_n3A_1038 : i32
      %jit3A_1041 = arith.constant 8 : i32
      %eq3A_1042 = arith.constant 0 : i32
      %eq3A_1043 = arith.cmpi eq, %jit3A_1041, %eq3A_1042 : i32
      %jit3A_1044 = arith.constant 1 : i32
      %select_n3A_1045 = arith.select %eq3A_1043, %jit3A_1044, %jit3A_1041 : i32
      %rem3A_1046 = arith.remsi %add3A_990, %select_n3A_1045 : i32
      %ne3A_1047 = arith.constant 0 : i32
      %ne3A_1048 = arith.cmpi ne, %rem3A_1046, %ne3A_1047 : i32
      %lt3A_1049 = arith.constant 0 : i32
      %lt3A_1050 = arith.cmpi slt, %rem3A_1046, %lt3A_1049 : i32
      %lt3A_1051 = arith.constant 0 : i32
      %lt3A_1052 = arith.cmpi slt, %select_n3A_1045, %lt3A_1051 : i32
      %ne3A_1053 = arith.xori %lt3A_1050, %lt3A_1052 : i1
      %and3A_1054 = arith.andi %ne3A_1053, %ne3A_1048 : i1
      %add3A_1055 = arith.addi %rem3A_1046, %select_n3A_1045 : i32
      %select_n3A_1056 = arith.select %and3A_1054, %add3A_1055, %rem3A_1046 : i32
      %add3A_1057 = arith.addi %mul3A_1040, %select_n3A_1056 : i32
      %mul3A_1058 = arith.constant 4096 : i32
      %mul3A_1059 = arith.muli %add3A_1057, %mul3A_1058 : i32
      %jit3A_1060 = arith.constant 32 : i32
      %eq3A_1061 = arith.constant 0 : i32
      %eq3A_1062 = arith.cmpi eq, %jit3A_1060, %eq3A_1061 : i32
      %jit3A_1063 = arith.constant 1 : i32
      %select_n3A_1064 = arith.select %eq3A_1062, %jit3A_1063, %jit3A_1060 : i32
      %rem3A_1065 = arith.remsi %select_n3A_1014, %select_n3A_1064 : i32
      %ne3A_1066 = arith.constant 0 : i32
      %ne3A_1067 = arith.cmpi ne, %rem3A_1065, %ne3A_1066 : i32
      %lt3A_1068 = arith.constant 0 : i32
      %lt3A_1069 = arith.cmpi slt, %rem3A_1065, %lt3A_1068 : i32
      %lt3A_1070 = arith.constant 0 : i32
      %lt3A_1071 = arith.cmpi slt, %select_n3A_1064, %lt3A_1070 : i32
      %ne3A_1072 = arith.xori %lt3A_1069, %lt3A_1071 : i1
      %and3A_1073 = arith.andi %ne3A_1072, %ne3A_1067 : i1
      %add3A_1074 = arith.addi %rem3A_1065, %select_n3A_1064 : i32
      %select_n3A_1075 = arith.select %and3A_1073, %add3A_1074, %rem3A_1065 : i32
      %mul3A_1076 = arith.constant 128 : i32
      %mul3A_1077 = arith.muli %select_n3A_1075, %mul3A_1076 : i32
      %add3A_1078 = arith.addi %mul3A_1059, %mul3A_1077 : i32
      %get3A_1079 = arith.index_cast %add3A_1057 : i32 to index
      %get3A_1080 = arith.constant 0 : index
      %get3A_1081 = tpu.vector_load %arg7[%get3A_1079, %get3A_1080] {strides = array<i32>} : memref<200x64xf32, #tpu.memory_space<vmem>>, vector<16xf32>,
      %get3A_1082 = arith.index_cast %add3A_1057 : i32 to index
      %get3A_1083 = arith.constant 16 : index
      %get3A_1084 = tpu.vector_load %arg7[%get3A_1082, %get3A_1083] {strides = array<i32>} : memref<200x64xf32, #tpu.memory_space<vmem>>, vector<16xf32>,
      %get3A_1085 = arith.index_cast %add3A_1057 : i32 to index
      %get3A_1086 = arith.constant 32 : index
      %get3A_1087 = tpu.vector_load %arg7[%get3A_1085, %get3A_1086] {strides = array<i32>} : memref<200x64xf32, #tpu.memory_space<vmem>>, vector<16xf32>,
      %get3A_1088 = arith.index_cast %add3A_1057 : i32 to index
      %get3A_1089 = arith.constant 48 : index
      %get3A_1090 = tpu.vector_load %arg7[%get3A_1088, %get3A_1089] {strides = array<i32>} : memref<200x64xf32, #tpu.memory_space<vmem>>, vector<16xf32>,
      %scan3A_1091 = arith.constant 0 : i32
      %scan3A_1092 = arith.constant 128 : i32
      %scan3A_1093 = arith.addi %scan3A_1091, %scan3A_1092 : i32
      %scan3A_1094 = arith.constant 8 : i32
      scf.for %scan3A_1404 = %scan3A_1091 to %scan3A_1093 step %scan3A_1094  : i32 {
        %mul3A_1405 = arith.constant 1 : i32
        %mul3A_1406 = arith.muli %scan3A_1404, %mul3A_1405 : i32
        %add3A_1407 = arith.constant 0 : i32
        %add3A_1408 = arith.addi %add3A_1407, %mul3A_1406 : i32
        %swap3A = arith.constant 5 : i32
        %swap3A_1409 = arith.index_cast %swap3A : i32 to index
        %swap3A_1410 = arith.index_cast %add3A_1408 : i32 to index
        %swap3A_1411 = arith.constant 0 : index
        %swap3A_1412 = tpu.vector_load %arg8[%swap3A_1409, %swap3A_1410, %swap3A_1411] {strides = array<i32>} : memref<8x128x64xf32, #tpu.memory_space<vmem>>, vector<16xf32>,
        tpu.vector_store %arg8[%swap3A_1409, %swap3A_1410, %swap3A_1411], %get3A_1081 {add = true, strides = array<i32>} : memref<8x128x64xf32, #tpu.memory_space<vmem>>, vector<16xf32>,
        %swap3A_1413 = arith.constant 5 : i32
        %swap3A_1414 = arith.index_cast %swap3A_1413 : i32 to index
        %swap3A_1415 = arith.index_cast %add3A_1408 : i32 to index
        %swap3A_1416 = arith.constant 16 : index
        %swap3A_1417 = tpu.vector_load %arg8[%swap3A_1414, %swap3A_1415, %swap3A_1416] {strides = array<i32>} : memref<8x128x64xf32, #tpu.memory_space<vmem>>, vector<16xf32>,
        tpu.vector_store %arg8[%swap3A_1414, %swap3A_1415, %swap3A_1416], %get3A_1084 {add = true, strides = array<i32>} : memref<8x128x64xf32, #tpu.memory_space<vmem>>, vector<16xf32>,
        %swap3A_1418 = arith.constant 5 : i32
        %swap3A_1419 = arith.index_cast %swap3A_1418 : i32 to index
        %swap3A_1420 = arith.index_cast %add3A_1408 : i32 to index
        %swap3A_1421 = arith.constant 32 : index
        %swap3A_1422 = tpu.vector_load %arg8[%swap3A_1419, %swap3A_1420, %swap3A_1421] {strides = array<i32>} : memref<8x128x64xf32, #tpu.memory_space<vmem>>, vector<16xf32>,
        tpu.vector_store %arg8[%swap3A_1419, %swap3A_1420, %swap3A_1421], %get3A_1087 {add = true, strides = array<i32>} : memref<8x128x64xf32, #tpu.memory_space<vmem>>, vector<16xf32>,
        %swap3A_1423 = arith.constant 5 : i32
        %swap3A_1424 = arith.index_cast %swap3A_1423 : i32 to index
        %swap3A_1425 = arith.index_cast %add3A_1408 : i32 to index
        %swap3A_1426 = arith.constant 48 : index
        %swap3A_1427 = tpu.vector_load %arg8[%swap3A_1424, %swap3A_1425, %swap3A_1426] {strides = array<i32>} : memref<8x128x64xf32, #tpu.memory_space<vmem>>, vector<16xf32>,
        tpu.vector_store %arg8[%swap3A_1424, %swap3A_1425, %swap3A_1426], %get3A_1090 {add = true, strides = array<i32>} : memref<8x128x64xf32, #tpu.memory_space<vmem>>, vector<16xf32>,
        %scan3A_1428 = arith.constant 1 : i32
        %scan3A_1429 = arith.addi %scan3A_1404, %scan3A_1428 : i32
        %mul3A_1430 = arith.constant 1 : i32
        %mul3A_1431 = arith.muli %scan3A_1429, %mul3A_1430 : i32
        %add3A_1432 = arith.constant 0 : i32
        %add3A_1433 = arith.addi %add3A_1432, %mul3A_1431 : i32
        %swap3A_1434 = arith.constant 5 : i32
        %swap3A_1435 = arith.index_cast %swap3A_1434 : i32 to index
        %swap3A_1436 = arith.index_cast %add3A_1433 : i32 to index
        %swap3A_1437 = arith.constant 0 : index
        %swap3A_1438 = tpu.vector_load %arg8[%swap3A_1435, %swap3A_1436, %swap3A_1437] {strides = array<i32>} : memref<8x128x64xf32, #tpu.memory_space<vmem>>, vector<16xf32>,
        tpu.vector_store %arg8[%swap3A_1435, %swap3A_1436, %swap3A_1437], %get3A_1081 {add = true, strides = array<i32>} : memref<8x128x64xf32, #tpu.memory_space<vmem>>, vector<16xf32>,
        %swap3A_1439 = arith.constant 5 : i32
        %swap3A_1440 = arith.index_cast %swap3A_1439 : i32 to index
        %swap3A_1441 = arith.index_cast %add3A_1433 : i32 to index
        %swap3A_1442 = arith.constant 16 : index
        %swap3A_1443 = tpu.vector_load %arg8[%swap3A_1440, %swap3A_1441, %swap3A_1442] {strides = array<i32>} : memref<8x128x64xf32, #tpu.memory_space<vmem>>, vector<16xf32>,
        tpu.vector_store %arg8[%swap3A_1440, %swap3A_1441, %swap3A_1442], %get3A_1084 {add = true, strides = array<i32>} : memref<8x128x64xf32, #tpu.memory_space<vmem>>, vector<16xf32>,
        %swap3A_1444 = arith.constant 5 : i32
        %swap3A_1445 = arith.index_cast %swap3A_1444 : i32 to index
        %swap3A_1446 = arith.index_cast %add3A_1433 : i32 to index
        %swap3A_1447 = arith.constant 32 : index
        %swap3A_1448 = tpu.vector_load %arg8[%swap3A_1445, %swap3A_1446, %swap3A_1447] {strides = array<i32>} : memref<8x128x64xf32, #tpu.memory_space<vmem>>, vector<16xf32>,
        tpu.vector_store %arg8[%swap3A_1445, %swap3A_1446, %swap3A_1447], %get3A_1087 {add = true, strides = array<i32>} : memref<8x128x64xf32, #tpu.memory_space<vmem>>, vector<16xf32>,
        %swap3A_1449 = arith.constant 5 : i32
        %swap3A_1450 = arith.index_cast %swap3A_1449 : i32 to index
        %swap3A_1451 = arith.index_cast %add3A_1433 : i32 to index
        %swap3A_1452 = arith.constant 48 : index
        %swap3A_1453 = tpu.vector_load %arg8[%swap3A_1450, %swap3A_1451, %swap3A_1452] {strides = array<i32>} : memref<8x128x64xf32, #tpu.memory_space<vmem>>, vector<16xf32>,
        tpu.vector_store %arg8[%swap3A_1450, %swap3A_1451, %swap3A_1452], %get3A_1090 {add = true, strides = array<i32>} : memref<8x128x64xf32, #tpu.memory_space<vmem>>, vector<16xf32>,
        %scan3A_1454 = arith.constant 2 : i32
        %scan3A_1455 = arith.addi %scan3A_1404, %scan3A_1454 : i32
        %mul3A_1456 = arith.constant 1 : i32
        %mul3A_1457 = arith.muli %scan3A_1455, %mul3A_1456 : i32
        %add3A_1458 = arith.constant 0 : i32
        %add3A_1459 = arith.addi %add3A_1458, %mul3A_1457 : i32
        %swap3A_1460 = arith.constant 5 : i32
        %swap3A_1461 = arith.index_cast %swap3A_1460 : i32 to index
        %swap3A_1462 = arith.index_cast %add3A_1459 : i32 to index
        %swap3A_1463 = arith.constant 0 : index
        %swap3A_1464 = tpu.vector_load %arg8[%swap3A_1461, %swap3A_1462, %swap3A_1463] {strides = array<i32>} : memref<8x128x64xf32, #tpu.memory_space<vmem>>, vector<16xf32>,
        tpu.vector_store %arg8[%swap3A_1461, %swap3A_1462, %swap3A_1463], %get3A_1081 {add = true, strides = array<i32>} : memref<8x128x64xf32, #tpu.memory_space<vmem>>, vector<16xf32>,
        %swap3A_1465 = arith.constant 5 : i32
        %swap3A_1466 = arith.index_cast %swap3A_1465 : i32 to index
        %swap3A_1467 = arith.index_cast %add3A_1459 : i32 to index
        %swap3A_1468 = arith.constant 16 : index
        %swap3A_1469 = tpu.vector_load %arg8[%swap3A_1466, %swap3A_1467, %swap3A_1468] {strides = array<i32>} : memref<8x128x64xf32, #tpu.memory_space<vmem>>, vector<16xf32>,
        tpu.vector_store %arg8[%swap3A_1466, %swap3A_1467, %swap3A_1468], %get3A_1084 {add = true, strides = array<i32>} : memref<8x128x64xf32, #tpu.memory_space<vmem>>, vector<16xf32>,
        %swap3A_1470 = arith.constant 5 : i32
        %swap3A_1471 = arith.index_cast %swap3A_1470 : i32 to index
        %swap3A_1472 = arith.index_cast %add3A_1459 : i32 to index
        %swap3A_1473 = arith.constant 32 : index
        %swap3A_1474 = tpu.vector_load %arg8[%swap3A_1471, %swap3A_1472, %swap3A_1473] {strides = array<i32>} : memref<8x128x64xf32, #tpu.memory_space<vmem>>, vector<16xf32>,
        tpu.vector_store %arg8[%swap3A_1471, %swap3A_1472, %swap3A_1473], %get3A_1087 {add = true, strides = array<i32>} : memref<8x128x64xf32, #tpu.memory_space<vmem>>, vector<16xf32>,
        %swap3A_1475 = arith.constant 5 : i32
        %swap3A_1476 = arith.index_cast %swap3A_1475 : i32 to index
        %swap3A_1477 = arith.index_cast %add3A_1459 : i32 to index
        %swap3A_1478 = arith.constant 48 : index
        %swap3A_1479 = tpu.vector_load %arg8[%swap3A_1476, %swap3A_1477, %swap3A_1478] {strides = array<i32>} : memref<8x128x64xf32, #tpu.memory_space<vmem>>, vector<16xf32>,
        tpu.vector_store %arg8[%swap3A_1476, %swap3A_1477, %swap3A_1478], %get3A_1090 {add = true, strides = array<i32>} : memref<8x128x64xf32, #tpu.memory_space<vmem>>, vector<16xf32>,
        %scan3A_1480 = arith.constant 3 : i32
        %scan3A_1481 = arith.addi %scan3A_1404, %scan3A_1480 : i32
        %mul3A_1482 = arith.constant 1 : i32
        %mul3A_1483 = arith.muli %scan3A_1481, %mul3A_1482 : i32
        %add3A_1484 = arith.constant 0 : i32
        %add3A_1485 = arith.addi %add3A_1484, %mul3A_1483 : i32
        %swap3A_1486 = arith.constant 5 : i32
        %swap3A_1487 = arith.index_cast %swap3A_1486 : i32 to index
        %swap3A_1488 = arith.index_cast %add3A_1485 : i32 to index
        %swap3A_1489 = arith.constant 0 : index
        %swap3A_1490 = tpu.vector_load %arg8[%swap3A_1487, %swap3A_1488, %swap3A_1489] {strides = array<i32>} : memref<8x128x64xf32, #tpu.memory_space<vmem>>, vector<16xf32>,
        tpu.vector_store %arg8[%swap3A_1487, %swap3A_1488, %swap3A_1489], %get3A_1081 {add = true, strides = array<i32>} : memref<8x128x64xf32, #tpu.memory_space<vmem>>, vector<16xf32>,
        %swap3A_1491 = arith.constant 5 : i32
        %swap3A_1492 = arith.index_cast %swap3A_1491 : i32 to index
        %swap3A_1493 = arith.index_cast %add3A_1485 : i32 to index
        %swap3A_1494 = arith.constant 16 : index
        %swap3A_1495 = tpu.vector_load %arg8[%swap3A_1492, %swap3A_1493, %swap3A_1494] {strides = array<i32>} : memref<8x128x64xf32, #tpu.memory_space<vmem>>, vector<16xf32>,
        tpu.vector_store %arg8[%swap3A_1492, %swap3A_1493, %swap3A_1494], %get3A_1084 {add = true, strides = array<i32>} : memref<8x128x64xf32, #tpu.memory_space<vmem>>, vector<16xf32>,
        %swap3A_1496 = arith.constant 5 : i32
        %swap3A_1497 = arith.index_cast %swap3A_1496 : i32 to index
        %swap3A_1498 = arith.index_cast %add3A_1485 : i32 to index
        %swap3A_1499 = arith.constant 32 : index
        %swap3A_1500 = tpu.vector_load %arg8[%swap3A_1497, %swap3A_1498, %swap3A_1499] {strides = array<i32>} : memref<8x128x64xf32, #tpu.memory_space<vmem>>, vector<16xf32>,
        tpu.vector_store %arg8[%swap3A_1497, %swap3A_1498, %swap3A_1499], %get3A_1087 {add = true, strides = array<i32>} : memref<8x128x64xf32, #tpu.memory_space<vmem>>, vector<16xf32>,
        %swap3A_1501 = arith.constant 5 : i32
        %swap3A_1502 = arith.index_cast %swap3A_1501 : i32 to index
        %swap3A_1503 = arith.index_cast %add3A_1485 : i32 to index
        %swap3A_1504 = arith.constant 48 : index
        %swap3A_1505 = tpu.vector_load %arg8[%swap3A_1502, %swap3A_1503, %swap3A_1504] {strides = array<i32>} : memref<8x128x64xf32, #tpu.memory_space<vmem>>, vector<16xf32>,
        tpu.vector_store %arg8[%swap3A_1502, %swap3A_1503, %swap3A_1504], %get3A_1090 {add = true, strides = array<i32>} : memref<8x128x64xf32, #tpu.memory_space<vmem>>, vector<16xf32>,
        %scan3A_1506 = arith.constant 4 : i32
        %scan3A_1507 = arith.addi %scan3A_1404, %scan3A_1506 : i32
        %mul3A_1508 = arith.constant 1 : i32
        %mul3A_1509 = arith.muli %scan3A_1507, %mul3A_1508 : i32
        %add3A_1510 = arith.constant 0 : i32
        %add3A_1511 = arith.addi %add3A_1510, %mul3A_1509 : i32
        %swap3A_1512 = arith.constant 5 : i32
        %swap3A_1513 = arith.index_cast %swap3A_1512 : i32 to index
        %swap3A_1514 = arith.index_cast %add3A_1511 : i32 to index
        %swap3A_1515 = arith.constant 0 : index
        %swap3A_1516 = tpu.vector_load %arg8[%swap3A_1513, %swap3A_1514, %swap3A_1515] {strides = array<i32>} : memref<8x128x64xf32, #tpu.memory_space<vmem>>, vector<16xf32>,
        tpu.vector_store %arg8[%swap3A_1513, %swap3A_1514, %swap3A_1515], %get3A_1081 {add = true, strides = array<i32>} : memref<8x128x64xf32, #tpu.memory_space<vmem>>, vector<16xf32>,
        %swap3A_1517 = arith.constant 5 : i32
        %swap3A_1518 = arith.index_cast %swap3A_1517 : i32 to index
        %swap3A_1519 = arith.index_cast %add3A_1511 : i32 to index
        %swap3A_1520 = arith.constant 16 : index
        %swap3A_1521 = tpu.vector_load %arg8[%swap3A_1518, %swap3A_1519, %swap3A_1520] {strides = array<i32>} : memref<8x128x64xf32, #tpu.memory_space<vmem>>, vector<16xf32>,
        tpu.vector_store %arg8[%swap3A_1518, %swap3A_1519, %swap3A_1520], %get3A_1084 {add = true, strides = array<i32>} : memref<8x128x64xf32, #tpu.memory_space<vmem>>, vector<16xf32>,
        %swap3A_1522 = arith.constant 5 : i32
        %swap3A_1523 = arith.index_cast %swap3A_1522 : i32 to index
        %swap3A_1524 = arith.index_cast %add3A_1511 : i32 to index
        %swap3A_1525 = arith.constant 32 : index
        %swap3A_1526 = tpu.vector_load %arg8[%swap3A_1523, %swap3A_1524, %swap3A_1525] {strides = array<i32>} : memref<8x128x64xf32, #tpu.memory_space<vmem>>, vector<16xf32>,
        tpu.vector_store %arg8[%swap3A_1523, %swap3A_1524, %swap3A_1525], %get3A_1087 {add = true, strides = array<i32>} : memref<8x128x64xf32, #tpu.memory_space<vmem>>, vector<16xf32>,
        %swap3A_1527 = arith.constant 5 : i32
        %swap3A_1528 = arith.index_cast %swap3A_1527 : i32 to index
        %swap3A_1529 = arith.index_cast %add3A_1511 : i32 to index
        %swap3A_1530 = arith.constant 48 : index
        %swap3A_1531 = tpu.vector_load %arg8[%swap3A_1528, %swap3A_1529, %swap3A_1530] {strides = array<i32>} : memref<8x128x64xf32, #tpu.memory_space<vmem>>, vector<16xf32>,
        tpu.vector_store %arg8[%swap3A_1528, %swap3A_1529, %swap3A_1530], %get3A_1090 {add = true, strides = array<i32>} : memref<8x128x64xf32, #tpu.memory_space<vmem>>, vector<16xf32>,
        %scan3A_1532 = arith.constant 5 : i32
        %scan3A_1533 = arith.addi %scan3A_1404, %scan3A_1532 : i32
        %mul3A_1534 = arith.constant 1 : i32
        %mul3A_1535 = arith.muli %scan3A_1533, %mul3A_1534 : i32
        %add3A_1536 = arith.constant 0 : i32
        %add3A_1537 = arith.addi %add3A_1536, %mul3A_1535 : i32
        %swap3A_1538 = arith.constant 5 : i32
        %swap3A_1539 = arith.index_cast %swap3A_1538 : i32 to index
        %swap3A_1540 = arith.index_cast %add3A_1537 : i32 to index
        %swap3A_1541 = arith.constant 0 : index
        %swap3A_1542 = tpu.vector_load %arg8[%swap3A_1539, %swap3A_1540, %swap3A_1541] {strides = array<i32>} : memref<8x128x64xf32, #tpu.memory_space<vmem>>, vector<16xf32>,
        tpu.vector_store %arg8[%swap3A_1539, %swap3A_1540, %swap3A_1541], %get3A_1081 {add = true, strides = array<i32>} : memref<8x128x64xf32, #tpu.memory_space<vmem>>, vector<16xf32>,
        %swap3A_1543 = arith.constant 5 : i32
        %swap3A_1544 = arith.index_cast %swap3A_1543 : i32 to index
        %swap3A_1545 = arith.index_cast %add3A_1537 : i32 to index
        %swap3A_1546 = arith.constant 16 : index
        %swap3A_1547 = tpu.vector_load %arg8[%swap3A_1544, %swap3A_1545, %swap3A_1546] {strides = array<i32>} : memref<8x128x64xf32, #tpu.memory_space<vmem>>, vector<16xf32>,
        tpu.vector_store %arg8[%swap3A_1544, %swap3A_1545, %swap3A_1546], %get3A_1084 {add = true, strides = array<i32>} : memref<8x128x64xf32, #tpu.memory_space<vmem>>, vector<16xf32>,
        %swap3A_1548 = arith.constant 5 : i32
        %swap3A_1549 = arith.index_cast %swap3A_1548 : i32 to index
        %swap3A_1550 = arith.index_cast %add3A_1537 : i32 to index
        %swap3A_1551 = arith.constant 32 : index
        %swap3A_1552 = tpu.vector_load %arg8[%swap3A_1549, %swap3A_1550, %swap3A_1551] {strides = array<i32>} : memref<8x128x64xf32, #tpu.memory_space<vmem>>, vector<16xf32>,
        tpu.vector_store %arg8[%swap3A_1549, %swap3A_1550, %swap3A_1551], %get3A_1087 {add = true, strides = array<i32>} : memref<8x128x64xf32, #tpu.memory_space<vmem>>, vector<16xf32>,
        %swap3A_1553 = arith.constant 5 : i32
        %swap3A_1554 = arith.index_cast %swap3A_1553 : i32 to index
        %swap3A_1555 = arith.index_cast %add3A_1537 : i32 to index
        %swap3A_1556 = arith.constant 48 : index
        %swap3A_1557 = tpu.vector_load %arg8[%swap3A_1554, %swap3A_1555, %swap3A_1556] {strides = array<i32>} : memref<8x128x64xf32, #tpu.memory_space<vmem>>, vector<16xf32>,
        tpu.vector_store %arg8[%swap3A_1554, %swap3A_1555, %swap3A_1556], %get3A_1090 {add = true, strides = array<i32>} : memref<8x128x64xf32, #tpu.memory_space<vmem>>, vector<16xf32>,
        %scan3A_1558 = arith.constant 6 : i32
        %scan3A_1559 = arith.addi %scan3A_1404, %scan3A_1558 : i32
        %mul3A_1560 = arith.constant 1 : i32
        %mul3A_1561 = arith.muli %scan3A_1559, %mul3A_1560 : i32
        %add3A_1562 = arith.constant 0 : i32
        %add3A_1563 = arith.addi %add3A_1562, %mul3A_1561 : i32
        %swap3A_1564 = arith.constant 5 : i32
        %swap3A_1565 = arith.index_cast %swap3A_1564 : i32 to index
        %swap3A_1566 = arith.index_cast %add3A_1563 : i32 to index
        %swap3A_1567 = arith.constant 0 : index
        %swap3A_1568 = tpu.vector_load %arg8[%swap3A_1565, %swap3A_1566, %swap3A_1567] {strides = array<i32>} : memref<8x128x64xf32, #tpu.memory_space<vmem>>, vector<16xf32>,
        tpu.vector_store %arg8[%swap3A_1565, %swap3A_1566, %swap3A_1567], %get3A_1081 {add = true, strides = array<i32>} : memref<8x128x64xf32, #tpu.memory_space<vmem>>, vector<16xf32>,
        %swap3A_1569 = arith.constant 5 : i32
        %swap3A_1570 = arith.index_cast %swap3A_1569 : i32 to index
        %swap3A_1571 = arith.index_cast %add3A_1563 : i32 to index
        %swap3A_1572 = arith.constant 16 : index
        %swap3A_1573 = tpu.vector_load %arg8[%swap3A_1570, %swap3A_1571, %swap3A_1572] {strides = array<i32>} : memref<8x128x64xf32, #tpu.memory_space<vmem>>, vector<16xf32>,
        tpu.vector_store %arg8[%swap3A_1570, %swap3A_1571, %swap3A_1572], %get3A_1084 {add = true, strides = array<i32>} : memref<8x128x64xf32, #tpu.memory_space<vmem>>, vector<16xf32>,
        %swap3A_1574 = arith.constant 5 : i32
        %swap3A_1575 = arith.index_cast %swap3A_1574 : i32 to index
        %swap3A_1576 = arith.index_cast %add3A_1563 : i32 to index
        %swap3A_1577 = arith.constant 32 : index
        %swap3A_1578 = tpu.vector_load %arg8[%swap3A_1575, %swap3A_1576, %swap3A_1577] {strides = array<i32>} : memref<8x128x64xf32, #tpu.memory_space<vmem>>, vector<16xf32>,
        tpu.vector_store %arg8[%swap3A_1575, %swap3A_1576, %swap3A_1577], %get3A_1087 {add = true, strides = array<i32>} : memref<8x128x64xf32, #tpu.memory_space<vmem>>, vector<16xf32>,
        %swap3A_1579 = arith.constant 5 : i32
        %swap3A_1580 = arith.index_cast %swap3A_1579 : i32 to index
        %swap3A_1581 = arith.index_cast %add3A_1563 : i32 to index
        %swap3A_1582 = arith.constant 48 : index
        %swap3A_1583 = tpu.vector_load %arg8[%swap3A_1580, %swap3A_1581, %swap3A_1582] {strides = array<i32>} : memref<8x128x64xf32, #tpu.memory_space<vmem>>, vector<16xf32>,
        tpu.vector_store %arg8[%swap3A_1580, %swap3A_1581, %swap3A_1582], %get3A_1090 {add = true, strides = array<i32>} : memref<8x128x64xf32, #tpu.memory_space<vmem>>, vector<16xf32>,
        %scan3A_1584 = arith.constant 7 : i32
        %scan3A_1585 = arith.addi %scan3A_1404, %scan3A_1584 : i32
        %mul3A_1586 = arith.constant 1 : i32
        %mul3A_1587 = arith.muli %scan3A_1585, %mul3A_1586 : i32
        %add3A_1588 = arith.constant 0 : i32
        %add3A_1589 = arith.addi %add3A_1588, %mul3A_1587 : i32
        %swap3A_1590 = arith.constant 5 : i32
        %swap3A_1591 = arith.index_cast %swap3A_1590 : i32 to index
        %swap3A_1592 = arith.index_cast %add3A_1589 : i32 to index
        %swap3A_1593 = arith.constant 0 : index
        %swap3A_1594 = tpu.vector_load %arg8[%swap3A_1591, %swap3A_1592, %swap3A_1593] {strides = array<i32>} : memref<8x128x64xf32, #tpu.memory_space<vmem>>, vector<16xf32>,
        tpu.vector_store %arg8[%swap3A_1591, %swap3A_1592, %swap3A_1593], %get3A_1081 {add = true, strides = array<i32>} : memref<8x128x64xf32, #tpu.memory_space<vmem>>, vector<16xf32>,
        %swap3A_1595 = arith.constant 5 : i32
        %swap3A_1596 = arith.index_cast %swap3A_1595 : i32 to index
        %swap3A_1597 = arith.index_cast %add3A_1589 : i32 to index
        %swap3A_1598 = arith.constant 16 : index
        %swap3A_1599 = tpu.vector_load %arg8[%swap3A_1596, %swap3A_1597, %swap3A_1598] {strides = array<i32>} : memref<8x128x64xf32, #tpu.memory_space<vmem>>, vector<16xf32>,
        tpu.vector_store %arg8[%swap3A_1596, %swap3A_1597, %swap3A_1598], %get3A_1084 {add = true, strides = array<i32>} : memref<8x128x64xf32, #tpu.memory_space<vmem>>, vector<16xf32>,
        %swap3A_1600 = arith.constant 5 : i32
        %swap3A_1601 = arith.index_cast %swap3A_1600 : i32 to index
        %swap3A_1602 = arith.index_cast %add3A_1589 : i32 to index
        %swap3A_1603 = arith.constant 32 : index
        %swap3A_1604 = tpu.vector_load %arg8[%swap3A_1601, %swap3A_1602, %swap3A_1603] {strides = array<i32>} : memref<8x128x64xf32, #tpu.memory_space<vmem>>, vector<16xf32>,
        tpu.vector_store %arg8[%swap3A_1601, %swap3A_1602, %swap3A_1603], %get3A_1087 {add = true, strides = array<i32>} : memref<8x128x64xf32, #tpu.memory_space<vmem>>, vector<16xf32>,
        %swap3A_1605 = arith.constant 5 : i32
        %swap3A_1606 = arith.index_cast %swap3A_1605 : i32 to index
        %swap3A_1607 = arith.index_cast %add3A_1589 : i32 to index
        %swap3A_1608 = arith.constant 48 : index
        %swap3A_1609 = tpu.vector_load %arg8[%swap3A_1606, %swap3A_1607, %swap3A_1608] {strides = array<i32>} : memref<8x128x64xf32, #tpu.memory_space<vmem>>, vector<16xf32>,
        tpu.vector_store %arg8[%swap3A_1606, %swap3A_1607, %swap3A_1608], %get3A_1090 {add = true, strides = array<i32>} : memref<8x128x64xf32, #tpu.memory_space<vmem>>, vector<16xf32>,
      }
      %scan3A_1095 = arith.constant 128 : i32
      %dma_start3A_1096 = arith.constant 5 : i32
      %dma_start3A_1097 = arith.constant 5 : i32
      %dma_start3A_1098 = arith.constant 0 : i32
      %dma_start3A_1099 = arith.constant 0 : i32
      %dma_start3A_1100 = tpu.memref_slice %arg8[%dma_start3A_1096, %dma_start3A_1098, %dma_start3A_1099] : memref<8x128x64xf32, #tpu.memory_space<vmem>> -> memref<1x128x64xf32, #tpu.memory_space<vmem>>
      %dma_start3A_1101 = tpu.memref_squeeze %dma_start3A_1100 : memref<1x128x64xf32, #tpu.memory_space<vmem>> -> memref<128x64xf32, #tpu.memory_space<vmem>>
      %dma_start3A_1102 = arith.constant 0 : i32
      %dma_start3A_1103 = tpu.memref_slice %arg5[%add3A_1078, %dma_start3A_1102] : memref<819200x64xf32, #tpu.memory_space<hbm>> -> memref<128x64xf32, #tpu.memory_space<hbm>>
      %dma_start3A_1104 = tpu.memref_slice %arg10[%dma_start3A_1097] : memref<8x!tpu.dma_semaphore, #tpu.memory_space<semaphore_mem>> -> memref<1x!tpu.dma_semaphore, #tpu.memory_space<semaphore_mem>>
      %dma_start3A_1105 = tpu.memref_squeeze %dma_start3A_1104 : memref<1x!tpu.dma_semaphore, #tpu.memory_space<semaphore_mem>> -> memref<!tpu.dma_semaphore, #tpu.memory_space<semaphore_mem>>
      %dma_start3A_1106 = arith.constant 0 : i32
      %dma_start3A_1107 = tpu.memref_slice %arg5[%add3A_1078, %dma_start3A_1106] : memref<819200x64xf32, #tpu.memory_space<hbm>> -> memref<128x64xf32, #tpu.memory_space<hbm>>
      %dma_start3A_1108 = arith.constant 0 : i32
      %dma_start3A_1109 = arith.constant 0 : i32
      %dma_start3A_1110 = tpu.memref_slice %arg8[%dma_start3A_1096, %dma_start3A_1108, %dma_start3A_1109] : memref<8x128x64xf32, #tpu.memory_space<vmem>> -> memref<1x128x64xf32, #tpu.memory_space<vmem>>
      %dma_start3A_1111 = tpu.memref_squeeze %dma_start3A_1110 : memref<1x128x64xf32, #tpu.memory_space<vmem>> -> memref<128x64xf32, #tpu.memory_space<vmem>>
      tpu.enqueue_dma source(%dma_start3A_1111 : memref<128x64xf32, #tpu.memory_space<vmem>>) target(%dma_start3A_1107 : memref<128x64xf32, #tpu.memory_space<hbm>>) target_semaphore(%dma_start3A_1105 : memref<!tpu.dma_semaphore, #tpu.memory_space<semaphore_mem>>)
      %add3A_1112 = arith.constant 6 : i32
      %add3A_1113 = arith.addi %mul3A_248, %add3A_1112 : i32
      %add3A_1114 = arith.constant 8 : i32
      %add3A_1115 = arith.addi %add3A_1113, %add3A_1114 : i32
      %sub3A_1116 = arith.constant 1 : i32
      %sub3A_1117 = arith.subi %add3A_1115, %sub3A_1116 : i32
      %lt3A_1118 = arith.constant 200 : i32
      %lt3A_1119 = arith.cmpi slt, %sub3A_1117, %lt3A_1118 : i32
      %convert_element_type3A_1120 = arith.extui %lt3A_1119 : i1 to i32
      %cond3A_1121 = arith.constant 0 : i32
      %cond3A_1122 = arith.cmpi ne, %convert_element_type3A_1120, %cond3A_1121 : i32
      scf.if %cond3A_1122 {
        %ge3A = arith.constant 1 : i32
        %ge3A_1404 = arith.cmpi sge, %add3A_1113, %ge3A : i32
        %convert_element_type3A_1405 = arith.extui %ge3A_1404 : i1 to i32
        %cond3A_1406 = arith.constant 0 : i32
        %cond3A_1407 = arith.cmpi ne, %convert_element_type3A_1405, %cond3A_1406 : i32
        scf.if %cond3A_1407 {
          %dma_wait3A_1426 = arith.constant 5 : i32
          %dma_wait3A_1427 = arith.constant 5 : i32
          %dma_wait3A_1428 = arith.constant 0 : i32
          %dma_wait3A_1429 = arith.constant 0 : i32
          %dma_wait3A_1430 = tpu.memref_slice %arg8[%dma_wait3A_1426, %dma_wait3A_1428, %dma_wait3A_1429] : memref<8x128x64xf32, #tpu.memory_space<vmem>> -> memref<1x128x64xf32, #tpu.memory_space<vmem>>
          %dma_wait3A_1431 = tpu.memref_squeeze %dma_wait3A_1430 : memref<1x128x64xf32, #tpu.memory_space<vmem>> -> memref<128x64xf32, #tpu.memory_space<vmem>>
          %dma_wait3A_1432 = arith.constant 0 : i32
          %dma_wait3A_1433 = arith.constant 0 : i32
          %dma_wait3A_1434 = tpu.memref_slice %arg5[%dma_wait3A_1432, %dma_wait3A_1433] : memref<819200x64xf32, #tpu.memory_space<hbm>> -> memref<128x64xf32, #tpu.memory_space<hbm>>
          %dma_wait3A_1435 = tpu.memref_slice %arg10[%dma_wait3A_1427] : memref<8x!tpu.dma_semaphore, #tpu.memory_space<semaphore_mem>> -> memref<1x!tpu.dma_semaphore, #tpu.memory_space<semaphore_mem>>
          %dma_wait3A_1436 = tpu.memref_squeeze %dma_wait3A_1435 : memref<1x!tpu.dma_semaphore, #tpu.memory_space<semaphore_mem>> -> memref<!tpu.dma_semaphore, #tpu.memory_space<semaphore_mem>>
          %dma_wait3A_1437 = arith.constant 0 : i32
          %dma_wait3A_1438 = arith.constant 0 : i32
          %dma_wait3A_1439 = tpu.memref_slice %arg5[%dma_wait3A_1437, %dma_wait3A_1438] : memref<819200x64xf32, #tpu.memory_space<hbm>> -> memref<128x64xf32, #tpu.memory_space<hbm>>
          %dma_wait3A_1440 = arith.constant 0 : i32
          %dma_wait3A_1441 = arith.constant 0 : i32
          %dma_wait3A_1442 = tpu.memref_slice %arg8[%dma_wait3A_1426, %dma_wait3A_1440, %dma_wait3A_1441] : memref<8x128x64xf32, #tpu.memory_space<vmem>> -> memref<1x128x64xf32, #tpu.memory_space<vmem>>
          %dma_wait3A_1443 = tpu.memref_squeeze %dma_wait3A_1442 : memref<1x128x64xf32, #tpu.memory_space<vmem>> -> memref<128x64xf32, #tpu.memory_space<vmem>>
          tpu.wait_dma2 semaphore(%dma_wait3A_1436 : memref<!tpu.dma_semaphore, #tpu.memory_space<semaphore_mem>>) src(%dma_wait3A_1443 : memref<128x64xf32, #tpu.memory_space<vmem>>) dst(%dma_wait3A_1439 : memref<128x64xf32, #tpu.memory_space<hbm>>)
        } else {
        }
        %add3A_1408 = arith.constant 8 : i32
        %add3A_1409 = arith.addi %add3A_1113, %add3A_1408 : i32
        %sub3A_1410 = arith.constant 1 : i32
        %sub3A_1411 = arith.subi %add3A_1409, %sub3A_1410 : i32
        %mul3A_1412 = arith.constant 128 : i32
        %mul3A_1413 = arith.muli %sub3A_1411, %mul3A_1412 : i32
        %dma_start3A_1414 = arith.constant 5 : i32
        %dma_start3A_1415 = arith.constant 5 : i32
        %dma_start3A_1416 = arith.constant 0 : i32
        %dma_start3A_1417 = arith.constant 0 : i32
        %dma_start3A_1418 = tpu.memref_slice %arg8[%dma_start3A_1414, %dma_start3A_1416, %dma_start3A_1417] : memref<8x128x64xf32, #tpu.memory_space<vmem>> -> memref<1x128x64xf32, #tpu.memory_space<vmem>>
        %dma_start3A_1419 = tpu.memref_squeeze %dma_start3A_1418 : memref<1x128x64xf32, #tpu.memory_space<vmem>> -> memref<128x64xf32, #tpu.memory_space<vmem>>
        %dma_start3A_1420 = tpu.memref_slice %arg6[%mul3A_1413] : memref<25600xi32, #tpu.memory_space<vmem>> -> memref<128xi32, #tpu.memory_space<vmem>>
        %dma_start3A_1421 = arith.constant 0 : i32
        %dma_start3A_1422 = arith.constant 0 : i32
        %dma_start3A_1423 = tpu.memref_slice %arg2[%dma_start3A_1421, %dma_start3A_1422] : memref<1000000x64xf32, #tpu.memory_space<hbm>> -> memref<1000000x64xf32, #tpu.memory_space<hbm>>
        %dma_start3A_1424 = tpu.memref_slice %arg9[%dma_start3A_1415] : memref<8x!tpu.dma_semaphore, #tpu.memory_space<semaphore_mem>> -> memref<1x!tpu.dma_semaphore, #tpu.memory_space<semaphore_mem>>
        %dma_start3A_1425 = tpu.memref_squeeze %dma_start3A_1424 : memref<1x!tpu.dma_semaphore, #tpu.memory_space<semaphore_mem>> -> memref<!tpu.dma_semaphore, #tpu.memory_space<semaphore_mem>>
        tpu.enqueue_indirect_dma source(%dma_start3A_1423 : memref<1000000x64xf32, #tpu.memory_space<hbm>>) target(%dma_start3A_1419 : memref<128x64xf32, #tpu.memory_space<vmem>>) offsets(%dma_start3A_1420 : memref<128xi32, #tpu.memory_space<vmem>>) semaphore(%dma_start3A_1425 : memref<!tpu.dma_semaphore, #tpu.memory_space<semaphore_mem>>)
      } else {
      }
      %dma_wait3A_1123 = arith.constant 6 : i32
      %dma_wait3A_1124 = arith.constant 6 : i32
      %dma_wait3A_1125 = arith.constant 0 : i32
      %dma_wait3A_1126 = arith.constant 0 : i32
      %dma_wait3A_1127 = tpu.memref_slice %arg8[%dma_wait3A_1123, %dma_wait3A_1125, %dma_wait3A_1126] : memref<8x128x64xf32, #tpu.memory_space<vmem>> -> memref<1x128x64xf32, #tpu.memory_space<vmem>>
      %dma_wait3A_1128 = tpu.memref_squeeze %dma_wait3A_1127 : memref<1x128x64xf32, #tpu.memory_space<vmem>> -> memref<128x64xf32, #tpu.memory_space<vmem>>
      %dma_wait3A_1129 = arith.constant 0 : i32
      %dma_wait3A_1130 = tpu.memref_slice %arg6[%dma_wait3A_1129] : memref<25600xi32, #tpu.memory_space<vmem>> -> memref<128xi32, #tpu.memory_space<vmem>>
      %dma_wait3A_1131 = arith.constant 0 : i32
      %dma_wait3A_1132 = arith.constant 0 : i32
      %dma_wait3A_1133 = tpu.memref_slice %arg2[%dma_wait3A_1131, %dma_wait3A_1132] : memref<1000000x64xf32, #tpu.memory_space<hbm>> -> memref<1000000x64xf32, #tpu.memory_space<hbm>>
      %dma_wait3A_1134 = tpu.memref_slice %arg9[%dma_wait3A_1124] : memref<8x!tpu.dma_semaphore, #tpu.memory_space<semaphore_mem>> -> memref<1x!tpu.dma_semaphore, #tpu.memory_space<semaphore_mem>>
      %dma_wait3A_1135 = tpu.memref_squeeze %dma_wait3A_1134 : memref<1x!tpu.dma_semaphore, #tpu.memory_space<semaphore_mem>> -> memref<!tpu.dma_semaphore, #tpu.memory_space<semaphore_mem>>
      tpu.wait_indirect_dma semaphore(%dma_wait3A_1135 : memref<!tpu.dma_semaphore, #tpu.memory_space<semaphore_mem>>) src(%dma_wait3A_1133 : memref<1000000x64xf32, #tpu.memory_space<hbm>>) dst(%dma_wait3A_1128 : memref<128x64xf32, #tpu.memory_space<vmem>>)
      %add3A_1136 = arith.addi %mul3A_4, %add3A_1113 : i32
      %jit3A_1137 = arith.constant 8 : i32
      %div3A_1138 = arith.divsi %add3A_1136, %jit3A_1137 : i32
      %sign3A_1139 = arith.constant 0 : i32
      %sign3A_1140 = arith.cmpi sgt, %add3A_1136, %sign3A_1139 : i32
      %sign3A_1141 = arith.extui %sign3A_1140 : i1 to i32
      %sign3A_1142 = arith.constant 0 : i32
      %sign3A_1143 = arith.cmpi slt, %add3A_1136, %sign3A_1142 : i32
      %sign3A_1144 = arith.extui %sign3A_1143 : i1 to i32
      %sign3A_1145 = arith.subi %sign3A_1141, %sign3A_1144 : i32
      %sign3A_1146 = arith.constant 0 : i32
      %sign3A_1147 = arith.cmpi sgt, %jit3A_1137, %sign3A_1146 : i32
      %sign3A_1148 = arith.extui %sign3A_1147 : i1 to i32
      %sign3A_1149 = arith.constant 0 : i32
      %sign3A_1150 = arith.cmpi slt, %jit3A_1137, %sign3A_1149 : i32
      %sign3A_1151 = arith.extui %sign3A_1150 : i1 to i32
      %sign3A_1152 = arith.subi %sign3A_1148, %sign3A_1151 : i32
      %ne3A_1153 = arith.cmpi ne, %sign3A_1145, %sign3A_1152 : i32
      %rem3A_1154 = arith.remsi %add3A_1136, %jit3A_1137 : i32
      %ne3A_1155 = arith.constant 0 : i32
      %ne3A_1156 = arith.cmpi ne, %rem3A_1154, %ne3A_1155 : i32
      %and3A_1157 = arith.andi %ne3A_1153, %ne3A_1156 : i1
      %sub3A_1158 = arith.constant 1 : i32
      %sub3A_1159 = arith.subi %div3A_1138, %sub3A_1158 : i32
      %select_n3A_1160 = arith.select %and3A_1157, %sub3A_1159, %div3A_1138 : i32
      %jit3A_1161 = arith.constant 32 : i32
      %div3A_1162 = arith.divsi %select_n3A_1160, %jit3A_1161 : i32
      %sign3A_1163 = arith.constant 0 : i32
      %sign3A_1164 = arith.cmpi sgt, %select_n3A_1160, %sign3A_1163 : i32
      %sign3A_1165 = arith.extui %sign3A_1164 : i1 to i32
      %sign3A_1166 = arith.constant 0 : i32
      %sign3A_1167 = arith.cmpi slt, %select_n3A_1160, %sign3A_1166 : i32
      %sign3A_1168 = arith.extui %sign3A_1167 : i1 to i32
      %sign3A_1169 = arith.subi %sign3A_1165, %sign3A_1168 : i32
      %sign3A_1170 = arith.constant 0 : i32
      %sign3A_1171 = arith.cmpi sgt, %jit3A_1161, %sign3A_1170 : i32
      %sign3A_1172 = arith.extui %sign3A_1171 : i1 to i32
      %sign3A_1173 = arith.constant 0 : i32
      %sign3A_1174 = arith.cmpi slt, %jit3A_1161, %sign3A_1173 : i32
      %sign3A_1175 = arith.extui %sign3A_1174 : i1 to i32
      %sign3A_1176 = arith.subi %sign3A_1172, %sign3A_1175 : i32
      %ne3A_1177 = arith.cmpi ne, %sign3A_1169, %sign3A_1176 : i32
      %rem3A_1178 = arith.remsi %select_n3A_1160, %jit3A_1161 : i32
      %ne3A_1179 = arith.constant 0 : i32
      %ne3A_1180 = arith.cmpi ne, %rem3A_1178, %ne3A_1179 : i32
      %and3A_1181 = arith.andi %ne3A_1177, %ne3A_1180 : i1
      %sub3A_1182 = arith.constant 1 : i32
      %sub3A_1183 = arith.subi %div3A_1162, %sub3A_1182 : i32
      %select_n3A_1184 = arith.select %and3A_1181, %sub3A_1183, %div3A_1162 : i32
      %mul3A_1185 = arith.constant 8 : i32
      %mul3A_1186 = arith.muli %mul3A_1185, %select_n3A_1184 : i32
      %jit3A_1187 = arith.constant 8 : i32
      %eq3A_1188 = arith.constant 0 : i32
      %eq3A_1189 = arith.cmpi eq, %jit3A_1187, %eq3A_1188 : i32
      %jit3A_1190 = arith.constant 1 : i32
      %select_n3A_1191 = arith.select %eq3A_1189, %jit3A_1190, %jit3A_1187 : i32
      %rem3A_1192 = arith.remsi %add3A_1136, %select_n3A_1191 : i32
      %ne3A_1193 = arith.constant 0 : i32
      %ne3A_1194 = arith.cmpi ne, %rem3A_1192, %ne3A_1193 : i32
      %lt3A_1195 = arith.constant 0 : i32
      %lt3A_1196 = arith.cmpi slt, %rem3A_1192, %lt3A_1195 : i32
      %lt3A_1197 = arith.constant 0 : i32
      %lt3A_1198 = arith.cmpi slt, %select_n3A_1191, %lt3A_1197 : i32
      %ne3A_1199 = arith.xori %lt3A_1196, %lt3A_1198 : i1
      %and3A_1200 = arith.andi %ne3A_1199, %ne3A_1194 : i1
      %add3A_1201 = arith.addi %rem3A_1192, %select_n3A_1191 : i32
      %select_n3A_1202 = arith.select %and3A_1200, %add3A_1201, %rem3A_1192 : i32
      %add3A_1203 = arith.addi %mul3A_1186, %select_n3A_1202 : i32
      %mul3A_1204 = arith.constant 4096 : i32
      %mul3A_1205 = arith.muli %add3A_1203, %mul3A_1204 : i32
      %jit3A_1206 = arith.constant 32 : i32
      %eq3A_1207 = arith.constant 0 : i32
      %eq3A_1208 = arith.cmpi eq, %jit3A_1206, %eq3A_1207 : i32
      %jit3A_1209 = arith.constant 1 : i32
      %select_n3A_1210 = arith.select %eq3A_1208, %jit3A_1209, %jit3A_1206 : i32
      %rem3A_1211 = arith.remsi %select_n3A_1160, %select_n3A_1210 : i32
      %ne3A_1212 = arith.constant 0 : i32
      %ne3A_1213 = arith.cmpi ne, %rem3A_1211, %ne3A_1212 : i32
      %lt3A_1214 = arith.constant 0 : i32
      %lt3A_1215 = arith.cmpi slt, %rem3A_1211, %lt3A_1214 : i32
      %lt3A_1216 = arith.constant 0 : i32
      %lt3A_1217 = arith.cmpi slt, %select_n3A_1210, %lt3A_1216 : i32
      %ne3A_1218 = arith.xori %lt3A_1215, %lt3A_1217 : i1
      %and3A_1219 = arith.andi %ne3A_1218, %ne3A_1213 : i1
      %add3A_1220 = arith.addi %rem3A_1211, %select_n3A_1210 : i32
      %select_n3A_1221 = arith.select %and3A_1219, %add3A_1220, %rem3A_1211 : i32
      %mul3A_1222 = arith.constant 128 : i32
      %mul3A_1223 = arith.muli %select_n3A_1221, %mul3A_1222 : i32
      %add3A_1224 = arith.addi %mul3A_1205, %mul3A_1223 : i32
      %get3A_1225 = arith.index_cast %add3A_1203 : i32 to index
      %get3A_1226 = arith.constant 0 : index
      %get3A_1227 = tpu.vector_load %arg7[%get3A_1225, %get3A_1226] {strides = array<i32>} : memref<200x64xf32, #tpu.memory_space<vmem>>, vector<16xf32>,
      %get3A_1228 = arith.index_cast %add3A_1203 : i32 to index
      %get3A_1229 = arith.constant 16 : index
      %get3A_1230 = tpu.vector_load %arg7[%get3A_1228, %get3A_1229] {strides = array<i32>} : memref<200x64xf32, #tpu.memory_space<vmem>>, vector<16xf32>,
      %get3A_1231 = arith.index_cast %add3A_1203 : i32 to index
      %get3A_1232 = arith.constant 32 : index
      %get3A_1233 = tpu.vector_load %arg7[%get3A_1231, %get3A_1232] {strides = array<i32>} : memref<200x64xf32, #tpu.memory_space<vmem>>, vector<16xf32>,
      %get3A_1234 = arith.index_cast %add3A_1203 : i32 to index
      %get3A_1235 = arith.constant 48 : index
      %get3A_1236 = tpu.vector_load %arg7[%get3A_1234, %get3A_1235] {strides = array<i32>} : memref<200x64xf32, #tpu.memory_space<vmem>>, vector<16xf32>,
      %scan3A_1237 = arith.constant 0 : i32
      %scan3A_1238 = arith.constant 128 : i32
      %scan3A_1239 = arith.addi %scan3A_1237, %scan3A_1238 : i32
      %scan3A_1240 = arith.constant 8 : i32
      scf.for %scan3A_1404 = %scan3A_1237 to %scan3A_1239 step %scan3A_1240  : i32 {
        %mul3A_1405 = arith.constant 1 : i32
        %mul3A_1406 = arith.muli %scan3A_1404, %mul3A_1405 : i32
        %add3A_1407 = arith.constant 0 : i32
        %add3A_1408 = arith.addi %add3A_1407, %mul3A_1406 : i32
        %swap3A = arith.constant 6 : i32
        %swap3A_1409 = arith.index_cast %swap3A : i32 to index
        %swap3A_1410 = arith.index_cast %add3A_1408 : i32 to index
        %swap3A_1411 = arith.constant 0 : index
        %swap3A_1412 = tpu.vector_load %arg8[%swap3A_1409, %swap3A_1410, %swap3A_1411] {strides = array<i32>} : memref<8x128x64xf32, #tpu.memory_space<vmem>>, vector<16xf32>,
        tpu.vector_store %arg8[%swap3A_1409, %swap3A_1410, %swap3A_1411], %get3A_1227 {add = true, strides = array<i32>} : memref<8x128x64xf32, #tpu.memory_space<vmem>>, vector<16xf32>,
        %swap3A_1413 = arith.constant 6 : i32
        %swap3A_1414 = arith.index_cast %swap3A_1413 : i32 to index
        %swap3A_1415 = arith.index_cast %add3A_1408 : i32 to index
        %swap3A_1416 = arith.constant 16 : index
        %swap3A_1417 = tpu.vector_load %arg8[%swap3A_1414, %swap3A_1415, %swap3A_1416] {strides = array<i32>} : memref<8x128x64xf32, #tpu.memory_space<vmem>>, vector<16xf32>,
        tpu.vector_store %arg8[%swap3A_1414, %swap3A_1415, %swap3A_1416], %get3A_1230 {add = true, strides = array<i32>} : memref<8x128x64xf32, #tpu.memory_space<vmem>>, vector<16xf32>,
        %swap3A_1418 = arith.constant 6 : i32
        %swap3A_1419 = arith.index_cast %swap3A_1418 : i32 to index
        %swap3A_1420 = arith.index_cast %add3A_1408 : i32 to index
        %swap3A_1421 = arith.constant 32 : index
        %swap3A_1422 = tpu.vector_load %arg8[%swap3A_1419, %swap3A_1420, %swap3A_1421] {strides = array<i32>} : memref<8x128x64xf32, #tpu.memory_space<vmem>>, vector<16xf32>,
        tpu.vector_store %arg8[%swap3A_1419, %swap3A_1420, %swap3A_1421], %get3A_1233 {add = true, strides = array<i32>} : memref<8x128x64xf32, #tpu.memory_space<vmem>>, vector<16xf32>,
        %swap3A_1423 = arith.constant 6 : i32
        %swap3A_1424 = arith.index_cast %swap3A_1423 : i32 to index
        %swap3A_1425 = arith.index_cast %add3A_1408 : i32 to index
        %swap3A_1426 = arith.constant 48 : index
        %swap3A_1427 = tpu.vector_load %arg8[%swap3A_1424, %swap3A_1425, %swap3A_1426] {strides = array<i32>} : memref<8x128x64xf32, #tpu.memory_space<vmem>>, vector<16xf32>,
        tpu.vector_store %arg8[%swap3A_1424, %swap3A_1425, %swap3A_1426], %get3A_1236 {add = true, strides = array<i32>} : memref<8x128x64xf32, #tpu.memory_space<vmem>>, vector<16xf32>,
        %scan3A_1428 = arith.constant 1 : i32
        %scan3A_1429 = arith.addi %scan3A_1404, %scan3A_1428 : i32
        %mul3A_1430 = arith.constant 1 : i32
        %mul3A_1431 = arith.muli %scan3A_1429, %mul3A_1430 : i32
        %add3A_1432 = arith.constant 0 : i32
        %add3A_1433 = arith.addi %add3A_1432, %mul3A_1431 : i32
        %swap3A_1434 = arith.constant 6 : i32
        %swap3A_1435 = arith.index_cast %swap3A_1434 : i32 to index
        %swap3A_1436 = arith.index_cast %add3A_1433 : i32 to index
        %swap3A_1437 = arith.constant 0 : index
        %swap3A_1438 = tpu.vector_load %arg8[%swap3A_1435, %swap3A_1436, %swap3A_1437] {strides = array<i32>} : memref<8x128x64xf32, #tpu.memory_space<vmem>>, vector<16xf32>,
        tpu.vector_store %arg8[%swap3A_1435, %swap3A_1436, %swap3A_1437], %get3A_1227 {add = true, strides = array<i32>} : memref<8x128x64xf32, #tpu.memory_space<vmem>>, vector<16xf32>,
        %swap3A_1439 = arith.constant 6 : i32
        %swap3A_1440 = arith.index_cast %swap3A_1439 : i32 to index
        %swap3A_1441 = arith.index_cast %add3A_1433 : i32 to index
        %swap3A_1442 = arith.constant 16 : index
        %swap3A_1443 = tpu.vector_load %arg8[%swap3A_1440, %swap3A_1441, %swap3A_1442] {strides = array<i32>} : memref<8x128x64xf32, #tpu.memory_space<vmem>>, vector<16xf32>,
        tpu.vector_store %arg8[%swap3A_1440, %swap3A_1441, %swap3A_1442], %get3A_1230 {add = true, strides = array<i32>} : memref<8x128x64xf32, #tpu.memory_space<vmem>>, vector<16xf32>,
        %swap3A_1444 = arith.constant 6 : i32
        %swap3A_1445 = arith.index_cast %swap3A_1444 : i32 to index
        %swap3A_1446 = arith.index_cast %add3A_1433 : i32 to index
        %swap3A_1447 = arith.constant 32 : index
        %swap3A_1448 = tpu.vector_load %arg8[%swap3A_1445, %swap3A_1446, %swap3A_1447] {strides = array<i32>} : memref<8x128x64xf32, #tpu.memory_space<vmem>>, vector<16xf32>,
        tpu.vector_store %arg8[%swap3A_1445, %swap3A_1446, %swap3A_1447], %get3A_1233 {add = true, strides = array<i32>} : memref<8x128x64xf32, #tpu.memory_space<vmem>>, vector<16xf32>,
        %swap3A_1449 = arith.constant 6 : i32
        %swap3A_1450 = arith.index_cast %swap3A_1449 : i32 to index
        %swap3A_1451 = arith.index_cast %add3A_1433 : i32 to index
        %swap3A_1452 = arith.constant 48 : index
        %swap3A_1453 = tpu.vector_load %arg8[%swap3A_1450, %swap3A_1451, %swap3A_1452] {strides = array<i32>} : memref<8x128x64xf32, #tpu.memory_space<vmem>>, vector<16xf32>,
        tpu.vector_store %arg8[%swap3A_1450, %swap3A_1451, %swap3A_1452], %get3A_1236 {add = true, strides = array<i32>} : memref<8x128x64xf32, #tpu.memory_space<vmem>>, vector<16xf32>,
        %scan3A_1454 = arith.constant 2 : i32
        %scan3A_1455 = arith.addi %scan3A_1404, %scan3A_1454 : i32
        %mul3A_1456 = arith.constant 1 : i32
        %mul3A_1457 = arith.muli %scan3A_1455, %mul3A_1456 : i32
        %add3A_1458 = arith.constant 0 : i32
        %add3A_1459 = arith.addi %add3A_1458, %mul3A_1457 : i32
        %swap3A_1460 = arith.constant 6 : i32
        %swap3A_1461 = arith.index_cast %swap3A_1460 : i32 to index
        %swap3A_1462 = arith.index_cast %add3A_1459 : i32 to index
        %swap3A_1463 = arith.constant 0 : index
        %swap3A_1464 = tpu.vector_load %arg8[%swap3A_1461, %swap3A_1462, %swap3A_1463] {strides = array<i32>} : memref<8x128x64xf32, #tpu.memory_space<vmem>>, vector<16xf32>,
        tpu.vector_store %arg8[%swap3A_1461, %swap3A_1462, %swap3A_1463], %get3A_1227 {add = true, strides = array<i32>} : memref<8x128x64xf32, #tpu.memory_space<vmem>>, vector<16xf32>,
        %swap3A_1465 = arith.constant 6 : i32
        %swap3A_1466 = arith.index_cast %swap3A_1465 : i32 to index
        %swap3A_1467 = arith.index_cast %add3A_1459 : i32 to index
        %swap3A_1468 = arith.constant 16 : index
        %swap3A_1469 = tpu.vector_load %arg8[%swap3A_1466, %swap3A_1467, %swap3A_1468] {strides = array<i32>} : memref<8x128x64xf32, #tpu.memory_space<vmem>>, vector<16xf32>,
        tpu.vector_store %arg8[%swap3A_1466, %swap3A_1467, %swap3A_1468], %get3A_1230 {add = true, strides = array<i32>} : memref<8x128x64xf32, #tpu.memory_space<vmem>>, vector<16xf32>,
        %swap3A_1470 = arith.constant 6 : i32
        %swap3A_1471 = arith.index_cast %swap3A_1470 : i32 to index
        %swap3A_1472 = arith.index_cast %add3A_1459 : i32 to index
        %swap3A_1473 = arith.constant 32 : index
        %swap3A_1474 = tpu.vector_load %arg8[%swap3A_1471, %swap3A_1472, %swap3A_1473] {strides = array<i32>} : memref<8x128x64xf32, #tpu.memory_space<vmem>>, vector<16xf32>,
        tpu.vector_store %arg8[%swap3A_1471, %swap3A_1472, %swap3A_1473], %get3A_1233 {add = true, strides = array<i32>} : memref<8x128x64xf32, #tpu.memory_space<vmem>>, vector<16xf32>,
        %swap3A_1475 = arith.constant 6 : i32
        %swap3A_1476 = arith.index_cast %swap3A_1475 : i32 to index
        %swap3A_1477 = arith.index_cast %add3A_1459 : i32 to index
        %swap3A_1478 = arith.constant 48 : index
        %swap3A_1479 = tpu.vector_load %arg8[%swap3A_1476, %swap3A_1477, %swap3A_1478] {strides = array<i32>} : memref<8x128x64xf32, #tpu.memory_space<vmem>>, vector<16xf32>,
        tpu.vector_store %arg8[%swap3A_1476, %swap3A_1477, %swap3A_1478], %get3A_1236 {add = true, strides = array<i32>} : memref<8x128x64xf32, #tpu.memory_space<vmem>>, vector<16xf32>,
        %scan3A_1480 = arith.constant 3 : i32
        %scan3A_1481 = arith.addi %scan3A_1404, %scan3A_1480 : i32
        %mul3A_1482 = arith.constant 1 : i32
        %mul3A_1483 = arith.muli %scan3A_1481, %mul3A_1482 : i32
        %add3A_1484 = arith.constant 0 : i32
        %add3A_1485 = arith.addi %add3A_1484, %mul3A_1483 : i32
        %swap3A_1486 = arith.constant 6 : i32
        %swap3A_1487 = arith.index_cast %swap3A_1486 : i32 to index
        %swap3A_1488 = arith.index_cast %add3A_1485 : i32 to index
        %swap3A_1489 = arith.constant 0 : index
        %swap3A_1490 = tpu.vector_load %arg8[%swap3A_1487, %swap3A_1488, %swap3A_1489] {strides = array<i32>} : memref<8x128x64xf32, #tpu.memory_space<vmem>>, vector<16xf32>,
        tpu.vector_store %arg8[%swap3A_1487, %swap3A_1488, %swap3A_1489], %get3A_1227 {add = true, strides = array<i32>} : memref<8x128x64xf32, #tpu.memory_space<vmem>>, vector<16xf32>,
        %swap3A_1491 = arith.constant 6 : i32
        %swap3A_1492 = arith.index_cast %swap3A_1491 : i32 to index
        %swap3A_1493 = arith.index_cast %add3A_1485 : i32 to index
        %swap3A_1494 = arith.constant 16 : index
        %swap3A_1495 = tpu.vector_load %arg8[%swap3A_1492, %swap3A_1493, %swap3A_1494] {strides = array<i32>} : memref<8x128x64xf32, #tpu.memory_space<vmem>>, vector<16xf32>,
        tpu.vector_store %arg8[%swap3A_1492, %swap3A_1493, %swap3A_1494], %get3A_1230 {add = true, strides = array<i32>} : memref<8x128x64xf32, #tpu.memory_space<vmem>>, vector<16xf32>,
        %swap3A_1496 = arith.constant 6 : i32
        %swap3A_1497 = arith.index_cast %swap3A_1496 : i32 to index
        %swap3A_1498 = arith.index_cast %add3A_1485 : i32 to index
        %swap3A_1499 = arith.constant 32 : index
        %swap3A_1500 = tpu.vector_load %arg8[%swap3A_1497, %swap3A_1498, %swap3A_1499] {strides = array<i32>} : memref<8x128x64xf32, #tpu.memory_space<vmem>>, vector<16xf32>,
        tpu.vector_store %arg8[%swap3A_1497, %swap3A_1498, %swap3A_1499], %get3A_1233 {add = true, strides = array<i32>} : memref<8x128x64xf32, #tpu.memory_space<vmem>>, vector<16xf32>,
        %swap3A_1501 = arith.constant 6 : i32
        %swap3A_1502 = arith.index_cast %swap3A_1501 : i32 to index
        %swap3A_1503 = arith.index_cast %add3A_1485 : i32 to index
        %swap3A_1504 = arith.constant 48 : index
        %swap3A_1505 = tpu.vector_load %arg8[%swap3A_1502, %swap3A_1503, %swap3A_1504] {strides = array<i32>} : memref<8x128x64xf32, #tpu.memory_space<vmem>>, vector<16xf32>,
        tpu.vector_store %arg8[%swap3A_1502, %swap3A_1503, %swap3A_1504], %get3A_1236 {add = true, strides = array<i32>} : memref<8x128x64xf32, #tpu.memory_space<vmem>>, vector<16xf32>,
        %scan3A_1506 = arith.constant 4 : i32
        %scan3A_1507 = arith.addi %scan3A_1404, %scan3A_1506 : i32
        %mul3A_1508 = arith.constant 1 : i32
        %mul3A_1509 = arith.muli %scan3A_1507, %mul3A_1508 : i32
        %add3A_1510 = arith.constant 0 : i32
        %add3A_1511 = arith.addi %add3A_1510, %mul3A_1509 : i32
        %swap3A_1512 = arith.constant 6 : i32
        %swap3A_1513 = arith.index_cast %swap3A_1512 : i32 to index
        %swap3A_1514 = arith.index_cast %add3A_1511 : i32 to index
        %swap3A_1515 = arith.constant 0 : index
        %swap3A_1516 = tpu.vector_load %arg8[%swap3A_1513, %swap3A_1514, %swap3A_1515] {strides = array<i32>} : memref<8x128x64xf32, #tpu.memory_space<vmem>>, vector<16xf32>,
        tpu.vector_store %arg8[%swap3A_1513, %swap3A_1514, %swap3A_1515], %get3A_1227 {add = true, strides = array<i32>} : memref<8x128x64xf32, #tpu.memory_space<vmem>>, vector<16xf32>,
        %swap3A_1517 = arith.constant 6 : i32
        %swap3A_1518 = arith.index_cast %swap3A_1517 : i32 to index
        %swap3A_1519 = arith.index_cast %add3A_1511 : i32 to index
        %swap3A_1520 = arith.constant 16 : index
        %swap3A_1521 = tpu.vector_load %arg8[%swap3A_1518, %swap3A_1519, %swap3A_1520] {strides = array<i32>} : memref<8x128x64xf32, #tpu.memory_space<vmem>>, vector<16xf32>,
        tpu.vector_store %arg8[%swap3A_1518, %swap3A_1519, %swap3A_1520], %get3A_1230 {add = true, strides = array<i32>} : memref<8x128x64xf32, #tpu.memory_space<vmem>>, vector<16xf32>,
        %swap3A_1522 = arith.constant 6 : i32
        %swap3A_1523 = arith.index_cast %swap3A_1522 : i32 to index
        %swap3A_1524 = arith.index_cast %add3A_1511 : i32 to index
        %swap3A_1525 = arith.constant 32 : index
        %swap3A_1526 = tpu.vector_load %arg8[%swap3A_1523, %swap3A_1524, %swap3A_1525] {strides = array<i32>} : memref<8x128x64xf32, #tpu.memory_space<vmem>>, vector<16xf32>,
        tpu.vector_store %arg8[%swap3A_1523, %swap3A_1524, %swap3A_1525], %get3A_1233 {add = true, strides = array<i32>} : memref<8x128x64xf32, #tpu.memory_space<vmem>>, vector<16xf32>,
        %swap3A_1527 = arith.constant 6 : i32
        %swap3A_1528 = arith.index_cast %swap3A_1527 : i32 to index
        %swap3A_1529 = arith.index_cast %add3A_1511 : i32 to index
        %swap3A_1530 = arith.constant 48 : index
        %swap3A_1531 = tpu.vector_load %arg8[%swap3A_1528, %swap3A_1529, %swap3A_1530] {strides = array<i32>} : memref<8x128x64xf32, #tpu.memory_space<vmem>>, vector<16xf32>,
        tpu.vector_store %arg8[%swap3A_1528, %swap3A_1529, %swap3A_1530], %get3A_1236 {add = true, strides = array<i32>} : memref<8x128x64xf32, #tpu.memory_space<vmem>>, vector<16xf32>,
        %scan3A_1532 = arith.constant 5 : i32
        %scan3A_1533 = arith.addi %scan3A_1404, %scan3A_1532 : i32
        %mul3A_1534 = arith.constant 1 : i32
        %mul3A_1535 = arith.muli %scan3A_1533, %mul3A_1534 : i32
        %add3A_1536 = arith.constant 0 : i32
        %add3A_1537 = arith.addi %add3A_1536, %mul3A_1535 : i32
        %swap3A_1538 = arith.constant 6 : i32
        %swap3A_1539 = arith.index_cast %swap3A_1538 : i32 to index
        %swap3A_1540 = arith.index_cast %add3A_1537 : i32 to index
        %swap3A_1541 = arith.constant 0 : index
        %swap3A_1542 = tpu.vector_load %arg8[%swap3A_1539, %swap3A_1540, %swap3A_1541] {strides = array<i32>} : memref<8x128x64xf32, #tpu.memory_space<vmem>>, vector<16xf32>,
        tpu.vector_store %arg8[%swap3A_1539, %swap3A_1540, %swap3A_1541], %get3A_1227 {add = true, strides = array<i32>} : memref<8x128x64xf32, #tpu.memory_space<vmem>>, vector<16xf32>,
        %swap3A_1543 = arith.constant 6 : i32
        %swap3A_1544 = arith.index_cast %swap3A_1543 : i32 to index
        %swap3A_1545 = arith.index_cast %add3A_1537 : i32 to index
        %swap3A_1546 = arith.constant 16 : index
        %swap3A_1547 = tpu.vector_load %arg8[%swap3A_1544, %swap3A_1545, %swap3A_1546] {strides = array<i32>} : memref<8x128x64xf32, #tpu.memory_space<vmem>>, vector<16xf32>,
        tpu.vector_store %arg8[%swap3A_1544, %swap3A_1545, %swap3A_1546], %get3A_1230 {add = true, strides = array<i32>} : memref<8x128x64xf32, #tpu.memory_space<vmem>>, vector<16xf32>,
        %swap3A_1548 = arith.constant 6 : i32
        %swap3A_1549 = arith.index_cast %swap3A_1548 : i32 to index
        %swap3A_1550 = arith.index_cast %add3A_1537 : i32 to index
        %swap3A_1551 = arith.constant 32 : index
        %swap3A_1552 = tpu.vector_load %arg8[%swap3A_1549, %swap3A_1550, %swap3A_1551] {strides = array<i32>} : memref<8x128x64xf32, #tpu.memory_space<vmem>>, vector<16xf32>,
        tpu.vector_store %arg8[%swap3A_1549, %swap3A_1550, %swap3A_1551], %get3A_1233 {add = true, strides = array<i32>} : memref<8x128x64xf32, #tpu.memory_space<vmem>>, vector<16xf32>,
        %swap3A_1553 = arith.constant 6 : i32
        %swap3A_1554 = arith.index_cast %swap3A_1553 : i32 to index
        %swap3A_1555 = arith.index_cast %add3A_1537 : i32 to index
        %swap3A_1556 = arith.constant 48 : index
        %swap3A_1557 = tpu.vector_load %arg8[%swap3A_1554, %swap3A_1555, %swap3A_1556] {strides = array<i32>} : memref<8x128x64xf32, #tpu.memory_space<vmem>>, vector<16xf32>,
        tpu.vector_store %arg8[%swap3A_1554, %swap3A_1555, %swap3A_1556], %get3A_1236 {add = true, strides = array<i32>} : memref<8x128x64xf32, #tpu.memory_space<vmem>>, vector<16xf32>,
        %scan3A_1558 = arith.constant 6 : i32
        %scan3A_1559 = arith.addi %scan3A_1404, %scan3A_1558 : i32
        %mul3A_1560 = arith.constant 1 : i32
        %mul3A_1561 = arith.muli %scan3A_1559, %mul3A_1560 : i32
        %add3A_1562 = arith.constant 0 : i32
        %add3A_1563 = arith.addi %add3A_1562, %mul3A_1561 : i32
        %swap3A_1564 = arith.constant 6 : i32
        %swap3A_1565 = arith.index_cast %swap3A_1564 : i32 to index
        %swap3A_1566 = arith.index_cast %add3A_1563 : i32 to index
        %swap3A_1567 = arith.constant 0 : index
        %swap3A_1568 = tpu.vector_load %arg8[%swap3A_1565, %swap3A_1566, %swap3A_1567] {strides = array<i32>} : memref<8x128x64xf32, #tpu.memory_space<vmem>>, vector<16xf32>,
        tpu.vector_store %arg8[%swap3A_1565, %swap3A_1566, %swap3A_1567], %get3A_1227 {add = true, strides = array<i32>} : memref<8x128x64xf32, #tpu.memory_space<vmem>>, vector<16xf32>,
        %swap3A_1569 = arith.constant 6 : i32
        %swap3A_1570 = arith.index_cast %swap3A_1569 : i32 to index
        %swap3A_1571 = arith.index_cast %add3A_1563 : i32 to index
        %swap3A_1572 = arith.constant 16 : index
        %swap3A_1573 = tpu.vector_load %arg8[%swap3A_1570, %swap3A_1571, %swap3A_1572] {strides = array<i32>} : memref<8x128x64xf32, #tpu.memory_space<vmem>>, vector<16xf32>,
        tpu.vector_store %arg8[%swap3A_1570, %swap3A_1571, %swap3A_1572], %get3A_1230 {add = true, strides = array<i32>} : memref<8x128x64xf32, #tpu.memory_space<vmem>>, vector<16xf32>,
        %swap3A_1574 = arith.constant 6 : i32
        %swap3A_1575 = arith.index_cast %swap3A_1574 : i32 to index
        %swap3A_1576 = arith.index_cast %add3A_1563 : i32 to index
        %swap3A_1577 = arith.constant 32 : index
        %swap3A_1578 = tpu.vector_load %arg8[%swap3A_1575, %swap3A_1576, %swap3A_1577] {strides = array<i32>} : memref<8x128x64xf32, #tpu.memory_space<vmem>>, vector<16xf32>,
        tpu.vector_store %arg8[%swap3A_1575, %swap3A_1576, %swap3A_1577], %get3A_1233 {add = true, strides = array<i32>} : memref<8x128x64xf32, #tpu.memory_space<vmem>>, vector<16xf32>,
        %swap3A_1579 = arith.constant 6 : i32
        %swap3A_1580 = arith.index_cast %swap3A_1579 : i32 to index
        %swap3A_1581 = arith.index_cast %add3A_1563 : i32 to index
        %swap3A_1582 = arith.constant 48 : index
        %swap3A_1583 = tpu.vector_load %arg8[%swap3A_1580, %swap3A_1581, %swap3A_1582] {strides = array<i32>} : memref<8x128x64xf32, #tpu.memory_space<vmem>>, vector<16xf32>,
        tpu.vector_store %arg8[%swap3A_1580, %swap3A_1581, %swap3A_1582], %get3A_1236 {add = true, strides = array<i32>} : memref<8x128x64xf32, #tpu.memory_space<vmem>>, vector<16xf32>,
        %scan3A_1584 = arith.constant 7 : i32
        %scan3A_1585 = arith.addi %scan3A_1404, %scan3A_1584 : i32
        %mul3A_1586 = arith.constant 1 : i32
        %mul3A_1587 = arith.muli %scan3A_1585, %mul3A_1586 : i32
        %add3A_1588 = arith.constant 0 : i32
        %add3A_1589 = arith.addi %add3A_1588, %mul3A_1587 : i32
        %swap3A_1590 = arith.constant 6 : i32
        %swap3A_1591 = arith.index_cast %swap3A_1590 : i32 to index
        %swap3A_1592 = arith.index_cast %add3A_1589 : i32 to index
        %swap3A_1593 = arith.constant 0 : index
        %swap3A_1594 = tpu.vector_load %arg8[%swap3A_1591, %swap3A_1592, %swap3A_1593] {strides = array<i32>} : memref<8x128x64xf32, #tpu.memory_space<vmem>>, vector<16xf32>,
        tpu.vector_store %arg8[%swap3A_1591, %swap3A_1592, %swap3A_1593], %get3A_1227 {add = true, strides = array<i32>} : memref<8x128x64xf32, #tpu.memory_space<vmem>>, vector<16xf32>,
        %swap3A_1595 = arith.constant 6 : i32
        %swap3A_1596 = arith.index_cast %swap3A_1595 : i32 to index
        %swap3A_1597 = arith.index_cast %add3A_1589 : i32 to index
        %swap3A_1598 = arith.constant 16 : index
        %swap3A_1599 = tpu.vector_load %arg8[%swap3A_1596, %swap3A_1597, %swap3A_1598] {strides = array<i32>} : memref<8x128x64xf32, #tpu.memory_space<vmem>>, vector<16xf32>,
        tpu.vector_store %arg8[%swap3A_1596, %swap3A_1597, %swap3A_1598], %get3A_1230 {add = true, strides = array<i32>} : memref<8x128x64xf32, #tpu.memory_space<vmem>>, vector<16xf32>,
        %swap3A_1600 = arith.constant 6 : i32
        %swap3A_1601 = arith.index_cast %swap3A_1600 : i32 to index
        %swap3A_1602 = arith.index_cast %add3A_1589 : i32 to index
        %swap3A_1603 = arith.constant 32 : index
        %swap3A_1604 = tpu.vector_load %arg8[%swap3A_1601, %swap3A_1602, %swap3A_1603] {strides = array<i32>} : memref<8x128x64xf32, #tpu.memory_space<vmem>>, vector<16xf32>,
        tpu.vector_store %arg8[%swap3A_1601, %swap3A_1602, %swap3A_1603], %get3A_1233 {add = true, strides = array<i32>} : memref<8x128x64xf32, #tpu.memory_space<vmem>>, vector<16xf32>,
        %swap3A_1605 = arith.constant 6 : i32
        %swap3A_1606 = arith.index_cast %swap3A_1605 : i32 to index
        %swap3A_1607 = arith.index_cast %add3A_1589 : i32 to index
        %swap3A_1608 = arith.constant 48 : index
        %swap3A_1609 = tpu.vector_load %arg8[%swap3A_1606, %swap3A_1607, %swap3A_1608] {strides = array<i32>} : memref<8x128x64xf32, #tpu.memory_space<vmem>>, vector<16xf32>,
        tpu.vector_store %arg8[%swap3A_1606, %swap3A_1607, %swap3A_1608], %get3A_1236 {add = true, strides = array<i32>} : memref<8x128x64xf32, #tpu.memory_space<vmem>>, vector<16xf32>,
      }
      %scan3A_1241 = arith.constant 128 : i32
      %dma_start3A_1242 = arith.constant 6 : i32
      %dma_start3A_1243 = arith.constant 6 : i32
      %dma_start3A_1244 = arith.constant 0 : i32
      %dma_start3A_1245 = arith.constant 0 : i32
      %dma_start3A_1246 = tpu.memref_slice %arg8[%dma_start3A_1242, %dma_start3A_1244, %dma_start3A_1245] : memref<8x128x64xf32, #tpu.memory_space<vmem>> -> memref<1x128x64xf32, #tpu.memory_space<vmem>>
      %dma_start3A_1247 = tpu.memref_squeeze %dma_start3A_1246 : memref<1x128x64xf32, #tpu.memory_space<vmem>> -> memref<128x64xf32, #tpu.memory_space<vmem>>
      %dma_start3A_1248 = arith.constant 0 : i32
      %dma_start3A_1249 = tpu.memref_slice %arg5[%add3A_1224, %dma_start3A_1248] : memref<819200x64xf32, #tpu.memory_space<hbm>> -> memref<128x64xf32, #tpu.memory_space<hbm>>
      %dma_start3A_1250 = tpu.memref_slice %arg10[%dma_start3A_1243] : memref<8x!tpu.dma_semaphore, #tpu.memory_space<semaphore_mem>> -> memref<1x!tpu.dma_semaphore, #tpu.memory_space<semaphore_mem>>
      %dma_start3A_1251 = tpu.memref_squeeze %dma_start3A_1250 : memref<1x!tpu.dma_semaphore, #tpu.memory_space<semaphore_mem>> -> memref<!tpu.dma_semaphore, #tpu.memory_space<semaphore_mem>>
      %dma_start3A_1252 = arith.constant 0 : i32
      %dma_start3A_1253 = tpu.memref_slice %arg5[%add3A_1224, %dma_start3A_1252] : memref<819200x64xf32, #tpu.memory_space<hbm>> -> memref<128x64xf32, #tpu.memory_space<hbm>>
      %dma_start3A_1254 = arith.constant 0 : i32
      %dma_start3A_1255 = arith.constant 0 : i32
      %dma_start3A_1256 = tpu.memref_slice %arg8[%dma_start3A_1242, %dma_start3A_1254, %dma_start3A_1255] : memref<8x128x64xf32, #tpu.memory_space<vmem>> -> memref<1x128x64xf32, #tpu.memory_space<vmem>>
      %dma_start3A_1257 = tpu.memref_squeeze %dma_start3A_1256 : memref<1x128x64xf32, #tpu.memory_space<vmem>> -> memref<128x64xf32, #tpu.memory_space<vmem>>
      tpu.enqueue_dma source(%dma_start3A_1257 : memref<128x64xf32, #tpu.memory_space<vmem>>) target(%dma_start3A_1253 : memref<128x64xf32, #tpu.memory_space<hbm>>) target_semaphore(%dma_start3A_1251 : memref<!tpu.dma_semaphore, #tpu.memory_space<semaphore_mem>>)
      %add3A_1258 = arith.constant 7 : i32
      %add3A_1259 = arith.addi %mul3A_248, %add3A_1258 : i32
      %add3A_1260 = arith.constant 8 : i32
      %add3A_1261 = arith.addi %add3A_1259, %add3A_1260 : i32
      %sub3A_1262 = arith.constant 1 : i32
      %sub3A_1263 = arith.subi %add3A_1261, %sub3A_1262 : i32
      %lt3A_1264 = arith.constant 200 : i32
      %lt3A_1265 = arith.cmpi slt, %sub3A_1263, %lt3A_1264 : i32
      %convert_element_type3A_1266 = arith.extui %lt3A_1265 : i1 to i32
      %cond3A_1267 = arith.constant 0 : i32
      %cond3A_1268 = arith.cmpi ne, %convert_element_type3A_1266, %cond3A_1267 : i32
      scf.if %cond3A_1268 {
        %ge3A = arith.constant 1 : i32
        %ge3A_1404 = arith.cmpi sge, %add3A_1259, %ge3A : i32
        %convert_element_type3A_1405 = arith.extui %ge3A_1404 : i1 to i32
        %cond3A_1406 = arith.constant 0 : i32
        %cond3A_1407 = arith.cmpi ne, %convert_element_type3A_1405, %cond3A_1406 : i32
        scf.if %cond3A_1407 {
          %dma_wait3A_1426 = arith.constant 6 : i32
          %dma_wait3A_1427 = arith.constant 6 : i32
          %dma_wait3A_1428 = arith.constant 0 : i32
          %dma_wait3A_1429 = arith.constant 0 : i32
          %dma_wait3A_1430 = tpu.memref_slice %arg8[%dma_wait3A_1426, %dma_wait3A_1428, %dma_wait3A_1429] : memref<8x128x64xf32, #tpu.memory_space<vmem>> -> memref<1x128x64xf32, #tpu.memory_space<vmem>>
          %dma_wait3A_1431 = tpu.memref_squeeze %dma_wait3A_1430 : memref<1x128x64xf32, #tpu.memory_space<vmem>> -> memref<128x64xf32, #tpu.memory_space<vmem>>
          %dma_wait3A_1432 = arith.constant 0 : i32
          %dma_wait3A_1433 = arith.constant 0 : i32
          %dma_wait3A_1434 = tpu.memref_slice %arg5[%dma_wait3A_1432, %dma_wait3A_1433] : memref<819200x64xf32, #tpu.memory_space<hbm>> -> memref<128x64xf32, #tpu.memory_space<hbm>>
          %dma_wait3A_1435 = tpu.memref_slice %arg10[%dma_wait3A_1427] : memref<8x!tpu.dma_semaphore, #tpu.memory_space<semaphore_mem>> -> memref<1x!tpu.dma_semaphore, #tpu.memory_space<semaphore_mem>>
          %dma_wait3A_1436 = tpu.memref_squeeze %dma_wait3A_1435 : memref<1x!tpu.dma_semaphore, #tpu.memory_space<semaphore_mem>> -> memref<!tpu.dma_semaphore, #tpu.memory_space<semaphore_mem>>
          %dma_wait3A_1437 = arith.constant 0 : i32
          %dma_wait3A_1438 = arith.constant 0 : i32
          %dma_wait3A_1439 = tpu.memref_slice %arg5[%dma_wait3A_1437, %dma_wait3A_1438] : memref<819200x64xf32, #tpu.memory_space<hbm>> -> memref<128x64xf32, #tpu.memory_space<hbm>>
          %dma_wait3A_1440 = arith.constant 0 : i32
          %dma_wait3A_1441 = arith.constant 0 : i32
          %dma_wait3A_1442 = tpu.memref_slice %arg8[%dma_wait3A_1426, %dma_wait3A_1440, %dma_wait3A_1441] : memref<8x128x64xf32, #tpu.memory_space<vmem>> -> memref<1x128x64xf32, #tpu.memory_space<vmem>>
          %dma_wait3A_1443 = tpu.memref_squeeze %dma_wait3A_1442 : memref<1x128x64xf32, #tpu.memory_space<vmem>> -> memref<128x64xf32, #tpu.memory_space<vmem>>
          tpu.wait_dma2 semaphore(%dma_wait3A_1436 : memref<!tpu.dma_semaphore, #tpu.memory_space<semaphore_mem>>) src(%dma_wait3A_1443 : memref<128x64xf32, #tpu.memory_space<vmem>>) dst(%dma_wait3A_1439 : memref<128x64xf32, #tpu.memory_space<hbm>>)
        } else {
        }
        %add3A_1408 = arith.constant 8 : i32
        %add3A_1409 = arith.addi %add3A_1259, %add3A_1408 : i32
        %sub3A_1410 = arith.constant 1 : i32
        %sub3A_1411 = arith.subi %add3A_1409, %sub3A_1410 : i32
        %mul3A_1412 = arith.constant 128 : i32
        %mul3A_1413 = arith.muli %sub3A_1411, %mul3A_1412 : i32
        %dma_start3A_1414 = arith.constant 6 : i32
        %dma_start3A_1415 = arith.constant 6 : i32
        %dma_start3A_1416 = arith.constant 0 : i32
        %dma_start3A_1417 = arith.constant 0 : i32
        %dma_start3A_1418 = tpu.memref_slice %arg8[%dma_start3A_1414, %dma_start3A_1416, %dma_start3A_1417] : memref<8x128x64xf32, #tpu.memory_space<vmem>> -> memref<1x128x64xf32, #tpu.memory_space<vmem>>
        %dma_start3A_1419 = tpu.memref_squeeze %dma_start3A_1418 : memref<1x128x64xf32, #tpu.memory_space<vmem>> -> memref<128x64xf32, #tpu.memory_space<vmem>>
        %dma_start3A_1420 = tpu.memref_slice %arg6[%mul3A_1413] : memref<25600xi32, #tpu.memory_space<vmem>> -> memref<128xi32, #tpu.memory_space<vmem>>
        %dma_start3A_1421 = arith.constant 0 : i32
        %dma_start3A_1422 = arith.constant 0 : i32
        %dma_start3A_1423 = tpu.memref_slice %arg2[%dma_start3A_1421, %dma_start3A_1422] : memref<1000000x64xf32, #tpu.memory_space<hbm>> -> memref<1000000x64xf32, #tpu.memory_space<hbm>>
        %dma_start3A_1424 = tpu.memref_slice %arg9[%dma_start3A_1415] : memref<8x!tpu.dma_semaphore, #tpu.memory_space<semaphore_mem>> -> memref<1x!tpu.dma_semaphore, #tpu.memory_space<semaphore_mem>>
        %dma_start3A_1425 = tpu.memref_squeeze %dma_start3A_1424 : memref<1x!tpu.dma_semaphore, #tpu.memory_space<semaphore_mem>> -> memref<!tpu.dma_semaphore, #tpu.memory_space<semaphore_mem>>
        tpu.enqueue_indirect_dma source(%dma_start3A_1423 : memref<1000000x64xf32, #tpu.memory_space<hbm>>) target(%dma_start3A_1419 : memref<128x64xf32, #tpu.memory_space<vmem>>) offsets(%dma_start3A_1420 : memref<128xi32, #tpu.memory_space<vmem>>) semaphore(%dma_start3A_1425 : memref<!tpu.dma_semaphore, #tpu.memory_space<semaphore_mem>>)
      } else {
      }
      %dma_wait3A_1269 = arith.constant 7 : i32
      %dma_wait3A_1270 = arith.constant 7 : i32
      %dma_wait3A_1271 = arith.constant 0 : i32
      %dma_wait3A_1272 = arith.constant 0 : i32
      %dma_wait3A_1273 = tpu.memref_slice %arg8[%dma_wait3A_1269, %dma_wait3A_1271, %dma_wait3A_1272] : memref<8x128x64xf32, #tpu.memory_space<vmem>> -> memref<1x128x64xf32, #tpu.memory_space<vmem>>
      %dma_wait3A_1274 = tpu.memref_squeeze %dma_wait3A_1273 : memref<1x128x64xf32, #tpu.memory_space<vmem>> -> memref<128x64xf32, #tpu.memory_space<vmem>>
      %dma_wait3A_1275 = arith.constant 0 : i32
      %dma_wait3A_1276 = tpu.memref_slice %arg6[%dma_wait3A_1275] : memref<25600xi32, #tpu.memory_space<vmem>> -> memref<128xi32, #tpu.memory_space<vmem>>
      %dma_wait3A_1277 = arith.constant 0 : i32
      %dma_wait3A_1278 = arith.constant 0 : i32
      %dma_wait3A_1279 = tpu.memref_slice %arg2[%dma_wait3A_1277, %dma_wait3A_1278] : memref<1000000x64xf32, #tpu.memory_space<hbm>> -> memref<1000000x64xf32, #tpu.memory_space<hbm>>
      %dma_wait3A_1280 = tpu.memref_slice %arg9[%dma_wait3A_1270] : memref<8x!tpu.dma_semaphore, #tpu.memory_space<semaphore_mem>> -> memref<1x!tpu.dma_semaphore, #tpu.memory_space<semaphore_mem>>
      %dma_wait3A_1281 = tpu.memref_squeeze %dma_wait3A_1280 : memref<1x!tpu.dma_semaphore, #tpu.memory_space<semaphore_mem>> -> memref<!tpu.dma_semaphore, #tpu.memory_space<semaphore_mem>>
      tpu.wait_indirect_dma semaphore(%dma_wait3A_1281 : memref<!tpu.dma_semaphore, #tpu.memory_space<semaphore_mem>>) src(%dma_wait3A_1279 : memref<1000000x64xf32, #tpu.memory_space<hbm>>) dst(%dma_wait3A_1274 : memref<128x64xf32, #tpu.memory_space<vmem>>)
      %add3A_1282 = arith.addi %mul3A_4, %add3A_1259 : i32
      %jit3A_1283 = arith.constant 8 : i32
      %div3A_1284 = arith.divsi %add3A_1282, %jit3A_1283 : i32
      %sign3A_1285 = arith.constant 0 : i32
      %sign3A_1286 = arith.cmpi sgt, %add3A_1282, %sign3A_1285 : i32
      %sign3A_1287 = arith.extui %sign3A_1286 : i1 to i32
      %sign3A_1288 = arith.constant 0 : i32
      %sign3A_1289 = arith.cmpi slt, %add3A_1282, %sign3A_1288 : i32
      %sign3A_1290 = arith.extui %sign3A_1289 : i1 to i32
      %sign3A_1291 = arith.subi %sign3A_1287, %sign3A_1290 : i32
      %sign3A_1292 = arith.constant 0 : i32
      %sign3A_1293 = arith.cmpi sgt, %jit3A_1283, %sign3A_1292 : i32
      %sign3A_1294 = arith.extui %sign3A_1293 : i1 to i32
      %sign3A_1295 = arith.constant 0 : i32
      %sign3A_1296 = arith.cmpi slt, %jit3A_1283, %sign3A_1295 : i32
      %sign3A_1297 = arith.extui %sign3A_1296 : i1 to i32
      %sign3A_1298 = arith.subi %sign3A_1294, %sign3A_1297 : i32
      %ne3A_1299 = arith.cmpi ne, %sign3A_1291, %sign3A_1298 : i32
      %rem3A_1300 = arith.remsi %add3A_1282, %jit3A_1283 : i32
      %ne3A_1301 = arith.constant 0 : i32
      %ne3A_1302 = arith.cmpi ne, %rem3A_1300, %ne3A_1301 : i32
      %and3A_1303 = arith.andi %ne3A_1299, %ne3A_1302 : i1
      %sub3A_1304 = arith.constant 1 : i32
      %sub3A_1305 = arith.subi %div3A_1284, %sub3A_1304 : i32
      %select_n3A_1306 = arith.select %and3A_1303, %sub3A_1305, %div3A_1284 : i32
      %jit3A_1307 = arith.constant 32 : i32
      %div3A_1308 = arith.divsi %select_n3A_1306, %jit3A_1307 : i32
      %sign3A_1309 = arith.constant 0 : i32
      %sign3A_1310 = arith.cmpi sgt, %select_n3A_1306, %sign3A_1309 : i32
      %sign3A_1311 = arith.extui %sign3A_1310 : i1 to i32
      %sign3A_1312 = arith.constant 0 : i32
      %sign3A_1313 = arith.cmpi slt, %select_n3A_1306, %sign3A_1312 : i32
      %sign3A_1314 = arith.extui %sign3A_1313 : i1 to i32
      %sign3A_1315 = arith.subi %sign3A_1311, %sign3A_1314 : i32
      %sign3A_1316 = arith.constant 0 : i32
      %sign3A_1317 = arith.cmpi sgt, %jit3A_1307, %sign3A_1316 : i32
      %sign3A_1318 = arith.extui %sign3A_1317 : i1 to i32
      %sign3A_1319 = arith.constant 0 : i32
      %sign3A_1320 = arith.cmpi slt, %jit3A_1307, %sign3A_1319 : i32
      %sign3A_1321 = arith.extui %sign3A_1320 : i1 to i32
      %sign3A_1322 = arith.subi %sign3A_1318, %sign3A_1321 : i32
      %ne3A_1323 = arith.cmpi ne, %sign3A_1315, %sign3A_1322 : i32
      %rem3A_1324 = arith.remsi %select_n3A_1306, %jit3A_1307 : i32
      %ne3A_1325 = arith.constant 0 : i32
      %ne3A_1326 = arith.cmpi ne, %rem3A_1324, %ne3A_1325 : i32
      %and3A_1327 = arith.andi %ne3A_1323, %ne3A_1326 : i1
      %sub3A_1328 = arith.constant 1 : i32
      %sub3A_1329 = arith.subi %div3A_1308, %sub3A_1328 : i32
      %select_n3A_1330 = arith.select %and3A_1327, %sub3A_1329, %div3A_1308 : i32
      %mul3A_1331 = arith.constant 8 : i32
      %mul3A_1332 = arith.muli %mul3A_1331, %select_n3A_1330 : i32
      %jit3A_1333 = arith.constant 8 : i32
      %eq3A_1334 = arith.constant 0 : i32
      %eq3A_1335 = arith.cmpi eq, %jit3A_1333, %eq3A_1334 : i32
      %jit3A_1336 = arith.constant 1 : i32
      %select_n3A_1337 = arith.select %eq3A_1335, %jit3A_1336, %jit3A_1333 : i32
      %rem3A_1338 = arith.remsi %add3A_1282, %select_n3A_1337 : i32
      %ne3A_1339 = arith.constant 0 : i32
      %ne3A_1340 = arith.cmpi ne, %rem3A_1338, %ne3A_1339 : i32
      %lt3A_1341 = arith.constant 0 : i32
      %lt3A_1342 = arith.cmpi slt, %rem3A_1338, %lt3A_1341 : i32
      %lt3A_1343 = arith.constant 0 : i32
      %lt3A_1344 = arith.cmpi slt, %select_n3A_1337, %lt3A_1343 : i32
      %ne3A_1345 = arith.xori %lt3A_1342, %lt3A_1344 : i1
      %and3A_1346 = arith.andi %ne3A_1345, %ne3A_1340 : i1
      %add3A_1347 = arith.addi %rem3A_1338, %select_n3A_1337 : i32
      %select_n3A_1348 = arith.select %and3A_1346, %add3A_1347, %rem3A_1338 : i32
      %add3A_1349 = arith.addi %mul3A_1332, %select_n3A_1348 : i32
      %mul3A_1350 = arith.constant 4096 : i32
      %mul3A_1351 = arith.muli %add3A_1349, %mul3A_1350 : i32
      %jit3A_1352 = arith.constant 32 : i32
      %eq3A_1353 = arith.constant 0 : i32
      %eq3A_1354 = arith.cmpi eq, %jit3A_1352, %eq3A_1353 : i32
      %jit3A_1355 = arith.constant 1 : i32
      %select_n3A_1356 = arith.select %eq3A_1354, %jit3A_1355, %jit3A_1352 : i32
      %rem3A_1357 = arith.remsi %select_n3A_1306, %select_n3A_1356 : i32
      %ne3A_1358 = arith.constant 0 : i32
      %ne3A_1359 = arith.cmpi ne, %rem3A_1357, %ne3A_1358 : i32
      %lt3A_1360 = arith.constant 0 : i32
      %lt3A_1361 = arith.cmpi slt, %rem3A_1357, %lt3A_1360 : i32
      %lt3A_1362 = arith.constant 0 : i32
      %lt3A_1363 = arith.cmpi slt, %select_n3A_1356, %lt3A_1362 : i32
      %ne3A_1364 = arith.xori %lt3A_1361, %lt3A_1363 : i1
      %and3A_1365 = arith.andi %ne3A_1364, %ne3A_1359 : i1
      %add3A_1366 = arith.addi %rem3A_1357, %select_n3A_1356 : i32
      %select_n3A_1367 = arith.select %and3A_1365, %add3A_1366, %rem3A_1357 : i32
      %mul3A_1368 = arith.constant 128 : i32
      %mul3A_1369 = arith.muli %select_n3A_1367, %mul3A_1368 : i32
      %add3A_1370 = arith.addi %mul3A_1351, %mul3A_1369 : i32
      %get3A_1371 = arith.index_cast %add3A_1349 : i32 to index
      %get3A_1372 = arith.constant 0 : index
      %get3A_1373 = tpu.vector_load %arg7[%get3A_1371, %get3A_1372] {strides = array<i32>} : memref<200x64xf32, #tpu.memory_space<vmem>>, vector<16xf32>,
      %get3A_1374 = arith.index_cast %add3A_1349 : i32 to index
      %get3A_1375 = arith.constant 16 : index
      %get3A_1376 = tpu.vector_load %arg7[%get3A_1374, %get3A_1375] {strides = array<i32>} : memref<200x64xf32, #tpu.memory_space<vmem>>, vector<16xf32>,
      %get3A_1377 = arith.index_cast %add3A_1349 : i32 to index
      %get3A_1378 = arith.constant 32 : index
      %get3A_1379 = tpu.vector_load %arg7[%get3A_1377, %get3A_1378] {strides = array<i32>} : memref<200x64xf32, #tpu.memory_space<vmem>>, vector<16xf32>,
      %get3A_1380 = arith.index_cast %add3A_1349 : i32 to index
      %get3A_1381 = arith.constant 48 : index
      %get3A_1382 = tpu.vector_load %arg7[%get3A_1380, %get3A_1381] {strides = array<i32>} : memref<200x64xf32, #tpu.memory_space<vmem>>, vector<16xf32>,
      %scan3A_1383 = arith.constant 0 : i32
      %scan3A_1384 = arith.constant 128 : i32
      %scan3A_1385 = arith.addi %scan3A_1383, %scan3A_1384 : i32
      %scan3A_1386 = arith.constant 8 : i32
      scf.for %scan3A_1404 = %scan3A_1383 to %scan3A_1385 step %scan3A_1386  : i32 {
        %mul3A_1405 = arith.constant 1 : i32
        %mul3A_1406 = arith.muli %scan3A_1404, %mul3A_1405 : i32
        %add3A_1407 = arith.constant 0 : i32
        %add3A_1408 = arith.addi %add3A_1407, %mul3A_1406 : i32
        %swap3A = arith.constant 7 : i32
        %swap3A_1409 = arith.index_cast %swap3A : i32 to index
        %swap3A_1410 = arith.index_cast %add3A_1408 : i32 to index
        %swap3A_1411 = arith.constant 0 : index
        %swap3A_1412 = tpu.vector_load %arg8[%swap3A_1409, %swap3A_1410, %swap3A_1411] {strides = array<i32>} : memref<8x128x64xf32, #tpu.memory_space<vmem>>, vector<16xf32>,
        tpu.vector_store %arg8[%swap3A_1409, %swap3A_1410, %swap3A_1411], %get3A_1373 {add = true, strides = array<i32>} : memref<8x128x64xf32, #tpu.memory_space<vmem>>, vector<16xf32>,
        %swap3A_1413 = arith.constant 7 : i32
        %swap3A_1414 = arith.index_cast %swap3A_1413 : i32 to index
        %swap3A_1415 = arith.index_cast %add3A_1408 : i32 to index
        %swap3A_1416 = arith.constant 16 : index
        %swap3A_1417 = tpu.vector_load %arg8[%swap3A_1414, %swap3A_1415, %swap3A_1416] {strides = array<i32>} : memref<8x128x64xf32, #tpu.memory_space<vmem>>, vector<16xf32>,
        tpu.vector_store %arg8[%swap3A_1414, %swap3A_1415, %swap3A_1416], %get3A_1376 {add = true, strides = array<i32>} : memref<8x128x64xf32, #tpu.memory_space<vmem>>, vector<16xf32>,
        %swap3A_1418 = arith.constant 7 : i32
        %swap3A_1419 = arith.index_cast %swap3A_1418 : i32 to index
        %swap3A_1420 = arith.index_cast %add3A_1408 : i32 to index
        %swap3A_1421 = arith.constant 32 : index
        %swap3A_1422 = tpu.vector_load %arg8[%swap3A_1419, %swap3A_1420, %swap3A_1421] {strides = array<i32>} : memref<8x128x64xf32, #tpu.memory_space<vmem>>, vector<16xf32>,
        tpu.vector_store %arg8[%swap3A_1419, %swap3A_1420, %swap3A_1421], %get3A_1379 {add = true, strides = array<i32>} : memref<8x128x64xf32, #tpu.memory_space<vmem>>, vector<16xf32>,
        %swap3A_1423 = arith.constant 7 : i32
        %swap3A_1424 = arith.index_cast %swap3A_1423 : i32 to index
        %swap3A_1425 = arith.index_cast %add3A_1408 : i32 to index
        %swap3A_1426 = arith.constant 48 : index
        %swap3A_1427 = tpu.vector_load %arg8[%swap3A_1424, %swap3A_1425, %swap3A_1426] {strides = array<i32>} : memref<8x128x64xf32, #tpu.memory_space<vmem>>, vector<16xf32>,
        tpu.vector_store %arg8[%swap3A_1424, %swap3A_1425, %swap3A_1426], %get3A_1382 {add = true, strides = array<i32>} : memref<8x128x64xf32, #tpu.memory_space<vmem>>, vector<16xf32>,
        %scan3A_1428 = arith.constant 1 : i32
        %scan3A_1429 = arith.addi %scan3A_1404, %scan3A_1428 : i32
        %mul3A_1430 = arith.constant 1 : i32
        %mul3A_1431 = arith.muli %scan3A_1429, %mul3A_1430 : i32
        %add3A_1432 = arith.constant 0 : i32
        %add3A_1433 = arith.addi %add3A_1432, %mul3A_1431 : i32
        %swap3A_1434 = arith.constant 7 : i32
        %swap3A_1435 = arith.index_cast %swap3A_1434 : i32 to index
        %swap3A_1436 = arith.index_cast %add3A_1433 : i32 to index
        %swap3A_1437 = arith.constant 0 : index
        %swap3A_1438 = tpu.vector_load %arg8[%swap3A_1435, %swap3A_1436, %swap3A_1437] {strides = array<i32>} : memref<8x128x64xf32, #tpu.memory_space<vmem>>, vector<16xf32>,
        tpu.vector_store %arg8[%swap3A_1435, %swap3A_1436, %swap3A_1437], %get3A_1373 {add = true, strides = array<i32>} : memref<8x128x64xf32, #tpu.memory_space<vmem>>, vector<16xf32>,
        %swap3A_1439 = arith.constant 7 : i32
        %swap3A_1440 = arith.index_cast %swap3A_1439 : i32 to index
        %swap3A_1441 = arith.index_cast %add3A_1433 : i32 to index
        %swap3A_1442 = arith.constant 16 : index
        %swap3A_1443 = tpu.vector_load %arg8[%swap3A_1440, %swap3A_1441, %swap3A_1442] {strides = array<i32>} : memref<8x128x64xf32, #tpu.memory_space<vmem>>, vector<16xf32>,
        tpu.vector_store %arg8[%swap3A_1440, %swap3A_1441, %swap3A_1442], %get3A_1376 {add = true, strides = array<i32>} : memref<8x128x64xf32, #tpu.memory_space<vmem>>, vector<16xf32>,
        %swap3A_1444 = arith.constant 7 : i32
        %swap3A_1445 = arith.index_cast %swap3A_1444 : i32 to index
        %swap3A_1446 = arith.index_cast %add3A_1433 : i32 to index
        %swap3A_1447 = arith.constant 32 : index
        %swap3A_1448 = tpu.vector_load %arg8[%swap3A_1445, %swap3A_1446, %swap3A_1447] {strides = array<i32>} : memref<8x128x64xf32, #tpu.memory_space<vmem>>, vector<16xf32>,
        tpu.vector_store %arg8[%swap3A_1445, %swap3A_1446, %swap3A_1447], %get3A_1379 {add = true, strides = array<i32>} : memref<8x128x64xf32, #tpu.memory_space<vmem>>, vector<16xf32>,
        %swap3A_1449 = arith.constant 7 : i32
        %swap3A_1450 = arith.index_cast %swap3A_1449 : i32 to index
        %swap3A_1451 = arith.index_cast %add3A_1433 : i32 to index
        %swap3A_1452 = arith.constant 48 : index
        %swap3A_1453 = tpu.vector_load %arg8[%swap3A_1450, %swap3A_1451, %swap3A_1452] {strides = array<i32>} : memref<8x128x64xf32, #tpu.memory_space<vmem>>, vector<16xf32>,
        tpu.vector_store %arg8[%swap3A_1450, %swap3A_1451, %swap3A_1452], %get3A_1382 {add = true, strides = array<i32>} : memref<8x128x64xf32, #tpu.memory_space<vmem>>, vector<16xf32>,
        %scan3A_1454 = arith.constant 2 : i32
        %scan3A_1455 = arith.addi %scan3A_1404, %scan3A_1454 : i32
        %mul3A_1456 = arith.constant 1 : i32
        %mul3A_1457 = arith.muli %scan3A_1455, %mul3A_1456 : i32
        %add3A_1458 = arith.constant 0 : i32
        %add3A_1459 = arith.addi %add3A_1458, %mul3A_1457 : i32
        %swap3A_1460 = arith.constant 7 : i32
        %swap3A_1461 = arith.index_cast %swap3A_1460 : i32 to index
        %swap3A_1462 = arith.index_cast %add3A_1459 : i32 to index
        %swap3A_1463 = arith.constant 0 : index
        %swap3A_1464 = tpu.vector_load %arg8[%swap3A_1461, %swap3A_1462, %swap3A_1463] {strides = array<i32>} : memref<8x128x64xf32, #tpu.memory_space<vmem>>, vector<16xf32>,
        tpu.vector_store %arg8[%swap3A_1461, %swap3A_1462, %swap3A_1463], %get3A_1373 {add = true, strides = array<i32>} : memref<8x128x64xf32, #tpu.memory_space<vmem>>, vector<16xf32>,
        %swap3A_1465 = arith.constant 7 : i32
        %swap3A_1466 = arith.index_cast %swap3A_1465 : i32 to index
        %swap3A_1467 = arith.index_cast %add3A_1459 : i32 to index
        %swap3A_1468 = arith.constant 16 : index
        %swap3A_1469 = tpu.vector_load %arg8[%swap3A_1466, %swap3A_1467, %swap3A_1468] {strides = array<i32>} : memref<8x128x64xf32, #tpu.memory_space<vmem>>, vector<16xf32>,
        tpu.vector_store %arg8[%swap3A_1466, %swap3A_1467, %swap3A_1468], %get3A_1376 {add = true, strides = array<i32>} : memref<8x128x64xf32, #tpu.memory_space<vmem>>, vector<16xf32>,
        %swap3A_1470 = arith.constant 7 : i32
        %swap3A_1471 = arith.index_cast %swap3A_1470 : i32 to index
        %swap3A_1472 = arith.index_cast %add3A_1459 : i32 to index
        %swap3A_1473 = arith.constant 32 : index
        %swap3A_1474 = tpu.vector_load %arg8[%swap3A_1471, %swap3A_1472, %swap3A_1473] {strides = array<i32>} : memref<8x128x64xf32, #tpu.memory_space<vmem>>, vector<16xf32>,
        tpu.vector_store %arg8[%swap3A_1471, %swap3A_1472, %swap3A_1473], %get3A_1379 {add = true, strides = array<i32>} : memref<8x128x64xf32, #tpu.memory_space<vmem>>, vector<16xf32>,
        %swap3A_1475 = arith.constant 7 : i32
        %swap3A_1476 = arith.index_cast %swap3A_1475 : i32 to index
        %swap3A_1477 = arith.index_cast %add3A_1459 : i32 to index
        %swap3A_1478 = arith.constant 48 : index
        %swap3A_1479 = tpu.vector_load %arg8[%swap3A_1476, %swap3A_1477, %swap3A_1478] {strides = array<i32>} : memref<8x128x64xf32, #tpu.memory_space<vmem>>, vector<16xf32>,
        tpu.vector_store %arg8[%swap3A_1476, %swap3A_1477, %swap3A_1478], %get3A_1382 {add = true, strides = array<i32>} : memref<8x128x64xf32, #tpu.memory_space<vmem>>, vector<16xf32>,
        %scan3A_1480 = arith.constant 3 : i32
        %scan3A_1481 = arith.addi %scan3A_1404, %scan3A_1480 : i32
        %mul3A_1482 = arith.constant 1 : i32
        %mul3A_1483 = arith.muli %scan3A_1481, %mul3A_1482 : i32
        %add3A_1484 = arith.constant 0 : i32
        %add3A_1485 = arith.addi %add3A_1484, %mul3A_1483 : i32
        %swap3A_1486 = arith.constant 7 : i32
        %swap3A_1487 = arith.index_cast %swap3A_1486 : i32 to index
        %swap3A_1488 = arith.index_cast %add3A_1485 : i32 to index
        %swap3A_1489 = arith.constant 0 : index
        %swap3A_1490 = tpu.vector_load %arg8[%swap3A_1487, %swap3A_1488, %swap3A_1489] {strides = array<i32>} : memref<8x128x64xf32, #tpu.memory_space<vmem>>, vector<16xf32>,
        tpu.vector_store %arg8[%swap3A_1487, %swap3A_1488, %swap3A_1489], %get3A_1373 {add = true, strides = array<i32>} : memref<8x128x64xf32, #tpu.memory_space<vmem>>, vector<16xf32>,
        %swap3A_1491 = arith.constant 7 : i32
        %swap3A_1492 = arith.index_cast %swap3A_1491 : i32 to index
        %swap3A_1493 = arith.index_cast %add3A_1485 : i32 to index
        %swap3A_1494 = arith.constant 16 : index
        %swap3A_1495 = tpu.vector_load %arg8[%swap3A_1492, %swap3A_1493, %swap3A_1494] {strides = array<i32>} : memref<8x128x64xf32, #tpu.memory_space<vmem>>, vector<16xf32>,
        tpu.vector_store %arg8[%swap3A_1492, %swap3A_1493, %swap3A_1494], %get3A_1376 {add = true, strides = array<i32>} : memref<8x128x64xf32, #tpu.memory_space<vmem>>, vector<16xf32>,
        %swap3A_1496 = arith.constant 7 : i32
        %swap3A_1497 = arith.index_cast %swap3A_1496 : i32 to index
        %swap3A_1498 = arith.index_cast %add3A_1485 : i32 to index
        %swap3A_1499 = arith.constant 32 : index
        %swap3A_1500 = tpu.vector_load %arg8[%swap3A_1497, %swap3A_1498, %swap3A_1499] {strides = array<i32>} : memref<8x128x64xf32, #tpu.memory_space<vmem>>, vector<16xf32>,
        tpu.vector_store %arg8[%swap3A_1497, %swap3A_1498, %swap3A_1499], %get3A_1379 {add = true, strides = array<i32>} : memref<8x128x64xf32, #tpu.memory_space<vmem>>, vector<16xf32>,
        %swap3A_1501 = arith.constant 7 : i32
        %swap3A_1502 = arith.index_cast %swap3A_1501 : i32 to index
        %swap3A_1503 = arith.index_cast %add3A_1485 : i32 to index
        %swap3A_1504 = arith.constant 48 : index
        %swap3A_1505 = tpu.vector_load %arg8[%swap3A_1502, %swap3A_1503, %swap3A_1504] {strides = array<i32>} : memref<8x128x64xf32, #tpu.memory_space<vmem>>, vector<16xf32>,
        tpu.vector_store %arg8[%swap3A_1502, %swap3A_1503, %swap3A_1504], %get3A_1382 {add = true, strides = array<i32>} : memref<8x128x64xf32, #tpu.memory_space<vmem>>, vector<16xf32>,
        %scan3A_1506 = arith.constant 4 : i32
        %scan3A_1507 = arith.addi %scan3A_1404, %scan3A_1506 : i32
        %mul3A_1508 = arith.constant 1 : i32
        %mul3A_1509 = arith.muli %scan3A_1507, %mul3A_1508 : i32
        %add3A_1510 = arith.constant 0 : i32
        %add3A_1511 = arith.addi %add3A_1510, %mul3A_1509 : i32
        %swap3A_1512 = arith.constant 7 : i32
        %swap3A_1513 = arith.index_cast %swap3A_1512 : i32 to index
        %swap3A_1514 = arith.index_cast %add3A_1511 : i32 to index
        %swap3A_1515 = arith.constant 0 : index
        %swap3A_1516 = tpu.vector_load %arg8[%swap3A_1513, %swap3A_1514, %swap3A_1515] {strides = array<i32>} : memref<8x128x64xf32, #tpu.memory_space<vmem>>, vector<16xf32>,
        tpu.vector_store %arg8[%swap3A_1513, %swap3A_1514, %swap3A_1515], %get3A_1373 {add = true, strides = array<i32>} : memref<8x128x64xf32, #tpu.memory_space<vmem>>, vector<16xf32>,
        %swap3A_1517 = arith.constant 7 : i32
        %swap3A_1518 = arith.index_cast %swap3A_1517 : i32 to index
        %swap3A_1519 = arith.index_cast %add3A_1511 : i32 to index
        %swap3A_1520 = arith.constant 16 : index
        %swap3A_1521 = tpu.vector_load %arg8[%swap3A_1518, %swap3A_1519, %swap3A_1520] {strides = array<i32>} : memref<8x128x64xf32, #tpu.memory_space<vmem>>, vector<16xf32>,
        tpu.vector_store %arg8[%swap3A_1518, %swap3A_1519, %swap3A_1520], %get3A_1376 {add = true, strides = array<i32>} : memref<8x128x64xf32, #tpu.memory_space<vmem>>, vector<16xf32>,
        %swap3A_1522 = arith.constant 7 : i32
        %swap3A_1523 = arith.index_cast %swap3A_1522 : i32 to index
        %swap3A_1524 = arith.index_cast %add3A_1511 : i32 to index
        %swap3A_1525 = arith.constant 32 : index
        %swap3A_1526 = tpu.vector_load %arg8[%swap3A_1523, %swap3A_1524, %swap3A_1525] {strides = array<i32>} : memref<8x128x64xf32, #tpu.memory_space<vmem>>, vector<16xf32>,
        tpu.vector_store %arg8[%swap3A_1523, %swap3A_1524, %swap3A_1525], %get3A_1379 {add = true, strides = array<i32>} : memref<8x128x64xf32, #tpu.memory_space<vmem>>, vector<16xf32>,
        %swap3A_1527 = arith.constant 7 : i32
        %swap3A_1528 = arith.index_cast %swap3A_1527 : i32 to index
        %swap3A_1529 = arith.index_cast %add3A_1511 : i32 to index
        %swap3A_1530 = arith.constant 48 : index
        %swap3A_1531 = tpu.vector_load %arg8[%swap3A_1528, %swap3A_1529, %swap3A_1530] {strides = array<i32>} : memref<8x128x64xf32, #tpu.memory_space<vmem>>, vector<16xf32>,
        tpu.vector_store %arg8[%swap3A_1528, %swap3A_1529, %swap3A_1530], %get3A_1382 {add = true, strides = array<i32>} : memref<8x128x64xf32, #tpu.memory_space<vmem>>, vector<16xf32>,
        %scan3A_1532 = arith.constant 5 : i32
        %scan3A_1533 = arith.addi %scan3A_1404, %scan3A_1532 : i32
        %mul3A_1534 = arith.constant 1 : i32
        %mul3A_1535 = arith.muli %scan3A_1533, %mul3A_1534 : i32
        %add3A_1536 = arith.constant 0 : i32
        %add3A_1537 = arith.addi %add3A_1536, %mul3A_1535 : i32
        %swap3A_1538 = arith.constant 7 : i32
        %swap3A_1539 = arith.index_cast %swap3A_1538 : i32 to index
        %swap3A_1540 = arith.index_cast %add3A_1537 : i32 to index
        %swap3A_1541 = arith.constant 0 : index
        %swap3A_1542 = tpu.vector_load %arg8[%swap3A_1539, %swap3A_1540, %swap3A_1541] {strides = array<i32>} : memref<8x128x64xf32, #tpu.memory_space<vmem>>, vector<16xf32>,
        tpu.vector_store %arg8[%swap3A_1539, %swap3A_1540, %swap3A_1541], %get3A_1373 {add = true, strides = array<i32>} : memref<8x128x64xf32, #tpu.memory_space<vmem>>, vector<16xf32>,
        %swap3A_1543 = arith.constant 7 : i32
        %swap3A_1544 = arith.index_cast %swap3A_1543 : i32 to index
        %swap3A_1545 = arith.index_cast %add3A_1537 : i32 to index
        %swap3A_1546 = arith.constant 16 : index
        %swap3A_1547 = tpu.vector_load %arg8[%swap3A_1544, %swap3A_1545, %swap3A_1546] {strides = array<i32>} : memref<8x128x64xf32, #tpu.memory_space<vmem>>, vector<16xf32>,
        tpu.vector_store %arg8[%swap3A_1544, %swap3A_1545, %swap3A_1546], %get3A_1376 {add = true, strides = array<i32>} : memref<8x128x64xf32, #tpu.memory_space<vmem>>, vector<16xf32>,
        %swap3A_1548 = arith.constant 7 : i32
        %swap3A_1549 = arith.index_cast %swap3A_1548 : i32 to index
        %swap3A_1550 = arith.index_cast %add3A_1537 : i32 to index
        %swap3A_1551 = arith.constant 32 : index
        %swap3A_1552 = tpu.vector_load %arg8[%swap3A_1549, %swap3A_1550, %swap3A_1551] {strides = array<i32>} : memref<8x128x64xf32, #tpu.memory_space<vmem>>, vector<16xf32>,
        tpu.vector_store %arg8[%swap3A_1549, %swap3A_1550, %swap3A_1551], %get3A_1379 {add = true, strides = array<i32>} : memref<8x128x64xf32, #tpu.memory_space<vmem>>, vector<16xf32>,
        %swap3A_1553 = arith.constant 7 : i32
        %swap3A_1554 = arith.index_cast %swap3A_1553 : i32 to index
        %swap3A_1555 = arith.index_cast %add3A_1537 : i32 to index
        %swap3A_1556 = arith.constant 48 : index
        %swap3A_1557 = tpu.vector_load %arg8[%swap3A_1554, %swap3A_1555, %swap3A_1556] {strides = array<i32>} : memref<8x128x64xf32, #tpu.memory_space<vmem>>, vector<16xf32>,
        tpu.vector_store %arg8[%swap3A_1554, %swap3A_1555, %swap3A_1556], %get3A_1382 {add = true, strides = array<i32>} : memref<8x128x64xf32, #tpu.memory_space<vmem>>, vector<16xf32>,
        %scan3A_1558 = arith.constant 6 : i32
        %scan3A_1559 = arith.addi %scan3A_1404, %scan3A_1558 : i32
        %mul3A_1560 = arith.constant 1 : i32
        %mul3A_1561 = arith.muli %scan3A_1559, %mul3A_1560 : i32
        %add3A_1562 = arith.constant 0 : i32
        %add3A_1563 = arith.addi %add3A_1562, %mul3A_1561 : i32
        %swap3A_1564 = arith.constant 7 : i32
        %swap3A_1565 = arith.index_cast %swap3A_1564 : i32 to index
        %swap3A_1566 = arith.index_cast %add3A_1563 : i32 to index
        %swap3A_1567 = arith.constant 0 : index
        %swap3A_1568 = tpu.vector_load %arg8[%swap3A_1565, %swap3A_1566, %swap3A_1567] {strides = array<i32>} : memref<8x128x64xf32, #tpu.memory_space<vmem>>, vector<16xf32>,
        tpu.vector_store %arg8[%swap3A_1565, %swap3A_1566, %swap3A_1567], %get3A_1373 {add = true, strides = array<i32>} : memref<8x128x64xf32, #tpu.memory_space<vmem>>, vector<16xf32>,
        %swap3A_1569 = arith.constant 7 : i32
        %swap3A_1570 = arith.index_cast %swap3A_1569 : i32 to index
        %swap3A_1571 = arith.index_cast %add3A_1563 : i32 to index
        %swap3A_1572 = arith.constant 16 : index
        %swap3A_1573 = tpu.vector_load %arg8[%swap3A_1570, %swap3A_1571, %swap3A_1572] {strides = array<i32>} : memref<8x128x64xf32, #tpu.memory_space<vmem>>, vector<16xf32>,
        tpu.vector_store %arg8[%swap3A_1570, %swap3A_1571, %swap3A_1572], %get3A_1376 {add = true, strides = array<i32>} : memref<8x128x64xf32, #tpu.memory_space<vmem>>, vector<16xf32>,
        %swap3A_1574 = arith.constant 7 : i32
        %swap3A_1575 = arith.index_cast %swap3A_1574 : i32 to index
        %swap3A_1576 = arith.index_cast %add3A_1563 : i32 to index
        %swap3A_1577 = arith.constant 32 : index
        %swap3A_1578 = tpu.vector_load %arg8[%swap3A_1575, %swap3A_1576, %swap3A_1577] {strides = array<i32>} : memref<8x128x64xf32, #tpu.memory_space<vmem>>, vector<16xf32>,
        tpu.vector_store %arg8[%swap3A_1575, %swap3A_1576, %swap3A_1577], %get3A_1379 {add = true, strides = array<i32>} : memref<8x128x64xf32, #tpu.memory_space<vmem>>, vector<16xf32>,
        %swap3A_1579 = arith.constant 7 : i32
        %swap3A_1580 = arith.index_cast %swap3A_1579 : i32 to index
        %swap3A_1581 = arith.index_cast %add3A_1563 : i32 to index
        %swap3A_1582 = arith.constant 48 : index
        %swap3A_1583 = tpu.vector_load %arg8[%swap3A_1580, %swap3A_1581, %swap3A_1582] {strides = array<i32>} : memref<8x128x64xf32, #tpu.memory_space<vmem>>, vector<16xf32>,
        tpu.vector_store %arg8[%swap3A_1580, %swap3A_1581, %swap3A_1582], %get3A_1382 {add = true, strides = array<i32>} : memref<8x128x64xf32, #tpu.memory_space<vmem>>, vector<16xf32>,
        %scan3A_1584 = arith.constant 7 : i32
        %scan3A_1585 = arith.addi %scan3A_1404, %scan3A_1584 : i32
        %mul3A_1586 = arith.constant 1 : i32
        %mul3A_1587 = arith.muli %scan3A_1585, %mul3A_1586 : i32
        %add3A_1588 = arith.constant 0 : i32
        %add3A_1589 = arith.addi %add3A_1588, %mul3A_1587 : i32
        %swap3A_1590 = arith.constant 7 : i32
        %swap3A_1591 = arith.index_cast %swap3A_1590 : i32 to index
        %swap3A_1592 = arith.index_cast %add3A_1589 : i32 to index
        %swap3A_1593 = arith.constant 0 : index
        %swap3A_1594 = tpu.vector_load %arg8[%swap3A_1591, %swap3A_1592, %swap3A_1593] {strides = array<i32>} : memref<8x128x64xf32, #tpu.memory_space<vmem>>, vector<16xf32>,
        tpu.vector_store %arg8[%swap3A_1591, %swap3A_1592, %swap3A_1593], %get3A_1373 {add = true, strides = array<i32>} : memref<8x128x64xf32, #tpu.memory_space<vmem>>, vector<16xf32>,
        %swap3A_1595 = arith.constant 7 : i32
        %swap3A_1596 = arith.index_cast %swap3A_1595 : i32 to index
        %swap3A_1597 = arith.index_cast %add3A_1589 : i32 to index
        %swap3A_1598 = arith.constant 16 : index
        %swap3A_1599 = tpu.vector_load %arg8[%swap3A_1596, %swap3A_1597, %swap3A_1598] {strides = array<i32>} : memref<8x128x64xf32, #tpu.memory_space<vmem>>, vector<16xf32>,
        tpu.vector_store %arg8[%swap3A_1596, %swap3A_1597, %swap3A_1598], %get3A_1376 {add = true, strides = array<i32>} : memref<8x128x64xf32, #tpu.memory_space<vmem>>, vector<16xf32>,
        %swap3A_1600 = arith.constant 7 : i32
        %swap3A_1601 = arith.index_cast %swap3A_1600 : i32 to index
        %swap3A_1602 = arith.index_cast %add3A_1589 : i32 to index
        %swap3A_1603 = arith.constant 32 : index
        %swap3A_1604 = tpu.vector_load %arg8[%swap3A_1601, %swap3A_1602, %swap3A_1603] {strides = array<i32>} : memref<8x128x64xf32, #tpu.memory_space<vmem>>, vector<16xf32>,
        tpu.vector_store %arg8[%swap3A_1601, %swap3A_1602, %swap3A_1603], %get3A_1379 {add = true, strides = array<i32>} : memref<8x128x64xf32, #tpu.memory_space<vmem>>, vector<16xf32>,
        %swap3A_1605 = arith.constant 7 : i32
        %swap3A_1606 = arith.index_cast %swap3A_1605 : i32 to index
        %swap3A_1607 = arith.index_cast %add3A_1589 : i32 to index
        %swap3A_1608 = arith.constant 48 : index
        %swap3A_1609 = tpu.vector_load %arg8[%swap3A_1606, %swap3A_1607, %swap3A_1608] {strides = array<i32>} : memref<8x128x64xf32, #tpu.memory_space<vmem>>, vector<16xf32>,
        tpu.vector_store %arg8[%swap3A_1606, %swap3A_1607, %swap3A_1608], %get3A_1382 {add = true, strides = array<i32>} : memref<8x128x64xf32, #tpu.memory_space<vmem>>, vector<16xf32>,
      }
      %scan3A_1387 = arith.constant 128 : i32
      %dma_start3A_1388 = arith.constant 7 : i32
      %dma_start3A_1389 = arith.constant 7 : i32
      %dma_start3A_1390 = arith.constant 0 : i32
      %dma_start3A_1391 = arith.constant 0 : i32
      %dma_start3A_1392 = tpu.memref_slice %arg8[%dma_start3A_1388, %dma_start3A_1390, %dma_start3A_1391] : memref<8x128x64xf32, #tpu.memory_space<vmem>> -> memref<1x128x64xf32, #tpu.memory_space<vmem>>
      %dma_start3A_1393 = tpu.memref_squeeze %dma_start3A_1392 : memref<1x128x64xf32, #tpu.memory_space<vmem>> -> memref<128x64xf32, #tpu.memory_space<vmem>>
      %dma_start3A_1394 = arith.constant 0 : i32
      %dma_start3A_1395 = tpu.memref_slice %arg5[%add3A_1370, %dma_start3A_1394] : memref<819200x64xf32, #tpu.memory_space<hbm>> -> memref<128x64xf32, #tpu.memory_space<hbm>>
      %dma_start3A_1396 = tpu.memref_slice %arg10[%dma_start3A_1389] : memref<8x!tpu.dma_semaphore, #tpu.memory_space<semaphore_mem>> -> memref<1x!tpu.dma_semaphore, #tpu.memory_space<semaphore_mem>>
      %dma_start3A_1397 = tpu.memref_squeeze %dma_start3A_1396 : memref<1x!tpu.dma_semaphore, #tpu.memory_space<semaphore_mem>> -> memref<!tpu.dma_semaphore, #tpu.memory_space<semaphore_mem>>
      %dma_start3A_1398 = arith.constant 0 : i32
      %dma_start3A_1399 = tpu.memref_slice %arg5[%add3A_1370, %dma_start3A_1398] : memref<819200x64xf32, #tpu.memory_space<hbm>> -> memref<128x64xf32, #tpu.memory_space<hbm>>
      %dma_start3A_1400 = arith.constant 0 : i32
      %dma_start3A_1401 = arith.constant 0 : i32
      %dma_start3A_1402 = tpu.memref_slice %arg8[%dma_start3A_1388, %dma_start3A_1400, %dma_start3A_1401] : memref<8x128x64xf32, #tpu.memory_space<vmem>> -> memref<1x128x64xf32, #tpu.memory_space<vmem>>
      %dma_start3A_1403 = tpu.memref_squeeze %dma_start3A_1402 : memref<1x128x64xf32, #tpu.memory_space<vmem>> -> memref<128x64xf32, #tpu.memory_space<vmem>>
      tpu.enqueue_dma source(%dma_start3A_1403 : memref<128x64xf32, #tpu.memory_space<vmem>>) target(%dma_start3A_1399 : memref<128x64xf32, #tpu.memory_space<hbm>>) target_semaphore(%dma_start3A_1397 : memref<!tpu.dma_semaphore, #tpu.memory_space<semaphore_mem>>)
    }
    %scan3A_98 = arith.constant 25 : i32
    %dma_wait3A = arith.constant 0 : i32
    %dma_wait3A_99 = arith.constant 0 : i32
    %dma_wait3A_100 = arith.constant 0 : i32
    %dma_wait3A_101 = arith.constant 0 : i32
    %dma_wait3A_102 = tpu.memref_slice %arg8[%dma_wait3A, %dma_wait3A_100, %dma_wait3A_101] : memref<8x128x64xf32, #tpu.memory_space<vmem>> -> memref<1x128x64xf32, #tpu.memory_space<vmem>>
    %dma_wait3A_103 = tpu.memref_squeeze %dma_wait3A_102 : memref<1x128x64xf32, #tpu.memory_space<vmem>> -> memref<128x64xf32, #tpu.memory_space<vmem>>
    %dma_wait3A_104 = arith.constant 0 : i32
    %dma_wait3A_105 = arith.constant 0 : i32
    %dma_wait3A_106 = tpu.memref_slice %arg5[%dma_wait3A_104, %dma_wait3A_105] : memref<819200x64xf32, #tpu.memory_space<hbm>> -> memref<128x64xf32, #tpu.memory_space<hbm>>
    %dma_wait3A_107 = tpu.memref_slice %arg10[%dma_wait3A_99] : memref<8x!tpu.dma_semaphore, #tpu.memory_space<semaphore_mem>> -> memref<1x!tpu.dma_semaphore, #tpu.memory_space<semaphore_mem>>
    %dma_wait3A_108 = tpu.memref_squeeze %dma_wait3A_107 : memref<1x!tpu.dma_semaphore, #tpu.memory_space<semaphore_mem>> -> memref<!tpu.dma_semaphore, #tpu.memory_space<semaphore_mem>>
    %dma_wait3A_109 = arith.constant 0 : i32
    %dma_wait3A_110 = arith.constant 0 : i32
    %dma_wait3A_111 = tpu.memref_slice %arg5[%dma_wait3A_109, %dma_wait3A_110] : memref<819200x64xf32, #tpu.memory_space<hbm>> -> memref<128x64xf32, #tpu.memory_space<hbm>>
    %dma_wait3A_112 = arith.constant 0 : i32
    %dma_wait3A_113 = arith.constant 0 : i32
    %dma_wait3A_114 = tpu.memref_slice %arg8[%dma_wait3A, %dma_wait3A_112, %dma_wait3A_113] : memref<8x128x64xf32, #tpu.memory_space<vmem>> -> memref<1x128x64xf32, #tpu.memory_space<vmem>>
    %dma_wait3A_115 = tpu.memref_squeeze %dma_wait3A_114 : memref<1x128x64xf32, #tpu.memory_space<vmem>> -> memref<128x64xf32, #tpu.memory_space<vmem>>
    tpu.wait_dma2 semaphore(%dma_wait3A_108 : memref<!tpu.dma_semaphore, #tpu.memory_space<semaphore_mem>>) src(%dma_wait3A_115 : memref<128x64xf32, #tpu.memory_space<vmem>>) dst(%dma_wait3A_111 : memref<128x64xf32, #tpu.memory_space<hbm>>)
    %dma_wait3A_116 = arith.constant 1 : i32
    %dma_wait3A_117 = arith.constant 1 : i32
    %dma_wait3A_118 = arith.constant 0 : i32
    %dma_wait3A_119 = arith.constant 0 : i32
    %dma_wait3A_120 = tpu.memref_slice %arg8[%dma_wait3A_116, %dma_wait3A_118, %dma_wait3A_119] : memref<8x128x64xf32, #tpu.memory_space<vmem>> -> memref<1x128x64xf32, #tpu.memory_space<vmem>>
    %dma_wait3A_121 = tpu.memref_squeeze %dma_wait3A_120 : memref<1x128x64xf32, #tpu.memory_space<vmem>> -> memref<128x64xf32, #tpu.memory_space<vmem>>
    %dma_wait3A_122 = arith.constant 0 : i32
    %dma_wait3A_123 = arith.constant 0 : i32
    %dma_wait3A_124 = tpu.memref_slice %arg5[%dma_wait3A_122, %dma_wait3A_123] : memref<819200x64xf32, #tpu.memory_space<hbm>> -> memref<128x64xf32, #tpu.memory_space<hbm>>
    %dma_wait3A_125 = tpu.memref_slice %arg10[%dma_wait3A_117] : memref<8x!tpu.dma_semaphore, #tpu.memory_space<semaphore_mem>> -> memref<1x!tpu.dma_semaphore, #tpu.memory_space<semaphore_mem>>
    %dma_wait3A_126 = tpu.memref_squeeze %dma_wait3A_125 : memref<1x!tpu.dma_semaphore, #tpu.memory_space<semaphore_mem>> -> memref<!tpu.dma_semaphore, #tpu.memory_space<semaphore_mem>>
    %dma_wait3A_127 = arith.constant 0 : i32
    %dma_wait3A_128 = arith.constant 0 : i32
    %dma_wait3A_129 = tpu.memref_slice %arg5[%dma_wait3A_127, %dma_wait3A_128] : memref<819200x64xf32, #tpu.memory_space<hbm>> -> memref<128x64xf32, #tpu.memory_space<hbm>>
    %dma_wait3A_130 = arith.constant 0 : i32
    %dma_wait3A_131 = arith.constant 0 : i32
    %dma_wait3A_132 = tpu.memref_slice %arg8[%dma_wait3A_116, %dma_wait3A_130, %dma_wait3A_131] : memref<8x128x64xf32, #tpu.memory_space<vmem>> -> memref<1x128x64xf32, #tpu.memory_space<vmem>>
    %dma_wait3A_133 = tpu.memref_squeeze %dma_wait3A_132 : memref<1x128x64xf32, #tpu.memory_space<vmem>> -> memref<128x64xf32, #tpu.memory_space<vmem>>
    tpu.wait_dma2 semaphore(%dma_wait3A_126 : memref<!tpu.dma_semaphore, #tpu.memory_space<semaphore_mem>>) src(%dma_wait3A_133 : memref<128x64xf32, #tpu.memory_space<vmem>>) dst(%dma_wait3A_129 : memref<128x64xf32, #tpu.memory_space<hbm>>)
    %dma_wait3A_134 = arith.constant 2 : i32
    %dma_wait3A_135 = arith.constant 2 : i32
    %dma_wait3A_136 = arith.constant 0 : i32
    %dma_wait3A_137 = arith.constant 0 : i32
    %dma_wait3A_138 = tpu.memref_slice %arg8[%dma_wait3A_134, %dma_wait3A_136, %dma_wait3A_137] : memref<8x128x64xf32, #tpu.memory_space<vmem>> -> memref<1x128x64xf32, #tpu.memory_space<vmem>>
    %dma_wait3A_139 = tpu.memref_squeeze %dma_wait3A_138 : memref<1x128x64xf32, #tpu.memory_space<vmem>> -> memref<128x64xf32, #tpu.memory_space<vmem>>
    %dma_wait3A_140 = arith.constant 0 : i32
    %dma_wait3A_141 = arith.constant 0 : i32
    %dma_wait3A_142 = tpu.memref_slice %arg5[%dma_wait3A_140, %dma_wait3A_141] : memref<819200x64xf32, #tpu.memory_space<hbm>> -> memref<128x64xf32, #tpu.memory_space<hbm>>
    %dma_wait3A_143 = tpu.memref_slice %arg10[%dma_wait3A_135] : memref<8x!tpu.dma_semaphore, #tpu.memory_space<semaphore_mem>> -> memref<1x!tpu.dma_semaphore, #tpu.memory_space<semaphore_mem>>
    %dma_wait3A_144 = tpu.memref_squeeze %dma_wait3A_143 : memref<1x!tpu.dma_semaphore, #tpu.memory_space<semaphore_mem>> -> memref<!tpu.dma_semaphore, #tpu.memory_space<semaphore_mem>>
    %dma_wait3A_145 = arith.constant 0 : i32
    %dma_wait3A_146 = arith.constant 0 : i32
    %dma_wait3A_147 = tpu.memref_slice %arg5[%dma_wait3A_145, %dma_wait3A_146] : memref<819200x64xf32, #tpu.memory_space<hbm>> -> memref<128x64xf32, #tpu.memory_space<hbm>>
    %dma_wait3A_148 = arith.constant 0 : i32
    %dma_wait3A_149 = arith.constant 0 : i32
    %dma_wait3A_150 = tpu.memref_slice %arg8[%dma_wait3A_134, %dma_wait3A_148, %dma_wait3A_149] : memref<8x128x64xf32, #tpu.memory_space<vmem>> -> memref<1x128x64xf32, #tpu.memory_space<vmem>>
    %dma_wait3A_151 = tpu.memref_squeeze %dma_wait3A_150 : memref<1x128x64xf32, #tpu.memory_space<vmem>> -> memref<128x64xf32, #tpu.memory_space<vmem>>
    tpu.wait_dma2 semaphore(%dma_wait3A_144 : memref<!tpu.dma_semaphore, #tpu.memory_space<semaphore_mem>>) src(%dma_wait3A_151 : memref<128x64xf32, #tpu.memory_space<vmem>>) dst(%dma_wait3A_147 : memref<128x64xf32, #tpu.memory_space<hbm>>)
    %dma_wait3A_152 = arith.constant 3 : i32
    %dma_wait3A_153 = arith.constant 3 : i32
    %dma_wait3A_154 = arith.constant 0 : i32
    %dma_wait3A_155 = arith.constant 0 : i32
    %dma_wait3A_156 = tpu.memref_slice %arg8[%dma_wait3A_152, %dma_wait3A_154, %dma_wait3A_155] : memref<8x128x64xf32, #tpu.memory_space<vmem>> -> memref<1x128x64xf32, #tpu.memory_space<vmem>>
    %dma_wait3A_157 = tpu.memref_squeeze %dma_wait3A_156 : memref<1x128x64xf32, #tpu.memory_space<vmem>> -> memref<128x64xf32, #tpu.memory_space<vmem>>
    %dma_wait3A_158 = arith.constant 0 : i32
    %dma_wait3A_159 = arith.constant 0 : i32
    %dma_wait3A_160 = tpu.memref_slice %arg5[%dma_wait3A_158, %dma_wait3A_159] : memref<819200x64xf32, #tpu.memory_space<hbm>> -> memref<128x64xf32, #tpu.memory_space<hbm>>
    %dma_wait3A_161 = tpu.memref_slice %arg10[%dma_wait3A_153] : memref<8x!tpu.dma_semaphore, #tpu.memory_space<semaphore_mem>> -> memref<1x!tpu.dma_semaphore, #tpu.memory_space<semaphore_mem>>
    %dma_wait3A_162 = tpu.memref_squeeze %dma_wait3A_161 : memref<1x!tpu.dma_semaphore, #tpu.memory_space<semaphore_mem>> -> memref<!tpu.dma_semaphore, #tpu.memory_space<semaphore_mem>>
    %dma_wait3A_163 = arith.constant 0 : i32
    %dma_wait3A_164 = arith.constant 0 : i32
    %dma_wait3A_165 = tpu.memref_slice %arg5[%dma_wait3A_163, %dma_wait3A_164] : memref<819200x64xf32, #tpu.memory_space<hbm>> -> memref<128x64xf32, #tpu.memory_space<hbm>>
    %dma_wait3A_166 = arith.constant 0 : i32
    %dma_wait3A_167 = arith.constant 0 : i32
    %dma_wait3A_168 = tpu.memref_slice %arg8[%dma_wait3A_152, %dma_wait3A_166, %dma_wait3A_167] : memref<8x128x64xf32, #tpu.memory_space<vmem>> -> memref<1x128x64xf32, #tpu.memory_space<vmem>>
    %dma_wait3A_169 = tpu.memref_squeeze %dma_wait3A_168 : memref<1x128x64xf32, #tpu.memory_space<vmem>> -> memref<128x64xf32, #tpu.memory_space<vmem>>
    tpu.wait_dma2 semaphore(%dma_wait3A_162 : memref<!tpu.dma_semaphore, #tpu.memory_space<semaphore_mem>>) src(%dma_wait3A_169 : memref<128x64xf32, #tpu.memory_space<vmem>>) dst(%dma_wait3A_165 : memref<128x64xf32, #tpu.memory_space<hbm>>)
    %dma_wait3A_170 = arith.constant 4 : i32
    %dma_wait3A_171 = arith.constant 4 : i32
    %dma_wait3A_172 = arith.constant 0 : i32
    %dma_wait3A_173 = arith.constant 0 : i32
    %dma_wait3A_174 = tpu.memref_slice %arg8[%dma_wait3A_170, %dma_wait3A_172, %dma_wait3A_173] : memref<8x128x64xf32, #tpu.memory_space<vmem>> -> memref<1x128x64xf32, #tpu.memory_space<vmem>>
    %dma_wait3A_175 = tpu.memref_squeeze %dma_wait3A_174 : memref<1x128x64xf32, #tpu.memory_space<vmem>> -> memref<128x64xf32, #tpu.memory_space<vmem>>
    %dma_wait3A_176 = arith.constant 0 : i32
    %dma_wait3A_177 = arith.constant 0 : i32
    %dma_wait3A_178 = tpu.memref_slice %arg5[%dma_wait3A_176, %dma_wait3A_177] : memref<819200x64xf32, #tpu.memory_space<hbm>> -> memref<128x64xf32, #tpu.memory_space<hbm>>
    %dma_wait3A_179 = tpu.memref_slice %arg10[%dma_wait3A_171] : memref<8x!tpu.dma_semaphore, #tpu.memory_space<semaphore_mem>> -> memref<1x!tpu.dma_semaphore, #tpu.memory_space<semaphore_mem>>
    %dma_wait3A_180 = tpu.memref_squeeze %dma_wait3A_179 : memref<1x!tpu.dma_semaphore, #tpu.memory_space<semaphore_mem>> -> memref<!tpu.dma_semaphore, #tpu.memory_space<semaphore_mem>>
    %dma_wait3A_181 = arith.constant 0 : i32
    %dma_wait3A_182 = arith.constant 0 : i32
    %dma_wait3A_183 = tpu.memref_slice %arg5[%dma_wait3A_181, %dma_wait3A_182] : memref<819200x64xf32, #tpu.memory_space<hbm>> -> memref<128x64xf32, #tpu.memory_space<hbm>>
    %dma_wait3A_184 = arith.constant 0 : i32
    %dma_wait3A_185 = arith.constant 0 : i32
    %dma_wait3A_186 = tpu.memref_slice %arg8[%dma_wait3A_170, %dma_wait3A_184, %dma_wait3A_185] : memref<8x128x64xf32, #tpu.memory_space<vmem>> -> memref<1x128x64xf32, #tpu.memory_space<vmem>>
    %dma_wait3A_187 = tpu.memref_squeeze %dma_wait3A_186 : memref<1x128x64xf32, #tpu.memory_space<vmem>> -> memref<128x64xf32, #tpu.memory_space<vmem>>
    tpu.wait_dma2 semaphore(%dma_wait3A_180 : memref<!tpu.dma_semaphore, #tpu.memory_space<semaphore_mem>>) src(%dma_wait3A_187 : memref<128x64xf32, #tpu.memory_space<vmem>>) dst(%dma_wait3A_183 : memref<128x64xf32, #tpu.memory_space<hbm>>)
    %dma_wait3A_188 = arith.constant 5 : i32
    %dma_wait3A_189 = arith.constant 5 : i32
    %dma_wait3A_190 = arith.constant 0 : i32
    %dma_wait3A_191 = arith.constant 0 : i32
    %dma_wait3A_192 = tpu.memref_slice %arg8[%dma_wait3A_188, %dma_wait3A_190, %dma_wait3A_191] : memref<8x128x64xf32, #tpu.memory_space<vmem>> -> memref<1x128x64xf32, #tpu.memory_space<vmem>>
    %dma_wait3A_193 = tpu.memref_squeeze %dma_wait3A_192 : memref<1x128x64xf32, #tpu.memory_space<vmem>> -> memref<128x64xf32, #tpu.memory_space<vmem>>
    %dma_wait3A_194 = arith.constant 0 : i32
    %dma_wait3A_195 = arith.constant 0 : i32
    %dma_wait3A_196 = tpu.memref_slice %arg5[%dma_wait3A_194, %dma_wait3A_195] : memref<819200x64xf32, #tpu.memory_space<hbm>> -> memref<128x64xf32, #tpu.memory_space<hbm>>
    %dma_wait3A_197 = tpu.memref_slice %arg10[%dma_wait3A_189] : memref<8x!tpu.dma_semaphore, #tpu.memory_space<semaphore_mem>> -> memref<1x!tpu.dma_semaphore, #tpu.memory_space<semaphore_mem>>
    %dma_wait3A_198 = tpu.memref_squeeze %dma_wait3A_197 : memref<1x!tpu.dma_semaphore, #tpu.memory_space<semaphore_mem>> -> memref<!tpu.dma_semaphore, #tpu.memory_space<semaphore_mem>>
    %dma_wait3A_199 = arith.constant 0 : i32
    %dma_wait3A_200 = arith.constant 0 : i32
    %dma_wait3A_201 = tpu.memref_slice %arg5[%dma_wait3A_199, %dma_wait3A_200] : memref<819200x64xf32, #tpu.memory_space<hbm>> -> memref<128x64xf32, #tpu.memory_space<hbm>>
    %dma_wait3A_202 = arith.constant 0 : i32
    %dma_wait3A_203 = arith.constant 0 : i32
    %dma_wait3A_204 = tpu.memref_slice %arg8[%dma_wait3A_188, %dma_wait3A_202, %dma_wait3A_203] : memref<8x128x64xf32, #tpu.memory_space<vmem>> -> memref<1x128x64xf32, #tpu.memory_space<vmem>>
    %dma_wait3A_205 = tpu.memref_squeeze %dma_wait3A_204 : memref<1x128x64xf32, #tpu.memory_space<vmem>> -> memref<128x64xf32, #tpu.memory_space<vmem>>
    tpu.wait_dma2 semaphore(%dma_wait3A_198 : memref<!tpu.dma_semaphore, #tpu.memory_space<semaphore_mem>>) src(%dma_wait3A_205 : memref<128x64xf32, #tpu.memory_space<vmem>>) dst(%dma_wait3A_201 : memref<128x64xf32, #tpu.memory_space<hbm>>)
    %dma_wait3A_206 = arith.constant 6 : i32
    %dma_wait3A_207 = arith.constant 6 : i32
    %dma_wait3A_208 = arith.constant 0 : i32
    %dma_wait3A_209 = arith.constant 0 : i32
    %dma_wait3A_210 = tpu.memref_slice %arg8[%dma_wait3A_206, %dma_wait3A_208, %dma_wait3A_209] : memref<8x128x64xf32, #tpu.memory_space<vmem>> -> memref<1x128x64xf32, #tpu.memory_space<vmem>>
    %dma_wait3A_211 = tpu.memref_squeeze %dma_wait3A_210 : memref<1x128x64xf32, #tpu.memory_space<vmem>> -> memref<128x64xf32, #tpu.memory_space<vmem>>
    %dma_wait3A_212 = arith.constant 0 : i32
    %dma_wait3A_213 = arith.constant 0 : i32
    %dma_wait3A_214 = tpu.memref_slice %arg5[%dma_wait3A_212, %dma_wait3A_213] : memref<819200x64xf32, #tpu.memory_space<hbm>> -> memref<128x64xf32, #tpu.memory_space<hbm>>
    %dma_wait3A_215 = tpu.memref_slice %arg10[%dma_wait3A_207] : memref<8x!tpu.dma_semaphore, #tpu.memory_space<semaphore_mem>> -> memref<1x!tpu.dma_semaphore, #tpu.memory_space<semaphore_mem>>
    %dma_wait3A_216 = tpu.memref_squeeze %dma_wait3A_215 : memref<1x!tpu.dma_semaphore, #tpu.memory_space<semaphore_mem>> -> memref<!tpu.dma_semaphore, #tpu.memory_space<semaphore_mem>>
    %dma_wait3A_217 = arith.constant 0 : i32
    %dma_wait3A_218 = arith.constant 0 : i32
    %dma_wait3A_219 = tpu.memref_slice %arg5[%dma_wait3A_217, %dma_wait3A_218] : memref<819200x64xf32, #tpu.memory_space<hbm>> -> memref<128x64xf32, #tpu.memory_space<hbm>>
    %dma_wait3A_220 = arith.constant 0 : i32
    %dma_wait3A_221 = arith.constant 0 : i32
    %dma_wait3A_222 = tpu.memref_slice %arg8[%dma_wait3A_206, %dma_wait3A_220, %dma_wait3A_221] : memref<8x128x64xf32, #tpu.memory_space<vmem>> -> memref<1x128x64xf32, #tpu.memory_space<vmem>>
    %dma_wait3A_223 = tpu.memref_squeeze %dma_wait3A_222 : memref<1x128x64xf32, #tpu.memory_space<vmem>> -> memref<128x64xf32, #tpu.memory_space<vmem>>
    tpu.wait_dma2 semaphore(%dma_wait3A_216 : memref<!tpu.dma_semaphore, #tpu.memory_space<semaphore_mem>>) src(%dma_wait3A_223 : memref<128x64xf32, #tpu.memory_space<vmem>>) dst(%dma_wait3A_219 : memref<128x64xf32, #tpu.memory_space<hbm>>)
    %dma_wait3A_224 = arith.constant 7 : i32
    %dma_wait3A_225 = arith.constant 7 : i32
    %dma_wait3A_226 = arith.constant 0 : i32
    %dma_wait3A_227 = arith.constant 0 : i32
    %dma_wait3A_228 = tpu.memref_slice %arg8[%dma_wait3A_224, %dma_wait3A_226, %dma_wait3A_227] : memref<8x128x64xf32, #tpu.memory_space<vmem>> -> memref<1x128x64xf32, #tpu.memory_space<vmem>>
    %dma_wait3A_229 = tpu.memref_squeeze %dma_wait3A_228 : memref<1x128x64xf32, #tpu.memory_space<vmem>> -> memref<128x64xf32, #tpu.memory_space<vmem>>
    %dma_wait3A_230 = arith.constant 0 : i32
    %dma_wait3A_231 = arith.constant 0 : i32
    %dma_wait3A_232 = tpu.memref_slice %arg5[%dma_wait3A_230, %dma_wait3A_231] : memref<819200x64xf32, #tpu.memory_space<hbm>> -> memref<128x64xf32, #tpu.memory_space<hbm>>
    %dma_wait3A_233 = tpu.memref_slice %arg10[%dma_wait3A_225] : memref<8x!tpu.dma_semaphore, #tpu.memory_space<semaphore_mem>> -> memref<1x!tpu.dma_semaphore, #tpu.memory_space<semaphore_mem>>
    %dma_wait3A_234 = tpu.memref_squeeze %dma_wait3A_233 : memref<1x!tpu.dma_semaphore, #tpu.memory_space<semaphore_mem>> -> memref<!tpu.dma_semaphore, #tpu.memory_space<semaphore_mem>>
    %dma_wait3A_235 = arith.constant 0 : i32
    %dma_wait3A_236 = arith.constant 0 : i32
    %dma_wait3A_237 = tpu.memref_slice %arg5[%dma_wait3A_235, %dma_wait3A_236] : memref<819200x64xf32, #tpu.memory_space<hbm>> -> memref<128x64xf32, #tpu.memory_space<hbm>>
    %dma_wait3A_238 = arith.constant 0 : i32
    %dma_wait3A_239 = arith.constant 0 : i32
    %dma_wait3A_240 = tpu.memref_slice %arg8[%dma_wait3A_224, %dma_wait3A_238, %dma_wait3A_239] : memref<8x128x64xf32, #tpu.memory_space<vmem>> -> memref<1x128x64xf32, #tpu.memory_space<vmem>>
    %dma_wait3A_241 = tpu.memref_squeeze %dma_wait3A_240 : memref<1x128x64xf32, #tpu.memory_space<vmem>> -> memref<128x64xf32, #tpu.memory_space<vmem>>
    tpu.wait_dma2 semaphore(%dma_wait3A_234 : memref<!tpu.dma_semaphore, #tpu.memory_space<semaphore_mem>>) src(%dma_wait3A_241 : memref<128x64xf32, #tpu.memory_space<vmem>>) dst(%dma_wait3A_237 : memref<128x64xf32, #tpu.memory_space<hbm>>)
    return
  }
}

</mosaic_0001>

<sc_bundles>
// kernel: _embed.3.cloned.1.call-start
scs
__scs_entry_jumppad:
0x0: {  	(pc) =	sbr.rel $0x88, $3  }
0x1: {  	(tag) =	ssettag $0x0;
	lr =	simm.s32 $0x1  }
0x2: {  	[smem:$0x3F9E] =	sst lr;
	_ =	strace $0xD0000000  }
0x3: {  	_ = 	snop  }
0x4: {  	_ = 	snop  }
0x5: {  	_ = 	snop  }
0x6: {  	_ = 	snop  }
0x7: {  	_ = 	snop  }
__scs_overlays_trampoline_lowered:
0x8: {  	[smem:$0x3FAD] =	sst s0  }
0x9: {  	[smem:$0x3FAE] =	sst s1  }
0xa: {  	[smem:$0x3FAF] =	sst s2  }
0xb: {  	[smem:$0x3FB0] =	sst s3  }
0xc: {  	[smem:$0x3FB1] =	sst s4  }
0xd: {  	[smem:$0x3FB2] =	sst s5  }
0xe: {  	[smem:$0x3FB3] =	sst s6  }
0xf: {  	[smem:$0x3FB4] =	sst s7  }
0x10: {  	[smem:$0x3FB5] =	sst s8  }
0x11: {  	[smem:$0x3FB6] =	sst s9;
	s0 =	simm.s32 @!p0 $0x0  }
0x12: {  	s1 =	sld [smem:$0x3F9C];
	s0 =	simm.s32 @p0 $0x1  }
0x13: {  	[smem:$0x3FB7] =	sst s0;
	s0 =	simm.s32 @!p1 $0x0  }
0x14: {  	s2 =	sld [smem:$0x3F9B];
	s0 =	simm.s32 @p1 $0x1  }
0x15: {  	[smem:$0x3FB8] =	sst s0;
	s0 =	simm.s32 @!p2 $0x0  }
0x16: {  	s3 =	sld [smem:$0x3FDB];
	s0 =	simm.s32 @p2 $0x1  }
0x17: {  	s4 =	simm.s32 $0x1BF5;
	[smem:$0x3FBA] =	sst s0  }
0x18: {  	s0 =	sld [smem:$0x3F9D];
	_ =	swait.ge [sflag:s4], $0x0  }
0x19: {  	s7 =	sld [smem:$0x3F9E]  }
0x1a: {  	s8 =	sadd.s32 $0xFFFFE003, lr  }
0x1b: {  	s9 =	sadd.s32 $0xFFFFFEF7, lr;
	s5 =	simm.s32 $0xFFFFFFFF;
	p2 =	slt.u32 s8, $0xFFFFF086  }
0x1c: {  	p1 =	slt.u32 s9, $0xF7A;
	s5 =	simm.s32 @!p2 $0x0  }
0x1d: {  	s5 =	simm.s32 @p1 $0x1;
	p0 =	seq.s32 s7, s2  }
0x1e: {  	s7 =	smul.u32 @!p0 $0xF7A, s2;
	p2 =	seq.s32 @!p0 s5, $0x0  }
0x1f: {  	s9 =	smul.u32 $0xF7A, s1;
	s8 =	simm.s32 @!p0 $0x1BF5;
	p2 =	por !p2, p0  }
0x20: {  	[sflag:s8] =	ssyncset.s32 @!p0 $0xFFFFF086;
	s6 =	sadd.s32 @!p0 s3, s7;
	s7 =	simm.s32 @!p0 $0x108  }
0x21: {  	s3 =	sadd.s32 s3, s9;
	s6 =	sadd.s32 @!p0 $0x88, s6;
	s7 =	simm.s32 @p2 $0x1082  }
0x22: {  	[simem:s7], [sflag:s8] =	dma.local @!p0 [hbm:s6], $0xF7A  }
0x23: {  	s9 =	sor.u32 $0xD0000000, s2;
	s6 =	simm.s32 $0x108;
	_ =	swait.ge @!p0 [sflag:s8], $0x0  }
0x24: {  	s3 =	sadd.s32 $0x88, s3;
	s6 =	simm.s32 @!p1 $0x1082;
	[sflag:s4] =	ssyncset.s32 $0xFFFFF086  }
0x25: {  	[simem:s6], [sflag:s4] =	dma.local [hbm:s3], $0xF7A  }
0x26: {  	[smem:$0x3F9E] =	sst s1;
	(tag) =	ssettag s2;
	_ =	strace s9  }
0x27: {  	s1 =	sld [smem:$0x3FAE]  }
0x28: {  	s2 =	sld [smem:$0x3FAF]  }
0x29: {  	s4 =	sld [smem:$0x3FB1]  }
0x2a: {  	p0 =	seq.s32 s5, $0x0;
	s5 =	sld [smem:$0x3FB2]  }
0x2b: {  	s6 =	sld [smem:$0x3FB3]  }
0x2c: {  	s7 =	sld [smem:$0x3FB4]  }
0x2d: {  	s3 =	simm.s32 $0x108;
	s8 =	sld [smem:$0x3FB5]  }
0x2e: {  	s3 =	simm.s32 @!p0 $0x1082;
	s9 =	sld [smem:$0x3FB6]  }
0x2f: {  	lr =	sadd.s32 s0, s3;
	s0 =	sld [smem:$0x3FAD]  }
0x30: {  	s3 =	sld [smem:$0x3FB0]  }
0x31: {  	[smem:$0x3FB9] =	sst s10  }
0x32: {  	s10 =	sld [smem:$0x3FB7];
	_ =	sdelay $0x3  }
0x33: {  	p0 =	seq.s32 s10, $0x1;
	s10 =	sld [smem:$0x3FB9];
	_ =	sdelay $0x3  }
0x34: {  	[smem:$0x3FB9] =	sst s10  }
0x35: {  	s10 =	sld [smem:$0x3FB8];
	_ =	sdelay $0x3  }
0x36: {  	p1 =	seq.s32 s10, $0x1;
	s10 =	sld [smem:$0x3FB9];
	_ =	sdelay $0x3  }
0x37: {  	[smem:$0x3FB9] =	sst s10  }
0x38: {  	s10 =	sld [smem:$0x3FBA]  }
0x39: {  	_ = 	snop;
	(pc) =	sbr.ind lr, $3  }
0x3a: {  	_ = 	snop  }
0x3b: {  	_ = 	snop  }
0x3c: {  	p2 =	seq.s32 s10, $0x1;
	s10 =	sld [smem:$0x3FB9]  }
0x3d: {  	_ =	shalt  }
0x3e: {  	_ =	shalt  }
0x3f: {  	_ =	shalt  }
0x40: {  	_ =	shalt  }
0x41: {  	_ =	shalt  }
0x42: {  	_ =	shalt  }
0x43: {  	_ =	shalt  }
0x44: {  	_ =	shalt  }
0x45: {  	_ =	shalt  }
0x46: {  	_ =	shalt  }
0x47: {  	_ =	shalt  }
0x48: {  	_ =	shalt  }
0x49: {  	_ =	shalt  }
0x4a: {  	_ =	shalt  }
0x4b: {  	_ =	shalt  }
0x4c: {  	_ =	shalt  }
0x4d: {  	_ =	shalt  }
0x4e: {  	_ =	shalt  }
0x4f: {  	_ =	shalt  }
0x50: {  	_ =	shalt  }
0x51: {  	_ =	shalt  }
0x52: {  	_ =	shalt  }
0x53: {  	_ =	shalt  }
0x54: {  	_ =	shalt  }
0x55: {  	_ =	shalt  }
0x56: {  	_ =	shalt  }
0x57: {  	_ =	shalt  }
0x58: {  	_ =	shalt  }
0x59: {  	_ =	shalt  }
0x5a: {  	_ =	shalt  }
0x5b: {  	_ =	shalt  }
0x5c: {  	_ =	shalt  }
0x5d: {  	_ =	shalt  }
0x5e: {  	_ =	shalt  }
0x5f: {  	_ =	shalt  }
0x60: {  	_ =	shalt  }
0x61: {  	_ =	shalt  }
0x62: {  	_ =	shalt  }
0x63: {  	_ =	shalt  }
0x64: {  	_ =	shalt  }
0x65: {  	_ =	shalt  }
0x66: {  	_ =	shalt  }
0x67: {  	_ =	shalt  }
0x68: {  	_ =	shalt  }
0x69: {  	_ =	shalt  }
0x6a: {  	_ =	shalt  }
0x6b: {  	_ =	shalt  }
0x6c: {  	_ =	shalt  }
0x6d: {  	_ =	shalt  }
0x6e: {  	_ =	shalt  }
0x6f: {  	_ =	shalt  }
0x70: {  	_ =	shalt  }
0x71: {  	_ =	shalt  }
0x72: {  	_ =	shalt  }
0x73: {  	_ =	shalt  }
0x74: {  	_ =	shalt  }
0x75: {  	_ =	shalt  }
0x76: {  	_ =	shalt  }
0x77: {  	_ =	shalt  }
0x78: {  	_ =	shalt  }
0x79: {  	_ =	shalt  }
0x7a: {  	_ =	shalt  }
0x7b: {  	_ =	shalt  }
0x7c: {  	_ =	shalt  }
0x7d: {  	_ =	shalt  }
0x7e: {  	_ =	shalt  }
0x7f: {  	_ =	shalt  }
0x80: {  	_ =	shalt  }
0x81: {  	_ =	shalt  }
0x82: {  	_ =	shalt  }
0x83: {  	_ =	shalt  }
0x84: {  	_ =	shalt  }
0x85: {  	_ =	shalt  }
0x86: {  	_ =	shalt  }
0x87: {  	_ =	shalt  }
.Lfunc_end0:
.L_simem_size_0:
called_computation.1_lowered:
.L_overlay_start_0:
0x88: {  	s2 =	sld [smem:$0x3FD9]  }
0x89: {  	s3 =	sld [smem:$0x3FFE];
	_ =	sdelay $0x1  }
0x8a: {  	s1 =	srdreg.scid  }
0x8b: {  	s0 =	sand.u32 $0x1, s1  }
0x8c: {  	s17 =	sshll.u32 s0, $0xA;
	s2 =	sadd.s32 s3, s2  }
0x8d: {  	s2 =	sadd.s32 s2, s17  }
0x8e: {  	[smem:$0x3FC5] =	sst s2  }
0x8f: {  	_ = 	snop  }
0x90: {  	s2 =	sld [smem:$0x3FC9]  }
0x91: {  	s18 =	sld [smem:$0x3FD0];
	(tm) =	ssettm $0x1  }
0x92: {  	s4 =	sld [smem:$0x3FFB];
	_ =	sdelay $0x3  }
0x93: {  	_ =	strace s4  }
0x94: {  	s4 =	sld [smem:$0x3FFC];
	_ =	sdelay $0x3  }
0x95: {  	_ =	strace s4  }
0x96: {  	s4 =	sld [smem:$0x3FFD];
	_ =	sdelay $0x3  }
0x97: {  	_ =	strace s4  }
0x98: {  	_ =	strace $0x8FFFFFFF  }
0x99: {  	s19 =	sld [smem:$0x3FDB];
	_ =	sdelay $0x1  }
0x9a: {  	s5 =	simm.s32 $_scs_section_size  }
0x9b: {  	s6 =	simm.s32 $_size__tile_overlayer_lowered;
	s7 =	simm.s32 $_tile_overlayer_lowered  }
0x9c: {  	s22 =	simm.s32 $0x1BFF;
	s21 =	sshll.u32 s7, $0x1;
	s4 =	sadd.s32 s5, s19  }
0x9d: {  	s8 =	simm.s32 $0x0;
	s20 =	sshll.u32 s6, $0x1;
	s6 =	sadd.s32 s21, s4  }
0x9e: {  	[timem:s8], [sflag:s22] =	dma.local [hbm:s6], s20  }
0x9f: {  	_ =	swait.ge [sflag:s22], s20  }
0xa0: {  	s5 =	ssub.s32 $0x0, s20;
	[sflag:s22] =	ssyncset.done $0x0  }
0xa1: {  	[sflag:s22] =	ssyncadd.s32 s5;
	_ =	sdelay $0x1  }
0xa2: {  	s23 =	simm.s32 $0x1B8B  }
0xa3: {  	_ =	swait.ge [sflag:s23], $0x1  }
0xa4: {  	[sflag:s23] =	ssyncset.done $0x0  }
0xa5: {  	s25 =	simm.s32 $0x1B8E;
	s24 =	sld [smem:$0x3FFE];
	[sflag:s23] =	ssyncadd.s32 $0xFFFFFFFF  }
0xa6: {  	s26 =	simm.s32 $execute0_lowered;
	[smem:$0x3FD2] =	sst s25  }
0xa7: {  	s6 =	sshll.u32 s26, $0x1;
	_ =	strace $0x80000046;
	[dreg:$0x1] =	wrdreg $0xFFFFFFFF  }
0xa8: {  	s28 =	simm.s32 $_size_execute0_lowered;
	s4 =	sadd.s32 s4, s6;
	[dreg:$0x0] =	wrdreg $0x0  }
0xa9: {  	s6 =	sshll.u32 s28, $0x1;
	[dreg:$0x2] =	wrdreg s4  }
0xaa: {  	[dreg:$0x3] =	wrdreg s6  }
0xab: {  	[dreg:$0x4] =	wrdreg $0xC0  }
0xac: {  	_ =	task [dreg:s8], $0x5FFFF  }
0xad: {  	[dreg:$0x1] =	wrdreg $0xFFFFFFFF  }
0xae: {  	[dreg:$0x0] =	wrdreg $0x60  }
0xaf: {  	[dreg:$0x2] =	wrdreg s24  }
0xb0: {  	[dreg:$0x3] =	wrdreg s2  }
0xb1: {  	[dreg:$0x4] =	wrdreg s18  }
0xb2: {  	[dreg:$0x5] =	wrdreg $0x9  }
0xb3: {  	_ =	task.clear_ibuf [dreg:s8], $0x6FFFF;
	_ =	strace $0x90000046  }
0xb4: {  	s29 =	simm.s32 $0x9;
	_ =	strace $0x80000048  }
0xb5: {  	_ =	swait.ge [sflag:s29], $0x1  }
0xb6: {  	[sflag:s29] =	ssyncadd.s32 $0xFFFFFFFF  }
0xb7: {  	_ =	strace $0x90000048  }
0xb8: {  	_ =	sfence  }
0xb9: {  	s30 =	sld [smem:$0x0];
	_ =	sdelay $0x2  }
0xba: {  	s31 =	sshll.u32 s1, $0xD;
	s1 =	sshrl.u32 s1, $0x2  }
0xbb: {  	s3 =	sand.u32 $0x4000, s31;
	s1 =	sadd.s32 s1, s30  }
0xbc: {  	s0 =	sor.u32 s3, s0;
	s1 =	sshll.u32 s1, $0x11  }
0xbd: {  	s0 =	sor.u32 s1, s0  }
0xbe: {  	s0 =	sadd.s32 $0x8F2B, s0  }
0xbf: {  	[sflag:s0] =	ssyncadd.remote.s32 $0x1  }
0xc0: {  	_ =	sfence.sel $0xFFFF  }
0xc1: {  	[dreg:$0x0] =	wrdreg $0xFFFFFFFF;
	(pc) =	sbr.abs _section_cstart, $3  }
0xc2: {  	[dreg:$0x1] =	wrdreg $0xFFFFFFFF  }
0xc3: {  	_ =	task.clear_ibuf [dreg:s8], $0x2FFFF;
	_ =	strace $0x9FFFFFFF  }
0xc4: {  	(tm) =	ssettm $0x7FFFFFFF  }
0xc5: {  	_ =	shalt  }
tec
execute0_lowered:
.L_overlay_start_1:
0x0: {  	(tag) =	ssettag $0x1  }
0x1: {  	s0 =	rddreg [dreg:$0x0]  }
0x2: {  	s1 =	rddreg [dreg:$0x1]  }
0x3: {  	s2 =	rddreg [dreg:$0x2]  }
0x4: {  	s4 =	srdreg.scid;
	s5 =	stileid.u32;
	s3 =	simm.s32 $0x0  }
0x5: {  	s9 =	simm.s32 $0x11;
	s11 =	simm.s32 $0x80;
	s12 =	simm.s32 $0x9600  }
0x6: {  	s13 =	simm.s32 $0xB600;
	s15 =	simm.s32 $0xD600;
	s17 =	simm.s32 $0xF600  }
0x7: {  	s19 =	simm.s32 $0x11600;
	s21 =	simm.s32 $0x13600;
	s23 =	simm.s32 $0x15600  }
0x8: {  	s24 =	simm.s32 $0x17600;
	s25 =	simm.s32 $0x1;
	s28 =	simm.s32 $0x3  }
0x9: {  	s29 =	simm.s32 $0x4;
	s30 =	simm.s32 $0x5;
	s31 =	simm.s32 $0x6  }
0xa: {  	s4 =	sand.u32 $0x1, s4;
	s5 =	sshll.u32 s5, $0x1;
	[smem:$0x7FF] =	sst s3  }
0xb: {  	s6 =	ssub.s32 $0x2, s4;
	s5 =	sor.u32 s4, s5;
	s4 =	sadd.s32 $0xF42E00, s0  }
0xc: {  	s0 =	sadd.s32 $0xA00, s0;
	s7 =	sshrl.u32 s6, $0x1;
	s8 =	smul.u32 $0xC80, s5  }
0xd: {  	_ =	strace $0x80000047;
	[dreg:$0x4] =	wrdreg s0;
	s26 =	ssub.s32 s6, s7  }
0xe: {  	s6 =	smul.u32 $0xC8, s5;
	s1 =	sadd.s32 s1, s8;
	s0 =	smax.u32 s26, $0x1  }
0xf: {  	s26 =	simm.s32 $0x2;
	s8 =	simm.s32 $0x0;
	[dreg:$0x5] =	wrdreg s1  }
0x10: {  	[dreg:$0x6] =	wrdreg s0;
	s0 =	simm.s32 $0x7;
	s1 =	simm.s32 $0x8  }
.LBB2_1:
0x11: {  	s5 =	rddreg [dreg:$0x5]  }
0x12: {  	[tilespmem:s3], [sflag:$0x11] =	stream.linear.gather [hbm4b:s5+s3], $0x6400, $0x38;
	[tilespmem:$0x19600] =	vst v63  }
0x13: {  	_ =	swait.ge [sflag:s9], $0x6400  }
0x14: {  	[sflag:s9] =	ssyncset.done $0x0  }
0x15: {  	s7 =	simm.s32 $0x6400;
	s10 =	rddreg [dreg:$0x4];
	[sflag:s9] =	ssyncadd.s32 $0xFFFF9C00  }
0x16: {  	[tilespmem:s7], [sflag:$0x11] =	stream.linear.gather [hbm4b:s10+s3], $0x3200, $0x38;
	[tilespmem:$0x19600] =	vst v63  }
0x17: {  	_ =	swait.ge [sflag:s9], $0x3200  }
0x18: {  	[sflag:s9] =	ssyncset.done $0x0  }
0x19: {  	[sflag:s9] =	ssyncadd.s32 $0xFFFFCE00  }
0x1a: {  	[tilespmem:s12], [sflag:$0x1] =	stream.indirect.gather [hbm4b:s4+s11], $0x40, s3, s11, $0xb8;
	[tilespmem:$0x19600] =	vst v63  }
0x1b: {  	_ = 	snop  }
0x1c: {  	[tilespmem:s13], [sflag:$0x2] =	stream.indirect.gather [hbm4b:s4+s11], $0x40, s11, s11, $0xb8;
	[tilespmem:$0x19600] =	vst v63  }
0x1d: {  	s14 =	simm.s32 $0x100  }
0x1e: {  	[tilespmem:s15], [sflag:$0x3] =	stream.indirect.gather [hbm4b:s4+s11], $0x40, s14, s11, $0xb8;
	[tilespmem:$0x19600] =	vst v63  }
0x1f: {  	s16 =	simm.s32 $0x180  }
0x20: {  	[tilespmem:s17], [sflag:$0x4] =	stream.indirect.gather [hbm4b:s4+s11], $0x40, s16, s11, $0xb8;
	[tilespmem:$0x19600] =	vst v63  }
0x21: {  	s18 =	simm.s32 $0x200  }
0x22: {  	[tilespmem:s19], [sflag:$0x5] =	stream.indirect.gather [hbm4b:s4+s11], $0x40, s18, s11, $0xb8;
	[tilespmem:$0x19600] =	vst v63  }
0x23: {  	s20 =	simm.s32 $0x280  }
0x24: {  	[tilespmem:s21], [sflag:$0x6] =	stream.indirect.gather [hbm4b:s4+s11], $0x40, s20, s11, $0xb8;
	[tilespmem:$0x19600] =	vst v63  }
0x25: {  	s22 =	simm.s32 $0x300;
	s10 =	simm.s32 $0x0  }
0x26: {  	[tilespmem:s23], [sflag:$0x7] =	stream.indirect.gather [hbm4b:s4+s11], $0x40, s22, s11, $0xb8;
	[tilespmem:$0x19600] =	vst v63  }
.LBB2_2:
0x27: {  	p0 =	seq.s32 s10, $0x0  }
0x28: {  	s5 =	simm.s32 @!p0 $0x10  }
0x29: {  	s14 =	sshllo.u32 s10, $0x3;
	_ =	swait.ge @!p0 [sflag:s5], $0x2000  }
0x2a: {  	s7 =	sshll.u32 s14, $0x7;
	[sflag:s5] =	ssyncset.done @!p0 $0x0  }
0x2b: {  	s16 =	sshll.u32 s10, $0x3;
	s20 =	sand.u32 $0x3FFFFF80, s7;
	[sflag:s5] =	ssyncadd.s32 @!p0 $0xFFFFE000  }
0x2c: {  	[tilespmem:s24], [sflag:$0x8] =	stream.indirect.gather [hbm4b:s4+s11], $0x40, s20, s11, $0xb8;
	[tilespmem:$0x19600] =	vst v63  }
0x2d: {  	s20 =	sadd.s32 s6, s16;
	_ =	swait.ge [sflag:s25], $0x2000  }
0x2e: {  	s22 =	sshll.u32 s20, $0x1;
	[sflag:s25] =	ssyncset.done $0x0  }
0x2f: {  	s5 =	sand.u32 $0x3FFFFE00, s22;
	[sflag:s25] =	ssyncadd.s32 $0xFFFFE000  }
0x30: {  	v1 =	vld [tilespmem:s5+$0x6400]  }
0x31: {  	v2 =	vld [tilespmem:s5+$0x6430]  }
0x32: {  	v3 =	vld [tilespmem:s5+$0x6420]  }
0x33: {  	v0 =	vld [tilespmem:s5+$0x6410]  }
0x34: {  	s16 =	simm.s32 $0x9600  }
0x35: {  	[tilespmem:s16+$0x0] =	vst.add.f32.msk $0xffff, v1  }
0x36: {  	[tilespmem:s16+$0x1F0] =	vst.add.f32.msk $0xffff, v2  }
0x37: {  	[tilespmem:s16+$0x1E0] =	vst.add.f32.msk $0xffff, v3  }
0x38: {  	[tilespmem:s16+$0x1D0] =	vst.add.f32.msk $0xffff, v0  }
0x39: {  	[tilespmem:s16+$0x1C0] =	vst.add.f32.msk $0xffff, v1  }
0x3a: {  	[tilespmem:s16+$0x1B0] =	vst.add.f32.msk $0xffff, v2  }
0x3b: {  	[tilespmem:s16+$0x1A0] =	vst.add.f32.msk $0xffff, v3  }
0x3c: {  	[tilespmem:s16+$0x190] =	vst.add.f32.msk $0xffff, v0  }
0x3d: {  	[tilespmem:s16+$0x180] =	vst.add.f32.msk $0xffff, v1  }
0x3e: {  	[tilespmem:s16+$0x170] =	vst.add.f32.msk $0xffff, v2  }
0x3f: {  	[tilespmem:s16+$0x160] =	vst.add.f32.msk $0xffff, v3  }
0x40: {  	[tilespmem:s16+$0x150] =	vst.add.f32.msk $0xffff, v0  }
0x41: {  	[tilespmem:s16+$0x140] =	vst.add.f32.msk $0xffff, v1  }
0x42: {  	[tilespmem:s16+$0x130] =	vst.add.f32.msk $0xffff, v2  }
0x43: {  	[tilespmem:s16+$0x120] =	vst.add.f32.msk $0xffff, v3  }
0x44: {  	[tilespmem:s16+$0x110] =	vst.add.f32.msk $0xffff, v0  }
0x45: {  	[tilespmem:s16+$0x100] =	vst.add.f32.msk $0xffff, v1  }
0x46: {  	[tilespmem:s16+$0xF0] =	vst.add.f32.msk $0xffff, v2  }
0x47: {  	[tilespmem:s16+$0xE0] =	vst.add.f32.msk $0xffff, v3  }
0x48: {  	[tilespmem:s16+$0xD0] =	vst.add.f32.msk $0xffff, v0  }
0x49: {  	[tilespmem:s16+$0xC0] =	vst.add.f32.msk $0xffff, v1  }
0x4a: {  	[tilespmem:s16+$0xB0] =	vst.add.f32.msk $0xffff, v2  }
0x4b: {  	[tilespmem:s16+$0xA0] =	vst.add.f32.msk $0xffff, v3  }
0x4c: {  	[tilespmem:s16+$0x90] =	vst.add.f32.msk $0xffff, v0  }
0x4d: {  	[tilespmem:s16+$0x80] =	vst.add.f32.msk $0xffff, v1  }
0x4e: {  	[tilespmem:s16+$0x70] =	vst.add.f32.msk $0xffff, v2  }
0x4f: {  	[tilespmem:s16+$0x60] =	vst.add.f32.msk $0xffff, v3  }
0x50: {  	[tilespmem:s16+$0x50] =	vst.add.f32.msk $0xffff, v0  }
0x51: {  	[tilespmem:s16+$0x40] =	vst.add.f32.msk $0xffff, v1  }
0x52: {  	[tilespmem:s16+$0x30] =	vst.add.f32.msk $0xffff, v2  }
0x53: {  	s18 =	simm.s32 $0x0;
	s5 =	sshrl.u32 s20, $0x8;
	[tilespmem:s16+$0x20] =	vst.add.f32.msk $0xffff, v3  }
.LBB2_3:
0x54: {  	s18 =	sadd.s32 $0x8, s18;
	[tilespmem:s16+$0x10] =	vst.add.f32.msk $0xffff, v0;
	s16 =	sadd.s32 $0x200, s16  }
0x55: {  	[tilespmem:s16+$0x0] =	vst.add.f32.msk $0xffff, v1;
	p0 =	slt.u32 s18, $0x78  }
0x56: {  	[tilespmem:s16+$0x1F0] =	vst.add.f32.msk $0xffff, v2  }
0x57: {  	[tilespmem:s16+$0x1E0] =	vst.add.f32.msk $0xffff, v3  }
0x58: {  	[tilespmem:s16+$0x1D0] =	vst.add.f32.msk $0xffff, v0  }
0x59: {  	[tilespmem:s16+$0x1C0] =	vst.add.f32.msk $0xffff, v1  }
0x5a: {  	[tilespmem:s16+$0x1B0] =	vst.add.f32.msk $0xffff, v2  }
0x5b: {  	[tilespmem:s16+$0x1A0] =	vst.add.f32.msk $0xffff, v3  }
0x5c: {  	[tilespmem:s16+$0x190] =	vst.add.f32.msk $0xffff, v0  }
0x5d: {  	[tilespmem:s16+$0x180] =	vst.add.f32.msk $0xffff, v1  }
0x5e: {  	[tilespmem:s16+$0x170] =	vst.add.f32.msk $0xffff, v2  }
0x5f: {  	[tilespmem:s16+$0x160] =	vst.add.f32.msk $0xffff, v3  }
0x60: {  	[tilespmem:s16+$0x150] =	vst.add.f32.msk $0xffff, v0  }
0x61: {  	[tilespmem:s16+$0x140] =	vst.add.f32.msk $0xffff, v1  }
0x62: {  	[tilespmem:s16+$0x130] =	vst.add.f32.msk $0xffff, v2  }
0x63: {  	[tilespmem:s16+$0x120] =	vst.add.f32.msk $0xffff, v3  }
0x64: {  	[tilespmem:s16+$0x110] =	vst.add.f32.msk $0xffff, v0  }
0x65: {  	[tilespmem:s16+$0x100] =	vst.add.f32.msk $0xffff, v1  }
0x66: {  	[tilespmem:s16+$0xF0] =	vst.add.f32.msk $0xffff, v2  }
0x67: {  	[tilespmem:s16+$0xE0] =	vst.add.f32.msk $0xffff, v3  }
0x68: {  	[tilespmem:s16+$0xD0] =	vst.add.f32.msk $0xffff, v0  }
0x69: {  	[tilespmem:s16+$0xC0] =	vst.add.f32.msk $0xffff, v1  }
0x6a: {  	[tilespmem:s16+$0xB0] =	vst.add.f32.msk $0xffff, v2  }
0x6b: {  	[tilespmem:s16+$0xA0] =	vst.add.f32.msk $0xffff, v3  }
0x6c: {  	[tilespmem:s16+$0x90] =	vst.add.f32.msk $0xffff, v0  }
0x6d: {  	[tilespmem:s16+$0x80] =	vst.add.f32.msk $0xffff, v1  }
0x6e: {  	[tilespmem:s16+$0x70] =	vst.add.f32.msk $0xffff, v2  }
.Ltmp0:
0x6f: {  	[tilespmem:s16+$0x60] =	vst.add.f32.msk $0xffff, v3;
	(pc) =	sbr.rel @p0 .LBB2_3-.Ltmp0, $4  }
0x70: {  	[tilespmem:s16+$0x50] =	vst.add.f32.msk $0xffff, v0  }
0x71: {  	[tilespmem:s16+$0x40] =	vst.add.f32.msk $0xffff, v1  }
0x72: {  	[tilespmem:s16+$0x30] =	vst.add.f32.msk $0xffff, v2  }
0x73: {  	[tilespmem:s16+$0x20] =	vst.add.f32.msk $0xffff, v3  }
0x74: {  	s7 =	sshll.u32 s20, $0x7  }
0x75: {  	s7 =	sand.u32 $0x7C00, s7  }
0x76: {  	s5 =	sshll.u32 s5, $0x12;
	s7 =	sadd.s32 s2, s7  }
0x77: {  	[tilespmem:s16+$0x10] =	vst.add.f32.msk $0xffff, v0;
	p0 =	seq.s32 s10, $0x18;
	s5 =	sadd.s32 s5, s7  }
0x78: {  	[hbm4b:s5+s3] =	stream.linear.scatter [tilespmem:s12], [sflag:$0x9], $0x2000, $0x38;
	[tilespmem:$0x19600] =	vst v63  }
0x79: {  	s5 =	simm.s32 @!p0 $0x9  }
0x7a: {  	s22 =	sshrl.u32 s20, $0x5;
	s7 =	sshll.u32 @!p0 s10, $0xA;
	_ =	swait.ge @!p0 [sflag:s5], $0x2000  }
0x7b: {  	s18 =	simm.s32 @!p0 $0x9600;
	s16 =	sand.u32 @!p0 $0x3FFFFC00, s7;
	[sflag:s5] =	ssyncset.done @!p0 $0x0  }
0x7c: {  	s7 =	simm.s32 @!p0 $0x80;
	[sflag:s5] =	ssyncadd.s32 @!p0 $0xFFFFE000;
	s5 =	sadd.s32 @!p0 $0x400, s16  }
0x7d: {  	[tilespmem:s18], [sflag:$0x1] =	stream.indirect.gather @!p0 [hbm4b:s4+s7], $0x40, s5, s7, $0xb8;
	[tilespmem:$0x19600] =	vst v63  }
0x7e: {  	s18 =	sand.u32 $0x3FFFFF8, s22  }
0x7f: {  	_ =	swait.ge [sflag:s26], $0x2000;
	s22 =	sor.u32 $0x1, s18  }
0x80: {  	[sflag:s26] =	ssyncset.done $0x0;
	s7 =	sshll.u32 s22, $0x8  }
0x81: {  	[sflag:s26] =	ssyncadd.s32 $0xFFFFE000;
	s5 =	sshra.s32 s7, $0x2  }
0x82: {  	v1 =	vld [tilespmem:s5+$0x6400]  }
0x83: {  	v2 =	vld [tilespmem:s5+$0x6430]  }
0x84: {  	v3 =	vld [tilespmem:s5+$0x6420]  }
0x85: {  	v0 =	vld [tilespmem:s5+$0x6410]  }
0x86: {  	s5 =	simm.s32 $0xB600  }
0x87: {  	[tilespmem:s5+$0x0] =	vst.add.f32.msk $0xffff, v1  }
0x88: {  	[tilespmem:s5+$0x1F0] =	vst.add.f32.msk $0xffff, v2  }
0x89: {  	[tilespmem:s5+$0x1E0] =	vst.add.f32.msk $0xffff, v3  }
0x8a: {  	[tilespmem:s5+$0x1D0] =	vst.add.f32.msk $0xffff, v0  }
0x8b: {  	[tilespmem:s5+$0x1C0] =	vst.add.f32.msk $0xffff, v1  }
0x8c: {  	[tilespmem:s5+$0x1B0] =	vst.add.f32.msk $0xffff, v2  }
0x8d: {  	[tilespmem:s5+$0x1A0] =	vst.add.f32.msk $0xffff, v3  }
0x8e: {  	[tilespmem:s5+$0x190] =	vst.add.f32.msk $0xffff, v0  }
0x8f: {  	[tilespmem:s5+$0x180] =	vst.add.f32.msk $0xffff, v1  }
0x90: {  	[tilespmem:s5+$0x170] =	vst.add.f32.msk $0xffff, v2  }
0x91: {  	[tilespmem:s5+$0x160] =	vst.add.f32.msk $0xffff, v3  }
0x92: {  	[tilespmem:s5+$0x150] =	vst.add.f32.msk $0xffff, v0  }
0x93: {  	[tilespmem:s5+$0x140] =	vst.add.f32.msk $0xffff, v1  }
0x94: {  	[tilespmem:s5+$0x130] =	vst.add.f32.msk $0xffff, v2  }
0x95: {  	[tilespmem:s5+$0x120] =	vst.add.f32.msk $0xffff, v3  }
0x96: {  	[tilespmem:s5+$0x110] =	vst.add.f32.msk $0xffff, v0  }
0x97: {  	[tilespmem:s5+$0x100] =	vst.add.f32.msk $0xffff, v1  }
0x98: {  	[tilespmem:s5+$0xF0] =	vst.add.f32.msk $0xffff, v2  }
0x99: {  	[tilespmem:s5+$0xE0] =	vst.add.f32.msk $0xffff, v3  }
0x9a: {  	[tilespmem:s5+$0xD0] =	vst.add.f32.msk $0xffff, v0  }
0x9b: {  	[tilespmem:s5+$0xC0] =	vst.add.f32.msk $0xffff, v1  }
0x9c: {  	[tilespmem:s5+$0xB0] =	vst.add.f32.msk $0xffff, v2  }
0x9d: {  	[tilespmem:s5+$0xA0] =	vst.add.f32.msk $0xffff, v3  }
0x9e: {  	[tilespmem:s5+$0x90] =	vst.add.f32.msk $0xffff, v0  }
0x9f: {  	[tilespmem:s5+$0x80] =	vst.add.f32.msk $0xffff, v1  }
0xa0: {  	[tilespmem:s5+$0x70] =	vst.add.f32.msk $0xffff, v2  }
0xa1: {  	[tilespmem:s5+$0x60] =	vst.add.f32.msk $0xffff, v3  }
0xa2: {  	[tilespmem:s5+$0x50] =	vst.add.f32.msk $0xffff, v0  }
0xa3: {  	[tilespmem:s5+$0x40] =	vst.add.f32.msk $0xffff, v1  }
0xa4: {  	[tilespmem:s5+$0x30] =	vst.add.f32.msk $0xffff, v2  }
0xa5: {  	s7 =	simm.s32 $0x0;
	[tilespmem:s5+$0x20] =	vst.add.f32.msk $0xffff, v3  }
.LBB2_5:
0xa6: {  	s7 =	sadd.s32 $0x8, s7;
	[tilespmem:s5+$0x10] =	vst.add.f32.msk $0xffff, v0;
	s5 =	sadd.s32 $0x200, s5  }
0xa7: {  	[tilespmem:s5+$0x0] =	vst.add.f32.msk $0xffff, v1;
	p1 =	slt.u32 s7, $0x78  }
0xa8: {  	[tilespmem:s5+$0x1F0] =	vst.add.f32.msk $0xffff, v2  }
0xa9: {  	[tilespmem:s5+$0x1E0] =	vst.add.f32.msk $0xffff, v3  }
0xaa: {  	[tilespmem:s5+$0x1D0] =	vst.add.f32.msk $0xffff, v0  }
0xab: {  	[tilespmem:s5+$0x1C0] =	vst.add.f32.msk $0xffff, v1  }
0xac: {  	[tilespmem:s5+$0x1B0] =	vst.add.f32.msk $0xffff, v2  }
0xad: {  	[tilespmem:s5+$0x1A0] =	vst.add.f32.msk $0xffff, v3  }
0xae: {  	[tilespmem:s5+$0x190] =	vst.add.f32.msk $0xffff, v0  }
0xaf: {  	[tilespmem:s5+$0x180] =	vst.add.f32.msk $0xffff, v1  }
0xb0: {  	[tilespmem:s5+$0x170] =	vst.add.f32.msk $0xffff, v2  }
0xb1: {  	[tilespmem:s5+$0x160] =	vst.add.f32.msk $0xffff, v3  }
0xb2: {  	[tilespmem:s5+$0x150] =	vst.add.f32.msk $0xffff, v0  }
0xb3: {  	[tilespmem:s5+$0x140] =	vst.add.f32.msk $0xffff, v1  }
0xb4: {  	[tilespmem:s5+$0x130] =	vst.add.f32.msk $0xffff, v2  }
0xb5: {  	[tilespmem:s5+$0x120] =	vst.add.f32.msk $0xffff, v3  }
0xb6: {  	[tilespmem:s5+$0x110] =	vst.add.f32.msk $0xffff, v0  }
0xb7: {  	[tilespmem:s5+$0x100] =	vst.add.f32.msk $0xffff, v1  }
0xb8: {  	[tilespmem:s5+$0xF0] =	vst.add.f32.msk $0xffff, v2  }
0xb9: {  	[tilespmem:s5+$0xE0] =	vst.add.f32.msk $0xffff, v3  }
0xba: {  	[tilespmem:s5+$0xD0] =	vst.add.f32.msk $0xffff, v0  }
0xbb: {  	[tilespmem:s5+$0xC0] =	vst.add.f32.msk $0xffff, v1  }
0xbc: {  	[tilespmem:s5+$0xB0] =	vst.add.f32.msk $0xffff, v2  }
0xbd: {  	[tilespmem:s5+$0xA0] =	vst.add.f32.msk $0xffff, v3  }
0xbe: {  	[tilespmem:s5+$0x90] =	vst.add.f32.msk $0xffff, v0  }
0xbf: {  	[tilespmem:s5+$0x80] =	vst.add.f32.msk $0xffff, v1  }
0xc0: {  	[tilespmem:s5+$0x70] =	vst.add.f32.msk $0xffff, v2  }
.Ltmp1:
0xc1: {  	[tilespmem:s5+$0x60] =	vst.add.f32.msk $0xffff, v3;
	(pc) =	sbr.rel @p1 .LBB2_5-.Ltmp1, $4  }
0xc2: {  	[tilespmem:s5+$0x50] =	vst.add.f32.msk $0xffff, v0  }
0xc3: {  	[tilespmem:s5+$0x40] =	vst.add.f32.msk $0xffff, v1  }
0xc4: {  	[tilespmem:s5+$0x30] =	vst.add.f32.msk $0xffff, v2  }
0xc5: {  	[tilespmem:s5+$0x20] =	vst.add.f32.msk $0xffff, v3  }
0xc6: {  	s7 =	sshll.u32 s20, $0xA  }
0xc7: {  	s22 =	sshll.u32 s22, $0x12;
	s20 =	sand.u32 $0x3E000, s7  }
0xc8: {  	s7 =	sor.u32 s20, s22  }
0xc9: {  	s7 =	sshrl.u32 s7, $0x3  }
0xca: {  	[tilespmem:s5+$0x10] =	vst.add.f32.msk $0xffff, v0;
	s5 =	simm.s32 @!p0 $0xA;
	s22 =	sadd.s32 s2, s7  }
0xcb: {  	[hbm4b:s22+s3] =	stream.linear.scatter [tilespmem:s13], [sflag:$0xA], $0x2000, $0x38;
	[tilespmem:$0x19600] =	vst v63  }
0xcc: {  	_ =	swait.ge @!p0 [sflag:s5], $0x2000  }
0xcd: {  	s7 =	simm.s32 @!p0 $0x80;
	[sflag:s5] =	ssyncset.done @!p0 $0x0  }
0xce: {  	s22 =	simm.s32 @!p0 $0xB600;
	[sflag:s5] =	ssyncadd.s32 @!p0 $0xFFFFE000;
	s5 =	sadd.s32 @!p0 $0x480, s16  }
0xcf: {  	[tilespmem:s22], [sflag:$0x2] =	stream.indirect.gather @!p0 [hbm4b:s4+s7], $0x40, s5, s7, $0xb8;
	[tilespmem:$0x19600] =	vst v63  }
0xd0: {  	s22 =	sor.u32 $0x2, s18;
	_ =	swait.ge [sflag:s28], $0x2000  }
0xd1: {  	s7 =	sshll.u32 s22, $0x8;
	[sflag:s28] =	ssyncset.done $0x0  }
0xd2: {  	s5 =	sshra.s32 s7, $0x2;
	[sflag:s28] =	ssyncadd.s32 $0xFFFFE000  }
0xd3: {  	v1 =	vld [tilespmem:s5+$0x6400]  }
0xd4: {  	v2 =	vld [tilespmem:s5+$0x6430]  }
0xd5: {  	v3 =	vld [tilespmem:s5+$0x6420]  }
0xd6: {  	v0 =	vld [tilespmem:s5+$0x6410]  }
0xd7: {  	s5 =	simm.s32 $0xD600  }
0xd8: {  	[tilespmem:s5+$0x0] =	vst.add.f32.msk $0xffff, v1  }
0xd9: {  	[tilespmem:s5+$0x1F0] =	vst.add.f32.msk $0xffff, v2  }
0xda: {  	[tilespmem:s5+$0x1E0] =	vst.add.f32.msk $0xffff, v3  }
0xdb: {  	[tilespmem:s5+$0x1D0] =	vst.add.f32.msk $0xffff, v0  }
0xdc: {  	[tilespmem:s5+$0x1C0] =	vst.add.f32.msk $0xffff, v1  }
0xdd: {  	[tilespmem:s5+$0x1B0] =	vst.add.f32.msk $0xffff, v2  }
0xde: {  	[tilespmem:s5+$0x1A0] =	vst.add.f32.msk $0xffff, v3  }
0xdf: {  	[tilespmem:s5+$0x190] =	vst.add.f32.msk $0xffff, v0  }
0xe0: {  	[tilespmem:s5+$0x180] =	vst.add.f32.msk $0xffff, v1  }
0xe1: {  	[tilespmem:s5+$0x170] =	vst.add.f32.msk $0xffff, v2  }
0xe2: {  	[tilespmem:s5+$0x160] =	vst.add.f32.msk $0xffff, v3  }
0xe3: {  	[tilespmem:s5+$0x150] =	vst.add.f32.msk $0xffff, v0  }
0xe4: {  	[tilespmem:s5+$0x140] =	vst.add.f32.msk $0xffff, v1  }
0xe5: {  	[tilespmem:s5+$0x130] =	vst.add.f32.msk $0xffff, v2  }
0xe6: {  	[tilespmem:s5+$0x120] =	vst.add.f32.msk $0xffff, v3  }
0xe7: {  	[tilespmem:s5+$0x110] =	vst.add.f32.msk $0xffff, v0  }
0xe8: {  	[tilespmem:s5+$0x100] =	vst.add.f32.msk $0xffff, v1  }
0xe9: {  	[tilespmem:s5+$0xF0] =	vst.add.f32.msk $0xffff, v2  }
0xea: {  	[tilespmem:s5+$0xE0] =	vst.add.f32.msk $0xffff, v3  }
0xeb: {  	[tilespmem:s5+$0xD0] =	vst.add.f32.msk $0xffff, v0  }
0xec: {  	[tilespmem:s5+$0xC0] =	vst.add.f32.msk $0xffff, v1  }
0xed: {  	[tilespmem:s5+$0xB0] =	vst.add.f32.msk $0xffff, v2  }
0xee: {  	[tilespmem:s5+$0xA0] =	vst.add.f32.msk $0xffff, v3  }
0xef: {  	[tilespmem:s5+$0x90] =	vst.add.f32.msk $0xffff, v0  }
0xf0: {  	[tilespmem:s5+$0x80] =	vst.add.f32.msk $0xffff, v1  }
0xf1: {  	[tilespmem:s5+$0x70] =	vst.add.f32.msk $0xffff, v2  }
0xf2: {  	[tilespmem:s5+$0x60] =	vst.add.f32.msk $0xffff, v3  }
0xf3: {  	[tilespmem:s5+$0x50] =	vst.add.f32.msk $0xffff, v0  }
0xf4: {  	[tilespmem:s5+$0x40] =	vst.add.f32.msk $0xffff, v1  }
0xf5: {  	[tilespmem:s5+$0x30] =	vst.add.f32.msk $0xffff, v2  }
0xf6: {  	s7 =	simm.s32 $0x0;
	[tilespmem:s5+$0x20] =	vst.add.f32.msk $0xffff, v3  }
.LBB2_7:
0xf7: {  	s7 =	sadd.s32 $0x8, s7;
	[tilespmem:s5+$0x10] =	vst.add.f32.msk $0xffff, v0;
	s5 =	sadd.s32 $0x200, s5  }
0xf8: {  	[tilespmem:s5+$0x0] =	vst.add.f32.msk $0xffff, v1;
	p1 =	slt.u32 s7, $0x78  }
0xf9: {  	[tilespmem:s5+$0x1F0] =	vst.add.f32.msk $0xffff, v2  }
0xfa: {  	[tilespmem:s5+$0x1E0] =	vst.add.f32.msk $0xffff, v3  }
0xfb: {  	[tilespmem:s5+$0x1D0] =	vst.add.f32.msk $0xffff, v0  }
0xfc: {  	[tilespmem:s5+$0x1C0] =	vst.add.f32.msk $0xffff, v1  }
0xfd: {  	[tilespmem:s5+$0x1B0] =	vst.add.f32.msk $0xffff, v2  }
0xfe: {  	[tilespmem:s5+$0x1A0] =	vst.add.f32.msk $0xffff, v3  }
0xff: {  	[tilespmem:s5+$0x190] =	vst.add.f32.msk $0xffff, v0  }
0x100: {  	[tilespmem:s5+$0x180] =	vst.add.f32.msk $0xffff, v1  }
0x101: {  	[tilespmem:s5+$0x170] =	vst.add.f32.msk $0xffff, v2  }
0x102: {  	[tilespmem:s5+$0x160] =	vst.add.f32.msk $0xffff, v3  }
0x103: {  	[tilespmem:s5+$0x150] =	vst.add.f32.msk $0xffff, v0  }
0x104: {  	[tilespmem:s5+$0x140] =	vst.add.f32.msk $0xffff, v1  }
0x105: {  	[tilespmem:s5+$0x130] =	vst.add.f32.msk $0xffff, v2  }
0x106: {  	[tilespmem:s5+$0x120] =	vst.add.f32.msk $0xffff, v3  }
0x107: {  	[tilespmem:s5+$0x110] =	vst.add.f32.msk $0xffff, v0  }
0x108: {  	[tilespmem:s5+$0x100] =	vst.add.f32.msk $0xffff, v1  }
0x109: {  	[tilespmem:s5+$0xF0] =	vst.add.f32.msk $0xffff, v2  }
0x10a: {  	[tilespmem:s5+$0xE0] =	vst.add.f32.msk $0xffff, v3  }
0x10b: {  	[tilespmem:s5+$0xD0] =	vst.add.f32.msk $0xffff, v0  }
0x10c: {  	[tilespmem:s5+$0xC0] =	vst.add.f32.msk $0xffff, v1  }
0x10d: {  	[tilespmem:s5+$0xB0] =	vst.add.f32.msk $0xffff, v2  }
0x10e: {  	[tilespmem:s5+$0xA0] =	vst.add.f32.msk $0xffff, v3  }
0x10f: {  	[tilespmem:s5+$0x90] =	vst.add.f32.msk $0xffff, v0  }
0x110: {  	[tilespmem:s5+$0x80] =	vst.add.f32.msk $0xffff, v1  }
0x111: {  	[tilespmem:s5+$0x70] =	vst.add.f32.msk $0xffff, v2  }
.Ltmp2:
0x112: {  	[tilespmem:s5+$0x60] =	vst.add.f32.msk $0xffff, v3;
	(pc) =	sbr.rel @p1 .LBB2_7-.Ltmp2, $4  }
0x113: {  	[tilespmem:s5+$0x50] =	vst.add.f32.msk $0xffff, v0  }
0x114: {  	[tilespmem:s5+$0x40] =	vst.add.f32.msk $0xffff, v1  }
0x115: {  	[tilespmem:s5+$0x30] =	vst.add.f32.msk $0xffff, v2  }
0x116: {  	[tilespmem:s5+$0x20] =	vst.add.f32.msk $0xffff, v3  }
0x117: {  	s7 =	sshll.u32 s22, $0x12  }
0x118: {  	s7 =	sor.u32 s20, s7  }
0x119: {  	s7 =	sshrl.u32 s7, $0x3  }
0x11a: {  	[tilespmem:s5+$0x10] =	vst.add.f32.msk $0xffff, v0;
	s5 =	simm.s32 @!p0 $0xB;
	s22 =	sadd.s32 s2, s7  }
0x11b: {  	[hbm4b:s22+s3] =	stream.linear.scatter [tilespmem:s15], [sflag:$0xB], $0x2000, $0x38;
	[tilespmem:$0x19600] =	vst v63  }
0x11c: {  	_ =	swait.ge @!p0 [sflag:s5], $0x2000  }
0x11d: {  	s7 =	simm.s32 @!p0 $0x80;
	[sflag:s5] =	ssyncset.done @!p0 $0x0  }
0x11e: {  	s22 =	simm.s32 @!p0 $0xD600;
	[sflag:s5] =	ssyncadd.s32 @!p0 $0xFFFFE000;
	s5 =	sadd.s32 @!p0 $0x500, s16  }
0x11f: {  	[tilespmem:s22], [sflag:$0x3] =	stream.indirect.gather @!p0 [hbm4b:s4+s7], $0x40, s5, s7, $0xb8;
	[tilespmem:$0x19600] =	vst v63  }
0x120: {  	s22 =	sor.u32 $0x3, s18;
	_ =	swait.ge [sflag:s29], $0x2000  }
0x121: {  	s7 =	sshll.u32 s22, $0x8;
	[sflag:s29] =	ssyncset.done $0x0  }
0x122: {  	s5 =	sshra.s32 s7, $0x2;
	[sflag:s29] =	ssyncadd.s32 $0xFFFFE000  }
0x123: {  	v1 =	vld [tilespmem:s5+$0x6400]  }
0x124: {  	v2 =	vld [tilespmem:s5+$0x6430]  }
0x125: {  	v3 =	vld [tilespmem:s5+$0x6420]  }
0x126: {  	v0 =	vld [tilespmem:s5+$0x6410]  }
0x127: {  	s5 =	simm.s32 $0xF600  }
0x128: {  	[tilespmem:s5+$0x0] =	vst.add.f32.msk $0xffff, v1  }
0x129: {  	[tilespmem:s5+$0x1F0] =	vst.add.f32.msk $0xffff, v2  }
0x12a: {  	[tilespmem:s5+$0x1E0] =	vst.add.f32.msk $0xffff, v3  }
0x12b: {  	[tilespmem:s5+$0x1D0] =	vst.add.f32.msk $0xffff, v0  }
0x12c: {  	[tilespmem:s5+$0x1C0] =	vst.add.f32.msk $0xffff, v1  }
0x12d: {  	[tilespmem:s5+$0x1B0] =	vst.add.f32.msk $0xffff, v2  }
0x12e: {  	[tilespmem:s5+$0x1A0] =	vst.add.f32.msk $0xffff, v3  }
0x12f: {  	[tilespmem:s5+$0x190] =	vst.add.f32.msk $0xffff, v0  }
0x130: {  	[tilespmem:s5+$0x180] =	vst.add.f32.msk $0xffff, v1  }
0x131: {  	[tilespmem:s5+$0x170] =	vst.add.f32.msk $0xffff, v2  }
0x132: {  	[tilespmem:s5+$0x160] =	vst.add.f32.msk $0xffff, v3  }
0x133: {  	[tilespmem:s5+$0x150] =	vst.add.f32.msk $0xffff, v0  }
0x134: {  	[tilespmem:s5+$0x140] =	vst.add.f32.msk $0xffff, v1  }
0x135: {  	[tilespmem:s5+$0x130] =	vst.add.f32.msk $0xffff, v2  }
0x136: {  	[tilespmem:s5+$0x120] =	vst.add.f32.msk $0xffff, v3  }
0x137: {  	[tilespmem:s5+$0x110] =	vst.add.f32.msk $0xffff, v0  }
0x138: {  	[tilespmem:s5+$0x100] =	vst.add.f32.msk $0xffff, v1  }
0x139: {  	[tilespmem:s5+$0xF0] =	vst.add.f32.msk $0xffff, v2  }
0x13a: {  	[tilespmem:s5+$0xE0] =	vst.add.f32.msk $0xffff, v3  }
0x13b: {  	[tilespmem:s5+$0xD0] =	vst.add.f32.msk $0xffff, v0  }
0x13c: {  	[tilespmem:s5+$0xC0] =	vst.add.f32.msk $0xffff, v1  }
0x13d: {  	[tilespmem:s5+$0xB0] =	vst.add.f32.msk $0xffff, v2  }
0x13e: {  	[tilespmem:s5+$0xA0] =	vst.add.f32.msk $0xffff, v3  }
0x13f: {  	[tilespmem:s5+$0x90] =	vst.add.f32.msk $0xffff, v0  }
0x140: {  	[tilespmem:s5+$0x80] =	vst.add.f32.msk $0xffff, v1  }
0x141: {  	[tilespmem:s5+$0x70] =	vst.add.f32.msk $0xffff, v2  }
0x142: {  	[tilespmem:s5+$0x60] =	vst.add.f32.msk $0xffff, v3  }
0x143: {  	[tilespmem:s5+$0x50] =	vst.add.f32.msk $0xffff, v0  }
0x144: {  	[tilespmem:s5+$0x40] =	vst.add.f32.msk $0xffff, v1  }
0x145: {  	[tilespmem:s5+$0x30] =	vst.add.f32.msk $0xffff, v2  }
0x146: {  	s7 =	simm.s32 $0x0;
	[tilespmem:s5+$0x20] =	vst.add.f32.msk $0xffff, v3  }
.LBB2_9:
0x147: {  	s7 =	sadd.s32 $0x8, s7;
	[tilespmem:s5+$0x10] =	vst.add.f32.msk $0xffff, v0;
	s5 =	sadd.s32 $0x200, s5  }
0x148: {  	[tilespmem:s5+$0x0] =	vst.add.f32.msk $0xffff, v1;
	p1 =	slt.u32 s7, $0x78  }
0x149: {  	[tilespmem:s5+$0x1F0] =	vst.add.f32.msk $0xffff, v2  }
0x14a: {  	[tilespmem:s5+$0x1E0] =	vst.add.f32.msk $0xffff, v3  }
0x14b: {  	[tilespmem:s5+$0x1D0] =	vst.add.f32.msk $0xffff, v0  }
0x14c: {  	[tilespmem:s5+$0x1C0] =	vst.add.f32.msk $0xffff, v1  }
0x14d: {  	[tilespmem:s5+$0x1B0] =	vst.add.f32.msk $0xffff, v2  }
0x14e: {  	[tilespmem:s5+$0x1A0] =	vst.add.f32.msk $0xffff, v3  }
0x14f: {  	[tilespmem:s5+$0x190] =	vst.add.f32.msk $0xffff, v0  }
0x150: {  	[tilespmem:s5+$0x180] =	vst.add.f32.msk $0xffff, v1  }
0x151: {  	[tilespmem:s5+$0x170] =	vst.add.f32.msk $0xffff, v2  }
0x152: {  	[tilespmem:s5+$0x160] =	vst.add.f32.msk $0xffff, v3  }
0x153: {  	[tilespmem:s5+$0x150] =	vst.add.f32.msk $0xffff, v0  }
0x154: {  	[tilespmem:s5+$0x140] =	vst.add.f32.msk $0xffff, v1  }
0x155: {  	[tilespmem:s5+$0x130] =	vst.add.f32.msk $0xffff, v2  }
0x156: {  	[tilespmem:s5+$0x120] =	vst.add.f32.msk $0xffff, v3  }
0x157: {  	[tilespmem:s5+$0x110] =	vst.add.f32.msk $0xffff, v0  }
0x158: {  	[tilespmem:s5+$0x100] =	vst.add.f32.msk $0xffff, v1  }
0x159: {  	[tilespmem:s5+$0xF0] =	vst.add.f32.msk $0xffff, v2  }
0x15a: {  	[tilespmem:s5+$0xE0] =	vst.add.f32.msk $0xffff, v3  }
0x15b: {  	[tilespmem:s5+$0xD0] =	vst.add.f32.msk $0xffff, v0  }
0x15c: {  	[tilespmem:s5+$0xC0] =	vst.add.f32.msk $0xffff, v1  }
0x15d: {  	[tilespmem:s5+$0xB0] =	vst.add.f32.msk $0xffff, v2  }
0x15e: {  	[tilespmem:s5+$0xA0] =	vst.add.f32.msk $0xffff, v3  }
0x15f: {  	[tilespmem:s5+$0x90] =	vst.add.f32.msk $0xffff, v0  }
0x160: {  	[tilespmem:s5+$0x80] =	vst.add.f32.msk $0xffff, v1  }
0x161: {  	[tilespmem:s5+$0x70] =	vst.add.f32.msk $0xffff, v2  }
.Ltmp3:
0x162: {  	[tilespmem:s5+$0x60] =	vst.add.f32.msk $0xffff, v3;
	(pc) =	sbr.rel @p1 .LBB2_9-.Ltmp3, $4  }
0x163: {  	[tilespmem:s5+$0x50] =	vst.add.f32.msk $0xffff, v0  }
0x164: {  	[tilespmem:s5+$0x40] =	vst.add.f32.msk $0xffff, v1  }
0x165: {  	[tilespmem:s5+$0x30] =	vst.add.f32.msk $0xffff, v2  }
0x166: {  	[tilespmem:s5+$0x20] =	vst.add.f32.msk $0xffff, v3  }
0x167: {  	s7 =	sshll.u32 s22, $0x12  }
0x168: {  	s7 =	sor.u32 s20, s7  }
0x169: {  	s7 =	sshrl.u32 s7, $0x3  }
0x16a: {  	[tilespmem:s5+$0x10] =	vst.add.f32.msk $0xffff, v0;
	s5 =	simm.s32 @!p0 $0xC;
	s22 =	sadd.s32 s2, s7  }
0x16b: {  	[hbm4b:s22+s3] =	stream.linear.scatter [tilespmem:s17], [sflag:$0xC], $0x2000, $0x38;
	[tilespmem:$0x19600] =	vst v63  }
0x16c: {  	_ =	swait.ge @!p0 [sflag:s5], $0x2000  }
0x16d: {  	s7 =	simm.s32 @!p0 $0x80;
	[sflag:s5] =	ssyncset.done @!p0 $0x0  }
0x16e: {  	s22 =	simm.s32 @!p0 $0xF600;
	[sflag:s5] =	ssyncadd.s32 @!p0 $0xFFFFE000;
	s5 =	sadd.s32 @!p0 $0x580, s16  }
0x16f: {  	[tilespmem:s22], [sflag:$0x4] =	stream.indirect.gather @!p0 [hbm4b:s4+s7], $0x40, s5, s7, $0xb8;
	[tilespmem:$0x19600] =	vst v63  }
0x170: {  	s22 =	sor.u32 $0x4, s18;
	_ =	swait.ge [sflag:s30], $0x2000  }
0x171: {  	s7 =	sshll.u32 s22, $0x8;
	[sflag:s30] =	ssyncset.done $0x0  }
0x172: {  	s5 =	sshra.s32 s7, $0x2;
	[sflag:s30] =	ssyncadd.s32 $0xFFFFE000  }
0x173: {  	v1 =	vld [tilespmem:s5+$0x6400]  }
0x174: {  	v2 =	vld [tilespmem:s5+$0x6430]  }
0x175: {  	v3 =	vld [tilespmem:s5+$0x6420]  }
0x176: {  	v0 =	vld [tilespmem:s5+$0x6410]  }
0x177: {  	s5 =	simm.s32 $0x11600  }
0x178: {  	[tilespmem:s5+$0x0] =	vst.add.f32.msk $0xffff, v1  }
0x179: {  	[tilespmem:s5+$0x1F0] =	vst.add.f32.msk $0xffff, v2  }
0x17a: {  	[tilespmem:s5+$0x1E0] =	vst.add.f32.msk $0xffff, v3  }
0x17b: {  	[tilespmem:s5+$0x1D0] =	vst.add.f32.msk $0xffff, v0  }
0x17c: {  	[tilespmem:s5+$0x1C0] =	vst.add.f32.msk $0xffff, v1  }
0x17d: {  	[tilespmem:s5+$0x1B0] =	vst.add.f32.msk $0xffff, v2  }
0x17e: {  	[tilespmem:s5+$0x1A0] =	vst.add.f32.msk $0xffff, v3  }
0x17f: {  	[tilespmem:s5+$0x190] =	vst.add.f32.msk $0xffff, v0  }
0x180: {  	[tilespmem:s5+$0x180] =	vst.add.f32.msk $0xffff, v1  }
0x181: {  	[tilespmem:s5+$0x170] =	vst.add.f32.msk $0xffff, v2  }
0x182: {  	[tilespmem:s5+$0x160] =	vst.add.f32.msk $0xffff, v3  }
0x183: {  	[tilespmem:s5+$0x150] =	vst.add.f32.msk $0xffff, v0  }
0x184: {  	[tilespmem:s5+$0x140] =	vst.add.f32.msk $0xffff, v1  }
0x185: {  	[tilespmem:s5+$0x130] =	vst.add.f32.msk $0xffff, v2  }
0x186: {  	[tilespmem:s5+$0x120] =	vst.add.f32.msk $0xffff, v3  }
0x187: {  	[tilespmem:s5+$0x110] =	vst.add.f32.msk $0xffff, v0  }
0x188: {  	[tilespmem:s5+$0x100] =	vst.add.f32.msk $0xffff, v1  }
0x189: {  	[tilespmem:s5+$0xF0] =	vst.add.f32.msk $0xffff, v2  }
0x18a: {  	[tilespmem:s5+$0xE0] =	vst.add.f32.msk $0xffff, v3  }
0x18b: {  	[tilespmem:s5+$0xD0] =	vst.add.f32.msk $0xffff, v0  }
0x18c: {  	[tilespmem:s5+$0xC0] =	vst.add.f32.msk $0xffff, v1  }
0x18d: {  	[tilespmem:s5+$0xB0] =	vst.add.f32.msk $0xffff, v2  }
0x18e: {  	[tilespmem:s5+$0xA0] =	vst.add.f32.msk $0xffff, v3  }
0x18f: {  	[tilespmem:s5+$0x90] =	vst.add.f32.msk $0xffff, v0  }
0x190: {  	[tilespmem:s5+$0x80] =	vst.add.f32.msk $0xffff, v1  }
0x191: {  	[tilespmem:s5+$0x70] =	vst.add.f32.msk $0xffff, v2  }
0x192: {  	[tilespmem:s5+$0x60] =	vst.add.f32.msk $0xffff, v3  }
0x193: {  	[tilespmem:s5+$0x50] =	vst.add.f32.msk $0xffff, v0  }
0x194: {  	[tilespmem:s5+$0x40] =	vst.add.f32.msk $0xffff, v1  }
0x195: {  	[tilespmem:s5+$0x30] =	vst.add.f32.msk $0xffff, v2  }
0x196: {  	s7 =	simm.s32 $0x0;
	[tilespmem:s5+$0x20] =	vst.add.f32.msk $0xffff, v3  }
.LBB2_11:
0x197: {  	s7 =	sadd.s32 $0x8, s7;
	[tilespmem:s5+$0x10] =	vst.add.f32.msk $0xffff, v0;
	s5 =	sadd.s32 $0x200, s5  }
0x198: {  	[tilespmem:s5+$0x0] =	vst.add.f32.msk $0xffff, v1;
	p1 =	slt.u32 s7, $0x78  }
0x199: {  	[tilespmem:s5+$0x1F0] =	vst.add.f32.msk $0xffff, v2  }
0x19a: {  	[tilespmem:s5+$0x1E0] =	vst.add.f32.msk $0xffff, v3  }
0x19b: {  	[tilespmem:s5+$0x1D0] =	vst.add.f32.msk $0xffff, v0  }
0x19c: {  	[tilespmem:s5+$0x1C0] =	vst.add.f32.msk $0xffff, v1  }
0x19d: {  	[tilespmem:s5+$0x1B0] =	vst.add.f32.msk $0xffff, v2  }
0x19e: {  	[tilespmem:s5+$0x1A0] =	vst.add.f32.msk $0xffff, v3  }
0x19f: {  	[tilespmem:s5+$0x190] =	vst.add.f32.msk $0xffff, v0  }
0x1a0: {  	[tilespmem:s5+$0x180] =	vst.add.f32.msk $0xffff, v1  }
0x1a1: {  	[tilespmem:s5+$0x170] =	vst.add.f32.msk $0xffff, v2  }
0x1a2: {  	[tilespmem:s5+$0x160] =	vst.add.f32.msk $0xffff, v3  }
0x1a3: {  	[tilespmem:s5+$0x150] =	vst.add.f32.msk $0xffff, v0  }
0x1a4: {  	[tilespmem:s5+$0x140] =	vst.add.f32.msk $0xffff, v1  }
0x1a5: {  	[tilespmem:s5+$0x130] =	vst.add.f32.msk $0xffff, v2  }
0x1a6: {  	[tilespmem:s5+$0x120] =	vst.add.f32.msk $0xffff, v3  }
0x1a7: {  	[tilespmem:s5+$0x110] =	vst.add.f32.msk $0xffff, v0  }
0x1a8: {  	[tilespmem:s5+$0x100] =	vst.add.f32.msk $0xffff, v1  }
0x1a9: {  	[tilespmem:s5+$0xF0] =	vst.add.f32.msk $0xffff, v2  }
0x1aa: {  	[tilespmem:s5+$0xE0] =	vst.add.f32.msk $0xffff, v3  }
0x1ab: {  	[tilespmem:s5+$0xD0] =	vst.add.f32.msk $0xffff, v0  }
0x1ac: {  	[tilespmem:s5+$0xC0] =	vst.add.f32.msk $0xffff, v1  }
0x1ad: {  	[tilespmem:s5+$0xB0] =	vst.add.f32.msk $0xffff, v2  }
0x1ae: {  	[tilespmem:s5+$0xA0] =	vst.add.f32.msk $0xffff, v3  }
0x1af: {  	[tilespmem:s5+$0x90] =	vst.add.f32.msk $0xffff, v0  }
0x1b0: {  	[tilespmem:s5+$0x80] =	vst.add.f32.msk $0xffff, v1  }
0x1b1: {  	[tilespmem:s5+$0x70] =	vst.add.f32.msk $0xffff, v2  }
.Ltmp4:
0x1b2: {  	[tilespmem:s5+$0x60] =	vst.add.f32.msk $0xffff, v3;
	(pc) =	sbr.rel @p1 .LBB2_11-.Ltmp4, $4  }
0x1b3: {  	[tilespmem:s5+$0x50] =	vst.add.f32.msk $0xffff, v0  }
0x1b4: {  	[tilespmem:s5+$0x40] =	vst.add.f32.msk $0xffff, v1  }
0x1b5: {  	[tilespmem:s5+$0x30] =	vst.add.f32.msk $0xffff, v2  }
0x1b6: {  	[tilespmem:s5+$0x20] =	vst.add.f32.msk $0xffff, v3  }
0x1b7: {  	s7 =	sshll.u32 s22, $0x12  }
0x1b8: {  	s7 =	sor.u32 s20, s7  }
0x1b9: {  	s7 =	sshrl.u32 s7, $0x3  }
0x1ba: {  	[tilespmem:s5+$0x10] =	vst.add.f32.msk $0xffff, v0;
	s5 =	simm.s32 @!p0 $0xD;
	s22 =	sadd.s32 s2, s7  }
0x1bb: {  	[hbm4b:s22+s3] =	stream.linear.scatter [tilespmem:s19], [sflag:$0xD], $0x2000, $0x38;
	[tilespmem:$0x19600] =	vst v63  }
0x1bc: {  	_ =	swait.ge @!p0 [sflag:s5], $0x2000  }
0x1bd: {  	s7 =	simm.s32 @!p0 $0x80;
	[sflag:s5] =	ssyncset.done @!p0 $0x0  }
0x1be: {  	s22 =	simm.s32 @!p0 $0x11600;
	[sflag:s5] =	ssyncadd.s32 @!p0 $0xFFFFE000;
	s5 =	sadd.s32 @!p0 $0x600, s16  }
0x1bf: {  	[tilespmem:s22], [sflag:$0x5] =	stream.indirect.gather @!p0 [hbm4b:s4+s7], $0x40, s5, s7, $0xb8;
	[tilespmem:$0x19600] =	vst v63  }
0x1c0: {  	s22 =	sor.u32 $0x5, s18;
	_ =	swait.ge [sflag:s31], $0x2000  }
0x1c1: {  	s7 =	sshll.u32 s22, $0x8;
	[sflag:s31] =	ssyncset.done $0x0  }
0x1c2: {  	s5 =	sshra.s32 s7, $0x2;
	[sflag:s31] =	ssyncadd.s32 $0xFFFFE000  }
0x1c3: {  	v1 =	vld [tilespmem:s5+$0x6400]  }
0x1c4: {  	v2 =	vld [tilespmem:s5+$0x6430]  }
0x1c5: {  	v3 =	vld [tilespmem:s5+$0x6420]  }
0x1c6: {  	v0 =	vld [tilespmem:s5+$0x6410]  }
0x1c7: {  	s5 =	simm.s32 $0x13600  }
0x1c8: {  	[tilespmem:s5+$0x0] =	vst.add.f32.msk $0xffff, v1  }
0x1c9: {  	[tilespmem:s5+$0x1F0] =	vst.add.f32.msk $0xffff, v2  }
0x1ca: {  	[tilespmem:s5+$0x1E0] =	vst.add.f32.msk $0xffff, v3  }
0x1cb: {  	[tilespmem:s5+$0x1D0] =	vst.add.f32.msk $0xffff, v0  }
0x1cc: {  	[tilespmem:s5+$0x1C0] =	vst.add.f32.msk $0xffff, v1  }
0x1cd: {  	[tilespmem:s5+$0x1B0] =	vst.add.f32.msk $0xffff, v2  }
0x1ce: {  	[tilespmem:s5+$0x1A0] =	vst.add.f32.msk $0xffff, v3  }
0x1cf: {  	[tilespmem:s5+$0x190] =	vst.add.f32.msk $0xffff, v0  }
0x1d0: {  	[tilespmem:s5+$0x180] =	vst.add.f32.msk $0xffff, v1  }
0x1d1: {  	[tilespmem:s5+$0x170] =	vst.add.f32.msk $0xffff, v2  }
0x1d2: {  	[tilespmem:s5+$0x160] =	vst.add.f32.msk $0xffff, v3  }
0x1d3: {  	[tilespmem:s5+$0x150] =	vst.add.f32.msk $0xffff, v0  }
0x1d4: {  	[tilespmem:s5+$0x140] =	vst.add.f32.msk $0xffff, v1  }
0x1d5: {  	[tilespmem:s5+$0x130] =	vst.add.f32.msk $0xffff, v2  }
0x1d6: {  	[tilespmem:s5+$0x120] =	vst.add.f32.msk $0xffff, v3  }
0x1d7: {  	[tilespmem:s5+$0x110] =	vst.add.f32.msk $0xffff, v0  }
0x1d8: {  	[tilespmem:s5+$0x100] =	vst.add.f32.msk $0xffff, v1  }
0x1d9: {  	[tilespmem:s5+$0xF0] =	vst.add.f32.msk $0xffff, v2  }
0x1da: {  	[tilespmem:s5+$0xE0] =	vst.add.f32.msk $0xffff, v3  }
0x1db: {  	[tilespmem:s5+$0xD0] =	vst.add.f32.msk $0xffff, v0  }
0x1dc: {  	[tilespmem:s5+$0xC0] =	vst.add.f32.msk $0xffff, v1  }
0x1dd: {  	[tilespmem:s5+$0xB0] =	vst.add.f32.msk $0xffff, v2  }
0x1de: {  	[tilespmem:s5+$0xA0] =	vst.add.f32.msk $0xffff, v3  }
0x1df: {  	[tilespmem:s5+$0x90] =	vst.add.f32.msk $0xffff, v0  }
0x1e0: {  	[tilespmem:s5+$0x80] =	vst.add.f32.msk $0xffff, v1  }
0x1e1: {  	[tilespmem:s5+$0x70] =	vst.add.f32.msk $0xffff, v2  }
0x1e2: {  	[tilespmem:s5+$0x60] =	vst.add.f32.msk $0xffff, v3  }
0x1e3: {  	[tilespmem:s5+$0x50] =	vst.add.f32.msk $0xffff, v0  }
0x1e4: {  	[tilespmem:s5+$0x40] =	vst.add.f32.msk $0xffff, v1  }
0x1e5: {  	[tilespmem:s5+$0x30] =	vst.add.f32.msk $0xffff, v2  }
0x1e6: {  	s7 =	simm.s32 $0x0;
	[tilespmem:s5+$0x20] =	vst.add.f32.msk $0xffff, v3  }
.LBB2_13:
0x1e7: {  	s7 =	sadd.s32 $0x8, s7;
	[tilespmem:s5+$0x10] =	vst.add.f32.msk $0xffff, v0;
	s5 =	sadd.s32 $0x200, s5  }
0x1e8: {  	[tilespmem:s5+$0x0] =	vst.add.f32.msk $0xffff, v1;
	p1 =	slt.u32 s7, $0x78  }
0x1e9: {  	[tilespmem:s5+$0x1F0] =	vst.add.f32.msk $0xffff, v2  }
0x1ea: {  	[tilespmem:s5+$0x1E0] =	vst.add.f32.msk $0xffff, v3  }
0x1eb: {  	[tilespmem:s5+$0x1D0] =	vst.add.f32.msk $0xffff, v0  }
0x1ec: {  	[tilespmem:s5+$0x1C0] =	vst.add.f32.msk $0xffff, v1  }
0x1ed: {  	[tilespmem:s5+$0x1B0] =	vst.add.f32.msk $0xffff, v2  }
0x1ee: {  	[tilespmem:s5+$0x1A0] =	vst.add.f32.msk $0xffff, v3  }
0x1ef: {  	[tilespmem:s5+$0x190] =	vst.add.f32.msk $0xffff, v0  }
0x1f0: {  	[tilespmem:s5+$0x180] =	vst.add.f32.msk $0xffff, v1  }
0x1f1: {  	[tilespmem:s5+$0x170] =	vst.add.f32.msk $0xffff, v2  }
0x1f2: {  	[tilespmem:s5+$0x160] =	vst.add.f32.msk $0xffff, v3  }
0x1f3: {  	[tilespmem:s5+$0x150] =	vst.add.f32.msk $0xffff, v0  }
0x1f4: {  	[tilespmem:s5+$0x140] =	vst.add.f32.msk $0xffff, v1  }
0x1f5: {  	[tilespmem:s5+$0x130] =	vst.add.f32.msk $0xffff, v2  }
0x1f6: {  	[tilespmem:s5+$0x120] =	vst.add.f32.msk $0xffff, v3  }
0x1f7: {  	[tilespmem:s5+$0x110] =	vst.add.f32.msk $0xffff, v0  }
0x1f8: {  	[tilespmem:s5+$0x100] =	vst.add.f32.msk $0xffff, v1  }
0x1f9: {  	[tilespmem:s5+$0xF0] =	vst.add.f32.msk $0xffff, v2  }
0x1fa: {  	[tilespmem:s5+$0xE0] =	vst.add.f32.msk $0xffff, v3  }
0x1fb: {  	[tilespmem:s5+$0xD0] =	vst.add.f32.msk $0xffff, v0  }
0x1fc: {  	[tilespmem:s5+$0xC0] =	vst.add.f32.msk $0xffff, v1  }
0x1fd: {  	[tilespmem:s5+$0xB0] =	vst.add.f32.msk $0xffff, v2  }
0x1fe: {  	[tilespmem:s5+$0xA0] =	vst.add.f32.msk $0xffff, v3  }
0x1ff: {  	[tilespmem:s5+$0x90] =	vst.add.f32.msk $0xffff, v0  }
0x200: {  	[tilespmem:s5+$0x80] =	vst.add.f32.msk $0xffff, v1  }
0x201: {  	[tilespmem:s5+$0x70] =	vst.add.f32.msk $0xffff, v2  }
.Ltmp5:
0x202: {  	[tilespmem:s5+$0x60] =	vst.add.f32.msk $0xffff, v3;
	(pc) =	sbr.rel @p1 .LBB2_13-.Ltmp5, $4  }
0x203: {  	[tilespmem:s5+$0x50] =	vst.add.f32.msk $0xffff, v0  }
0x204: {  	[tilespmem:s5+$0x40] =	vst.add.f32.msk $0xffff, v1  }
0x205: {  	[tilespmem:s5+$0x30] =	vst.add.f32.msk $0xffff, v2  }
0x206: {  	[tilespmem:s5+$0x20] =	vst.add.f32.msk $0xffff, v3  }
0x207: {  	s7 =	sshll.u32 s22, $0x12  }
0x208: {  	s7 =	sor.u32 s20, s7  }
0x209: {  	s7 =	sshrl.u32 s7, $0x3  }
0x20a: {  	[tilespmem:s5+$0x10] =	vst.add.f32.msk $0xffff, v0;
	s5 =	simm.s32 @!p0 $0xE;
	s7 =	sadd.s32 s2, s7  }
0x20b: {  	[hbm4b:s7+s3] =	stream.linear.scatter [tilespmem:s21], [sflag:$0xE], $0x2000, $0x38;
	[tilespmem:$0x19600] =	vst v63  }
0x20c: {  	_ =	swait.ge @!p0 [sflag:s5], $0x2000  }
0x20d: {  	s22 =	simm.s32 @!p0 $0x13600;
	[sflag:s5] =	ssyncset.done @!p0 $0x0  }
0x20e: {  	s7 =	simm.s32 @!p0 $0x80;
	[sflag:s5] =	ssyncadd.s32 @!p0 $0xFFFFE000;
	s5 =	sadd.s32 @!p0 $0x680, s16  }
0x20f: {  	[tilespmem:s22], [sflag:$0x6] =	stream.indirect.gather @!p0 [hbm4b:s4+s7], $0x40, s5, s7, $0xb8;
	[tilespmem:$0x19600] =	vst v63  }
0x210: {  	s18 =	sor.u32 $0x6, s18;
	_ =	swait.ge [sflag:s0], $0x2000  }
0x211: {  	s22 =	sshll.u32 s18, $0x8;
	[sflag:s0] =	ssyncset.done $0x0  }
0x212: {  	s5 =	sshra.s32 s22, $0x2;
	[sflag:s0] =	ssyncadd.s32 $0xFFFFE000  }
0x213: {  	v1 =	vld [tilespmem:s5+$0x6400]  }
0x214: {  	v2 =	vld [tilespmem:s5+$0x6430]  }
0x215: {  	v3 =	vld [tilespmem:s5+$0x6420]  }
0x216: {  	v0 =	vld [tilespmem:s5+$0x6410]  }
0x217: {  	s5 =	simm.s32 $0x15600  }
0x218: {  	[tilespmem:s5+$0x0] =	vst.add.f32.msk $0xffff, v1  }
0x219: {  	[tilespmem:s5+$0x1F0] =	vst.add.f32.msk $0xffff, v2  }
0x21a: {  	[tilespmem:s5+$0x1E0] =	vst.add.f32.msk $0xffff, v3  }
0x21b: {  	[tilespmem:s5+$0x1D0] =	vst.add.f32.msk $0xffff, v0  }
0x21c: {  	[tilespmem:s5+$0x1C0] =	vst.add.f32.msk $0xffff, v1  }
0x21d: {  	[tilespmem:s5+$0x1B0] =	vst.add.f32.msk $0xffff, v2  }
0x21e: {  	[tilespmem:s5+$0x1A0] =	vst.add.f32.msk $0xffff, v3  }
0x21f: {  	[tilespmem:s5+$0x190] =	vst.add.f32.msk $0xffff, v0  }
0x220: {  	[tilespmem:s5+$0x180] =	vst.add.f32.msk $0xffff, v1  }
0x221: {  	[tilespmem:s5+$0x170] =	vst.add.f32.msk $0xffff, v2  }
0x222: {  	[tilespmem:s5+$0x160] =	vst.add.f32.msk $0xffff, v3  }
0x223: {  	[tilespmem:s5+$0x150] =	vst.add.f32.msk $0xffff, v0  }
0x224: {  	[tilespmem:s5+$0x140] =	vst.add.f32.msk $0xffff, v1  }
0x225: {  	[tilespmem:s5+$0x130] =	vst.add.f32.msk $0xffff, v2  }
0x226: {  	[tilespmem:s5+$0x120] =	vst.add.f32.msk $0xffff, v3  }
0x227: {  	[tilespmem:s5+$0x110] =	vst.add.f32.msk $0xffff, v0  }
0x228: {  	[tilespmem:s5+$0x100] =	vst.add.f32.msk $0xffff, v1  }
0x229: {  	[tilespmem:s5+$0xF0] =	vst.add.f32.msk $0xffff, v2  }
0x22a: {  	[tilespmem:s5+$0xE0] =	vst.add.f32.msk $0xffff, v3  }
0x22b: {  	[tilespmem:s5+$0xD0] =	vst.add.f32.msk $0xffff, v0  }
0x22c: {  	[tilespmem:s5+$0xC0] =	vst.add.f32.msk $0xffff, v1  }
0x22d: {  	[tilespmem:s5+$0xB0] =	vst.add.f32.msk $0xffff, v2  }
0x22e: {  	[tilespmem:s5+$0xA0] =	vst.add.f32.msk $0xffff, v3  }
0x22f: {  	[tilespmem:s5+$0x90] =	vst.add.f32.msk $0xffff, v0  }
0x230: {  	[tilespmem:s5+$0x80] =	vst.add.f32.msk $0xffff, v1  }
0x231: {  	[tilespmem:s5+$0x70] =	vst.add.f32.msk $0xffff, v2  }
0x232: {  	[tilespmem:s5+$0x60] =	vst.add.f32.msk $0xffff, v3  }
0x233: {  	[tilespmem:s5+$0x50] =	vst.add.f32.msk $0xffff, v0  }
0x234: {  	[tilespmem:s5+$0x40] =	vst.add.f32.msk $0xffff, v1  }
0x235: {  	[tilespmem:s5+$0x30] =	vst.add.f32.msk $0xffff, v2  }
0x236: {  	s7 =	simm.s32 $0x0;
	[tilespmem:s5+$0x20] =	vst.add.f32.msk $0xffff, v3  }
.LBB2_15:
0x237: {  	s7 =	sadd.s32 $0x8, s7;
	[tilespmem:s5+$0x10] =	vst.add.f32.msk $0xffff, v0;
	s5 =	sadd.s32 $0x200, s5  }
0x238: {  	[tilespmem:s5+$0x0] =	vst.add.f32.msk $0xffff, v1;
	p1 =	slt.u32 s7, $0x78  }
0x239: {  	[tilespmem:s5+$0x1F0] =	vst.add.f32.msk $0xffff, v2  }
0x23a: {  	[tilespmem:s5+$0x1E0] =	vst.add.f32.msk $0xffff, v3  }
0x23b: {  	[tilespmem:s5+$0x1D0] =	vst.add.f32.msk $0xffff, v0  }
0x23c: {  	[tilespmem:s5+$0x1C0] =	vst.add.f32.msk $0xffff, v1  }
0x23d: {  	[tilespmem:s5+$0x1B0] =	vst.add.f32.msk $0xffff, v2  }
0x23e: {  	[tilespmem:s5+$0x1A0] =	vst.add.f32.msk $0xffff, v3  }
0x23f: {  	[tilespmem:s5+$0x190] =	vst.add.f32.msk $0xffff, v0  }
0x240: {  	[tilespmem:s5+$0x180] =	vst.add.f32.msk $0xffff, v1  }
0x241: {  	[tilespmem:s5+$0x170] =	vst.add.f32.msk $0xffff, v2  }
0x242: {  	[tilespmem:s5+$0x160] =	vst.add.f32.msk $0xffff, v3  }
0x243: {  	[tilespmem:s5+$0x150] =	vst.add.f32.msk $0xffff, v0  }
0x244: {  	[tilespmem:s5+$0x140] =	vst.add.f32.msk $0xffff, v1  }
0x245: {  	[tilespmem:s5+$0x130] =	vst.add.f32.msk $0xffff, v2  }
0x246: {  	[tilespmem:s5+$0x120] =	vst.add.f32.msk $0xffff, v3  }
0x247: {  	[tilespmem:s5+$0x110] =	vst.add.f32.msk $0xffff, v0  }
0x248: {  	[tilespmem:s5+$0x100] =	vst.add.f32.msk $0xffff, v1  }
0x249: {  	[tilespmem:s5+$0xF0] =	vst.add.f32.msk $0xffff, v2  }
0x24a: {  	[tilespmem:s5+$0xE0] =	vst.add.f32.msk $0xffff, v3  }
0x24b: {  	[tilespmem:s5+$0xD0] =	vst.add.f32.msk $0xffff, v0  }
0x24c: {  	[tilespmem:s5+$0xC0] =	vst.add.f32.msk $0xffff, v1  }
0x24d: {  	[tilespmem:s5+$0xB0] =	vst.add.f32.msk $0xffff, v2  }
0x24e: {  	[tilespmem:s5+$0xA0] =	vst.add.f32.msk $0xffff, v3  }
0x24f: {  	[tilespmem:s5+$0x90] =	vst.add.f32.msk $0xffff, v0  }
0x250: {  	[tilespmem:s5+$0x80] =	vst.add.f32.msk $0xffff, v1  }
0x251: {  	[tilespmem:s5+$0x70] =	vst.add.f32.msk $0xffff, v2  }
.Ltmp6:
0x252: {  	[tilespmem:s5+$0x60] =	vst.add.f32.msk $0xffff, v3;
	(pc) =	sbr.rel @p1 .LBB2_15-.Ltmp6, $4  }
0x253: {  	[tilespmem:s5+$0x50] =	vst.add.f32.msk $0xffff, v0  }
0x254: {  	[tilespmem:s5+$0x40] =	vst.add.f32.msk $0xffff, v1  }
0x255: {  	[tilespmem:s5+$0x30] =	vst.add.f32.msk $0xffff, v2  }
0x256: {  	[tilespmem:s5+$0x20] =	vst.add.f32.msk $0xffff, v3  }
0x257: {  	s7 =	sshll.u32 s18, $0x12  }
0x258: {  	s7 =	sor.u32 s20, s7  }
0x259: {  	s7 =	sshrl.u32 s7, $0x3  }
0x25a: {  	[tilespmem:s5+$0x10] =	vst.add.f32.msk $0xffff, v0;
	s5 =	simm.s32 @!p0 $0xF;
	s20 =	sadd.s32 s2, s7  }
0x25b: {  	[hbm4b:s20+s3] =	stream.linear.scatter [tilespmem:s23], [sflag:$0xF], $0x2000, $0x38;
	[tilespmem:$0x19600] =	vst v63  }
0x25c: {  	s14 =	sadd.s32 s6, s14;
	_ =	swait.ge @!p0 [sflag:s5], $0x2000  }
0x25d: {  	s22 =	sshrl.u32 s14, $0x5;
	s7 =	simm.s32 @!p0 $0x80;
	[sflag:s5] =	ssyncset.done @!p0 $0x0  }
0x25e: {  	[sflag:s5] =	ssyncadd.s32 @!p0 $0xFFFFE000;
	s5 =	sadd.s32 @!p0 $0x700, s16;
	s16 =	simm.s32 @!p0 $0x15600  }
0x25f: {  	[tilespmem:s16], [sflag:$0x7] =	stream.indirect.gather @!p0 [hbm4b:s4+s7], $0x40, s5, s7, $0xb8;
	[tilespmem:$0x19600] =	vst v63  }
0x260: {  	s16 =	sor.u32 $0x7, s22;
	_ =	swait.ge [sflag:s1], $0x2000  }
0x261: {  	s5 =	sshll.u32 s16, $0x8;
	[sflag:s1] =	ssyncset.done $0x0  }
0x262: {  	s5 =	sshra.s32 s5, $0x2;
	[sflag:s1] =	ssyncadd.s32 $0xFFFFE000  }
0x263: {  	v1 =	vld [tilespmem:s5+$0x6400]  }
0x264: {  	v2 =	vld [tilespmem:s5+$0x6430]  }
0x265: {  	v3 =	vld [tilespmem:s5+$0x6420]  }
0x266: {  	v0 =	vld [tilespmem:s5+$0x6410]  }
0x267: {  	s5 =	simm.s32 $0x17600  }
0x268: {  	[tilespmem:s5+$0x0] =	vst.add.f32.msk $0xffff, v1  }
0x269: {  	[tilespmem:s5+$0x1F0] =	vst.add.f32.msk $0xffff, v2  }
0x26a: {  	[tilespmem:s5+$0x1E0] =	vst.add.f32.msk $0xffff, v3  }
0x26b: {  	[tilespmem:s5+$0x1D0] =	vst.add.f32.msk $0xffff, v0  }
0x26c: {  	[tilespmem:s5+$0x1C0] =	vst.add.f32.msk $0xffff, v1  }
0x26d: {  	[tilespmem:s5+$0x1B0] =	vst.add.f32.msk $0xffff, v2  }
0x26e: {  	[tilespmem:s5+$0x1A0] =	vst.add.f32.msk $0xffff, v3  }
0x26f: {  	[tilespmem:s5+$0x190] =	vst.add.f32.msk $0xffff, v0  }
0x270: {  	[tilespmem:s5+$0x180] =	vst.add.f32.msk $0xffff, v1  }
0x271: {  	[tilespmem:s5+$0x170] =	vst.add.f32.msk $0xffff, v2  }
0x272: {  	[tilespmem:s5+$0x160] =	vst.add.f32.msk $0xffff, v3  }
0x273: {  	[tilespmem:s5+$0x150] =	vst.add.f32.msk $0xffff, v0  }
0x274: {  	[tilespmem:s5+$0x140] =	vst.add.f32.msk $0xffff, v1  }
0x275: {  	[tilespmem:s5+$0x130] =	vst.add.f32.msk $0xffff, v2  }
0x276: {  	[tilespmem:s5+$0x120] =	vst.add.f32.msk $0xffff, v3  }
0x277: {  	[tilespmem:s5+$0x110] =	vst.add.f32.msk $0xffff, v0  }
0x278: {  	[tilespmem:s5+$0x100] =	vst.add.f32.msk $0xffff, v1  }
0x279: {  	[tilespmem:s5+$0xF0] =	vst.add.f32.msk $0xffff, v2  }
0x27a: {  	[tilespmem:s5+$0xE0] =	vst.add.f32.msk $0xffff, v3  }
0x27b: {  	[tilespmem:s5+$0xD0] =	vst.add.f32.msk $0xffff, v0  }
0x27c: {  	[tilespmem:s5+$0xC0] =	vst.add.f32.msk $0xffff, v1  }
0x27d: {  	[tilespmem:s5+$0xB0] =	vst.add.f32.msk $0xffff, v2  }
0x27e: {  	[tilespmem:s5+$0xA0] =	vst.add.f32.msk $0xffff, v3  }
0x27f: {  	[tilespmem:s5+$0x90] =	vst.add.f32.msk $0xffff, v0  }
0x280: {  	[tilespmem:s5+$0x80] =	vst.add.f32.msk $0xffff, v1  }
0x281: {  	[tilespmem:s5+$0x70] =	vst.add.f32.msk $0xffff, v2  }
0x282: {  	[tilespmem:s5+$0x60] =	vst.add.f32.msk $0xffff, v3  }
0x283: {  	[tilespmem:s5+$0x50] =	vst.add.f32.msk $0xffff, v0  }
0x284: {  	[tilespmem:s5+$0x40] =	vst.add.f32.msk $0xffff, v1  }
0x285: {  	[tilespmem:s5+$0x30] =	vst.add.f32.msk $0xffff, v2  }
0x286: {  	s7 =	simm.s32 $0x0;
	[tilespmem:s5+$0x20] =	vst.add.f32.msk $0xffff, v3  }
.LBB2_17:
0x287: {  	s7 =	sadd.s32 $0x8, s7;
	[tilespmem:s5+$0x10] =	vst.add.f32.msk $0xffff, v0;
	s5 =	sadd.s32 $0x200, s5  }
0x288: {  	[tilespmem:s5+$0x0] =	vst.add.f32.msk $0xffff, v1;
	p0 =	slt.u32 s7, $0x78  }
0x289: {  	[tilespmem:s5+$0x1F0] =	vst.add.f32.msk $0xffff, v2  }
0x28a: {  	[tilespmem:s5+$0x1E0] =	vst.add.f32.msk $0xffff, v3  }
0x28b: {  	[tilespmem:s5+$0x1D0] =	vst.add.f32.msk $0xffff, v0  }
0x28c: {  	[tilespmem:s5+$0x1C0] =	vst.add.f32.msk $0xffff, v1  }
0x28d: {  	[tilespmem:s5+$0x1B0] =	vst.add.f32.msk $0xffff, v2  }
0x28e: {  	[tilespmem:s5+$0x1A0] =	vst.add.f32.msk $0xffff, v3  }
0x28f: {  	[tilespmem:s5+$0x190] =	vst.add.f32.msk $0xffff, v0  }
0x290: {  	[tilespmem:s5+$0x180] =	vst.add.f32.msk $0xffff, v1  }
0x291: {  	[tilespmem:s5+$0x170] =	vst.add.f32.msk $0xffff, v2  }
0x292: {  	[tilespmem:s5+$0x160] =	vst.add.f32.msk $0xffff, v3  }
0x293: {  	[tilespmem:s5+$0x150] =	vst.add.f32.msk $0xffff, v0  }
0x294: {  	[tilespmem:s5+$0x140] =	vst.add.f32.msk $0xffff, v1  }
0x295: {  	[tilespmem:s5+$0x130] =	vst.add.f32.msk $0xffff, v2  }
0x296: {  	[tilespmem:s5+$0x120] =	vst.add.f32.msk $0xffff, v3  }
0x297: {  	[tilespmem:s5+$0x110] =	vst.add.f32.msk $0xffff, v0  }
0x298: {  	[tilespmem:s5+$0x100] =	vst.add.f32.msk $0xffff, v1  }
0x299: {  	[tilespmem:s5+$0xF0] =	vst.add.f32.msk $0xffff, v2  }
0x29a: {  	[tilespmem:s5+$0xE0] =	vst.add.f32.msk $0xffff, v3  }
0x29b: {  	[tilespmem:s5+$0xD0] =	vst.add.f32.msk $0xffff, v0  }
0x29c: {  	[tilespmem:s5+$0xC0] =	vst.add.f32.msk $0xffff, v1  }
0x29d: {  	[tilespmem:s5+$0xB0] =	vst.add.f32.msk $0xffff, v2  }
0x29e: {  	[tilespmem:s5+$0xA0] =	vst.add.f32.msk $0xffff, v3  }
0x29f: {  	[tilespmem:s5+$0x90] =	vst.add.f32.msk $0xffff, v0  }
0x2a0: {  	[tilespmem:s5+$0x80] =	vst.add.f32.msk $0xffff, v1  }
0x2a1: {  	[tilespmem:s5+$0x70] =	vst.add.f32.msk $0xffff, v2  }
.Ltmp7:
0x2a2: {  	[tilespmem:s5+$0x60] =	vst.add.f32.msk $0xffff, v3;
	(pc) =	sbr.rel @p0 .LBB2_17-.Ltmp7, $4  }
0x2a3: {  	[tilespmem:s5+$0x50] =	vst.add.f32.msk $0xffff, v0  }
0x2a4: {  	[tilespmem:s5+$0x40] =	vst.add.f32.msk $0xffff, v1  }
0x2a5: {  	[tilespmem:s5+$0x30] =	vst.add.f32.msk $0xffff, v2  }
0x2a6: {  	[tilespmem:s5+$0x20] =	vst.add.f32.msk $0xffff, v3  }
0x2a7: {  	s10 =	sadd.s32 $0x1, s10  }
0x2a8: {  	s7 =	sshll.u32 s14, $0xA;
	p0 =	sne.s32 s10, $0x19  }
.Ltmp8:
0x2a9: {  	s20 =	sshll.u32 s16, $0x12;
	s7 =	sand.u32 $0x3E000, s7;
	(pc) =	sbr.rel @p0 .LBB2_2-.Ltmp8, $4  }
0x2aa: {  	s7 =	sor.u32 s7, s20  }
0x2ab: {  	s7 =	sshrl.u32 s7, $0x3  }
0x2ac: {  	[tilespmem:s5+$0x10] =	vst.add.f32.msk $0xffff, v0;
	s22 =	sadd.s32 s2, s7  }
0x2ad: {  	[hbm4b:s22+s3] =	stream.linear.scatter [tilespmem:s24], [sflag:$0x10], $0x2000, $0x38;
	[tilespmem:$0x19600] =	vst v63  }
0x2ae: {  	s5 =	simm.s32 $0x9  }
0x2af: {  	_ =	swait.ge [sflag:s5], $0x2000  }
0x2b0: {  	[sflag:s5] =	ssyncset.done $0x0  }
0x2b1: {  	s7 =	simm.s32 $0xA;
	[sflag:s5] =	ssyncadd.s32 $0xFFFFE000  }
0x2b2: {  	_ =	swait.ge [sflag:s7], $0x2000  }
0x2b3: {  	[sflag:s7] =	ssyncset.done $0x0  }
0x2b4: {  	s10 =	simm.s32 $0xB;
	[sflag:s7] =	ssyncadd.s32 $0xFFFFE000  }
0x2b5: {  	_ =	swait.ge [sflag:s10], $0x2000  }
0x2b6: {  	[sflag:s10] =	ssyncset.done $0x0  }
0x2b7: {  	s14 =	simm.s32 $0xC;
	[sflag:s10] =	ssyncadd.s32 $0xFFFFE000  }
0x2b8: {  	_ =	swait.ge [sflag:s14], $0x2000  }
0x2b9: {  	[sflag:s14] =	ssyncset.done $0x0  }
0x2ba: {  	s16 =	simm.s32 $0xD;
	[sflag:s14] =	ssyncadd.s32 $0xFFFFE000  }
0x2bb: {  	_ =	swait.ge [sflag:s16], $0x2000  }
0x2bc: {  	[sflag:s16] =	ssyncset.done $0x0  }
0x2bd: {  	s18 =	simm.s32 $0xE;
	[sflag:s16] =	ssyncadd.s32 $0xFFFFE000  }
0x2be: {  	_ =	swait.ge [sflag:s18], $0x2000  }
0x2bf: {  	[sflag:s18] =	ssyncset.done $0x0  }
0x2c0: {  	s20 =	simm.s32 $0xF;
	[sflag:s18] =	ssyncadd.s32 $0xFFFFE000  }
0x2c1: {  	_ =	swait.ge [sflag:s20], $0x2000  }
0x2c2: {  	[sflag:s20] =	ssyncset.done $0x0  }
0x2c3: {  	s7 =	simm.s32 $0x10;
	[sflag:s20] =	ssyncadd.s32 $0xFFFFE000  }
0x2c4: {  	_ =	swait.ge [sflag:s7], $0x2000  }
0x2c5: {  	s8 =	sadd.s32 $0x1, s8;
	s22 =	rddreg [dreg:$0x6]  }
0x2c6: {  	p0 =	sne.s32 s8, s22  }
.Ltmp9:
0x2c7: {  	_ = 	snop;
	(pc) =	sbr.rel @p0 .LBB2_1-.Ltmp9, $3  }
0x2c8: {  	_ =	sdelay $0x1  }
0x2c9: {  	[sflag:s7] =	ssyncset.done $0x0  }
0x2ca: {  	[sflag:s7] =	ssyncadd.s32 $0xFFFFE000  }
0x2cb: {  	_ =	sfence.sel $0x180000  }
0x2cc: {  	[bflag:$0x0] =	sbarrier.arrive $0xFFFF  }
0x2cd: {  	_ =	strace $0x90000047  }
0x2ce: {  	s0 =	stileid.u32;
	[bflag:$0x2] =	sbarrier.arrive $0xFFFF  }
0x2cf: {  	p0 =	sne.s32 s0, $0x0;
	s0 =	rddreg [dreg:$0x3]  }
0x2d0: {  	s0 =	sadd.s32 @!p0 $0x100000, s0  }
0x2d1: {  	[sflag:s0] =	ssyncadd.tile.s32 @!p0 $0x1;
	_ =	shalt  }
.Lfunc_end2:
_tile_overlayer_lowered:
.L_overlay_start_2:
0x2d2: {  	(tag) =	ssettag $0x2  }
0x2d3: {  	s0 =	rddreg [dreg:$0x0];
	s2 =	stileid.u32  }
0x2d4: {  	s1 =	rddreg [dreg:$0x1];
	p0 =	sne.s32 s2, $0x0  }
0x2d5: {  	s3 =	rddreg [dreg:$0x2];
	[bflag:$0x3] =	sbarrier.arrive $0xFFFF;
	s2 =	simm.s32 @!p0 $0x1C11  }
0x2d6: {  	[timem:s3], [sflag:s2] =	dma.local @!p0 [hbm:s0], s1  }
0x2d7: {  	s0 =	simm.s32 @!p0 $0x11  }
0x2d8: {  	_ =	swait.ge @!p0 [sflag:s0], s1  }
0x2d9: {  	s1 =	ssub.s32 @!p0 $0x0, s1;
	[sflag:s0] =	ssyncset.done @!p0 $0x0  }
0x2da: {  	[sflag:s0] =	ssyncadd.s32 @!p0 s1  }
0x2db: {  	[bflag:$0x3] =	sbarrier.arrive $0xFFFF  }
0x2dc: {  	_ =	shalt  }

// kernel: sparse-core-data-format-call.cloned.1.call-start
scs
called_computation_lowered:
.L_overlay_start_0:
0x0: {  	s2 =	sld [smem:$0x3FD9]  }
0x1: {  	s3 =	sld [smem:$0x3FFE];
	_ =	sdelay $0x1  }
0x2: {  	s1 =	srdreg.scid  }
0x3: {  	s0 =	sand.u32 $0x1, s1  }
0x4: {  	s18 =	sshll.u32 s0, $0xA;
	s2 =	sadd.s32 s3, s2  }
0x5: {  	s2 =	sadd.s32 s2, s18  }
0x6: {  	[smem:$0x3FC5] =	sst s2  }
0x7: {  	_ = 	snop  }
0x8: {  	s2 =	sld [smem:$0x3FD0];
	(tm) =	ssettm $0x1  }
0x9: {  	s19 =	sld [smem:$0x3FFB];
	_ =	sdelay $0x3  }
0xa: {  	_ =	strace s19  }
0xb: {  	s3 =	sld [smem:$0x3FFC];
	_ =	sdelay $0x3  }
0xc: {  	_ =	strace s3  }
0xd: {  	s3 =	sld [smem:$0x3FFD];
	_ =	sdelay $0x3  }
0xe: {  	_ =	strace s3  }
0xf: {  	_ =	strace $0x8FFFFFFF  }
0x10: {  	s20 =	sld [smem:$0x3FDB];
	_ =	sdelay $0x1  }
0x11: {  	s4 =	simm.s32 $_scs_section_size  }
0x12: {  	s5 =	simm.s32 $_size__tile_overlayer_lowered;
	s6 =	simm.s32 $_tile_overlayer_lowered  }
0x13: {  	s23 =	simm.s32 $0x1BFF;
	s22 =	sshll.u32 s6, $0x1;
	s3 =	sadd.s32 s4, s20  }
0x14: {  	s7 =	simm.s32 $0x0;
	s21 =	sshll.u32 s5, $0x1;
	s5 =	sadd.s32 s22, s3  }
0x15: {  	[timem:s7], [sflag:s23] =	dma.local [hbm:s5], s21  }
0x16: {  	_ =	swait.ge [sflag:s23], s21  }
0x17: {  	s4 =	ssub.s32 $0x0, s21;
	[sflag:s23] =	ssyncset.done $0x0  }
0x18: {  	[sflag:s23] =	ssyncadd.s32 s4;
	_ =	sdelay $0x1  }
0x19: {  	s24 =	simm.s32 $0x1B8B  }
0x1a: {  	_ =	swait.ge [sflag:s24], $0x1  }
0x1b: {  	[sflag:s24] =	ssyncset.done $0x0  }
0x1c: {  	s26 =	simm.s32 $0x1B8E;
	s25 =	sld [smem:$0x3FFE];
	[sflag:s24] =	ssyncadd.s32 $0xFFFFFFFF  }
0x1d: {  	s27 =	simm.s32 $execute0_lowered;
	[smem:$0x3FD2] =	sst s26  }
0x1e: {  	s5 =	sshll.u32 s27, $0x1;
	_ =	strace $0x80000049;
	[dreg:$0x1] =	wrdreg $0xFFFFFFFF  }
0x1f: {  	s28 =	simm.s32 $_size_execute0_lowered;
	s3 =	sadd.s32 s3, s5;
	[dreg:$0x0] =	wrdreg $0x0  }
0x20: {  	s5 =	sshll.u32 s28, $0x1;
	[dreg:$0x2] =	wrdreg s3  }
0x21: {  	[dreg:$0x3] =	wrdreg s5  }
0x22: {  	[dreg:$0x4] =	wrdreg $0xC0  }
0x23: {  	_ =	task [dreg:s7], $0x5FFFF  }
0x24: {  	[dreg:$0x1] =	wrdreg $0xFFFFFFFF  }
0x25: {  	[dreg:$0x0] =	wrdreg $0x60  }
0x26: {  	[dreg:$0x2] =	wrdreg s25  }
0x27: {  	[dreg:$0x3] =	wrdreg s2  }
0x28: {  	[dreg:$0x4] =	wrdreg $0x9  }
0x29: {  	_ =	task.clear_ibuf [dreg:s7], $0x5FFFF;
	_ =	strace $0x90000049  }
0x2a: {  	s29 =	simm.s32 $0x9;
	_ =	strace $0x8000004B  }
0x2b: {  	_ =	swait.ge [sflag:s29], $0x1  }
0x2c: {  	[sflag:s29] =	ssyncadd.s32 $0xFFFFFFFF  }
0x2d: {  	_ =	strace $0x9000004B  }
0x2e: {  	_ =	sfence  }
0x2f: {  	s30 =	sld [smem:$0x0];
	_ =	sdelay $0x2  }
0x30: {  	s31 =	sshll.u32 s1, $0xD;
	s1 =	sshrl.u32 s1, $0x2  }
0x31: {  	s3 =	sand.u32 $0x4000, s31;
	s1 =	sadd.s32 s1, s30  }
0x32: {  	s0 =	sor.u32 s3, s0;
	s1 =	sshll.u32 s1, $0x11  }
0x33: {  	s0 =	sor.u32 s1, s0  }
0x34: {  	s0 =	sadd.s32 $0x8F2B, s0  }
0x35: {  	[sflag:s0] =	ssyncadd.remote.s32 $0x1  }
0x36: {  	_ =	sfence.sel $0xFFFF  }
0x37: {  	[dreg:$0x0] =	wrdreg $0xFFFFFFFF;
	(pc) =	sbr.abs _section_cstart, $3  }
0x38: {  	[dreg:$0x1] =	wrdreg $0xFFFFFFFF  }
0x39: {  	_ =	task.clear_ibuf [dreg:s7], $0x2FFFF;
	_ =	strace $0x9FFFFFFF  }
0x3a: {  	(tm) =	ssettm $0x7FFFFFFF  }
0x3b: {  	_ =	shalt  }
tec
execute0_lowered:
.L_overlay_start_1:
0x0: {  	(tag) =	ssettag $0x1  }
0x1: {  	s0 =	srdreg.scid  }
0x2: {  	s1 =	sshll.u32 s0, $0x4  }
0x3: {  	s5 =	rddreg [dreg:$0x0];
	s0 =	stileid.u32;
	s1 =	sand.u32 $0x10, s1  }
0x4: {  	s3 =	rddreg [dreg:$0x1];
	s31 =	simm.s32 $0x2;
	s4 =	sor.u32 s0, s1  }
0x5: {  	s13 =	simm.s32 $0x0;
	s9 =	simm.s32 $0x400;
	s2 =	sshll.u32 s4, $0x7  }
0x6: {  	s10 =	simm.s32 $0x8000;
	s14 =	simm.s32 $0x0;
	s6 =	ssub.s32 $0x1000, s2  }
0x7: {  	s1 =	rddreg [dreg:$0x2];
	_ =	strace $0x8000004A;
	s7 =	sand.u32 $0xF80, s6  }
0x8: {  	s4 =	sshll.u32 s4, $0xB;
	p0 =	sne.s32 s7, $0x0;
	s7 =	simm.s32 $0x1  }
.Ltmp0:
0x9: {  	s6 =	sshrl.u32 s6, $0xC;
	s7 =	simm.s32 @!p0 $0x0;
	(pc) =	sbr.rel .LBB1_1-.Ltmp0, $4  }
0xa: {  	s8 =	sadd.s32 s4, s5;
	s4 =	simm.s32 $0x1;
	s30 =	sadd.s32 s7, s6  }
0xb: {  	s11 =	simm.s32 $0x0;
	[sflag:s4] =	ssyncpa.u1 $0x0;
	s5 =	smul.u32 $0x64, s30  }
0xc: {  	s12 =	simm.s32 $0x0;
	[sflag:s31] =	ssyncpa.u1 $0x0;
	p0 =	por $0x0, $0x0  }
0xd: {  	s6 =	sadd.s32 $0xA00, s8;
	s7 =	sadd.s32 $0x10A00, s8;
	s8 =	sor.u32 $0x1, s5  }
.LBB1_7:
0xe: {  	s15 =	sadd.s32 $0x2, s11  }
0xf: {  	p2 =	sgt.s32 s15, $0xC7  }
0x10: {  	s15 =	simm.s32 @p2 $0x0;
	p2 =	sne.s32 s12, s8  }
.Ltmp1:
0x11: {  	p1 =	slt.u32 s12, $0x2;
	(pc) =	sbr.rel @!p2 .LBB1_8-.Ltmp1, $4  }
0x12: {  	s13 =	simm.s32 @!p1 $0x2  }
0x13: {  	s16 =	sadd.s32 $0x1, s12;
	s14 =	smov.u32 s11;
	_ =	swait.ge @!p1 [sflag:s13], $0x4000  }
0x14: {  	p0 =	por !p0, !p0;
	s12 =	smov.u32 s16;
	[sflag:s13] =	ssyncset.done @!p1 $0x0  }
0x15: {  	s11 =	smov.u32 s15;
	[sflag:s13] =	ssyncadd.s32 @!p1 $0xFFFFC000;
	s13 =	smov.u32 s2  }
.LBB1_1:
0x16: {  	p1 =	sge.u32 s12, s5  }
0x17: {  	s15 =	sxor.u32 @!p1 $0xFFFFFFFF, s12  }
0x18: {  	s16 =	sshll.u32 @!p1 s11, $0x10;
	s18 =	simm.s32 @!p1 $0x40;
	s15 =	sshll.u32 @!p1 s15, $0xE  }
0x19: {  	s19 =	simm.s32 @!p1 $0x80;
	s17 =	sadd.s32 @!p1 s16, s6;
	s15 =	sand.u32 @!p1 $0x4000, s15  }
0x1a: {  	[tilespmem:s15], [sflag:$0x1] =	stream.strided.gather @!p1 [hbm4b:s17+s18], $0x2000, s19, s18, $0x38;
	[tilespmem:$0x10100] =	vst v63  }
0x1b: {  	s31 =	sadd.s32 $0xFFFFFFFF, s12;
	s16 =	sadd.s32 @!p1 s16, s7;
	s15 =	sor.u32 @!p1 $0x2000, s15  }
0x1c: {  	[tilespmem:s15], [sflag:$0x1] =	stream.strided.gather @!p1 [hbm4b:s16+s18], $0x2000, s19, s18, $0x38;
	[tilespmem:$0x10100] =	vst v63  }
0x1d: {  	p1 =	sge.u32 s31, s5  }
.Ltmp2:
0x1e: {  	_ = 	snop;
	(pc) =	sbr.rel @p1 .LBB1_7-.Ltmp2, $1  }
0x1f: {  	_ =	sdelay $0x3  }
0x20: {  	s15 =	simm.s32 $0x1;
	s17 =	sand.u32 $0x1, s12  }
0x21: {  	_ =	swait.ge [sflag:s4], $0x4000;
	s15 =	simm.s32 @!p0 $0x0;
	s17 =	smul.u32 $0x10200, s17  }
0x22: {  	p2 =	por $0x1, $0x1;
	[sflag:s4] =	ssyncset.done $0x0;
	s16 =	smul.u32 $0x10200, s15  }
0x23: {  	s18 =	sshll.u32 s15, $0x10;
	[sflag:s4] =	ssyncadd.s32 $0xFFFFC000;
	s30 =	sshrl.u32 s17, $0x2  }
0x24: {  	s31 =	sshrl.u32 s18, $0x2;
	s18 =	simm.s32 $0x0;
	s16 =	sshrl.u32 s16, $0x2  }
0x25: {  	s15 =	sor.u32 $0x8000, s30;
	s17 =	sadd.s32 $0x20, s31;
	s16 =	sor.u32 $0x8000, s16  }
.LBB1_3:
0x26: {  	s19 =	sshll.u32 s18, $0xD  }
0x27: {  	s19 =	sand.u32 $0x3FFFE000, s19  }
0x28: {  	s21 =	sadd.s32 s19, s17  }
0x29: {  	s31 =	smul.u32 $0x8100, s18;
	v3 =	vld [tilespmem:s21+$0x10]  }
0x2a: {  	v1 =	vld [tilespmem:s21+$0xFFFFFFF0]  }
0x2b: {  	s18 =	sshra.s32 s31, $0x2;
	v0 =	vld [tilespmem:s21+$0x0]  }
0x2c: {  	s18 =	sadd.s32 s18, s16;
	v2 =	vld [tilespmem:s21+$0xFFFFFFE0]  }
0x2d: {  	s19 =	sadd.s32 $0x0, s18  }
0x2e: {  	p1 =	por p2, p2;
	s20 =	simm.s32 $0x4;
	s21 =	sadd.s32 $0x40, s21;
	[tilespmem:s19+$0x1830 ss:$0x81] =	vst.msk $0xffff, v3  }
.LBB1_4:
0x2f: {  	v3 =	vld [tilespmem:s21+$0x10];
	p2 =	sne.s32 s20, $0x1FC;
	[tilespmem:s19+$0x810 ss:$0x81] =	vst.msk $0xffff, v1;
	s22 =	smov.u32 s20;
	s20 =	sadd.s32 $0x4, s20  }
.Ltmp3:
0x30: {  	v1 =	vld [tilespmem:s21+$0xFFFFFFF0];
	[tilespmem:s19+$0x1020 ss:$0x81] =	vst.msk $0xffff, v0;
	(pc) =	sbr.rel @p2 .LBB1_4-.Ltmp3, $4  }
0x31: {  	v0 =	vld [tilespmem:s21+$0x0];
	[tilespmem:s19+$0x0 ss:$0x81] =	vst.msk $0xffff, v2  }
0x32: {  	s19 =	sshra.s32 s22, $0x2;
	v2 =	vld [tilespmem:s21+$0xFFFFFFE0]  }
0x33: {  	s19 =	sadd.s32 s19, s18  }
0x34: {  	s21 =	sadd.s32 $0x40, s21;
	[tilespmem:s19+$0x1830 ss:$0x81] =	vst.msk $0xffff, v3  }
.Ltmp4:
0x35: {  	(pc) =	sbr.rel @p1 .LBB1_3-.Ltmp4, $4  }
0x36: {  	_ = 	snop  }
0x37: {  	[tilespmem:s19+$0x810 ss:$0x81] =	vst.msk $0xffff, v1  }
0x38: {  	[tilespmem:s19+$0x1020 ss:$0x81] =	vst.msk $0xffff, v0  }
0x39: {  	s18 =	simm.s32 $0x1;
	p2 =	por $0x0, $0x0;
	[tilespmem:s19+$0x0 ss:$0x81] =	vst.msk $0xffff, v2  }
.Ltmp5:
0x3a: {  	(pc) =	sbr.rel .LBB1_7-.Ltmp5, $4  }
0x3b: {  	s14 =	sshll.u32 s14, $0xF  }
0x3c: {  	s14 =	sadd.s32 s3, s14  }
0x3d: {  	s13 =	sadd.s32 s13, s14  }
0x3e: {  	[hbm4b:s13+s9] =	stream.strided.scatter [tilespmem:s15], [sflag:$0x2], $0x4000, s10, s9, $0x20;
	[tilespmem:$0x10100] =	vst v63  }
.LBB1_8:
0x3f: {  	_ =	sfence.sel $0x180000  }
0x40: {  	s2 =	simm.s32 $0x1;
	[bflag:$0x0] =	sbarrier.arrive $0xFFFF  }
0x41: {  	s31 =	simm.s32 $0x2;
	[sflag:s2] =	ssyncpa.u1 $0x1  }
0x42: {  	[sflag:s31] =	ssyncpa.u1 $0x1  }
0x43: {  	p0 =	sne.s32 s0, $0x0;
	_ =	strace $0x9000004A  }
0x44: {  	s0 =	sadd.s32 @!p0 $0x100000, s1;
	[bflag:$0x2] =	sbarrier.arrive $0xFFFF  }
0x45: {  	[sflag:s0] =	ssyncadd.tile.s32 @!p0 $0x1;
	_ =	shalt  }
.Lfunc_end1:
_tile_overlayer_lowered:
.L_overlay_start_2:
0x46: {  	(tag) =	ssettag $0x2  }
0x47: {  	s0 =	rddreg [dreg:$0x0];
	s2 =	stileid.u32  }
0x48: {  	s1 =	rddreg [dreg:$0x1];
	p0 =	sne.s32 s2, $0x0  }
0x49: {  	s3 =	rddreg [dreg:$0x2];
	[bflag:$0x3] =	sbarrier.arrive $0xFFFF;
	s2 =	simm.s32 @!p0 $0x1C01  }
0x4a: {  	[timem:s3], [sflag:s2] =	dma.local @!p0 [hbm:s0], s1  }
0x4b: {  	s0 =	simm.s32 @!p0 $0x1  }
0x4c: {  	_ =	swait.ge @!p0 [sflag:s0], s1  }
0x4d: {  	s1 =	ssub.s32 @!p0 $0x0, s1;
	[sflag:s0] =	ssyncset.done @!p0 $0x0  }
0x4e: {  	[sflag:s0] =	ssyncadd.s32 @!p0 s1  }
0x4f: {  	[bflag:$0x3] =	sbarrier.arrive $0xFFFF  }
0x50: {  	_ =	shalt  }

</sc_bundles>
